<compile_context>
chip_gen: v7x
topology: tpu7x:2x2x1
jax: 0.10.2.dev20260603
libtpu: 0.0.44.dev20260713+nightly
codegen_flags: <defaults>
</compile_context>

<pallas_src>
import functools

import jax
import jax.numpy as jnp
from jax import lax
from jax.experimental import pallas as pl
from jax.experimental.pallas import tpu as pltpu
from jax.experimental.pallas import tpu_sc as plsc

_N_IN = 2048
_N_OUT = 1024
_NC = 2
_NS = 16
_NW = _NC * _NS
_L = 16
_GRP = 8
_NQ = 4


@functools.lru_cache(maxsize=None)
def _gather_call(n_rows):
    n_grp = n_rows // _GRP
    mesh = plsc.VectorSubcoreMesh(core_axis_name="c", subcore_axis_name="s")

    @functools.partial(
        pl.kernel,
        mesh=mesh,
        out_type=jax.ShapeDtypeStruct((n_rows, _N_OUT), jnp.float32),
        scratch_types=[
            pltpu.VMEM((_N_OUT,), jnp.int32),
            pltpu.VMEM((_GRP, _N_IN), jnp.float32),
            pltpu.VMEM((_GRP, _N_IN), jnp.float32),
            pltpu.VMEM((_GRP, _N_OUT), jnp.float32),
            pltpu.VMEM((_GRP, _N_OUT), jnp.float32),
            pltpu.SemaphoreType.DMA,
            pltpu.SemaphoreType.DMA,
            pltpu.SemaphoreType.DMA,
            pltpu.SemaphoreType.DMA,
        ],
        compiler_params=pltpu.CompilerParams(
            needs_layout_passes=False, skip_device_barrier=True),
    )
    def k(y_hbm, idx_hbm, z_hbm, idx_v, ib0, ib1, ob0, ob1,
          si0, si1, so0, so1):
        wid = lax.axis_index("s") * _NC + lax.axis_index("c")
        g_lo = wid * n_grp // _NW
        g_hi = (wid + 1) * n_grp // _NW
        n_ch = g_hi - g_lo
        pltpu.sync_copy(idx_hbm, idx_v)

        ibufs, obufs = (ib0, ib1), (ob0, ob1)
        isems, osems = (si0, si1), (so0, so1)

        def in_copy(g, b):
            base = pl.multiple_of(g * _GRP, _GRP)
            return pltpu.make_async_copy(
                y_hbm.at[pl.ds(base, _GRP)], ibufs[b], isems[b])

        def out_copy(g, b):
            base = pl.multiple_of(g * _GRP, _GRP)
            return pltpu.make_async_copy(
                obufs[b], z_hbm.at[pl.ds(base, _GRP)], osems[b])

        def compute(ib, ob):
            for q in range(_NQ):
                q0 = q * (_N_OUT // _NQ)
                ivecs = [idx_v[pl.ds(q0 + v * _L, _L)]
                         for v in range(_N_OUT // _NQ // _L)]

                @plsc.parallel_loop(0, _GRP, 1, unroll=8)
                def _(r):
                    rows = jnp.full((_L,), r, jnp.int32)
                    for v, col in enumerate(ivecs):
                        ob[r, pl.ds(q0 + v * _L, _L)] = (
                            plsc.load_gather(ib, [rows, col]))

        in_copy(g_lo, 0).start()
        in_copy(g_lo + 1, 1).start()

        def step(i, b):
            g = g_lo + i

            @pl.when(i < n_ch)
            def _():
                in_copy(g, b).wait()

                @pl.when(i >= 2)
                def _():
                    out_copy(g - 2, b).wait()

                compute(ibufs[b], obufs[b])
                out_copy(g, b).start()

                @pl.when(i + 2 < n_ch)
                def _():
                    in_copy(g + 2, b).start()

        def pair_body(p, _):
            step(2 * p, 0)
            step(2 * p + 1, 1)
            return 0

        lax.fori_loop(0, (n_ch + 1) // 2, pair_body, 0, unroll=False)

        last_par = (n_ch - 1) % 2

        @pl.when(last_par == 1)
        def _():
            out_copy(g_hi - 2, 0).wait()

        @pl.when(last_par == 0)
        def _():
            out_copy(g_hi - 2, 1).wait()

        @pl.when(last_par == 0)
        def _():
            out_copy(g_hi - 1, 0).wait()

        @pl.when(last_par == 1)
        def _():
            out_copy(g_hi - 1, 1).wait()

    return k


def kernel(x):
    n, c, h, w = x.shape
    ck = jax.random.key(42)
    choices = jax.random.choice(ck, n, shape=(_N_OUT,), replace=False)
    choices = jnp.sort(choices).astype(jnp.int32)
    y = x.transpose(2, 3, 1, 0).reshape(h * w * c, n)
    z = _gather_call(h * w * c)(y, choices)
    return z.reshape(h, w, c, _N_OUT).transpose(3, 2, 0, 1)

# --- scband reference (transcript-rebuilt; emitter-appended) ---
"""Pipeline reference for scband-cpuselect-segments-23381801959476 (READ-ONLY COPY).

The authoritative reference and input builder live on the scoring server;
editing this copy changes nothing except your own understanding.
"""

import jax, jax.numpy as jnp
import numpy as np

NUM_SEGMENTS = 1024


def setup_inputs(seed: int = 0) -> dict:
    key = jax.random.key(seed)
    x = jax.random.normal(key, (2048, 96, 14, 14), dtype=jnp.float32)
    return {"x": x}


def reference(x):
    n = x.shape[0]
    num_segments = n if n <= NUM_SEGMENTS else NUM_SEGMENTS
    # random choice without replacement (module uses np.random.choice), then sorted
    ck = jax.random.key(42)
    choices = jax.random.choice(ck, n, shape=(num_segments,), replace=False)
    choices = jnp.sort(choices)
    # row gather: x[choices, :, :, :]
    out = jnp.take(x, choices, axis=0)
    return out

if __name__ == "__main__":
    import jax
    _d = setup_inputs()
    print(jax.jit(kernel)(*tuple(_d.values())))

</pallas_src>

<mosaic_0001>
#map = affine_map<(d0, d1) -> (0, 0)>
#map1 = affine_map<(d0, d1) -> (0)>
module attributes {stable_mosaic.version = 14 : i64} {
  func.func @k(%arg0: i32, %arg1: i32, %arg2: memref<18816x2048xf32, #tpu.memory_space<hbm>>, %arg3: memref<1024xi32, #tpu.memory_space<hbm>>, %arg4: memref<18816x1024xf32, #tpu.memory_space<hbm>>, %arg5: memref<1024xi32, #tpu.memory_space<vmem>>, %arg6: memref<8x2048xf32, #tpu.memory_space<vmem>>, %arg7: memref<8x2048xf32, #tpu.memory_space<vmem>>, %arg8: memref<8x1024xf32, #tpu.memory_space<vmem>>, %arg9: memref<8x1024xf32, #tpu.memory_space<vmem>>, %arg10: memref<!tpu.dma_semaphore, #tpu.memory_space<semaphore_mem>>, %arg11: memref<!tpu.dma_semaphore, #tpu.memory_space<semaphore_mem>>, %arg12: memref<!tpu.dma_semaphore, #tpu.memory_space<semaphore_mem>>, %arg13: memref<!tpu.dma_semaphore, #tpu.memory_space<semaphore_mem>>) attributes {dimension_semantics = [#tpu.dimension_semantics<core_parallel>, #tpu.dimension_semantics<subcore_parallel>], iteration_bounds = array<i64: 2, 16>, scalar_prefetch = 0 : i64, scratch_operands = 9 : i64, tpu.core_type = #tpu.core_type<sc_vector_subcore>, window_params = [{transform_indices = #map}, {transform_indices = #map1}, {transform_indices = #map}]} {
    %mul3A = arith.constant 2 : i32
    %mul3A_0 = arith.muli %arg1, %mul3A : i32
    %add3A = arith.addi %mul3A_0, %arg0 : i32
    %mul3A_1 = arith.constant 2352 : i32
    %mul3A_2 = arith.muli %add3A, %mul3A_1 : i32
    %jit3A = arith.constant 32 : i32
    %div3A = arith.divsi %mul3A_2, %jit3A : i32
    %sign3A = arith.constant 0 : i32
    %sign3A_3 = arith.cmpi sgt, %mul3A_2, %sign3A : i32
    %sign3A_4 = arith.extui %sign3A_3 : i1 to i32
    %sign3A_5 = arith.constant 0 : i32
    %sign3A_6 = arith.cmpi slt, %mul3A_2, %sign3A_5 : i32
    %sign3A_7 = arith.extui %sign3A_6 : i1 to i32
    %sign3A_8 = arith.subi %sign3A_4, %sign3A_7 : i32
    %sign3A_9 = arith.constant 0 : i32
    %sign3A_10 = arith.cmpi sgt, %jit3A, %sign3A_9 : i32
    %sign3A_11 = arith.extui %sign3A_10 : i1 to i32
    %sign3A_12 = arith.constant 0 : i32
    %sign3A_13 = arith.cmpi slt, %jit3A, %sign3A_12 : i32
    %sign3A_14 = arith.extui %sign3A_13 : i1 to i32
    %sign3A_15 = arith.subi %sign3A_11, %sign3A_14 : i32
    %ne3A = arith.cmpi ne, %sign3A_8, %sign3A_15 : i32
    %rem3A = arith.remsi %mul3A_2, %jit3A : i32
    %ne3A_16 = arith.constant 0 : i32
    %ne3A_17 = arith.cmpi ne, %rem3A, %ne3A_16 : i32
    %and3A = arith.andi %ne3A, %ne3A_17 : i1
    %sub3A = arith.constant 1 : i32
    %sub3A_18 = arith.subi %div3A, %sub3A : i32
    %select_n3A = arith.select %and3A, %sub3A_18, %div3A : i32
    %add3A_19 = arith.constant 1 : i32
    %add3A_20 = arith.addi %add3A, %add3A_19 : i32
    %mul3A_21 = arith.constant 2352 : i32
    %mul3A_22 = arith.muli %add3A_20, %mul3A_21 : i32
    %jit3A_23 = arith.constant 32 : i32
    %div3A_24 = arith.divsi %mul3A_22, %jit3A_23 : i32
    %sign3A_25 = arith.constant 0 : i32
    %sign3A_26 = arith.cmpi sgt, %mul3A_22, %sign3A_25 : i32
    %sign3A_27 = arith.extui %sign3A_26 : i1 to i32
    %sign3A_28 = arith.constant 0 : i32
    %sign3A_29 = arith.cmpi slt, %mul3A_22, %sign3A_28 : i32
    %sign3A_30 = arith.extui %sign3A_29 : i1 to i32
    %sign3A_31 = arith.subi %sign3A_27, %sign3A_30 : i32
    %sign3A_32 = arith.constant 0 : i32
    %sign3A_33 = arith.cmpi sgt, %jit3A_23, %sign3A_32 : i32
    %sign3A_34 = arith.extui %sign3A_33 : i1 to i32
    %sign3A_35 = arith.constant 0 : i32
    %sign3A_36 = arith.cmpi slt, %jit3A_23, %sign3A_35 : i32
    %sign3A_37 = arith.extui %sign3A_36 : i1 to i32
    %sign3A_38 = arith.subi %sign3A_34, %sign3A_37 : i32
    %ne3A_39 = arith.cmpi ne, %sign3A_31, %sign3A_38 : i32
    %rem3A_40 = arith.remsi %mul3A_22, %jit3A_23 : i32
    %ne3A_41 = arith.constant 0 : i32
    %ne3A_42 = arith.cmpi ne, %rem3A_40, %ne3A_41 : i32
    %and3A_43 = arith.andi %ne3A_39, %ne3A_42 : i1
    %sub3A_44 = arith.constant 1 : i32
    %sub3A_45 = arith.subi %div3A_24, %sub3A_44 : i32
    %select_n3A_46 = arith.select %and3A_43, %sub3A_45, %div3A_24 : i32
    %sub3A_47 = arith.subi %select_n3A_46, %select_n3A : i32
    "tpu.region"() ({
      %run_scoped3A = tpu.sem_alloc : memref<!tpu.dma_semaphore, #tpu.memory_space<semaphore_mem>>
      tpu.enqueue_dma source(%arg3 : memref<1024xi32, #tpu.memory_space<hbm>>) target(%arg5 : memref<1024xi32, #tpu.memory_space<vmem>>) target_semaphore(%run_scoped3A : memref<!tpu.dma_semaphore, #tpu.memory_space<semaphore_mem>>)
      tpu.wait_dma2 semaphore(%run_scoped3A : memref<!tpu.dma_semaphore, #tpu.memory_space<semaphore_mem>>) src(%arg3 : memref<1024xi32, #tpu.memory_space<hbm>>) dst(%arg5 : memref<1024xi32, #tpu.memory_space<vmem>>)
      tpu.yield
    }) : () -> ()
    %mul3A_48 = arith.constant 8 : i32
    %mul3A_49 = arith.muli %select_n3A, %mul3A_48 : i32
    %multiple_of3A = tpu.assume_multiple %mul3A_49, 8 : i32
    %dma_start3A = arith.constant 0 : i32
    %dma_start3A_50 = tpu.memref_slice %arg2[%multiple_of3A, %dma_start3A] : memref<18816x2048xf32, #tpu.memory_space<hbm>> -> memref<8x2048xf32, #tpu.memory_space<hbm>>
    %dma_start3A_51 = arith.constant 0 : i32
    %dma_start3A_52 = tpu.memref_slice %arg2[%multiple_of3A, %dma_start3A_51] : memref<18816x2048xf32, #tpu.memory_space<hbm>> -> memref<8x2048xf32, #tpu.memory_space<hbm>>
    tpu.enqueue_dma source(%dma_start3A_52 : memref<8x2048xf32, #tpu.memory_space<hbm>>) target(%arg6 : memref<8x2048xf32, #tpu.memory_space<vmem>>) target_semaphore(%arg10 : memref<!tpu.dma_semaphore, #tpu.memory_space<semaphore_mem>>)
    %add3A_53 = arith.constant 1 : i32
    %add3A_54 = arith.addi %select_n3A, %add3A_53 : i32
    %mul3A_55 = arith.constant 8 : i32
    %mul3A_56 = arith.muli %add3A_54, %mul3A_55 : i32
    %multiple_of3A_57 = tpu.assume_multiple %mul3A_56, 8 : i32
    %dma_start3A_58 = arith.constant 0 : i32
    %dma_start3A_59 = tpu.memref_slice %arg2[%multiple_of3A_57, %dma_start3A_58] : memref<18816x2048xf32, #tpu.memory_space<hbm>> -> memref<8x2048xf32, #tpu.memory_space<hbm>>
    %dma_start3A_60 = arith.constant 0 : i32
    %dma_start3A_61 = tpu.memref_slice %arg2[%multiple_of3A_57, %dma_start3A_60] : memref<18816x2048xf32, #tpu.memory_space<hbm>> -> memref<8x2048xf32, #tpu.memory_space<hbm>>
    tpu.enqueue_dma source(%dma_start3A_61 : memref<8x2048xf32, #tpu.memory_space<hbm>>) target(%arg7 : memref<8x2048xf32, #tpu.memory_space<vmem>>) target_semaphore(%arg11 : memref<!tpu.dma_semaphore, #tpu.memory_space<semaphore_mem>>)
    %add3A_62 = arith.constant 1 : i32
    %add3A_63 = arith.addi %sub3A_47, %add3A_62 : i32
    %jit3A_64 = arith.constant 2 : i32
    %div3A_65 = arith.divsi %add3A_63, %jit3A_64 : i32
    %sign3A_66 = arith.constant 0 : i32
    %sign3A_67 = arith.cmpi sgt, %add3A_63, %sign3A_66 : i32
    %sign3A_68 = arith.extui %sign3A_67 : i1 to i32
    %sign3A_69 = arith.constant 0 : i32
    %sign3A_70 = arith.cmpi slt, %add3A_63, %sign3A_69 : i32
    %sign3A_71 = arith.extui %sign3A_70 : i1 to i32
    %sign3A_72 = arith.subi %sign3A_68, %sign3A_71 : i32
    %sign3A_73 = arith.constant 0 : i32
    %sign3A_74 = arith.cmpi sgt, %jit3A_64, %sign3A_73 : i32
    %sign3A_75 = arith.extui %sign3A_74 : i1 to i32
    %sign3A_76 = arith.constant 0 : i32
    %sign3A_77 = arith.cmpi slt, %jit3A_64, %sign3A_76 : i32
    %sign3A_78 = arith.extui %sign3A_77 : i1 to i32
    %sign3A_79 = arith.subi %sign3A_75, %sign3A_78 : i32
    %ne3A_80 = arith.cmpi ne, %sign3A_72, %sign3A_79 : i32
    %rem3A_81 = arith.remsi %add3A_63, %jit3A_64 : i32
    %ne3A_82 = arith.constant 0 : i32
    %ne3A_83 = arith.cmpi ne, %rem3A_81, %ne3A_82 : i32
    %and3A_84 = arith.andi %ne3A_80, %ne3A_83 : i1
    %sub3A_85 = arith.constant 1 : i32
    %sub3A_86 = arith.subi %div3A_65, %sub3A_85 : i32
    %select_n3A_87 = arith.select %and3A_84, %sub3A_86, %div3A_65 : i32
    %while3A = arith.constant 0 : i32
    %while3A_88 = arith.constant 0 : i32
    %while3A_89 = arith.subi %select_n3A_87, %while3A : i32
    %while3A_90 = arith.addi %while3A, %while3A_89 : i32
    %while3A_91 = arith.constant 1 : i32
    %while3A_92 = arith.divsi %while3A_89, %while3A_91 : i32
    %while3A_93 = arith.muli %while3A_92, %while3A_91 : i32
    %while3A_94 = arith.addi %while3A, %while3A_93 : i32
    %while3A_95 = arith.constant 1 : i32
    %while3A_96 = scf.for %while3A_133 = %while3A to %while3A_94 step %while3A_95 iter_args(%while3A_134 = %while3A_88) -> (i32)  : i32 {
      %mul3A_135 = arith.constant 2 : i32
      %mul3A_136 = arith.muli %mul3A_135, %while3A_133 : i32
      %add3A_137 = arith.addi %select_n3A, %mul3A_136 : i32
      %lt3A_138 = arith.cmpi slt, %mul3A_136, %sub3A_47 : i32
      %convert_element_type3A_139 = arith.extui %lt3A_138 : i1 to i32
      %cond3A_140 = arith.constant 0 : i32
      %cond3A_141 = arith.cmpi ne, %convert_element_type3A_139, %cond3A_140 : i32
      scf.if %cond3A_141 {
        %mul3A_152 = arith.constant 8 : i32
        %mul3A_153 = arith.muli %add3A_137, %mul3A_152 : i32
        %multiple_of3A_154 = tpu.assume_multiple %mul3A_153, 8 : i32
        %dma_wait3A = arith.constant 0 : i32
        %dma_wait3A_155 = tpu.memref_slice %arg2[%multiple_of3A_154, %dma_wait3A] : memref<18816x2048xf32, #tpu.memory_space<hbm>> -> memref<8x2048xf32, #tpu.memory_space<hbm>>
        %dma_wait3A_156 = arith.constant 0 : i32
        %dma_wait3A_157 = tpu.memref_slice %arg2[%multiple_of3A_154, %dma_wait3A_156] : memref<18816x2048xf32, #tpu.memory_space<hbm>> -> memref<8x2048xf32, #tpu.memory_space<hbm>>
        tpu.wait_dma2 semaphore(%arg10 : memref<!tpu.dma_semaphore, #tpu.memory_space<semaphore_mem>>) src(%dma_wait3A_157 : memref<8x2048xf32, #tpu.memory_space<hbm>>) dst(%arg6 : memref<8x2048xf32, #tpu.memory_space<vmem>>)
        %ge3A = arith.constant 2 : i32
        %ge3A_158 = arith.cmpi sge, %mul3A_136, %ge3A : i32
        %convert_element_type3A_159 = arith.extui %ge3A_158 : i1 to i32
        %cond3A_160 = arith.constant 0 : i32
        %cond3A_161 = arith.cmpi ne, %convert_element_type3A_159, %cond3A_160 : i32
        scf.if %cond3A_161 {
          %sub3A_313 = arith.constant 2 : i32
          %sub3A_314 = arith.subi %add3A_137, %sub3A_313 : i32
          %mul3A_315 = arith.constant 8 : i32
          %mul3A_316 = arith.muli %sub3A_314, %mul3A_315 : i32
          %multiple_of3A_317 = tpu.assume_multiple %mul3A_316, 8 : i32
          %dma_wait3A_318 = arith.constant 0 : i32
          %dma_wait3A_319 = tpu.memref_slice %arg4[%multiple_of3A_317, %dma_wait3A_318] : memref<18816x1024xf32, #tpu.memory_space<hbm>> -> memref<8x1024xf32, #tpu.memory_space<hbm>>
          %dma_wait3A_320 = arith.constant 0 : i32
          %dma_wait3A_321 = tpu.memref_slice %arg4[%multiple_of3A_317, %dma_wait3A_320] : memref<18816x1024xf32, #tpu.memory_space<hbm>> -> memref<8x1024xf32, #tpu.memory_space<hbm>>
          tpu.wait_dma2 semaphore(%arg12 : memref<!tpu.dma_semaphore, #tpu.memory_space<semaphore_mem>>) src(%arg8 : memref<8x1024xf32, #tpu.memory_space<vmem>>) dst(%dma_wait3A_321 : memref<8x1024xf32, #tpu.memory_space<hbm>>)
        } else {
        }
        %get3A = arith.constant 0 : index
        %get3A_162 = tpu.vector_load %arg5[%get3A] {strides = array<i32>} : memref<1024xi32, #tpu.memory_space<vmem>>, vector<16xi32>,
        %get3A_163 = arith.constant 16 : index
        %get3A_164 = tpu.vector_load %arg5[%get3A_163] {strides = array<i32>} : memref<1024xi32, #tpu.memory_space<vmem>>, vector<16xi32>,
        %get3A_165 = arith.constant 32 : index
        %get3A_166 = tpu.vector_load %arg5[%get3A_165] {strides = array<i32>} : memref<1024xi32, #tpu.memory_space<vmem>>, vector<16xi32>,
        %get3A_167 = arith.constant 48 : index
        %get3A_168 = tpu.vector_load %arg5[%get3A_167] {strides = array<i32>} : memref<1024xi32, #tpu.memory_space<vmem>>, vector<16xi32>,
        %get3A_169 = arith.constant 64 : index
        %get3A_170 = tpu.vector_load %arg5[%get3A_169] {strides = array<i32>} : memref<1024xi32, #tpu.memory_space<vmem>>, vector<16xi32>,
        %get3A_171 = arith.constant 80 : index
        %get3A_172 = tpu.vector_load %arg5[%get3A_171] {strides = array<i32>} : memref<1024xi32, #tpu.memory_space<vmem>>, vector<16xi32>,
        %get3A_173 = arith.constant 96 : index
        %get3A_174 = tpu.vector_load %arg5[%get3A_173] {strides = array<i32>} : memref<1024xi32, #tpu.memory_space<vmem>>, vector<16xi32>,
        %get3A_175 = arith.constant 112 : index
        %get3A_176 = tpu.vector_load %arg5[%get3A_175] {strides = array<i32>} : memref<1024xi32, #tpu.memory_space<vmem>>, vector<16xi32>,
        %get3A_177 = arith.constant 128 : index
        %get3A_178 = tpu.vector_load %arg5[%get3A_177] {strides = array<i32>} : memref<1024xi32, #tpu.memory_space<vmem>>, vector<16xi32>,
        %get3A_179 = arith.constant 144 : index
        %get3A_180 = tpu.vector_load %arg5[%get3A_179] {strides = array<i32>} : memref<1024xi32, #tpu.memory_space<vmem>>, vector<16xi32>,
        %get3A_181 = arith.constant 160 : index
        %get3A_182 = tpu.vector_load %arg5[%get3A_181] {strides = array<i32>} : memref<1024xi32, #tpu.memory_space<vmem>>, vector<16xi32>,
        %get3A_183 = arith.constant 176 : index
        %get3A_184 = tpu.vector_load %arg5[%get3A_183] {strides = array<i32>} : memref<1024xi32, #tpu.memory_space<vmem>>, vector<16xi32>,
        %get3A_185 = arith.constant 192 : index
        %get3A_186 = tpu.vector_load %arg5[%get3A_185] {strides = array<i32>} : memref<1024xi32, #tpu.memory_space<vmem>>, vector<16xi32>,
        %get3A_187 = arith.constant 208 : index
        %get3A_188 = tpu.vector_load %arg5[%get3A_187] {strides = array<i32>} : memref<1024xi32, #tpu.memory_space<vmem>>, vector<16xi32>,
        %get3A_189 = arith.constant 224 : index
        %get3A_190 = tpu.vector_load %arg5[%get3A_189] {strides = array<i32>} : memref<1024xi32, #tpu.memory_space<vmem>>, vector<16xi32>,
        %get3A_191 = arith.constant 240 : index
        %get3A_192 = tpu.vector_load %arg5[%get3A_191] {strides = array<i32>} : memref<1024xi32, #tpu.memory_space<vmem>>, vector<16xi32>,
        %parallel_loop3A = arith.constant 0 : i32
        %parallel_loop3A_193 = arith.constant 8 : i32
        %parallel_loop3A_194 = arith.constant 1 : i32
        scf.for %parallel_loop3A_313 = %parallel_loop3A to %parallel_loop3A_193 step %parallel_loop3A_194  : i32 {
          %parallel_loop3A_314 = vector.broadcast %parallel_loop3A_313 : i32 to vector<16xi32>
          %parallel_loop3A_315 = tpu.vector_load_idx %arg6[%parallel_loop3A_314, %get3A_162] : memref<8x2048xf32, #tpu.memory_space<vmem>>[vector<16xi32>, vector<16xi32>], vector<16xf32>,
          %parallel_loop3A_316 = arith.index_cast %parallel_loop3A_313 : i32 to index
          %parallel_loop3A_317 = arith.constant 0 : index
          %parallel_loop3A_318 = tpu.vector_load %arg8[%parallel_loop3A_316, %parallel_loop3A_317] {strides = array<i32>} : memref<8x1024xf32, #tpu.memory_space<vmem>>, vector<16xf32>,
          tpu.vector_store %arg8[%parallel_loop3A_316, %parallel_loop3A_317], %parallel_loop3A_315 {strides = array<i32>} : memref<8x1024xf32, #tpu.memory_space<vmem>>, vector<16xf32>,
          %parallel_loop3A_319 = tpu.vector_load_idx %arg6[%parallel_loop3A_314, %get3A_164] : memref<8x2048xf32, #tpu.memory_space<vmem>>[vector<16xi32>, vector<16xi32>], vector<16xf32>,
          %parallel_loop3A_320 = arith.index_cast %parallel_loop3A_313 : i32 to index
          %parallel_loop3A_321 = arith.constant 16 : index
          %parallel_loop3A_322 = tpu.vector_load %arg8[%parallel_loop3A_320, %parallel_loop3A_321] {strides = array<i32>} : memref<8x1024xf32, #tpu.memory_space<vmem>>, vector<16xf32>,
          tpu.vector_store %arg8[%parallel_loop3A_320, %parallel_loop3A_321], %parallel_loop3A_319 {strides = array<i32>} : memref<8x1024xf32, #tpu.memory_space<vmem>>, vector<16xf32>,
          %parallel_loop3A_323 = tpu.vector_load_idx %arg6[%parallel_loop3A_314, %get3A_166] : memref<8x2048xf32, #tpu.memory_space<vmem>>[vector<16xi32>, vector<16xi32>], vector<16xf32>,
          %parallel_loop3A_324 = arith.index_cast %parallel_loop3A_313 : i32 to index
          %parallel_loop3A_325 = arith.constant 32 : index
          %parallel_loop3A_326 = tpu.vector_load %arg8[%parallel_loop3A_324, %parallel_loop3A_325] {strides = array<i32>} : memref<8x1024xf32, #tpu.memory_space<vmem>>, vector<16xf32>,
          tpu.vector_store %arg8[%parallel_loop3A_324, %parallel_loop3A_325], %parallel_loop3A_323 {strides = array<i32>} : memref<8x1024xf32, #tpu.memory_space<vmem>>, vector<16xf32>,
          %parallel_loop3A_327 = tpu.vector_load_idx %arg6[%parallel_loop3A_314, %get3A_168] : memref<8x2048xf32, #tpu.memory_space<vmem>>[vector<16xi32>, vector<16xi32>], vector<16xf32>,
          %parallel_loop3A_328 = arith.index_cast %parallel_loop3A_313 : i32 to index
          %parallel_loop3A_329 = arith.constant 48 : index
          %parallel_loop3A_330 = tpu.vector_load %arg8[%parallel_loop3A_328, %parallel_loop3A_329] {strides = array<i32>} : memref<8x1024xf32, #tpu.memory_space<vmem>>, vector<16xf32>,
          tpu.vector_store %arg8[%parallel_loop3A_328, %parallel_loop3A_329], %parallel_loop3A_327 {strides = array<i32>} : memref<8x1024xf32, #tpu.memory_space<vmem>>, vector<16xf32>,
          %parallel_loop3A_331 = tpu.vector_load_idx %arg6[%parallel_loop3A_314, %get3A_170] : memref<8x2048xf32, #tpu.memory_space<vmem>>[vector<16xi32>, vector<16xi32>], vector<16xf32>,
          %parallel_loop3A_332 = arith.index_cast %parallel_loop3A_313 : i32 to index
          %parallel_loop3A_333 = arith.constant 64 : index
          %parallel_loop3A_334 = tpu.vector_load %arg8[%parallel_loop3A_332, %parallel_loop3A_333] {strides = array<i32>} : memref<8x1024xf32, #tpu.memory_space<vmem>>, vector<16xf32>,
          tpu.vector_store %arg8[%parallel_loop3A_332, %parallel_loop3A_333], %parallel_loop3A_331 {strides = array<i32>} : memref<8x1024xf32, #tpu.memory_space<vmem>>, vector<16xf32>,
          %parallel_loop3A_335 = tpu.vector_load_idx %arg6[%parallel_loop3A_314, %get3A_172] : memref<8x2048xf32, #tpu.memory_space<vmem>>[vector<16xi32>, vector<16xi32>], vector<16xf32>,
          %parallel_loop3A_336 = arith.index_cast %parallel_loop3A_313 : i32 to index
          %parallel_loop3A_337 = arith.constant 80 : index
          %parallel_loop3A_338 = tpu.vector_load %arg8[%parallel_loop3A_336, %parallel_loop3A_337] {strides = array<i32>} : memref<8x1024xf32, #tpu.memory_space<vmem>>, vector<16xf32>,
          tpu.vector_store %arg8[%parallel_loop3A_336, %parallel_loop3A_337], %parallel_loop3A_335 {strides = array<i32>} : memref<8x1024xf32, #tpu.memory_space<vmem>>, vector<16xf32>,
          %parallel_loop3A_339 = tpu.vector_load_idx %arg6[%parallel_loop3A_314, %get3A_174] : memref<8x2048xf32, #tpu.memory_space<vmem>>[vector<16xi32>, vector<16xi32>], vector<16xf32>,
          %parallel_loop3A_340 = arith.index_cast %parallel_loop3A_313 : i32 to index
          %parallel_loop3A_341 = arith.constant 96 : index
          %parallel_loop3A_342 = tpu.vector_load %arg8[%parallel_loop3A_340, %parallel_loop3A_341] {strides = array<i32>} : memref<8x1024xf32, #tpu.memory_space<vmem>>, vector<16xf32>,
          tpu.vector_store %arg8[%parallel_loop3A_340, %parallel_loop3A_341], %parallel_loop3A_339 {strides = array<i32>} : memref<8x1024xf32, #tpu.memory_space<vmem>>, vector<16xf32>,
          %parallel_loop3A_343 = tpu.vector_load_idx %arg6[%parallel_loop3A_314, %get3A_176] : memref<8x2048xf32, #tpu.memory_space<vmem>>[vector<16xi32>, vector<16xi32>], vector<16xf32>,
          %parallel_loop3A_344 = arith.index_cast %parallel_loop3A_313 : i32 to index
          %parallel_loop3A_345 = arith.constant 112 : index
          %parallel_loop3A_346 = tpu.vector_load %arg8[%parallel_loop3A_344, %parallel_loop3A_345] {strides = array<i32>} : memref<8x1024xf32, #tpu.memory_space<vmem>>, vector<16xf32>,
          tpu.vector_store %arg8[%parallel_loop3A_344, %parallel_loop3A_345], %parallel_loop3A_343 {strides = array<i32>} : memref<8x1024xf32, #tpu.memory_space<vmem>>, vector<16xf32>,
          %parallel_loop3A_347 = tpu.vector_load_idx %arg6[%parallel_loop3A_314, %get3A_178] : memref<8x2048xf32, #tpu.memory_space<vmem>>[vector<16xi32>, vector<16xi32>], vector<16xf32>,
          %parallel_loop3A_348 = arith.index_cast %parallel_loop3A_313 : i32 to index
          %parallel_loop3A_349 = arith.constant 128 : index
          %parallel_loop3A_350 = tpu.vector_load %arg8[%parallel_loop3A_348, %parallel_loop3A_349] {strides = array<i32>} : memref<8x1024xf32, #tpu.memory_space<vmem>>, vector<16xf32>,
          tpu.vector_store %arg8[%parallel_loop3A_348, %parallel_loop3A_349], %parallel_loop3A_347 {strides = array<i32>} : memref<8x1024xf32, #tpu.memory_space<vmem>>, vector<16xf32>,
          %parallel_loop3A_351 = tpu.vector_load_idx %arg6[%parallel_loop3A_314, %get3A_180] : memref<8x2048xf32, #tpu.memory_space<vmem>>[vector<16xi32>, vector<16xi32>], vector<16xf32>,
          %parallel_loop3A_352 = arith.index_cast %parallel_loop3A_313 : i32 to index
          %parallel_loop3A_353 = arith.constant 144 : index
          %parallel_loop3A_354 = tpu.vector_load %arg8[%parallel_loop3A_352, %parallel_loop3A_353] {strides = array<i32>} : memref<8x1024xf32, #tpu.memory_space<vmem>>, vector<16xf32>,
          tpu.vector_store %arg8[%parallel_loop3A_352, %parallel_loop3A_353], %parallel_loop3A_351 {strides = array<i32>} : memref<8x1024xf32, #tpu.memory_space<vmem>>, vector<16xf32>,
          %parallel_loop3A_355 = tpu.vector_load_idx %arg6[%parallel_loop3A_314, %get3A_182] : memref<8x2048xf32, #tpu.memory_space<vmem>>[vector<16xi32>, vector<16xi32>], vector<16xf32>,
          %parallel_loop3A_356 = arith.index_cast %parallel_loop3A_313 : i32 to index
          %parallel_loop3A_357 = arith.constant 160 : index
          %parallel_loop3A_358 = tpu.vector_load %arg8[%parallel_loop3A_356, %parallel_loop3A_357] {strides = array<i32>} : memref<8x1024xf32, #tpu.memory_space<vmem>>, vector<16xf32>,
          tpu.vector_store %arg8[%parallel_loop3A_356, %parallel_loop3A_357], %parallel_loop3A_355 {strides = array<i32>} : memref<8x1024xf32, #tpu.memory_space<vmem>>, vector<16xf32>,
          %parallel_loop3A_359 = tpu.vector_load_idx %arg6[%parallel_loop3A_314, %get3A_184] : memref<8x2048xf32, #tpu.memory_space<vmem>>[vector<16xi32>, vector<16xi32>], vector<16xf32>,
          %parallel_loop3A_360 = arith.index_cast %parallel_loop3A_313 : i32 to index
          %parallel_loop3A_361 = arith.constant 176 : index
          %parallel_loop3A_362 = tpu.vector_load %arg8[%parallel_loop3A_360, %parallel_loop3A_361] {strides = array<i32>} : memref<8x1024xf32, #tpu.memory_space<vmem>>, vector<16xf32>,
          tpu.vector_store %arg8[%parallel_loop3A_360, %parallel_loop3A_361], %parallel_loop3A_359 {strides = array<i32>} : memref<8x1024xf32, #tpu.memory_space<vmem>>, vector<16xf32>,
          %parallel_loop3A_363 = tpu.vector_load_idx %arg6[%parallel_loop3A_314, %get3A_186] : memref<8x2048xf32, #tpu.memory_space<vmem>>[vector<16xi32>, vector<16xi32>], vector<16xf32>,
          %parallel_loop3A_364 = arith.index_cast %parallel_loop3A_313 : i32 to index
          %parallel_loop3A_365 = arith.constant 192 : index
          %parallel_loop3A_366 = tpu.vector_load %arg8[%parallel_loop3A_364, %parallel_loop3A_365] {strides = array<i32>} : memref<8x1024xf32, #tpu.memory_space<vmem>>, vector<16xf32>,
          tpu.vector_store %arg8[%parallel_loop3A_364, %parallel_loop3A_365], %parallel_loop3A_363 {strides = array<i32>} : memref<8x1024xf32, #tpu.memory_space<vmem>>, vector<16xf32>,
          %parallel_loop3A_367 = tpu.vector_load_idx %arg6[%parallel_loop3A_314, %get3A_188] : memref<8x2048xf32, #tpu.memory_space<vmem>>[vector<16xi32>, vector<16xi32>], vector<16xf32>,
          %parallel_loop3A_368 = arith.index_cast %parallel_loop3A_313 : i32 to index
          %parallel_loop3A_369 = arith.constant 208 : index
          %parallel_loop3A_370 = tpu.vector_load %arg8[%parallel_loop3A_368, %parallel_loop3A_369] {strides = array<i32>} : memref<8x1024xf32, #tpu.memory_space<vmem>>, vector<16xf32>,
          tpu.vector_store %arg8[%parallel_loop3A_368, %parallel_loop3A_369], %parallel_loop3A_367 {strides = array<i32>} : memref<8x1024xf32, #tpu.memory_space<vmem>>, vector<16xf32>,
          %parallel_loop3A_371 = tpu.vector_load_idx %arg6[%parallel_loop3A_314, %get3A_190] : memref<8x2048xf32, #tpu.memory_space<vmem>>[vector<16xi32>, vector<16xi32>], vector<16xf32>,
          %parallel_loop3A_372 = arith.index_cast %parallel_loop3A_313 : i32 to index
          %parallel_loop3A_373 = arith.constant 224 : index
          %parallel_loop3A_374 = tpu.vector_load %arg8[%parallel_loop3A_372, %parallel_loop3A_373] {strides = array<i32>} : memref<8x1024xf32, #tpu.memory_space<vmem>>, vector<16xf32>,
          tpu.vector_store %arg8[%parallel_loop3A_372, %parallel_loop3A_373], %parallel_loop3A_371 {strides = array<i32>} : memref<8x1024xf32, #tpu.memory_space<vmem>>, vector<16xf32>,
          %parallel_loop3A_375 = tpu.vector_load_idx %arg6[%parallel_loop3A_314, %get3A_192] : memref<8x2048xf32, #tpu.memory_space<vmem>>[vector<16xi32>, vector<16xi32>], vector<16xf32>,
          %parallel_loop3A_376 = arith.index_cast %parallel_loop3A_313 : i32 to index
          %parallel_loop3A_377 = arith.constant 240 : index
          %parallel_loop3A_378 = tpu.vector_load %arg8[%parallel_loop3A_376, %parallel_loop3A_377] {strides = array<i32>} : memref<8x1024xf32, #tpu.memory_space<vmem>>, vector<16xf32>,
          tpu.vector_store %arg8[%parallel_loop3A_376, %parallel_loop3A_377], %parallel_loop3A_375 {strides = array<i32>} : memref<8x1024xf32, #tpu.memory_space<vmem>>, vector<16xf32>,
        } {sc.loop_unroll_factor = 8 : i64, sc.parallel_access}
        %get3A_195 = arith.constant 256 : index
        %get3A_196 = tpu.vector_load %arg5[%get3A_195] {strides = array<i32>} : memref<1024xi32, #tpu.memory_space<vmem>>, vector<16xi32>,
        %get3A_197 = arith.constant 272 : index
        %get3A_198 = tpu.vector_load %arg5[%get3A_197] {strides = array<i32>} : memref<1024xi32, #tpu.memory_space<vmem>>, vector<16xi32>,
        %get3A_199 = arith.constant 288 : index
        %get3A_200 = tpu.vector_load %arg5[%get3A_199] {strides = array<i32>} : memref<1024xi32, #tpu.memory_space<vmem>>, vector<16xi32>,
        %get3A_201 = arith.constant 304 : index
        %get3A_202 = tpu.vector_load %arg5[%get3A_201] {strides = array<i32>} : memref<1024xi32, #tpu.memory_space<vmem>>, vector<16xi32>,
        %get3A_203 = arith.constant 320 : index
        %get3A_204 = tpu.vector_load %arg5[%get3A_203] {strides = array<i32>} : memref<1024xi32, #tpu.memory_space<vmem>>, vector<16xi32>,
        %get3A_205 = arith.constant 336 : index
        %get3A_206 = tpu.vector_load %arg5[%get3A_205] {strides = array<i32>} : memref<1024xi32, #tpu.memory_space<vmem>>, vector<16xi32>,
        %get3A_207 = arith.constant 352 : index
        %get3A_208 = tpu.vector_load %arg5[%get3A_207] {strides = array<i32>} : memref<1024xi32, #tpu.memory_space<vmem>>, vector<16xi32>,
        %get3A_209 = arith.constant 368 : index
        %get3A_210 = tpu.vector_load %arg5[%get3A_209] {strides = array<i32>} : memref<1024xi32, #tpu.memory_space<vmem>>, vector<16xi32>,
        %get3A_211 = arith.constant 384 : index
        %get3A_212 = tpu.vector_load %arg5[%get3A_211] {strides = array<i32>} : memref<1024xi32, #tpu.memory_space<vmem>>, vector<16xi32>,
        %get3A_213 = arith.constant 400 : index
        %get3A_214 = tpu.vector_load %arg5[%get3A_213] {strides = array<i32>} : memref<1024xi32, #tpu.memory_space<vmem>>, vector<16xi32>,
        %get3A_215 = arith.constant 416 : index
        %get3A_216 = tpu.vector_load %arg5[%get3A_215] {strides = array<i32>} : memref<1024xi32, #tpu.memory_space<vmem>>, vector<16xi32>,
        %get3A_217 = arith.constant 432 : index
        %get3A_218 = tpu.vector_load %arg5[%get3A_217] {strides = array<i32>} : memref<1024xi32, #tpu.memory_space<vmem>>, vector<16xi32>,
        %get3A_219 = arith.constant 448 : index
        %get3A_220 = tpu.vector_load %arg5[%get3A_219] {strides = array<i32>} : memref<1024xi32, #tpu.memory_space<vmem>>, vector<16xi32>,
        %get3A_221 = arith.constant 464 : index
        %get3A_222 = tpu.vector_load %arg5[%get3A_221] {strides = array<i32>} : memref<1024xi32, #tpu.memory_space<vmem>>, vector<16xi32>,
        %get3A_223 = arith.constant 480 : index
        %get3A_224 = tpu.vector_load %arg5[%get3A_223] {strides = array<i32>} : memref<1024xi32, #tpu.memory_space<vmem>>, vector<16xi32>,
        %get3A_225 = arith.constant 496 : index
        %get3A_226 = tpu.vector_load %arg5[%get3A_225] {strides = array<i32>} : memref<1024xi32, #tpu.memory_space<vmem>>, vector<16xi32>,
        %parallel_loop3A_227 = arith.constant 0 : i32
        %parallel_loop3A_228 = arith.constant 8 : i32
        %parallel_loop3A_229 = arith.constant 1 : i32
        scf.for %parallel_loop3A_313 = %parallel_loop3A_227 to %parallel_loop3A_228 step %parallel_loop3A_229  : i32 {
          %parallel_loop3A_314 = vector.broadcast %parallel_loop3A_313 : i32 to vector<16xi32>
          %parallel_loop3A_315 = tpu.vector_load_idx %arg6[%parallel_loop3A_314, %get3A_196] : memref<8x2048xf32, #tpu.memory_space<vmem>>[vector<16xi32>, vector<16xi32>], vector<16xf32>,
          %parallel_loop3A_316 = arith.index_cast %parallel_loop3A_313 : i32 to index
          %parallel_loop3A_317 = arith.constant 256 : index
          %parallel_loop3A_318 = tpu.vector_load %arg8[%parallel_loop3A_316, %parallel_loop3A_317] {strides = array<i32>} : memref<8x1024xf32, #tpu.memory_space<vmem>>, vector<16xf32>,
          tpu.vector_store %arg8[%parallel_loop3A_316, %parallel_loop3A_317], %parallel_loop3A_315 {strides = array<i32>} : memref<8x1024xf32, #tpu.memory_space<vmem>>, vector<16xf32>,
          %parallel_loop3A_319 = tpu.vector_load_idx %arg6[%parallel_loop3A_314, %get3A_198] : memref<8x2048xf32, #tpu.memory_space<vmem>>[vector<16xi32>, vector<16xi32>], vector<16xf32>,
          %parallel_loop3A_320 = arith.index_cast %parallel_loop3A_313 : i32 to index
          %parallel_loop3A_321 = arith.constant 272 : index
          %parallel_loop3A_322 = tpu.vector_load %arg8[%parallel_loop3A_320, %parallel_loop3A_321] {strides = array<i32>} : memref<8x1024xf32, #tpu.memory_space<vmem>>, vector<16xf32>,
          tpu.vector_store %arg8[%parallel_loop3A_320, %parallel_loop3A_321], %parallel_loop3A_319 {strides = array<i32>} : memref<8x1024xf32, #tpu.memory_space<vmem>>, vector<16xf32>,
          %parallel_loop3A_323 = tpu.vector_load_idx %arg6[%parallel_loop3A_314, %get3A_200] : memref<8x2048xf32, #tpu.memory_space<vmem>>[vector<16xi32>, vector<16xi32>], vector<16xf32>,
          %parallel_loop3A_324 = arith.index_cast %parallel_loop3A_313 : i32 to index
          %parallel_loop3A_325 = arith.constant 288 : index
          %parallel_loop3A_326 = tpu.vector_load %arg8[%parallel_loop3A_324, %parallel_loop3A_325] {strides = array<i32>} : memref<8x1024xf32, #tpu.memory_space<vmem>>, vector<16xf32>,
          tpu.vector_store %arg8[%parallel_loop3A_324, %parallel_loop3A_325], %parallel_loop3A_323 {strides = array<i32>} : memref<8x1024xf32, #tpu.memory_space<vmem>>, vector<16xf32>,
          %parallel_loop3A_327 = tpu.vector_load_idx %arg6[%parallel_loop3A_314, %get3A_202] : memref<8x2048xf32, #tpu.memory_space<vmem>>[vector<16xi32>, vector<16xi32>], vector<16xf32>,
          %parallel_loop3A_328 = arith.index_cast %parallel_loop3A_313 : i32 to index
          %parallel_loop3A_329 = arith.constant 304 : index
          %parallel_loop3A_330 = tpu.vector_load %arg8[%parallel_loop3A_328, %parallel_loop3A_329] {strides = array<i32>} : memref<8x1024xf32, #tpu.memory_space<vmem>>, vector<16xf32>,
          tpu.vector_store %arg8[%parallel_loop3A_328, %parallel_loop3A_329], %parallel_loop3A_327 {strides = array<i32>} : memref<8x1024xf32, #tpu.memory_space<vmem>>, vector<16xf32>,
          %parallel_loop3A_331 = tpu.vector_load_idx %arg6[%parallel_loop3A_314, %get3A_204] : memref<8x2048xf32, #tpu.memory_space<vmem>>[vector<16xi32>, vector<16xi32>], vector<16xf32>,
          %parallel_loop3A_332 = arith.index_cast %parallel_loop3A_313 : i32 to index
          %parallel_loop3A_333 = arith.constant 320 : index
          %parallel_loop3A_334 = tpu.vector_load %arg8[%parallel_loop3A_332, %parallel_loop3A_333] {strides = array<i32>} : memref<8x1024xf32, #tpu.memory_space<vmem>>, vector<16xf32>,
          tpu.vector_store %arg8[%parallel_loop3A_332, %parallel_loop3A_333], %parallel_loop3A_331 {strides = array<i32>} : memref<8x1024xf32, #tpu.memory_space<vmem>>, vector<16xf32>,
          %parallel_loop3A_335 = tpu.vector_load_idx %arg6[%parallel_loop3A_314, %get3A_206] : memref<8x2048xf32, #tpu.memory_space<vmem>>[vector<16xi32>, vector<16xi32>], vector<16xf32>,
          %parallel_loop3A_336 = arith.index_cast %parallel_loop3A_313 : i32 to index
          %parallel_loop3A_337 = arith.constant 336 : index
          %parallel_loop3A_338 = tpu.vector_load %arg8[%parallel_loop3A_336, %parallel_loop3A_337] {strides = array<i32>} : memref<8x1024xf32, #tpu.memory_space<vmem>>, vector<16xf32>,
          tpu.vector_store %arg8[%parallel_loop3A_336, %parallel_loop3A_337], %parallel_loop3A_335 {strides = array<i32>} : memref<8x1024xf32, #tpu.memory_space<vmem>>, vector<16xf32>,
          %parallel_loop3A_339 = tpu.vector_load_idx %arg6[%parallel_loop3A_314, %get3A_208] : memref<8x2048xf32, #tpu.memory_space<vmem>>[vector<16xi32>, vector<16xi32>], vector<16xf32>,
          %parallel_loop3A_340 = arith.index_cast %parallel_loop3A_313 : i32 to index
          %parallel_loop3A_341 = arith.constant 352 : index
          %parallel_loop3A_342 = tpu.vector_load %arg8[%parallel_loop3A_340, %parallel_loop3A_341] {strides = array<i32>} : memref<8x1024xf32, #tpu.memory_space<vmem>>, vector<16xf32>,
          tpu.vector_store %arg8[%parallel_loop3A_340, %parallel_loop3A_341], %parallel_loop3A_339 {strides = array<i32>} : memref<8x1024xf32, #tpu.memory_space<vmem>>, vector<16xf32>,
          %parallel_loop3A_343 = tpu.vector_load_idx %arg6[%parallel_loop3A_314, %get3A_210] : memref<8x2048xf32, #tpu.memory_space<vmem>>[vector<16xi32>, vector<16xi32>], vector<16xf32>,
          %parallel_loop3A_344 = arith.index_cast %parallel_loop3A_313 : i32 to index
          %parallel_loop3A_345 = arith.constant 368 : index
          %parallel_loop3A_346 = tpu.vector_load %arg8[%parallel_loop3A_344, %parallel_loop3A_345] {strides = array<i32>} : memref<8x1024xf32, #tpu.memory_space<vmem>>, vector<16xf32>,
          tpu.vector_store %arg8[%parallel_loop3A_344, %parallel_loop3A_345], %parallel_loop3A_343 {strides = array<i32>} : memref<8x1024xf32, #tpu.memory_space<vmem>>, vector<16xf32>,
          %parallel_loop3A_347 = tpu.vector_load_idx %arg6[%parallel_loop3A_314, %get3A_212] : memref<8x2048xf32, #tpu.memory_space<vmem>>[vector<16xi32>, vector<16xi32>], vector<16xf32>,
          %parallel_loop3A_348 = arith.index_cast %parallel_loop3A_313 : i32 to index
          %parallel_loop3A_349 = arith.constant 384 : index
          %parallel_loop3A_350 = tpu.vector_load %arg8[%parallel_loop3A_348, %parallel_loop3A_349] {strides = array<i32>} : memref<8x1024xf32, #tpu.memory_space<vmem>>, vector<16xf32>,
          tpu.vector_store %arg8[%parallel_loop3A_348, %parallel_loop3A_349], %parallel_loop3A_347 {strides = array<i32>} : memref<8x1024xf32, #tpu.memory_space<vmem>>, vector<16xf32>,
          %parallel_loop3A_351 = tpu.vector_load_idx %arg6[%parallel_loop3A_314, %get3A_214] : memref<8x2048xf32, #tpu.memory_space<vmem>>[vector<16xi32>, vector<16xi32>], vector<16xf32>,
          %parallel_loop3A_352 = arith.index_cast %parallel_loop3A_313 : i32 to index
          %parallel_loop3A_353 = arith.constant 400 : index
          %parallel_loop3A_354 = tpu.vector_load %arg8[%parallel_loop3A_352, %parallel_loop3A_353] {strides = array<i32>} : memref<8x1024xf32, #tpu.memory_space<vmem>>, vector<16xf32>,
          tpu.vector_store %arg8[%parallel_loop3A_352, %parallel_loop3A_353], %parallel_loop3A_351 {strides = array<i32>} : memref<8x1024xf32, #tpu.memory_space<vmem>>, vector<16xf32>,
          %parallel_loop3A_355 = tpu.vector_load_idx %arg6[%parallel_loop3A_314, %get3A_216] : memref<8x2048xf32, #tpu.memory_space<vmem>>[vector<16xi32>, vector<16xi32>], vector<16xf32>,
          %parallel_loop3A_356 = arith.index_cast %parallel_loop3A_313 : i32 to index
          %parallel_loop3A_357 = arith.constant 416 : index
          %parallel_loop3A_358 = tpu.vector_load %arg8[%parallel_loop3A_356, %parallel_loop3A_357] {strides = array<i32>} : memref<8x1024xf32, #tpu.memory_space<vmem>>, vector<16xf32>,
          tpu.vector_store %arg8[%parallel_loop3A_356, %parallel_loop3A_357], %parallel_loop3A_355 {strides = array<i32>} : memref<8x1024xf32, #tpu.memory_space<vmem>>, vector<16xf32>,
          %parallel_loop3A_359 = tpu.vector_load_idx %arg6[%parallel_loop3A_314, %get3A_218] : memref<8x2048xf32, #tpu.memory_space<vmem>>[vector<16xi32>, vector<16xi32>], vector<16xf32>,
          %parallel_loop3A_360 = arith.index_cast %parallel_loop3A_313 : i32 to index
          %parallel_loop3A_361 = arith.constant 432 : index
          %parallel_loop3A_362 = tpu.vector_load %arg8[%parallel_loop3A_360, %parallel_loop3A_361] {strides = array<i32>} : memref<8x1024xf32, #tpu.memory_space<vmem>>, vector<16xf32>,
          tpu.vector_store %arg8[%parallel_loop3A_360, %parallel_loop3A_361], %parallel_loop3A_359 {strides = array<i32>} : memref<8x1024xf32, #tpu.memory_space<vmem>>, vector<16xf32>,
          %parallel_loop3A_363 = tpu.vector_load_idx %arg6[%parallel_loop3A_314, %get3A_220] : memref<8x2048xf32, #tpu.memory_space<vmem>>[vector<16xi32>, vector<16xi32>], vector<16xf32>,
          %parallel_loop3A_364 = arith.index_cast %parallel_loop3A_313 : i32 to index
          %parallel_loop3A_365 = arith.constant 448 : index
          %parallel_loop3A_366 = tpu.vector_load %arg8[%parallel_loop3A_364, %parallel_loop3A_365] {strides = array<i32>} : memref<8x1024xf32, #tpu.memory_space<vmem>>, vector<16xf32>,
          tpu.vector_store %arg8[%parallel_loop3A_364, %parallel_loop3A_365], %parallel_loop3A_363 {strides = array<i32>} : memref<8x1024xf32, #tpu.memory_space<vmem>>, vector<16xf32>,
          %parallel_loop3A_367 = tpu.vector_load_idx %arg6[%parallel_loop3A_314, %get3A_222] : memref<8x2048xf32, #tpu.memory_space<vmem>>[vector<16xi32>, vector<16xi32>], vector<16xf32>,
          %parallel_loop3A_368 = arith.index_cast %parallel_loop3A_313 : i32 to index
          %parallel_loop3A_369 = arith.constant 464 : index
          %parallel_loop3A_370 = tpu.vector_load %arg8[%parallel_loop3A_368, %parallel_loop3A_369] {strides = array<i32>} : memref<8x1024xf32, #tpu.memory_space<vmem>>, vector<16xf32>,
          tpu.vector_store %arg8[%parallel_loop3A_368, %parallel_loop3A_369], %parallel_loop3A_367 {strides = array<i32>} : memref<8x1024xf32, #tpu.memory_space<vmem>>, vector<16xf32>,
          %parallel_loop3A_371 = tpu.vector_load_idx %arg6[%parallel_loop3A_314, %get3A_224] : memref<8x2048xf32, #tpu.memory_space<vmem>>[vector<16xi32>, vector<16xi32>], vector<16xf32>,
          %parallel_loop3A_372 = arith.index_cast %parallel_loop3A_313 : i32 to index
          %parallel_loop3A_373 = arith.constant 480 : index
          %parallel_loop3A_374 = tpu.vector_load %arg8[%parallel_loop3A_372, %parallel_loop3A_373] {strides = array<i32>} : memref<8x1024xf32, #tpu.memory_space<vmem>>, vector<16xf32>,
          tpu.vector_store %arg8[%parallel_loop3A_372, %parallel_loop3A_373], %parallel_loop3A_371 {strides = array<i32>} : memref<8x1024xf32, #tpu.memory_space<vmem>>, vector<16xf32>,
          %parallel_loop3A_375 = tpu.vector_load_idx %arg6[%parallel_loop3A_314, %get3A_226] : memref<8x2048xf32, #tpu.memory_space<vmem>>[vector<16xi32>, vector<16xi32>], vector<16xf32>,
          %parallel_loop3A_376 = arith.index_cast %parallel_loop3A_313 : i32 to index
          %parallel_loop3A_377 = arith.constant 496 : index
          %parallel_loop3A_378 = tpu.vector_load %arg8[%parallel_loop3A_376, %parallel_loop3A_377] {strides = array<i32>} : memref<8x1024xf32, #tpu.memory_space<vmem>>, vector<16xf32>,
          tpu.vector_store %arg8[%parallel_loop3A_376, %parallel_loop3A_377], %parallel_loop3A_375 {strides = array<i32>} : memref<8x1024xf32, #tpu.memory_space<vmem>>, vector<16xf32>,
        } {sc.loop_unroll_factor = 8 : i64, sc.parallel_access}
        %get3A_230 = arith.constant 512 : index
        %get3A_231 = tpu.vector_load %arg5[%get3A_230] {strides = array<i32>} : memref<1024xi32, #tpu.memory_space<vmem>>, vector<16xi32>,
        %get3A_232 = arith.constant 528 : index
        %get3A_233 = tpu.vector_load %arg5[%get3A_232] {strides = array<i32>} : memref<1024xi32, #tpu.memory_space<vmem>>, vector<16xi32>,
        %get3A_234 = arith.constant 544 : index
        %get3A_235 = tpu.vector_load %arg5[%get3A_234] {strides = array<i32>} : memref<1024xi32, #tpu.memory_space<vmem>>, vector<16xi32>,
        %get3A_236 = arith.constant 560 : index
        %get3A_237 = tpu.vector_load %arg5[%get3A_236] {strides = array<i32>} : memref<1024xi32, #tpu.memory_space<vmem>>, vector<16xi32>,
        %get3A_238 = arith.constant 576 : index
        %get3A_239 = tpu.vector_load %arg5[%get3A_238] {strides = array<i32>} : memref<1024xi32, #tpu.memory_space<vmem>>, vector<16xi32>,
        %get3A_240 = arith.constant 592 : index
        %get3A_241 = tpu.vector_load %arg5[%get3A_240] {strides = array<i32>} : memref<1024xi32, #tpu.memory_space<vmem>>, vector<16xi32>,
        %get3A_242 = arith.constant 608 : index
        %get3A_243 = tpu.vector_load %arg5[%get3A_242] {strides = array<i32>} : memref<1024xi32, #tpu.memory_space<vmem>>, vector<16xi32>,
        %get3A_244 = arith.constant 624 : index
        %get3A_245 = tpu.vector_load %arg5[%get3A_244] {strides = array<i32>} : memref<1024xi32, #tpu.memory_space<vmem>>, vector<16xi32>,
        %get3A_246 = arith.constant 640 : index
        %get3A_247 = tpu.vector_load %arg5[%get3A_246] {strides = array<i32>} : memref<1024xi32, #tpu.memory_space<vmem>>, vector<16xi32>,
        %get3A_248 = arith.constant 656 : index
        %get3A_249 = tpu.vector_load %arg5[%get3A_248] {strides = array<i32>} : memref<1024xi32, #tpu.memory_space<vmem>>, vector<16xi32>,
        %get3A_250 = arith.constant 672 : index
        %get3A_251 = tpu.vector_load %arg5[%get3A_250] {strides = array<i32>} : memref<1024xi32, #tpu.memory_space<vmem>>, vector<16xi32>,
        %get3A_252 = arith.constant 688 : index
        %get3A_253 = tpu.vector_load %arg5[%get3A_252] {strides = array<i32>} : memref<1024xi32, #tpu.memory_space<vmem>>, vector<16xi32>,
        %get3A_254 = arith.constant 704 : index
        %get3A_255 = tpu.vector_load %arg5[%get3A_254] {strides = array<i32>} : memref<1024xi32, #tpu.memory_space<vmem>>, vector<16xi32>,
        %get3A_256 = arith.constant 720 : index
        %get3A_257 = tpu.vector_load %arg5[%get3A_256] {strides = array<i32>} : memref<1024xi32, #tpu.memory_space<vmem>>, vector<16xi32>,
        %get3A_258 = arith.constant 736 : index
        %get3A_259 = tpu.vector_load %arg5[%get3A_258] {strides = array<i32>} : memref<1024xi32, #tpu.memory_space<vmem>>, vector<16xi32>,
        %get3A_260 = arith.constant 752 : index
        %get3A_261 = tpu.vector_load %arg5[%get3A_260] {strides = array<i32>} : memref<1024xi32, #tpu.memory_space<vmem>>, vector<16xi32>,
        %parallel_loop3A_262 = arith.constant 0 : i32
        %parallel_loop3A_263 = arith.constant 8 : i32
        %parallel_loop3A_264 = arith.constant 1 : i32
        scf.for %parallel_loop3A_313 = %parallel_loop3A_262 to %parallel_loop3A_263 step %parallel_loop3A_264  : i32 {
          %parallel_loop3A_314 = vector.broadcast %parallel_loop3A_313 : i32 to vector<16xi32>
          %parallel_loop3A_315 = tpu.vector_load_idx %arg6[%parallel_loop3A_314, %get3A_231] : memref<8x2048xf32, #tpu.memory_space<vmem>>[vector<16xi32>, vector<16xi32>], vector<16xf32>,
          %parallel_loop3A_316 = arith.index_cast %parallel_loop3A_313 : i32 to index
          %parallel_loop3A_317 = arith.constant 512 : index
          %parallel_loop3A_318 = tpu.vector_load %arg8[%parallel_loop3A_316, %parallel_loop3A_317] {strides = array<i32>} : memref<8x1024xf32, #tpu.memory_space<vmem>>, vector<16xf32>,
          tpu.vector_store %arg8[%parallel_loop3A_316, %parallel_loop3A_317], %parallel_loop3A_315 {strides = array<i32>} : memref<8x1024xf32, #tpu.memory_space<vmem>>, vector<16xf32>,
          %parallel_loop3A_319 = tpu.vector_load_idx %arg6[%parallel_loop3A_314, %get3A_233] : memref<8x2048xf32, #tpu.memory_space<vmem>>[vector<16xi32>, vector<16xi32>], vector<16xf32>,
          %parallel_loop3A_320 = arith.index_cast %parallel_loop3A_313 : i32 to index
          %parallel_loop3A_321 = arith.constant 528 : index
          %parallel_loop3A_322 = tpu.vector_load %arg8[%parallel_loop3A_320, %parallel_loop3A_321] {strides = array<i32>} : memref<8x1024xf32, #tpu.memory_space<vmem>>, vector<16xf32>,
          tpu.vector_store %arg8[%parallel_loop3A_320, %parallel_loop3A_321], %parallel_loop3A_319 {strides = array<i32>} : memref<8x1024xf32, #tpu.memory_space<vmem>>, vector<16xf32>,
          %parallel_loop3A_323 = tpu.vector_load_idx %arg6[%parallel_loop3A_314, %get3A_235] : memref<8x2048xf32, #tpu.memory_space<vmem>>[vector<16xi32>, vector<16xi32>], vector<16xf32>,
          %parallel_loop3A_324 = arith.index_cast %parallel_loop3A_313 : i32 to index
          %parallel_loop3A_325 = arith.constant 544 : index
          %parallel_loop3A_326 = tpu.vector_load %arg8[%parallel_loop3A_324, %parallel_loop3A_325] {strides = array<i32>} : memref<8x1024xf32, #tpu.memory_space<vmem>>, vector<16xf32>,
          tpu.vector_store %arg8[%parallel_loop3A_324, %parallel_loop3A_325], %parallel_loop3A_323 {strides = array<i32>} : memref<8x1024xf32, #tpu.memory_space<vmem>>, vector<16xf32>,
          %parallel_loop3A_327 = tpu.vector_load_idx %arg6[%parallel_loop3A_314, %get3A_237] : memref<8x2048xf32, #tpu.memory_space<vmem>>[vector<16xi32>, vector<16xi32>], vector<16xf32>,
          %parallel_loop3A_328 = arith.index_cast %parallel_loop3A_313 : i32 to index
          %parallel_loop3A_329 = arith.constant 560 : index
          %parallel_loop3A_330 = tpu.vector_load %arg8[%parallel_loop3A_328, %parallel_loop3A_329] {strides = array<i32>} : memref<8x1024xf32, #tpu.memory_space<vmem>>, vector<16xf32>,
          tpu.vector_store %arg8[%parallel_loop3A_328, %parallel_loop3A_329], %parallel_loop3A_327 {strides = array<i32>} : memref<8x1024xf32, #tpu.memory_space<vmem>>, vector<16xf32>,
          %parallel_loop3A_331 = tpu.vector_load_idx %arg6[%parallel_loop3A_314, %get3A_239] : memref<8x2048xf32, #tpu.memory_space<vmem>>[vector<16xi32>, vector<16xi32>], vector<16xf32>,
          %parallel_loop3A_332 = arith.index_cast %parallel_loop3A_313 : i32 to index
          %parallel_loop3A_333 = arith.constant 576 : index
          %parallel_loop3A_334 = tpu.vector_load %arg8[%parallel_loop3A_332, %parallel_loop3A_333] {strides = array<i32>} : memref<8x1024xf32, #tpu.memory_space<vmem>>, vector<16xf32>,
          tpu.vector_store %arg8[%parallel_loop3A_332, %parallel_loop3A_333], %parallel_loop3A_331 {strides = array<i32>} : memref<8x1024xf32, #tpu.memory_space<vmem>>, vector<16xf32>,
          %parallel_loop3A_335 = tpu.vector_load_idx %arg6[%parallel_loop3A_314, %get3A_241] : memref<8x2048xf32, #tpu.memory_space<vmem>>[vector<16xi32>, vector<16xi32>], vector<16xf32>,
          %parallel_loop3A_336 = arith.index_cast %parallel_loop3A_313 : i32 to index
          %parallel_loop3A_337 = arith.constant 592 : index
          %parallel_loop3A_338 = tpu.vector_load %arg8[%parallel_loop3A_336, %parallel_loop3A_337] {strides = array<i32>} : memref<8x1024xf32, #tpu.memory_space<vmem>>, vector<16xf32>,
          tpu.vector_store %arg8[%parallel_loop3A_336, %parallel_loop3A_337], %parallel_loop3A_335 {strides = array<i32>} : memref<8x1024xf32, #tpu.memory_space<vmem>>, vector<16xf32>,
          %parallel_loop3A_339 = tpu.vector_load_idx %arg6[%parallel_loop3A_314, %get3A_243] : memref<8x2048xf32, #tpu.memory_space<vmem>>[vector<16xi32>, vector<16xi32>], vector<16xf32>,
          %parallel_loop3A_340 = arith.index_cast %parallel_loop3A_313 : i32 to index
          %parallel_loop3A_341 = arith.constant 608 : index
          %parallel_loop3A_342 = tpu.vector_load %arg8[%parallel_loop3A_340, %parallel_loop3A_341] {strides = array<i32>} : memref<8x1024xf32, #tpu.memory_space<vmem>>, vector<16xf32>,
          tpu.vector_store %arg8[%parallel_loop3A_340, %parallel_loop3A_341], %parallel_loop3A_339 {strides = array<i32>} : memref<8x1024xf32, #tpu.memory_space<vmem>>, vector<16xf32>,
          %parallel_loop3A_343 = tpu.vector_load_idx %arg6[%parallel_loop3A_314, %get3A_245] : memref<8x2048xf32, #tpu.memory_space<vmem>>[vector<16xi32>, vector<16xi32>], vector<16xf32>,
          %parallel_loop3A_344 = arith.index_cast %parallel_loop3A_313 : i32 to index
          %parallel_loop3A_345 = arith.constant 624 : index
          %parallel_loop3A_346 = tpu.vector_load %arg8[%parallel_loop3A_344, %parallel_loop3A_345] {strides = array<i32>} : memref<8x1024xf32, #tpu.memory_space<vmem>>, vector<16xf32>,
          tpu.vector_store %arg8[%parallel_loop3A_344, %parallel_loop3A_345], %parallel_loop3A_343 {strides = array<i32>} : memref<8x1024xf32, #tpu.memory_space<vmem>>, vector<16xf32>,
          %parallel_loop3A_347 = tpu.vector_load_idx %arg6[%parallel_loop3A_314, %get3A_247] : memref<8x2048xf32, #tpu.memory_space<vmem>>[vector<16xi32>, vector<16xi32>], vector<16xf32>,
          %parallel_loop3A_348 = arith.index_cast %parallel_loop3A_313 : i32 to index
          %parallel_loop3A_349 = arith.constant 640 : index
          %parallel_loop3A_350 = tpu.vector_load %arg8[%parallel_loop3A_348, %parallel_loop3A_349] {strides = array<i32>} : memref<8x1024xf32, #tpu.memory_space<vmem>>, vector<16xf32>,
          tpu.vector_store %arg8[%parallel_loop3A_348, %parallel_loop3A_349], %parallel_loop3A_347 {strides = array<i32>} : memref<8x1024xf32, #tpu.memory_space<vmem>>, vector<16xf32>,
          %parallel_loop3A_351 = tpu.vector_load_idx %arg6[%parallel_loop3A_314, %get3A_249] : memref<8x2048xf32, #tpu.memory_space<vmem>>[vector<16xi32>, vector<16xi32>], vector<16xf32>,
          %parallel_loop3A_352 = arith.index_cast %parallel_loop3A_313 : i32 to index
          %parallel_loop3A_353 = arith.constant 656 : index
          %parallel_loop3A_354 = tpu.vector_load %arg8[%parallel_loop3A_352, %parallel_loop3A_353] {strides = array<i32>} : memref<8x1024xf32, #tpu.memory_space<vmem>>, vector<16xf32>,
          tpu.vector_store %arg8[%parallel_loop3A_352, %parallel_loop3A_353], %parallel_loop3A_351 {strides = array<i32>} : memref<8x1024xf32, #tpu.memory_space<vmem>>, vector<16xf32>,
          %parallel_loop3A_355 = tpu.vector_load_idx %arg6[%parallel_loop3A_314, %get3A_251] : memref<8x2048xf32, #tpu.memory_space<vmem>>[vector<16xi32>, vector<16xi32>], vector<16xf32>,
          %parallel_loop3A_356 = arith.index_cast %parallel_loop3A_313 : i32 to index
          %parallel_loop3A_357 = arith.constant 672 : index
          %parallel_loop3A_358 = tpu.vector_load %arg8[%parallel_loop3A_356, %parallel_loop3A_357] {strides = array<i32>} : memref<8x1024xf32, #tpu.memory_space<vmem>>, vector<16xf32>,
          tpu.vector_store %arg8[%parallel_loop3A_356, %parallel_loop3A_357], %parallel_loop3A_355 {strides = array<i32>} : memref<8x1024xf32, #tpu.memory_space<vmem>>, vector<16xf32>,
          %parallel_loop3A_359 = tpu.vector_load_idx %arg6[%parallel_loop3A_314, %get3A_253] : memref<8x2048xf32, #tpu.memory_space<vmem>>[vector<16xi32>, vector<16xi32>], vector<16xf32>,
          %parallel_loop3A_360 = arith.index_cast %parallel_loop3A_313 : i32 to index
          %parallel_loop3A_361 = arith.constant 688 : index
          %parallel_loop3A_362 = tpu.vector_load %arg8[%parallel_loop3A_360, %parallel_loop3A_361] {strides = array<i32>} : memref<8x1024xf32, #tpu.memory_space<vmem>>, vector<16xf32>,
          tpu.vector_store %arg8[%parallel_loop3A_360, %parallel_loop3A_361], %parallel_loop3A_359 {strides = array<i32>} : memref<8x1024xf32, #tpu.memory_space<vmem>>, vector<16xf32>,
          %parallel_loop3A_363 = tpu.vector_load_idx %arg6[%parallel_loop3A_314, %get3A_255] : memref<8x2048xf32, #tpu.memory_space<vmem>>[vector<16xi32>, vector<16xi32>], vector<16xf32>,
          %parallel_loop3A_364 = arith.index_cast %parallel_loop3A_313 : i32 to index
          %parallel_loop3A_365 = arith.constant 704 : index
          %parallel_loop3A_366 = tpu.vector_load %arg8[%parallel_loop3A_364, %parallel_loop3A_365] {strides = array<i32>} : memref<8x1024xf32, #tpu.memory_space<vmem>>, vector<16xf32>,
          tpu.vector_store %arg8[%parallel_loop3A_364, %parallel_loop3A_365], %parallel_loop3A_363 {strides = array<i32>} : memref<8x1024xf32, #tpu.memory_space<vmem>>, vector<16xf32>,
          %parallel_loop3A_367 = tpu.vector_load_idx %arg6[%parallel_loop3A_314, %get3A_257] : memref<8x2048xf32, #tpu.memory_space<vmem>>[vector<16xi32>, vector<16xi32>], vector<16xf32>,
          %parallel_loop3A_368 = arith.index_cast %parallel_loop3A_313 : i32 to index
          %parallel_loop3A_369 = arith.constant 720 : index
          %parallel_loop3A_370 = tpu.vector_load %arg8[%parallel_loop3A_368, %parallel_loop3A_369] {strides = array<i32>} : memref<8x1024xf32, #tpu.memory_space<vmem>>, vector<16xf32>,
          tpu.vector_store %arg8[%parallel_loop3A_368, %parallel_loop3A_369], %parallel_loop3A_367 {strides = array<i32>} : memref<8x1024xf32, #tpu.memory_space<vmem>>, vector<16xf32>,
          %parallel_loop3A_371 = tpu.vector_load_idx %arg6[%parallel_loop3A_314, %get3A_259] : memref<8x2048xf32, #tpu.memory_space<vmem>>[vector<16xi32>, vector<16xi32>], vector<16xf32>,
          %parallel_loop3A_372 = arith.index_cast %parallel_loop3A_313 : i32 to index
          %parallel_loop3A_373 = arith.constant 736 : index
          %parallel_loop3A_374 = tpu.vector_load %arg8[%parallel_loop3A_372, %parallel_loop3A_373] {strides = array<i32>} : memref<8x1024xf32, #tpu.memory_space<vmem>>, vector<16xf32>,
          tpu.vector_store %arg8[%parallel_loop3A_372, %parallel_loop3A_373], %parallel_loop3A_371 {strides = array<i32>} : memref<8x1024xf32, #tpu.memory_space<vmem>>, vector<16xf32>,
          %parallel_loop3A_375 = tpu.vector_load_idx %arg6[%parallel_loop3A_314, %get3A_261] : memref<8x2048xf32, #tpu.memory_space<vmem>>[vector<16xi32>, vector<16xi32>], vector<16xf32>,
          %parallel_loop3A_376 = arith.index_cast %parallel_loop3A_313 : i32 to index
          %parallel_loop3A_377 = arith.constant 752 : index
          %parallel_loop3A_378 = tpu.vector_load %arg8[%parallel_loop3A_376, %parallel_loop3A_377] {strides = array<i32>} : memref<8x1024xf32, #tpu.memory_space<vmem>>, vector<16xf32>,
          tpu.vector_store %arg8[%parallel_loop3A_376, %parallel_loop3A_377], %parallel_loop3A_375 {strides = array<i32>} : memref<8x1024xf32, #tpu.memory_space<vmem>>, vector<16xf32>,
        } {sc.loop_unroll_factor = 8 : i64, sc.parallel_access}
        %get3A_265 = arith.constant 768 : index
        %get3A_266 = tpu.vector_load %arg5[%get3A_265] {strides = array<i32>} : memref<1024xi32, #tpu.memory_space<vmem>>, vector<16xi32>,
        %get3A_267 = arith.constant 784 : index
        %get3A_268 = tpu.vector_load %arg5[%get3A_267] {strides = array<i32>} : memref<1024xi32, #tpu.memory_space<vmem>>, vector<16xi32>,
        %get3A_269 = arith.constant 800 : index
        %get3A_270 = tpu.vector_load %arg5[%get3A_269] {strides = array<i32>} : memref<1024xi32, #tpu.memory_space<vmem>>, vector<16xi32>,
        %get3A_271 = arith.constant 816 : index
        %get3A_272 = tpu.vector_load %arg5[%get3A_271] {strides = array<i32>} : memref<1024xi32, #tpu.memory_space<vmem>>, vector<16xi32>,
        %get3A_273 = arith.constant 832 : index
        %get3A_274 = tpu.vector_load %arg5[%get3A_273] {strides = array<i32>} : memref<1024xi32, #tpu.memory_space<vmem>>, vector<16xi32>,
        %get3A_275 = arith.constant 848 : index
        %get3A_276 = tpu.vector_load %arg5[%get3A_275] {strides = array<i32>} : memref<1024xi32, #tpu.memory_space<vmem>>, vector<16xi32>,
        %get3A_277 = arith.constant 864 : index
        %get3A_278 = tpu.vector_load %arg5[%get3A_277] {strides = array<i32>} : memref<1024xi32, #tpu.memory_space<vmem>>, vector<16xi32>,
        %get3A_279 = arith.constant 880 : index
        %get3A_280 = tpu.vector_load %arg5[%get3A_279] {strides = array<i32>} : memref<1024xi32, #tpu.memory_space<vmem>>, vector<16xi32>,
        %get3A_281 = arith.constant 896 : index
        %get3A_282 = tpu.vector_load %arg5[%get3A_281] {strides = array<i32>} : memref<1024xi32, #tpu.memory_space<vmem>>, vector<16xi32>,
        %get3A_283 = arith.constant 912 : index
        %get3A_284 = tpu.vector_load %arg5[%get3A_283] {strides = array<i32>} : memref<1024xi32, #tpu.memory_space<vmem>>, vector<16xi32>,
        %get3A_285 = arith.constant 928 : index
        %get3A_286 = tpu.vector_load %arg5[%get3A_285] {strides = array<i32>} : memref<1024xi32, #tpu.memory_space<vmem>>, vector<16xi32>,
        %get3A_287 = arith.constant 944 : index
        %get3A_288 = tpu.vector_load %arg5[%get3A_287] {strides = array<i32>} : memref<1024xi32, #tpu.memory_space<vmem>>, vector<16xi32>,
        %get3A_289 = arith.constant 960 : index
        %get3A_290 = tpu.vector_load %arg5[%get3A_289] {strides = array<i32>} : memref<1024xi32, #tpu.memory_space<vmem>>, vector<16xi32>,
        %get3A_291 = arith.constant 976 : index
        %get3A_292 = tpu.vector_load %arg5[%get3A_291] {strides = array<i32>} : memref<1024xi32, #tpu.memory_space<vmem>>, vector<16xi32>,
        %get3A_293 = arith.constant 992 : index
        %get3A_294 = tpu.vector_load %arg5[%get3A_293] {strides = array<i32>} : memref<1024xi32, #tpu.memory_space<vmem>>, vector<16xi32>,
        %get3A_295 = arith.constant 1008 : index
        %get3A_296 = tpu.vector_load %arg5[%get3A_295] {strides = array<i32>} : memref<1024xi32, #tpu.memory_space<vmem>>, vector<16xi32>,
        %parallel_loop3A_297 = arith.constant 0 : i32
        %parallel_loop3A_298 = arith.constant 8 : i32
        %parallel_loop3A_299 = arith.constant 1 : i32
        scf.for %parallel_loop3A_313 = %parallel_loop3A_297 to %parallel_loop3A_298 step %parallel_loop3A_299  : i32 {
          %parallel_loop3A_314 = vector.broadcast %parallel_loop3A_313 : i32 to vector<16xi32>
          %parallel_loop3A_315 = tpu.vector_load_idx %arg6[%parallel_loop3A_314, %get3A_266] : memref<8x2048xf32, #tpu.memory_space<vmem>>[vector<16xi32>, vector<16xi32>], vector<16xf32>,
          %parallel_loop3A_316 = arith.index_cast %parallel_loop3A_313 : i32 to index
          %parallel_loop3A_317 = arith.constant 768 : index
          %parallel_loop3A_318 = tpu.vector_load %arg8[%parallel_loop3A_316, %parallel_loop3A_317] {strides = array<i32>} : memref<8x1024xf32, #tpu.memory_space<vmem>>, vector<16xf32>,
          tpu.vector_store %arg8[%parallel_loop3A_316, %parallel_loop3A_317], %parallel_loop3A_315 {strides = array<i32>} : memref<8x1024xf32, #tpu.memory_space<vmem>>, vector<16xf32>,
          %parallel_loop3A_319 = tpu.vector_load_idx %arg6[%parallel_loop3A_314, %get3A_268] : memref<8x2048xf32, #tpu.memory_space<vmem>>[vector<16xi32>, vector<16xi32>], vector<16xf32>,
          %parallel_loop3A_320 = arith.index_cast %parallel_loop3A_313 : i32 to index
          %parallel_loop3A_321 = arith.constant 784 : index
          %parallel_loop3A_322 = tpu.vector_load %arg8[%parallel_loop3A_320, %parallel_loop3A_321] {strides = array<i32>} : memref<8x1024xf32, #tpu.memory_space<vmem>>, vector<16xf32>,
          tpu.vector_store %arg8[%parallel_loop3A_320, %parallel_loop3A_321], %parallel_loop3A_319 {strides = array<i32>} : memref<8x1024xf32, #tpu.memory_space<vmem>>, vector<16xf32>,
          %parallel_loop3A_323 = tpu.vector_load_idx %arg6[%parallel_loop3A_314, %get3A_270] : memref<8x2048xf32, #tpu.memory_space<vmem>>[vector<16xi32>, vector<16xi32>], vector<16xf32>,
          %parallel_loop3A_324 = arith.index_cast %parallel_loop3A_313 : i32 to index
          %parallel_loop3A_325 = arith.constant 800 : index
          %parallel_loop3A_326 = tpu.vector_load %arg8[%parallel_loop3A_324, %parallel_loop3A_325] {strides = array<i32>} : memref<8x1024xf32, #tpu.memory_space<vmem>>, vector<16xf32>,
          tpu.vector_store %arg8[%parallel_loop3A_324, %parallel_loop3A_325], %parallel_loop3A_323 {strides = array<i32>} : memref<8x1024xf32, #tpu.memory_space<vmem>>, vector<16xf32>,
          %parallel_loop3A_327 = tpu.vector_load_idx %arg6[%parallel_loop3A_314, %get3A_272] : memref<8x2048xf32, #tpu.memory_space<vmem>>[vector<16xi32>, vector<16xi32>], vector<16xf32>,
          %parallel_loop3A_328 = arith.index_cast %parallel_loop3A_313 : i32 to index
          %parallel_loop3A_329 = arith.constant 816 : index
          %parallel_loop3A_330 = tpu.vector_load %arg8[%parallel_loop3A_328, %parallel_loop3A_329] {strides = array<i32>} : memref<8x1024xf32, #tpu.memory_space<vmem>>, vector<16xf32>,
          tpu.vector_store %arg8[%parallel_loop3A_328, %parallel_loop3A_329], %parallel_loop3A_327 {strides = array<i32>} : memref<8x1024xf32, #tpu.memory_space<vmem>>, vector<16xf32>,
          %parallel_loop3A_331 = tpu.vector_load_idx %arg6[%parallel_loop3A_314, %get3A_274] : memref<8x2048xf32, #tpu.memory_space<vmem>>[vector<16xi32>, vector<16xi32>], vector<16xf32>,
          %parallel_loop3A_332 = arith.index_cast %parallel_loop3A_313 : i32 to index
          %parallel_loop3A_333 = arith.constant 832 : index
          %parallel_loop3A_334 = tpu.vector_load %arg8[%parallel_loop3A_332, %parallel_loop3A_333] {strides = array<i32>} : memref<8x1024xf32, #tpu.memory_space<vmem>>, vector<16xf32>,
          tpu.vector_store %arg8[%parallel_loop3A_332, %parallel_loop3A_333], %parallel_loop3A_331 {strides = array<i32>} : memref<8x1024xf32, #tpu.memory_space<vmem>>, vector<16xf32>,
          %parallel_loop3A_335 = tpu.vector_load_idx %arg6[%parallel_loop3A_314, %get3A_276] : memref<8x2048xf32, #tpu.memory_space<vmem>>[vector<16xi32>, vector<16xi32>], vector<16xf32>,
          %parallel_loop3A_336 = arith.index_cast %parallel_loop3A_313 : i32 to index
          %parallel_loop3A_337 = arith.constant 848 : index
          %parallel_loop3A_338 = tpu.vector_load %arg8[%parallel_loop3A_336, %parallel_loop3A_337] {strides = array<i32>} : memref<8x1024xf32, #tpu.memory_space<vmem>>, vector<16xf32>,
          tpu.vector_store %arg8[%parallel_loop3A_336, %parallel_loop3A_337], %parallel_loop3A_335 {strides = array<i32>} : memref<8x1024xf32, #tpu.memory_space<vmem>>, vector<16xf32>,
          %parallel_loop3A_339 = tpu.vector_load_idx %arg6[%parallel_loop3A_314, %get3A_278] : memref<8x2048xf32, #tpu.memory_space<vmem>>[vector<16xi32>, vector<16xi32>], vector<16xf32>,
          %parallel_loop3A_340 = arith.index_cast %parallel_loop3A_313 : i32 to index
          %parallel_loop3A_341 = arith.constant 864 : index
          %parallel_loop3A_342 = tpu.vector_load %arg8[%parallel_loop3A_340, %parallel_loop3A_341] {strides = array<i32>} : memref<8x1024xf32, #tpu.memory_space<vmem>>, vector<16xf32>,
          tpu.vector_store %arg8[%parallel_loop3A_340, %parallel_loop3A_341], %parallel_loop3A_339 {strides = array<i32>} : memref<8x1024xf32, #tpu.memory_space<vmem>>, vector<16xf32>,
          %parallel_loop3A_343 = tpu.vector_load_idx %arg6[%parallel_loop3A_314, %get3A_280] : memref<8x2048xf32, #tpu.memory_space<vmem>>[vector<16xi32>, vector<16xi32>], vector<16xf32>,
          %parallel_loop3A_344 = arith.index_cast %parallel_loop3A_313 : i32 to index
          %parallel_loop3A_345 = arith.constant 880 : index
          %parallel_loop3A_346 = tpu.vector_load %arg8[%parallel_loop3A_344, %parallel_loop3A_345] {strides = array<i32>} : memref<8x1024xf32, #tpu.memory_space<vmem>>, vector<16xf32>,
          tpu.vector_store %arg8[%parallel_loop3A_344, %parallel_loop3A_345], %parallel_loop3A_343 {strides = array<i32>} : memref<8x1024xf32, #tpu.memory_space<vmem>>, vector<16xf32>,
          %parallel_loop3A_347 = tpu.vector_load_idx %arg6[%parallel_loop3A_314, %get3A_282] : memref<8x2048xf32, #tpu.memory_space<vmem>>[vector<16xi32>, vector<16xi32>], vector<16xf32>,
          %parallel_loop3A_348 = arith.index_cast %parallel_loop3A_313 : i32 to index
          %parallel_loop3A_349 = arith.constant 896 : index
          %parallel_loop3A_350 = tpu.vector_load %arg8[%parallel_loop3A_348, %parallel_loop3A_349] {strides = array<i32>} : memref<8x1024xf32, #tpu.memory_space<vmem>>, vector<16xf32>,
          tpu.vector_store %arg8[%parallel_loop3A_348, %parallel_loop3A_349], %parallel_loop3A_347 {strides = array<i32>} : memref<8x1024xf32, #tpu.memory_space<vmem>>, vector<16xf32>,
          %parallel_loop3A_351 = tpu.vector_load_idx %arg6[%parallel_loop3A_314, %get3A_284] : memref<8x2048xf32, #tpu.memory_space<vmem>>[vector<16xi32>, vector<16xi32>], vector<16xf32>,
          %parallel_loop3A_352 = arith.index_cast %parallel_loop3A_313 : i32 to index
          %parallel_loop3A_353 = arith.constant 912 : index
          %parallel_loop3A_354 = tpu.vector_load %arg8[%parallel_loop3A_352, %parallel_loop3A_353] {strides = array<i32>} : memref<8x1024xf32, #tpu.memory_space<vmem>>, vector<16xf32>,
          tpu.vector_store %arg8[%parallel_loop3A_352, %parallel_loop3A_353], %parallel_loop3A_351 {strides = array<i32>} : memref<8x1024xf32, #tpu.memory_space<vmem>>, vector<16xf32>,
          %parallel_loop3A_355 = tpu.vector_load_idx %arg6[%parallel_loop3A_314, %get3A_286] : memref<8x2048xf32, #tpu.memory_space<vmem>>[vector<16xi32>, vector<16xi32>], vector<16xf32>,
          %parallel_loop3A_356 = arith.index_cast %parallel_loop3A_313 : i32 to index
          %parallel_loop3A_357 = arith.constant 928 : index
          %parallel_loop3A_358 = tpu.vector_load %arg8[%parallel_loop3A_356, %parallel_loop3A_357] {strides = array<i32>} : memref<8x1024xf32, #tpu.memory_space<vmem>>, vector<16xf32>,
          tpu.vector_store %arg8[%parallel_loop3A_356, %parallel_loop3A_357], %parallel_loop3A_355 {strides = array<i32>} : memref<8x1024xf32, #tpu.memory_space<vmem>>, vector<16xf32>,
          %parallel_loop3A_359 = tpu.vector_load_idx %arg6[%parallel_loop3A_314, %get3A_288] : memref<8x2048xf32, #tpu.memory_space<vmem>>[vector<16xi32>, vector<16xi32>], vector<16xf32>,
          %parallel_loop3A_360 = arith.index_cast %parallel_loop3A_313 : i32 to index
          %parallel_loop3A_361 = arith.constant 944 : index
          %parallel_loop3A_362 = tpu.vector_load %arg8[%parallel_loop3A_360, %parallel_loop3A_361] {strides = array<i32>} : memref<8x1024xf32, #tpu.memory_space<vmem>>, vector<16xf32>,
          tpu.vector_store %arg8[%parallel_loop3A_360, %parallel_loop3A_361], %parallel_loop3A_359 {strides = array<i32>} : memref<8x1024xf32, #tpu.memory_space<vmem>>, vector<16xf32>,
          %parallel_loop3A_363 = tpu.vector_load_idx %arg6[%parallel_loop3A_314, %get3A_290] : memref<8x2048xf32, #tpu.memory_space<vmem>>[vector<16xi32>, vector<16xi32>], vector<16xf32>,
          %parallel_loop3A_364 = arith.index_cast %parallel_loop3A_313 : i32 to index
          %parallel_loop3A_365 = arith.constant 960 : index
          %parallel_loop3A_366 = tpu.vector_load %arg8[%parallel_loop3A_364, %parallel_loop3A_365] {strides = array<i32>} : memref<8x1024xf32, #tpu.memory_space<vmem>>, vector<16xf32>,
          tpu.vector_store %arg8[%parallel_loop3A_364, %parallel_loop3A_365], %parallel_loop3A_363 {strides = array<i32>} : memref<8x1024xf32, #tpu.memory_space<vmem>>, vector<16xf32>,
          %parallel_loop3A_367 = tpu.vector_load_idx %arg6[%parallel_loop3A_314, %get3A_292] : memref<8x2048xf32, #tpu.memory_space<vmem>>[vector<16xi32>, vector<16xi32>], vector<16xf32>,
          %parallel_loop3A_368 = arith.index_cast %parallel_loop3A_313 : i32 to index
          %parallel_loop3A_369 = arith.constant 976 : index
          %parallel_loop3A_370 = tpu.vector_load %arg8[%parallel_loop3A_368, %parallel_loop3A_369] {strides = array<i32>} : memref<8x1024xf32, #tpu.memory_space<vmem>>, vector<16xf32>,
          tpu.vector_store %arg8[%parallel_loop3A_368, %parallel_loop3A_369], %parallel_loop3A_367 {strides = array<i32>} : memref<8x1024xf32, #tpu.memory_space<vmem>>, vector<16xf32>,
          %parallel_loop3A_371 = tpu.vector_load_idx %arg6[%parallel_loop3A_314, %get3A_294] : memref<8x2048xf32, #tpu.memory_space<vmem>>[vector<16xi32>, vector<16xi32>], vector<16xf32>,
          %parallel_loop3A_372 = arith.index_cast %parallel_loop3A_313 : i32 to index
          %parallel_loop3A_373 = arith.constant 992 : index
          %parallel_loop3A_374 = tpu.vector_load %arg8[%parallel_loop3A_372, %parallel_loop3A_373] {strides = array<i32>} : memref<8x1024xf32, #tpu.memory_space<vmem>>, vector<16xf32>,
          tpu.vector_store %arg8[%parallel_loop3A_372, %parallel_loop3A_373], %parallel_loop3A_371 {strides = array<i32>} : memref<8x1024xf32, #tpu.memory_space<vmem>>, vector<16xf32>,
          %parallel_loop3A_375 = tpu.vector_load_idx %arg6[%parallel_loop3A_314, %get3A_296] : memref<8x2048xf32, #tpu.memory_space<vmem>>[vector<16xi32>, vector<16xi32>], vector<16xf32>,
          %parallel_loop3A_376 = arith.index_cast %parallel_loop3A_313 : i32 to index
          %parallel_loop3A_377 = arith.constant 1008 : index
          %parallel_loop3A_378 = tpu.vector_load %arg8[%parallel_loop3A_376, %parallel_loop3A_377] {strides = array<i32>} : memref<8x1024xf32, #tpu.memory_space<vmem>>, vector<16xf32>,
          tpu.vector_store %arg8[%parallel_loop3A_376, %parallel_loop3A_377], %parallel_loop3A_375 {strides = array<i32>} : memref<8x1024xf32, #tpu.memory_space<vmem>>, vector<16xf32>,
        } {sc.loop_unroll_factor = 8 : i64, sc.parallel_access}
        %mul3A_300 = arith.constant 8 : i32
        %mul3A_301 = arith.muli %add3A_137, %mul3A_300 : i32
        %multiple_of3A_302 = tpu.assume_multiple %mul3A_301, 8 : i32
        %dma_start3A_303 = arith.constant 0 : i32
        %dma_start3A_304 = tpu.memref_slice %arg4[%multiple_of3A_302, %dma_start3A_303] : memref<18816x1024xf32, #tpu.memory_space<hbm>> -> memref<8x1024xf32, #tpu.memory_space<hbm>>
        %dma_start3A_305 = arith.constant 0 : i32
        %dma_start3A_306 = tpu.memref_slice %arg4[%multiple_of3A_302, %dma_start3A_305] : memref<18816x1024xf32, #tpu.memory_space<hbm>> -> memref<8x1024xf32, #tpu.memory_space<hbm>>
        tpu.enqueue_dma source(%arg8 : memref<8x1024xf32, #tpu.memory_space<vmem>>) target(%dma_start3A_306 : memref<8x1024xf32, #tpu.memory_space<hbm>>) target_semaphore(%arg12 : memref<!tpu.dma_semaphore, #tpu.memory_space<semaphore_mem>>)
        %add3A_307 = arith.constant 2 : i32
        %add3A_308 = arith.addi %mul3A_136, %add3A_307 : i32
        %lt3A_309 = arith.cmpi slt, %add3A_308, %sub3A_47 : i32
        %convert_element_type3A_310 = arith.extui %lt3A_309 : i1 to i32
        %cond3A_311 = arith.constant 0 : i32
        %cond3A_312 = arith.cmpi ne, %convert_element_type3A_310, %cond3A_311 : i32
        scf.if %cond3A_312 {
          %add3A_313 = arith.constant 2 : i32
          %add3A_314 = arith.addi %add3A_137, %add3A_313 : i32
          %mul3A_315 = arith.constant 8 : i32
          %mul3A_316 = arith.muli %add3A_314, %mul3A_315 : i32
          %multiple_of3A_317 = tpu.assume_multiple %mul3A_316, 8 : i32
          %dma_start3A_318 = arith.constant 0 : i32
          %dma_start3A_319 = tpu.memref_slice %arg2[%multiple_of3A_317, %dma_start3A_318] : memref<18816x2048xf32, #tpu.memory_space<hbm>> -> memref<8x2048xf32, #tpu.memory_space<hbm>>
          %dma_start3A_320 = arith.constant 0 : i32
          %dma_start3A_321 = tpu.memref_slice %arg2[%multiple_of3A_317, %dma_start3A_320] : memref<18816x2048xf32, #tpu.memory_space<hbm>> -> memref<8x2048xf32, #tpu.memory_space<hbm>>
          tpu.enqueue_dma source(%dma_start3A_321 : memref<8x2048xf32, #tpu.memory_space<hbm>>) target(%arg6 : memref<8x2048xf32, #tpu.memory_space<vmem>>) target_semaphore(%arg10 : memref<!tpu.dma_semaphore, #tpu.memory_space<semaphore_mem>>)
        } else {
        }
      } else {
      }
      %mul3A_142 = arith.constant 2 : i32
      %mul3A_143 = arith.muli %mul3A_142, %while3A_133 : i32
      %add3A_144 = arith.constant 1 : i32
      %add3A_145 = arith.addi %mul3A_143, %add3A_144 : i32
      %add3A_146 = arith.addi %select_n3A, %add3A_145 : i32
      %lt3A_147 = arith.cmpi slt, %add3A_145, %sub3A_47 : i32
      %convert_element_type3A_148 = arith.extui %lt3A_147 : i1 to i32
      %cond3A_149 = arith.constant 0 : i32
      %cond3A_150 = arith.cmpi ne, %convert_element_type3A_148, %cond3A_149 : i32
      scf.if %cond3A_150 {
        %mul3A_152 = arith.constant 8 : i32
        %mul3A_153 = arith.muli %add3A_146, %mul3A_152 : i32
        %multiple_of3A_154 = tpu.assume_multiple %mul3A_153, 8 : i32
        %dma_wait3A = arith.constant 0 : i32
        %dma_wait3A_155 = tpu.memref_slice %arg2[%multiple_of3A_154, %dma_wait3A] : memref<18816x2048xf32, #tpu.memory_space<hbm>> -> memref<8x2048xf32, #tpu.memory_space<hbm>>
        %dma_wait3A_156 = arith.constant 0 : i32
        %dma_wait3A_157 = tpu.memref_slice %arg2[%multiple_of3A_154, %dma_wait3A_156] : memref<18816x2048xf32, #tpu.memory_space<hbm>> -> memref<8x2048xf32, #tpu.memory_space<hbm>>
        tpu.wait_dma2 semaphore(%arg11 : memref<!tpu.dma_semaphore, #tpu.memory_space<semaphore_mem>>) src(%dma_wait3A_157 : memref<8x2048xf32, #tpu.memory_space<hbm>>) dst(%arg7 : memref<8x2048xf32, #tpu.memory_space<vmem>>)
        %ge3A = arith.constant 2 : i32
        %ge3A_158 = arith.cmpi sge, %add3A_145, %ge3A : i32
        %convert_element_type3A_159 = arith.extui %ge3A_158 : i1 to i32
        %cond3A_160 = arith.constant 0 : i32
        %cond3A_161 = arith.cmpi ne, %convert_element_type3A_159, %cond3A_160 : i32
        scf.if %cond3A_161 {
          %sub3A_313 = arith.constant 2 : i32
          %sub3A_314 = arith.subi %add3A_146, %sub3A_313 : i32
          %mul3A_315 = arith.constant 8 : i32
          %mul3A_316 = arith.muli %sub3A_314, %mul3A_315 : i32
          %multiple_of3A_317 = tpu.assume_multiple %mul3A_316, 8 : i32
          %dma_wait3A_318 = arith.constant 0 : i32
          %dma_wait3A_319 = tpu.memref_slice %arg4[%multiple_of3A_317, %dma_wait3A_318] : memref<18816x1024xf32, #tpu.memory_space<hbm>> -> memref<8x1024xf32, #tpu.memory_space<hbm>>
          %dma_wait3A_320 = arith.constant 0 : i32
          %dma_wait3A_321 = tpu.memref_slice %arg4[%multiple_of3A_317, %dma_wait3A_320] : memref<18816x1024xf32, #tpu.memory_space<hbm>> -> memref<8x1024xf32, #tpu.memory_space<hbm>>
          tpu.wait_dma2 semaphore(%arg13 : memref<!tpu.dma_semaphore, #tpu.memory_space<semaphore_mem>>) src(%arg9 : memref<8x1024xf32, #tpu.memory_space<vmem>>) dst(%dma_wait3A_321 : memref<8x1024xf32, #tpu.memory_space<hbm>>)
        } else {
        }
        %get3A = arith.constant 0 : index
        %get3A_162 = tpu.vector_load %arg5[%get3A] {strides = array<i32>} : memref<1024xi32, #tpu.memory_space<vmem>>, vector<16xi32>,
        %get3A_163 = arith.constant 16 : index
        %get3A_164 = tpu.vector_load %arg5[%get3A_163] {strides = array<i32>} : memref<1024xi32, #tpu.memory_space<vmem>>, vector<16xi32>,
        %get3A_165 = arith.constant 32 : index
        %get3A_166 = tpu.vector_load %arg5[%get3A_165] {strides = array<i32>} : memref<1024xi32, #tpu.memory_space<vmem>>, vector<16xi32>,
        %get3A_167 = arith.constant 48 : index
        %get3A_168 = tpu.vector_load %arg5[%get3A_167] {strides = array<i32>} : memref<1024xi32, #tpu.memory_space<vmem>>, vector<16xi32>,
        %get3A_169 = arith.constant 64 : index
        %get3A_170 = tpu.vector_load %arg5[%get3A_169] {strides = array<i32>} : memref<1024xi32, #tpu.memory_space<vmem>>, vector<16xi32>,
        %get3A_171 = arith.constant 80 : index
        %get3A_172 = tpu.vector_load %arg5[%get3A_171] {strides = array<i32>} : memref<1024xi32, #tpu.memory_space<vmem>>, vector<16xi32>,
        %get3A_173 = arith.constant 96 : index
        %get3A_174 = tpu.vector_load %arg5[%get3A_173] {strides = array<i32>} : memref<1024xi32, #tpu.memory_space<vmem>>, vector<16xi32>,
        %get3A_175 = arith.constant 112 : index
        %get3A_176 = tpu.vector_load %arg5[%get3A_175] {strides = array<i32>} : memref<1024xi32, #tpu.memory_space<vmem>>, vector<16xi32>,
        %get3A_177 = arith.constant 128 : index
        %get3A_178 = tpu.vector_load %arg5[%get3A_177] {strides = array<i32>} : memref<1024xi32, #tpu.memory_space<vmem>>, vector<16xi32>,
        %get3A_179 = arith.constant 144 : index
        %get3A_180 = tpu.vector_load %arg5[%get3A_179] {strides = array<i32>} : memref<1024xi32, #tpu.memory_space<vmem>>, vector<16xi32>,
        %get3A_181 = arith.constant 160 : index
        %get3A_182 = tpu.vector_load %arg5[%get3A_181] {strides = array<i32>} : memref<1024xi32, #tpu.memory_space<vmem>>, vector<16xi32>,
        %get3A_183 = arith.constant 176 : index
        %get3A_184 = tpu.vector_load %arg5[%get3A_183] {strides = array<i32>} : memref<1024xi32, #tpu.memory_space<vmem>>, vector<16xi32>,
        %get3A_185 = arith.constant 192 : index
        %get3A_186 = tpu.vector_load %arg5[%get3A_185] {strides = array<i32>} : memref<1024xi32, #tpu.memory_space<vmem>>, vector<16xi32>,
        %get3A_187 = arith.constant 208 : index
        %get3A_188 = tpu.vector_load %arg5[%get3A_187] {strides = array<i32>} : memref<1024xi32, #tpu.memory_space<vmem>>, vector<16xi32>,
        %get3A_189 = arith.constant 224 : index
        %get3A_190 = tpu.vector_load %arg5[%get3A_189] {strides = array<i32>} : memref<1024xi32, #tpu.memory_space<vmem>>, vector<16xi32>,
        %get3A_191 = arith.constant 240 : index
        %get3A_192 = tpu.vector_load %arg5[%get3A_191] {strides = array<i32>} : memref<1024xi32, #tpu.memory_space<vmem>>, vector<16xi32>,
        %parallel_loop3A = arith.constant 0 : i32
        %parallel_loop3A_193 = arith.constant 8 : i32
        %parallel_loop3A_194 = arith.constant 1 : i32
        scf.for %parallel_loop3A_313 = %parallel_loop3A to %parallel_loop3A_193 step %parallel_loop3A_194  : i32 {
          %parallel_loop3A_314 = vector.broadcast %parallel_loop3A_313 : i32 to vector<16xi32>
          %parallel_loop3A_315 = tpu.vector_load_idx %arg7[%parallel_loop3A_314, %get3A_162] : memref<8x2048xf32, #tpu.memory_space<vmem>>[vector<16xi32>, vector<16xi32>], vector<16xf32>,
          %parallel_loop3A_316 = arith.index_cast %parallel_loop3A_313 : i32 to index
          %parallel_loop3A_317 = arith.constant 0 : index
          %parallel_loop3A_318 = tpu.vector_load %arg9[%parallel_loop3A_316, %parallel_loop3A_317] {strides = array<i32>} : memref<8x1024xf32, #tpu.memory_space<vmem>>, vector<16xf32>,
          tpu.vector_store %arg9[%parallel_loop3A_316, %parallel_loop3A_317], %parallel_loop3A_315 {strides = array<i32>} : memref<8x1024xf32, #tpu.memory_space<vmem>>, vector<16xf32>,
          %parallel_loop3A_319 = tpu.vector_load_idx %arg7[%parallel_loop3A_314, %get3A_164] : memref<8x2048xf32, #tpu.memory_space<vmem>>[vector<16xi32>, vector<16xi32>], vector<16xf32>,
          %parallel_loop3A_320 = arith.index_cast %parallel_loop3A_313 : i32 to index
          %parallel_loop3A_321 = arith.constant 16 : index
          %parallel_loop3A_322 = tpu.vector_load %arg9[%parallel_loop3A_320, %parallel_loop3A_321] {strides = array<i32>} : memref<8x1024xf32, #tpu.memory_space<vmem>>, vector<16xf32>,
          tpu.vector_store %arg9[%parallel_loop3A_320, %parallel_loop3A_321], %parallel_loop3A_319 {strides = array<i32>} : memref<8x1024xf32, #tpu.memory_space<vmem>>, vector<16xf32>,
          %parallel_loop3A_323 = tpu.vector_load_idx %arg7[%parallel_loop3A_314, %get3A_166] : memref<8x2048xf32, #tpu.memory_space<vmem>>[vector<16xi32>, vector<16xi32>], vector<16xf32>,
          %parallel_loop3A_324 = arith.index_cast %parallel_loop3A_313 : i32 to index
          %parallel_loop3A_325 = arith.constant 32 : index
          %parallel_loop3A_326 = tpu.vector_load %arg9[%parallel_loop3A_324, %parallel_loop3A_325] {strides = array<i32>} : memref<8x1024xf32, #tpu.memory_space<vmem>>, vector<16xf32>,
          tpu.vector_store %arg9[%parallel_loop3A_324, %parallel_loop3A_325], %parallel_loop3A_323 {strides = array<i32>} : memref<8x1024xf32, #tpu.memory_space<vmem>>, vector<16xf32>,
          %parallel_loop3A_327 = tpu.vector_load_idx %arg7[%parallel_loop3A_314, %get3A_168] : memref<8x2048xf32, #tpu.memory_space<vmem>>[vector<16xi32>, vector<16xi32>], vector<16xf32>,
          %parallel_loop3A_328 = arith.index_cast %parallel_loop3A_313 : i32 to index
          %parallel_loop3A_329 = arith.constant 48 : index
          %parallel_loop3A_330 = tpu.vector_load %arg9[%parallel_loop3A_328, %parallel_loop3A_329] {strides = array<i32>} : memref<8x1024xf32, #tpu.memory_space<vmem>>, vector<16xf32>,
          tpu.vector_store %arg9[%parallel_loop3A_328, %parallel_loop3A_329], %parallel_loop3A_327 {strides = array<i32>} : memref<8x1024xf32, #tpu.memory_space<vmem>>, vector<16xf32>,
          %parallel_loop3A_331 = tpu.vector_load_idx %arg7[%parallel_loop3A_314, %get3A_170] : memref<8x2048xf32, #tpu.memory_space<vmem>>[vector<16xi32>, vector<16xi32>], vector<16xf32>,
          %parallel_loop3A_332 = arith.index_cast %parallel_loop3A_313 : i32 to index
          %parallel_loop3A_333 = arith.constant 64 : index
          %parallel_loop3A_334 = tpu.vector_load %arg9[%parallel_loop3A_332, %parallel_loop3A_333] {strides = array<i32>} : memref<8x1024xf32, #tpu.memory_space<vmem>>, vector<16xf32>,
          tpu.vector_store %arg9[%parallel_loop3A_332, %parallel_loop3A_333], %parallel_loop3A_331 {strides = array<i32>} : memref<8x1024xf32, #tpu.memory_space<vmem>>, vector<16xf32>,
          %parallel_loop3A_335 = tpu.vector_load_idx %arg7[%parallel_loop3A_314, %get3A_172] : memref<8x2048xf32, #tpu.memory_space<vmem>>[vector<16xi32>, vector<16xi32>], vector<16xf32>,
          %parallel_loop3A_336 = arith.index_cast %parallel_loop3A_313 : i32 to index
          %parallel_loop3A_337 = arith.constant 80 : index
          %parallel_loop3A_338 = tpu.vector_load %arg9[%parallel_loop3A_336, %parallel_loop3A_337] {strides = array<i32>} : memref<8x1024xf32, #tpu.memory_space<vmem>>, vector<16xf32>,
          tpu.vector_store %arg9[%parallel_loop3A_336, %parallel_loop3A_337], %parallel_loop3A_335 {strides = array<i32>} : memref<8x1024xf32, #tpu.memory_space<vmem>>, vector<16xf32>,
          %parallel_loop3A_339 = tpu.vector_load_idx %arg7[%parallel_loop3A_314, %get3A_174] : memref<8x2048xf32, #tpu.memory_space<vmem>>[vector<16xi32>, vector<16xi32>], vector<16xf32>,
          %parallel_loop3A_340 = arith.index_cast %parallel_loop3A_313 : i32 to index
          %parallel_loop3A_341 = arith.constant 96 : index
          %parallel_loop3A_342 = tpu.vector_load %arg9[%parallel_loop3A_340, %parallel_loop3A_341] {strides = array<i32>} : memref<8x1024xf32, #tpu.memory_space<vmem>>, vector<16xf32>,
          tpu.vector_store %arg9[%parallel_loop3A_340, %parallel_loop3A_341], %parallel_loop3A_339 {strides = array<i32>} : memref<8x1024xf32, #tpu.memory_space<vmem>>, vector<16xf32>,
          %parallel_loop3A_343 = tpu.vector_load_idx %arg7[%parallel_loop3A_314, %get3A_176] : memref<8x2048xf32, #tpu.memory_space<vmem>>[vector<16xi32>, vector<16xi32>], vector<16xf32>,
          %parallel_loop3A_344 = arith.index_cast %parallel_loop3A_313 : i32 to index
          %parallel_loop3A_345 = arith.constant 112 : index
          %parallel_loop3A_346 = tpu.vector_load %arg9[%parallel_loop3A_344, %parallel_loop3A_345] {strides = array<i32>} : memref<8x1024xf32, #tpu.memory_space<vmem>>, vector<16xf32>,
          tpu.vector_store %arg9[%parallel_loop3A_344, %parallel_loop3A_345], %parallel_loop3A_343 {strides = array<i32>} : memref<8x1024xf32, #tpu.memory_space<vmem>>, vector<16xf32>,
          %parallel_loop3A_347 = tpu.vector_load_idx %arg7[%parallel_loop3A_314, %get3A_178] : memref<8x2048xf32, #tpu.memory_space<vmem>>[vector<16xi32>, vector<16xi32>], vector<16xf32>,
          %parallel_loop3A_348 = arith.index_cast %parallel_loop3A_313 : i32 to index
          %parallel_loop3A_349 = arith.constant 128 : index
          %parallel_loop3A_350 = tpu.vector_load %arg9[%parallel_loop3A_348, %parallel_loop3A_349] {strides = array<i32>} : memref<8x1024xf32, #tpu.memory_space<vmem>>, vector<16xf32>,
          tpu.vector_store %arg9[%parallel_loop3A_348, %parallel_loop3A_349], %parallel_loop3A_347 {strides = array<i32>} : memref<8x1024xf32, #tpu.memory_space<vmem>>, vector<16xf32>,
          %parallel_loop3A_351 = tpu.vector_load_idx %arg7[%parallel_loop3A_314, %get3A_180] : memref<8x2048xf32, #tpu.memory_space<vmem>>[vector<16xi32>, vector<16xi32>], vector<16xf32>,
          %parallel_loop3A_352 = arith.index_cast %parallel_loop3A_313 : i32 to index
          %parallel_loop3A_353 = arith.constant 144 : index
          %parallel_loop3A_354 = tpu.vector_load %arg9[%parallel_loop3A_352, %parallel_loop3A_353] {strides = array<i32>} : memref<8x1024xf32, #tpu.memory_space<vmem>>, vector<16xf32>,
          tpu.vector_store %arg9[%parallel_loop3A_352, %parallel_loop3A_353], %parallel_loop3A_351 {strides = array<i32>} : memref<8x1024xf32, #tpu.memory_space<vmem>>, vector<16xf32>,
          %parallel_loop3A_355 = tpu.vector_load_idx %arg7[%parallel_loop3A_314, %get3A_182] : memref<8x2048xf32, #tpu.memory_space<vmem>>[vector<16xi32>, vector<16xi32>], vector<16xf32>,
          %parallel_loop3A_356 = arith.index_cast %parallel_loop3A_313 : i32 to index
          %parallel_loop3A_357 = arith.constant 160 : index
          %parallel_loop3A_358 = tpu.vector_load %arg9[%parallel_loop3A_356, %parallel_loop3A_357] {strides = array<i32>} : memref<8x1024xf32, #tpu.memory_space<vmem>>, vector<16xf32>,
          tpu.vector_store %arg9[%parallel_loop3A_356, %parallel_loop3A_357], %parallel_loop3A_355 {strides = array<i32>} : memref<8x1024xf32, #tpu.memory_space<vmem>>, vector<16xf32>,
          %parallel_loop3A_359 = tpu.vector_load_idx %arg7[%parallel_loop3A_314, %get3A_184] : memref<8x2048xf32, #tpu.memory_space<vmem>>[vector<16xi32>, vector<16xi32>], vector<16xf32>,
          %parallel_loop3A_360 = arith.index_cast %parallel_loop3A_313 : i32 to index
          %parallel_loop3A_361 = arith.constant 176 : index
          %parallel_loop3A_362 = tpu.vector_load %arg9[%parallel_loop3A_360, %parallel_loop3A_361] {strides = array<i32>} : memref<8x1024xf32, #tpu.memory_space<vmem>>, vector<16xf32>,
          tpu.vector_store %arg9[%parallel_loop3A_360, %parallel_loop3A_361], %parallel_loop3A_359 {strides = array<i32>} : memref<8x1024xf32, #tpu.memory_space<vmem>>, vector<16xf32>,
          %parallel_loop3A_363 = tpu.vector_load_idx %arg7[%parallel_loop3A_314, %get3A_186] : memref<8x2048xf32, #tpu.memory_space<vmem>>[vector<16xi32>, vector<16xi32>], vector<16xf32>,
          %parallel_loop3A_364 = arith.index_cast %parallel_loop3A_313 : i32 to index
          %parallel_loop3A_365 = arith.constant 192 : index
          %parallel_loop3A_366 = tpu.vector_load %arg9[%parallel_loop3A_364, %parallel_loop3A_365] {strides = array<i32>} : memref<8x1024xf32, #tpu.memory_space<vmem>>, vector<16xf32>,
          tpu.vector_store %arg9[%parallel_loop3A_364, %parallel_loop3A_365], %parallel_loop3A_363 {strides = array<i32>} : memref<8x1024xf32, #tpu.memory_space<vmem>>, vector<16xf32>,
          %parallel_loop3A_367 = tpu.vector_load_idx %arg7[%parallel_loop3A_314, %get3A_188] : memref<8x2048xf32, #tpu.memory_space<vmem>>[vector<16xi32>, vector<16xi32>], vector<16xf32>,
          %parallel_loop3A_368 = arith.index_cast %parallel_loop3A_313 : i32 to index
          %parallel_loop3A_369 = arith.constant 208 : index
          %parallel_loop3A_370 = tpu.vector_load %arg9[%parallel_loop3A_368, %parallel_loop3A_369] {strides = array<i32>} : memref<8x1024xf32, #tpu.memory_space<vmem>>, vector<16xf32>,
          tpu.vector_store %arg9[%parallel_loop3A_368, %parallel_loop3A_369], %parallel_loop3A_367 {strides = array<i32>} : memref<8x1024xf32, #tpu.memory_space<vmem>>, vector<16xf32>,
          %parallel_loop3A_371 = tpu.vector_load_idx %arg7[%parallel_loop3A_314, %get3A_190] : memref<8x2048xf32, #tpu.memory_space<vmem>>[vector<16xi32>, vector<16xi32>], vector<16xf32>,
          %parallel_loop3A_372 = arith.index_cast %parallel_loop3A_313 : i32 to index
          %parallel_loop3A_373 = arith.constant 224 : index
          %parallel_loop3A_374 = tpu.vector_load %arg9[%parallel_loop3A_372, %parallel_loop3A_373] {strides = array<i32>} : memref<8x1024xf32, #tpu.memory_space<vmem>>, vector<16xf32>,
          tpu.vector_store %arg9[%parallel_loop3A_372, %parallel_loop3A_373], %parallel_loop3A_371 {strides = array<i32>} : memref<8x1024xf32, #tpu.memory_space<vmem>>, vector<16xf32>,
          %parallel_loop3A_375 = tpu.vector_load_idx %arg7[%parallel_loop3A_314, %get3A_192] : memref<8x2048xf32, #tpu.memory_space<vmem>>[vector<16xi32>, vector<16xi32>], vector<16xf32>,
          %parallel_loop3A_376 = arith.index_cast %parallel_loop3A_313 : i32 to index
          %parallel_loop3A_377 = arith.constant 240 : index
          %parallel_loop3A_378 = tpu.vector_load %arg9[%parallel_loop3A_376, %parallel_loop3A_377] {strides = array<i32>} : memref<8x1024xf32, #tpu.memory_space<vmem>>, vector<16xf32>,
          tpu.vector_store %arg9[%parallel_loop3A_376, %parallel_loop3A_377], %parallel_loop3A_375 {strides = array<i32>} : memref<8x1024xf32, #tpu.memory_space<vmem>>, vector<16xf32>,
        } {sc.loop_unroll_factor = 8 : i64, sc.parallel_access}
        %get3A_195 = arith.constant 256 : index
        %get3A_196 = tpu.vector_load %arg5[%get3A_195] {strides = array<i32>} : memref<1024xi32, #tpu.memory_space<vmem>>, vector<16xi32>,
        %get3A_197 = arith.constant 272 : index
        %get3A_198 = tpu.vector_load %arg5[%get3A_197] {strides = array<i32>} : memref<1024xi32, #tpu.memory_space<vmem>>, vector<16xi32>,
        %get3A_199 = arith.constant 288 : index
        %get3A_200 = tpu.vector_load %arg5[%get3A_199] {strides = array<i32>} : memref<1024xi32, #tpu.memory_space<vmem>>, vector<16xi32>,
        %get3A_201 = arith.constant 304 : index
        %get3A_202 = tpu.vector_load %arg5[%get3A_201] {strides = array<i32>} : memref<1024xi32, #tpu.memory_space<vmem>>, vector<16xi32>,
        %get3A_203 = arith.constant 320 : index
        %get3A_204 = tpu.vector_load %arg5[%get3A_203] {strides = array<i32>} : memref<1024xi32, #tpu.memory_space<vmem>>, vector<16xi32>,
        %get3A_205 = arith.constant 336 : index
        %get3A_206 = tpu.vector_load %arg5[%get3A_205] {strides = array<i32>} : memref<1024xi32, #tpu.memory_space<vmem>>, vector<16xi32>,
        %get3A_207 = arith.constant 352 : index
        %get3A_208 = tpu.vector_load %arg5[%get3A_207] {strides = array<i32>} : memref<1024xi32, #tpu.memory_space<vmem>>, vector<16xi32>,
        %get3A_209 = arith.constant 368 : index
        %get3A_210 = tpu.vector_load %arg5[%get3A_209] {strides = array<i32>} : memref<1024xi32, #tpu.memory_space<vmem>>, vector<16xi32>,
        %get3A_211 = arith.constant 384 : index
        %get3A_212 = tpu.vector_load %arg5[%get3A_211] {strides = array<i32>} : memref<1024xi32, #tpu.memory_space<vmem>>, vector<16xi32>,
        %get3A_213 = arith.constant 400 : index
        %get3A_214 = tpu.vector_load %arg5[%get3A_213] {strides = array<i32>} : memref<1024xi32, #tpu.memory_space<vmem>>, vector<16xi32>,
        %get3A_215 = arith.constant 416 : index
        %get3A_216 = tpu.vector_load %arg5[%get3A_215] {strides = array<i32>} : memref<1024xi32, #tpu.memory_space<vmem>>, vector<16xi32>,
        %get3A_217 = arith.constant 432 : index
        %get3A_218 = tpu.vector_load %arg5[%get3A_217] {strides = array<i32>} : memref<1024xi32, #tpu.memory_space<vmem>>, vector<16xi32>,
        %get3A_219 = arith.constant 448 : index
        %get3A_220 = tpu.vector_load %arg5[%get3A_219] {strides = array<i32>} : memref<1024xi32, #tpu.memory_space<vmem>>, vector<16xi32>,
        %get3A_221 = arith.constant 464 : index
        %get3A_222 = tpu.vector_load %arg5[%get3A_221] {strides = array<i32>} : memref<1024xi32, #tpu.memory_space<vmem>>, vector<16xi32>,
        %get3A_223 = arith.constant 480 : index
        %get3A_224 = tpu.vector_load %arg5[%get3A_223] {strides = array<i32>} : memref<1024xi32, #tpu.memory_space<vmem>>, vector<16xi32>,
        %get3A_225 = arith.constant 496 : index
        %get3A_226 = tpu.vector_load %arg5[%get3A_225] {strides = array<i32>} : memref<1024xi32, #tpu.memory_space<vmem>>, vector<16xi32>,
        %parallel_loop3A_227 = arith.constant 0 : i32
        %parallel_loop3A_228 = arith.constant 8 : i32
        %parallel_loop3A_229 = arith.constant 1 : i32
        scf.for %parallel_loop3A_313 = %parallel_loop3A_227 to %parallel_loop3A_228 step %parallel_loop3A_229  : i32 {
          %parallel_loop3A_314 = vector.broadcast %parallel_loop3A_313 : i32 to vector<16xi32>
          %parallel_loop3A_315 = tpu.vector_load_idx %arg7[%parallel_loop3A_314, %get3A_196] : memref<8x2048xf32, #tpu.memory_space<vmem>>[vector<16xi32>, vector<16xi32>], vector<16xf32>,
          %parallel_loop3A_316 = arith.index_cast %parallel_loop3A_313 : i32 to index
          %parallel_loop3A_317 = arith.constant 256 : index
          %parallel_loop3A_318 = tpu.vector_load %arg9[%parallel_loop3A_316, %parallel_loop3A_317] {strides = array<i32>} : memref<8x1024xf32, #tpu.memory_space<vmem>>, vector<16xf32>,
          tpu.vector_store %arg9[%parallel_loop3A_316, %parallel_loop3A_317], %parallel_loop3A_315 {strides = array<i32>} : memref<8x1024xf32, #tpu.memory_space<vmem>>, vector<16xf32>,
          %parallel_loop3A_319 = tpu.vector_load_idx %arg7[%parallel_loop3A_314, %get3A_198] : memref<8x2048xf32, #tpu.memory_space<vmem>>[vector<16xi32>, vector<16xi32>], vector<16xf32>,
          %parallel_loop3A_320 = arith.index_cast %parallel_loop3A_313 : i32 to index
          %parallel_loop3A_321 = arith.constant 272 : index
          %parallel_loop3A_322 = tpu.vector_load %arg9[%parallel_loop3A_320, %parallel_loop3A_321] {strides = array<i32>} : memref<8x1024xf32, #tpu.memory_space<vmem>>, vector<16xf32>,
          tpu.vector_store %arg9[%parallel_loop3A_320, %parallel_loop3A_321], %parallel_loop3A_319 {strides = array<i32>} : memref<8x1024xf32, #tpu.memory_space<vmem>>, vector<16xf32>,
          %parallel_loop3A_323 = tpu.vector_load_idx %arg7[%parallel_loop3A_314, %get3A_200] : memref<8x2048xf32, #tpu.memory_space<vmem>>[vector<16xi32>, vector<16xi32>], vector<16xf32>,
          %parallel_loop3A_324 = arith.index_cast %parallel_loop3A_313 : i32 to index
          %parallel_loop3A_325 = arith.constant 288 : index
          %parallel_loop3A_326 = tpu.vector_load %arg9[%parallel_loop3A_324, %parallel_loop3A_325] {strides = array<i32>} : memref<8x1024xf32, #tpu.memory_space<vmem>>, vector<16xf32>,
          tpu.vector_store %arg9[%parallel_loop3A_324, %parallel_loop3A_325], %parallel_loop3A_323 {strides = array<i32>} : memref<8x1024xf32, #tpu.memory_space<vmem>>, vector<16xf32>,
          %parallel_loop3A_327 = tpu.vector_load_idx %arg7[%parallel_loop3A_314, %get3A_202] : memref<8x2048xf32, #tpu.memory_space<vmem>>[vector<16xi32>, vector<16xi32>], vector<16xf32>,
          %parallel_loop3A_328 = arith.index_cast %parallel_loop3A_313 : i32 to index
          %parallel_loop3A_329 = arith.constant 304 : index
          %parallel_loop3A_330 = tpu.vector_load %arg9[%parallel_loop3A_328, %parallel_loop3A_329] {strides = array<i32>} : memref<8x1024xf32, #tpu.memory_space<vmem>>, vector<16xf32>,
          tpu.vector_store %arg9[%parallel_loop3A_328, %parallel_loop3A_329], %parallel_loop3A_327 {strides = array<i32>} : memref<8x1024xf32, #tpu.memory_space<vmem>>, vector<16xf32>,
          %parallel_loop3A_331 = tpu.vector_load_idx %arg7[%parallel_loop3A_314, %get3A_204] : memref<8x2048xf32, #tpu.memory_space<vmem>>[vector<16xi32>, vector<16xi32>], vector<16xf32>,
          %parallel_loop3A_332 = arith.index_cast %parallel_loop3A_313 : i32 to index
          %parallel_loop3A_333 = arith.constant 320 : index
          %parallel_loop3A_334 = tpu.vector_load %arg9[%parallel_loop3A_332, %parallel_loop3A_333] {strides = array<i32>} : memref<8x1024xf32, #tpu.memory_space<vmem>>, vector<16xf32>,
          tpu.vector_store %arg9[%parallel_loop3A_332, %parallel_loop3A_333], %parallel_loop3A_331 {strides = array<i32>} : memref<8x1024xf32, #tpu.memory_space<vmem>>, vector<16xf32>,
          %parallel_loop3A_335 = tpu.vector_load_idx %arg7[%parallel_loop3A_314, %get3A_206] : memref<8x2048xf32, #tpu.memory_space<vmem>>[vector<16xi32>, vector<16xi32>], vector<16xf32>,
          %parallel_loop3A_336 = arith.index_cast %parallel_loop3A_313 : i32 to index
          %parallel_loop3A_337 = arith.constant 336 : index
          %parallel_loop3A_338 = tpu.vector_load %arg9[%parallel_loop3A_336, %parallel_loop3A_337] {strides = array<i32>} : memref<8x1024xf32, #tpu.memory_space<vmem>>, vector<16xf32>,
          tpu.vector_store %arg9[%parallel_loop3A_336, %parallel_loop3A_337], %parallel_loop3A_335 {strides = array<i32>} : memref<8x1024xf32, #tpu.memory_space<vmem>>, vector<16xf32>,
          %parallel_loop3A_339 = tpu.vector_load_idx %arg7[%parallel_loop3A_314, %get3A_208] : memref<8x2048xf32, #tpu.memory_space<vmem>>[vector<16xi32>, vector<16xi32>], vector<16xf32>,
          %parallel_loop3A_340 = arith.index_cast %parallel_loop3A_313 : i32 to index
          %parallel_loop3A_341 = arith.constant 352 : index
          %parallel_loop3A_342 = tpu.vector_load %arg9[%parallel_loop3A_340, %parallel_loop3A_341] {strides = array<i32>} : memref<8x1024xf32, #tpu.memory_space<vmem>>, vector<16xf32>,
          tpu.vector_store %arg9[%parallel_loop3A_340, %parallel_loop3A_341], %parallel_loop3A_339 {strides = array<i32>} : memref<8x1024xf32, #tpu.memory_space<vmem>>, vector<16xf32>,
          %parallel_loop3A_343 = tpu.vector_load_idx %arg7[%parallel_loop3A_314, %get3A_210] : memref<8x2048xf32, #tpu.memory_space<vmem>>[vector<16xi32>, vector<16xi32>], vector<16xf32>,
          %parallel_loop3A_344 = arith.index_cast %parallel_loop3A_313 : i32 to index
          %parallel_loop3A_345 = arith.constant 368 : index
          %parallel_loop3A_346 = tpu.vector_load %arg9[%parallel_loop3A_344, %parallel_loop3A_345] {strides = array<i32>} : memref<8x1024xf32, #tpu.memory_space<vmem>>, vector<16xf32>,
          tpu.vector_store %arg9[%parallel_loop3A_344, %parallel_loop3A_345], %parallel_loop3A_343 {strides = array<i32>} : memref<8x1024xf32, #tpu.memory_space<vmem>>, vector<16xf32>,
          %parallel_loop3A_347 = tpu.vector_load_idx %arg7[%parallel_loop3A_314, %get3A_212] : memref<8x2048xf32, #tpu.memory_space<vmem>>[vector<16xi32>, vector<16xi32>], vector<16xf32>,
          %parallel_loop3A_348 = arith.index_cast %parallel_loop3A_313 : i32 to index
          %parallel_loop3A_349 = arith.constant 384 : index
          %parallel_loop3A_350 = tpu.vector_load %arg9[%parallel_loop3A_348, %parallel_loop3A_349] {strides = array<i32>} : memref<8x1024xf32, #tpu.memory_space<vmem>>, vector<16xf32>,
          tpu.vector_store %arg9[%parallel_loop3A_348, %parallel_loop3A_349], %parallel_loop3A_347 {strides = array<i32>} : memref<8x1024xf32, #tpu.memory_space<vmem>>, vector<16xf32>,
          %parallel_loop3A_351 = tpu.vector_load_idx %arg7[%parallel_loop3A_314, %get3A_214] : memref<8x2048xf32, #tpu.memory_space<vmem>>[vector<16xi32>, vector<16xi32>], vector<16xf32>,
          %parallel_loop3A_352 = arith.index_cast %parallel_loop3A_313 : i32 to index
          %parallel_loop3A_353 = arith.constant 400 : index
          %parallel_loop3A_354 = tpu.vector_load %arg9[%parallel_loop3A_352, %parallel_loop3A_353] {strides = array<i32>} : memref<8x1024xf32, #tpu.memory_space<vmem>>, vector<16xf32>,
          tpu.vector_store %arg9[%parallel_loop3A_352, %parallel_loop3A_353], %parallel_loop3A_351 {strides = array<i32>} : memref<8x1024xf32, #tpu.memory_space<vmem>>, vector<16xf32>,
          %parallel_loop3A_355 = tpu.vector_load_idx %arg7[%parallel_loop3A_314, %get3A_216] : memref<8x2048xf32, #tpu.memory_space<vmem>>[vector<16xi32>, vector<16xi32>], vector<16xf32>,
          %parallel_loop3A_356 = arith.index_cast %parallel_loop3A_313 : i32 to index
          %parallel_loop3A_357 = arith.constant 416 : index
          %parallel_loop3A_358 = tpu.vector_load %arg9[%parallel_loop3A_356, %parallel_loop3A_357] {strides = array<i32>} : memref<8x1024xf32, #tpu.memory_space<vmem>>, vector<16xf32>,
          tpu.vector_store %arg9[%parallel_loop3A_356, %parallel_loop3A_357], %parallel_loop3A_355 {strides = array<i32>} : memref<8x1024xf32, #tpu.memory_space<vmem>>, vector<16xf32>,
          %parallel_loop3A_359 = tpu.vector_load_idx %arg7[%parallel_loop3A_314, %get3A_218] : memref<8x2048xf32, #tpu.memory_space<vmem>>[vector<16xi32>, vector<16xi32>], vector<16xf32>,
          %parallel_loop3A_360 = arith.index_cast %parallel_loop3A_313 : i32 to index
          %parallel_loop3A_361 = arith.constant 432 : index
          %parallel_loop3A_362 = tpu.vector_load %arg9[%parallel_loop3A_360, %parallel_loop3A_361] {strides = array<i32>} : memref<8x1024xf32, #tpu.memory_space<vmem>>, vector<16xf32>,
          tpu.vector_store %arg9[%parallel_loop3A_360, %parallel_loop3A_361], %parallel_loop3A_359 {strides = array<i32>} : memref<8x1024xf32, #tpu.memory_space<vmem>>, vector<16xf32>,
          %parallel_loop3A_363 = tpu.vector_load_idx %arg7[%parallel_loop3A_314, %get3A_220] : memref<8x2048xf32, #tpu.memory_space<vmem>>[vector<16xi32>, vector<16xi32>], vector<16xf32>,
          %parallel_loop3A_364 = arith.index_cast %parallel_loop3A_313 : i32 to index
          %parallel_loop3A_365 = arith.constant 448 : index
          %parallel_loop3A_366 = tpu.vector_load %arg9[%parallel_loop3A_364, %parallel_loop3A_365] {strides = array<i32>} : memref<8x1024xf32, #tpu.memory_space<vmem>>, vector<16xf32>,
          tpu.vector_store %arg9[%parallel_loop3A_364, %parallel_loop3A_365], %parallel_loop3A_363 {strides = array<i32>} : memref<8x1024xf32, #tpu.memory_space<vmem>>, vector<16xf32>,
          %parallel_loop3A_367 = tpu.vector_load_idx %arg7[%parallel_loop3A_314, %get3A_222] : memref<8x2048xf32, #tpu.memory_space<vmem>>[vector<16xi32>, vector<16xi32>], vector<16xf32>,
          %parallel_loop3A_368 = arith.index_cast %parallel_loop3A_313 : i32 to index
          %parallel_loop3A_369 = arith.constant 464 : index
          %parallel_loop3A_370 = tpu.vector_load %arg9[%parallel_loop3A_368, %parallel_loop3A_369] {strides = array<i32>} : memref<8x1024xf32, #tpu.memory_space<vmem>>, vector<16xf32>,
          tpu.vector_store %arg9[%parallel_loop3A_368, %parallel_loop3A_369], %parallel_loop3A_367 {strides = array<i32>} : memref<8x1024xf32, #tpu.memory_space<vmem>>, vector<16xf32>,
          %parallel_loop3A_371 = tpu.vector_load_idx %arg7[%parallel_loop3A_314, %get3A_224] : memref<8x2048xf32, #tpu.memory_space<vmem>>[vector<16xi32>, vector<16xi32>], vector<16xf32>,
          %parallel_loop3A_372 = arith.index_cast %parallel_loop3A_313 : i32 to index
          %parallel_loop3A_373 = arith.constant 480 : index
          %parallel_loop3A_374 = tpu.vector_load %arg9[%parallel_loop3A_372, %parallel_loop3A_373] {strides = array<i32>} : memref<8x1024xf32, #tpu.memory_space<vmem>>, vector<16xf32>,
          tpu.vector_store %arg9[%parallel_loop3A_372, %parallel_loop3A_373], %parallel_loop3A_371 {strides = array<i32>} : memref<8x1024xf32, #tpu.memory_space<vmem>>, vector<16xf32>,
          %parallel_loop3A_375 = tpu.vector_load_idx %arg7[%parallel_loop3A_314, %get3A_226] : memref<8x2048xf32, #tpu.memory_space<vmem>>[vector<16xi32>, vector<16xi32>], vector<16xf32>,
          %parallel_loop3A_376 = arith.index_cast %parallel_loop3A_313 : i32 to index
          %parallel_loop3A_377 = arith.constant 496 : index
          %parallel_loop3A_378 = tpu.vector_load %arg9[%parallel_loop3A_376, %parallel_loop3A_377] {strides = array<i32>} : memref<8x1024xf32, #tpu.memory_space<vmem>>, vector<16xf32>,
          tpu.vector_store %arg9[%parallel_loop3A_376, %parallel_loop3A_377], %parallel_loop3A_375 {strides = array<i32>} : memref<8x1024xf32, #tpu.memory_space<vmem>>, vector<16xf32>,
        } {sc.loop_unroll_factor = 8 : i64, sc.parallel_access}
        %get3A_230 = arith.constant 512 : index
        %get3A_231 = tpu.vector_load %arg5[%get3A_230] {strides = array<i32>} : memref<1024xi32, #tpu.memory_space<vmem>>, vector<16xi32>,
        %get3A_232 = arith.constant 528 : index
        %get3A_233 = tpu.vector_load %arg5[%get3A_232] {strides = array<i32>} : memref<1024xi32, #tpu.memory_space<vmem>>, vector<16xi32>,
        %get3A_234 = arith.constant 544 : index
        %get3A_235 = tpu.vector_load %arg5[%get3A_234] {strides = array<i32>} : memref<1024xi32, #tpu.memory_space<vmem>>, vector<16xi32>,
        %get3A_236 = arith.constant 560 : index
        %get3A_237 = tpu.vector_load %arg5[%get3A_236] {strides = array<i32>} : memref<1024xi32, #tpu.memory_space<vmem>>, vector<16xi32>,
        %get3A_238 = arith.constant 576 : index
        %get3A_239 = tpu.vector_load %arg5[%get3A_238] {strides = array<i32>} : memref<1024xi32, #tpu.memory_space<vmem>>, vector<16xi32>,
        %get3A_240 = arith.constant 592 : index
        %get3A_241 = tpu.vector_load %arg5[%get3A_240] {strides = array<i32>} : memref<1024xi32, #tpu.memory_space<vmem>>, vector<16xi32>,
        %get3A_242 = arith.constant 608 : index
        %get3A_243 = tpu.vector_load %arg5[%get3A_242] {strides = array<i32>} : memref<1024xi32, #tpu.memory_space<vmem>>, vector<16xi32>,
        %get3A_244 = arith.constant 624 : index
        %get3A_245 = tpu.vector_load %arg5[%get3A_244] {strides = array<i32>} : memref<1024xi32, #tpu.memory_space<vmem>>, vector<16xi32>,
        %get3A_246 = arith.constant 640 : index
        %get3A_247 = tpu.vector_load %arg5[%get3A_246] {strides = array<i32>} : memref<1024xi32, #tpu.memory_space<vmem>>, vector<16xi32>,
        %get3A_248 = arith.constant 656 : index
        %get3A_249 = tpu.vector_load %arg5[%get3A_248] {strides = array<i32>} : memref<1024xi32, #tpu.memory_space<vmem>>, vector<16xi32>,
        %get3A_250 = arith.constant 672 : index
        %get3A_251 = tpu.vector_load %arg5[%get3A_250] {strides = array<i32>} : memref<1024xi32, #tpu.memory_space<vmem>>, vector<16xi32>,
        %get3A_252 = arith.constant 688 : index
        %get3A_253 = tpu.vector_load %arg5[%get3A_252] {strides = array<i32>} : memref<1024xi32, #tpu.memory_space<vmem>>, vector<16xi32>,
        %get3A_254 = arith.constant 704 : index
        %get3A_255 = tpu.vector_load %arg5[%get3A_254] {strides = array<i32>} : memref<1024xi32, #tpu.memory_space<vmem>>, vector<16xi32>,
        %get3A_256 = arith.constant 720 : index
        %get3A_257 = tpu.vector_load %arg5[%get3A_256] {strides = array<i32>} : memref<1024xi32, #tpu.memory_space<vmem>>, vector<16xi32>,
        %get3A_258 = arith.constant 736 : index
        %get3A_259 = tpu.vector_load %arg5[%get3A_258] {strides = array<i32>} : memref<1024xi32, #tpu.memory_space<vmem>>, vector<16xi32>,
        %get3A_260 = arith.constant 752 : index
        %get3A_261 = tpu.vector_load %arg5[%get3A_260] {strides = array<i32>} : memref<1024xi32, #tpu.memory_space<vmem>>, vector<16xi32>,
        %parallel_loop3A_262 = arith.constant 0 : i32
        %parallel_loop3A_263 = arith.constant 8 : i32
        %parallel_loop3A_264 = arith.constant 1 : i32
        scf.for %parallel_loop3A_313 = %parallel_loop3A_262 to %parallel_loop3A_263 step %parallel_loop3A_264  : i32 {
          %parallel_loop3A_314 = vector.broadcast %parallel_loop3A_313 : i32 to vector<16xi32>
          %parallel_loop3A_315 = tpu.vector_load_idx %arg7[%parallel_loop3A_314, %get3A_231] : memref<8x2048xf32, #tpu.memory_space<vmem>>[vector<16xi32>, vector<16xi32>], vector<16xf32>,
          %parallel_loop3A_316 = arith.index_cast %parallel_loop3A_313 : i32 to index
          %parallel_loop3A_317 = arith.constant 512 : index
          %parallel_loop3A_318 = tpu.vector_load %arg9[%parallel_loop3A_316, %parallel_loop3A_317] {strides = array<i32>} : memref<8x1024xf32, #tpu.memory_space<vmem>>, vector<16xf32>,
          tpu.vector_store %arg9[%parallel_loop3A_316, %parallel_loop3A_317], %parallel_loop3A_315 {strides = array<i32>} : memref<8x1024xf32, #tpu.memory_space<vmem>>, vector<16xf32>,
          %parallel_loop3A_319 = tpu.vector_load_idx %arg7[%parallel_loop3A_314, %get3A_233] : memref<8x2048xf32, #tpu.memory_space<vmem>>[vector<16xi32>, vector<16xi32>], vector<16xf32>,
          %parallel_loop3A_320 = arith.index_cast %parallel_loop3A_313 : i32 to index
          %parallel_loop3A_321 = arith.constant 528 : index
          %parallel_loop3A_322 = tpu.vector_load %arg9[%parallel_loop3A_320, %parallel_loop3A_321] {strides = array<i32>} : memref<8x1024xf32, #tpu.memory_space<vmem>>, vector<16xf32>,
          tpu.vector_store %arg9[%parallel_loop3A_320, %parallel_loop3A_321], %parallel_loop3A_319 {strides = array<i32>} : memref<8x1024xf32, #tpu.memory_space<vmem>>, vector<16xf32>,
          %parallel_loop3A_323 = tpu.vector_load_idx %arg7[%parallel_loop3A_314, %get3A_235] : memref<8x2048xf32, #tpu.memory_space<vmem>>[vector<16xi32>, vector<16xi32>], vector<16xf32>,
          %parallel_loop3A_324 = arith.index_cast %parallel_loop3A_313 : i32 to index
          %parallel_loop3A_325 = arith.constant 544 : index
          %parallel_loop3A_326 = tpu.vector_load %arg9[%parallel_loop3A_324, %parallel_loop3A_325] {strides = array<i32>} : memref<8x1024xf32, #tpu.memory_space<vmem>>, vector<16xf32>,
          tpu.vector_store %arg9[%parallel_loop3A_324, %parallel_loop3A_325], %parallel_loop3A_323 {strides = array<i32>} : memref<8x1024xf32, #tpu.memory_space<vmem>>, vector<16xf32>,
          %parallel_loop3A_327 = tpu.vector_load_idx %arg7[%parallel_loop3A_314, %get3A_237] : memref<8x2048xf32, #tpu.memory_space<vmem>>[vector<16xi32>, vector<16xi32>], vector<16xf32>,
          %parallel_loop3A_328 = arith.index_cast %parallel_loop3A_313 : i32 to index
          %parallel_loop3A_329 = arith.constant 560 : index
          %parallel_loop3A_330 = tpu.vector_load %arg9[%parallel_loop3A_328, %parallel_loop3A_329] {strides = array<i32>} : memref<8x1024xf32, #tpu.memory_space<vmem>>, vector<16xf32>,
          tpu.vector_store %arg9[%parallel_loop3A_328, %parallel_loop3A_329], %parallel_loop3A_327 {strides = array<i32>} : memref<8x1024xf32, #tpu.memory_space<vmem>>, vector<16xf32>,
          %parallel_loop3A_331 = tpu.vector_load_idx %arg7[%parallel_loop3A_314, %get3A_239] : memref<8x2048xf32, #tpu.memory_space<vmem>>[vector<16xi32>, vector<16xi32>], vector<16xf32>,
          %parallel_loop3A_332 = arith.index_cast %parallel_loop3A_313 : i32 to index
          %parallel_loop3A_333 = arith.constant 576 : index
          %parallel_loop3A_334 = tpu.vector_load %arg9[%parallel_loop3A_332, %parallel_loop3A_333] {strides = array<i32>} : memref<8x1024xf32, #tpu.memory_space<vmem>>, vector<16xf32>,
          tpu.vector_store %arg9[%parallel_loop3A_332, %parallel_loop3A_333], %parallel_loop3A_331 {strides = array<i32>} : memref<8x1024xf32, #tpu.memory_space<vmem>>, vector<16xf32>,
          %parallel_loop3A_335 = tpu.vector_load_idx %arg7[%parallel_loop3A_314, %get3A_241] : memref<8x2048xf32, #tpu.memory_space<vmem>>[vector<16xi32>, vector<16xi32>], vector<16xf32>,
          %parallel_loop3A_336 = arith.index_cast %parallel_loop3A_313 : i32 to index
          %parallel_loop3A_337 = arith.constant 592 : index
          %parallel_loop3A_338 = tpu.vector_load %arg9[%parallel_loop3A_336, %parallel_loop3A_337] {strides = array<i32>} : memref<8x1024xf32, #tpu.memory_space<vmem>>, vector<16xf32>,
          tpu.vector_store %arg9[%parallel_loop3A_336, %parallel_loop3A_337], %parallel_loop3A_335 {strides = array<i32>} : memref<8x1024xf32, #tpu.memory_space<vmem>>, vector<16xf32>,
          %parallel_loop3A_339 = tpu.vector_load_idx %arg7[%parallel_loop3A_314, %get3A_243] : memref<8x2048xf32, #tpu.memory_space<vmem>>[vector<16xi32>, vector<16xi32>], vector<16xf32>,
          %parallel_loop3A_340 = arith.index_cast %parallel_loop3A_313 : i32 to index
          %parallel_loop3A_341 = arith.constant 608 : index
          %parallel_loop3A_342 = tpu.vector_load %arg9[%parallel_loop3A_340, %parallel_loop3A_341] {strides = array<i32>} : memref<8x1024xf32, #tpu.memory_space<vmem>>, vector<16xf32>,
          tpu.vector_store %arg9[%parallel_loop3A_340, %parallel_loop3A_341], %parallel_loop3A_339 {strides = array<i32>} : memref<8x1024xf32, #tpu.memory_space<vmem>>, vector<16xf32>,
          %parallel_loop3A_343 = tpu.vector_load_idx %arg7[%parallel_loop3A_314, %get3A_245] : memref<8x2048xf32, #tpu.memory_space<vmem>>[vector<16xi32>, vector<16xi32>], vector<16xf32>,
          %parallel_loop3A_344 = arith.index_cast %parallel_loop3A_313 : i32 to index
          %parallel_loop3A_345 = arith.constant 624 : index
          %parallel_loop3A_346 = tpu.vector_load %arg9[%parallel_loop3A_344, %parallel_loop3A_345] {strides = array<i32>} : memref<8x1024xf32, #tpu.memory_space<vmem>>, vector<16xf32>,
          tpu.vector_store %arg9[%parallel_loop3A_344, %parallel_loop3A_345], %parallel_loop3A_343 {strides = array<i32>} : memref<8x1024xf32, #tpu.memory_space<vmem>>, vector<16xf32>,
          %parallel_loop3A_347 = tpu.vector_load_idx %arg7[%parallel_loop3A_314, %get3A_247] : memref<8x2048xf32, #tpu.memory_space<vmem>>[vector<16xi32>, vector<16xi32>], vector<16xf32>,
          %parallel_loop3A_348 = arith.index_cast %parallel_loop3A_313 : i32 to index
          %parallel_loop3A_349 = arith.constant 640 : index
          %parallel_loop3A_350 = tpu.vector_load %arg9[%parallel_loop3A_348, %parallel_loop3A_349] {strides = array<i32>} : memref<8x1024xf32, #tpu.memory_space<vmem>>, vector<16xf32>,
          tpu.vector_store %arg9[%parallel_loop3A_348, %parallel_loop3A_349], %parallel_loop3A_347 {strides = array<i32>} : memref<8x1024xf32, #tpu.memory_space<vmem>>, vector<16xf32>,
          %parallel_loop3A_351 = tpu.vector_load_idx %arg7[%parallel_loop3A_314, %get3A_249] : memref<8x2048xf32, #tpu.memory_space<vmem>>[vector<16xi32>, vector<16xi32>], vector<16xf32>,
          %parallel_loop3A_352 = arith.index_cast %parallel_loop3A_313 : i32 to index
          %parallel_loop3A_353 = arith.constant 656 : index
          %parallel_loop3A_354 = tpu.vector_load %arg9[%parallel_loop3A_352, %parallel_loop3A_353] {strides = array<i32>} : memref<8x1024xf32, #tpu.memory_space<vmem>>, vector<16xf32>,
          tpu.vector_store %arg9[%parallel_loop3A_352, %parallel_loop3A_353], %parallel_loop3A_351 {strides = array<i32>} : memref<8x1024xf32, #tpu.memory_space<vmem>>, vector<16xf32>,
          %parallel_loop3A_355 = tpu.vector_load_idx %arg7[%parallel_loop3A_314, %get3A_251] : memref<8x2048xf32, #tpu.memory_space<vmem>>[vector<16xi32>, vector<16xi32>], vector<16xf32>,
          %parallel_loop3A_356 = arith.index_cast %parallel_loop3A_313 : i32 to index
          %parallel_loop3A_357 = arith.constant 672 : index
          %parallel_loop3A_358 = tpu.vector_load %arg9[%parallel_loop3A_356, %parallel_loop3A_357] {strides = array<i32>} : memref<8x1024xf32, #tpu.memory_space<vmem>>, vector<16xf32>,
          tpu.vector_store %arg9[%parallel_loop3A_356, %parallel_loop3A_357], %parallel_loop3A_355 {strides = array<i32>} : memref<8x1024xf32, #tpu.memory_space<vmem>>, vector<16xf32>,
          %parallel_loop3A_359 = tpu.vector_load_idx %arg7[%parallel_loop3A_314, %get3A_253] : memref<8x2048xf32, #tpu.memory_space<vmem>>[vector<16xi32>, vector<16xi32>], vector<16xf32>,
          %parallel_loop3A_360 = arith.index_cast %parallel_loop3A_313 : i32 to index
          %parallel_loop3A_361 = arith.constant 688 : index
          %parallel_loop3A_362 = tpu.vector_load %arg9[%parallel_loop3A_360, %parallel_loop3A_361] {strides = array<i32>} : memref<8x1024xf32, #tpu.memory_space<vmem>>, vector<16xf32>,
          tpu.vector_store %arg9[%parallel_loop3A_360, %parallel_loop3A_361], %parallel_loop3A_359 {strides = array<i32>} : memref<8x1024xf32, #tpu.memory_space<vmem>>, vector<16xf32>,
          %parallel_loop3A_363 = tpu.vector_load_idx %arg7[%parallel_loop3A_314, %get3A_255] : memref<8x2048xf32, #tpu.memory_space<vmem>>[vector<16xi32>, vector<16xi32>], vector<16xf32>,
          %parallel_loop3A_364 = arith.index_cast %parallel_loop3A_313 : i32 to index
          %parallel_loop3A_365 = arith.constant 704 : index
          %parallel_loop3A_366 = tpu.vector_load %arg9[%parallel_loop3A_364, %parallel_loop3A_365] {strides = array<i32>} : memref<8x1024xf32, #tpu.memory_space<vmem>>, vector<16xf32>,
          tpu.vector_store %arg9[%parallel_loop3A_364, %parallel_loop3A_365], %parallel_loop3A_363 {strides = array<i32>} : memref<8x1024xf32, #tpu.memory_space<vmem>>, vector<16xf32>,
          %parallel_loop3A_367 = tpu.vector_load_idx %arg7[%parallel_loop3A_314, %get3A_257] : memref<8x2048xf32, #tpu.memory_space<vmem>>[vector<16xi32>, vector<16xi32>], vector<16xf32>,
          %parallel_loop3A_368 = arith.index_cast %parallel_loop3A_313 : i32 to index
          %parallel_loop3A_369 = arith.constant 720 : index
          %parallel_loop3A_370 = tpu.vector_load %arg9[%parallel_loop3A_368, %parallel_loop3A_369] {strides = array<i32>} : memref<8x1024xf32, #tpu.memory_space<vmem>>, vector<16xf32>,
          tpu.vector_store %arg9[%parallel_loop3A_368, %parallel_loop3A_369], %parallel_loop3A_367 {strides = array<i32>} : memref<8x1024xf32, #tpu.memory_space<vmem>>, vector<16xf32>,
          %parallel_loop3A_371 = tpu.vector_load_idx %arg7[%parallel_loop3A_314, %get3A_259] : memref<8x2048xf32, #tpu.memory_space<vmem>>[vector<16xi32>, vector<16xi32>], vector<16xf32>,
          %parallel_loop3A_372 = arith.index_cast %parallel_loop3A_313 : i32 to index
          %parallel_loop3A_373 = arith.constant 736 : index
          %parallel_loop3A_374 = tpu.vector_load %arg9[%parallel_loop3A_372, %parallel_loop3A_373] {strides = array<i32>} : memref<8x1024xf32, #tpu.memory_space<vmem>>, vector<16xf32>,
          tpu.vector_store %arg9[%parallel_loop3A_372, %parallel_loop3A_373], %parallel_loop3A_371 {strides = array<i32>} : memref<8x1024xf32, #tpu.memory_space<vmem>>, vector<16xf32>,
          %parallel_loop3A_375 = tpu.vector_load_idx %arg7[%parallel_loop3A_314, %get3A_261] : memref<8x2048xf32, #tpu.memory_space<vmem>>[vector<16xi32>, vector<16xi32>], vector<16xf32>,
          %parallel_loop3A_376 = arith.index_cast %parallel_loop3A_313 : i32 to index
          %parallel_loop3A_377 = arith.constant 752 : index
          %parallel_loop3A_378 = tpu.vector_load %arg9[%parallel_loop3A_376, %parallel_loop3A_377] {strides = array<i32>} : memref<8x1024xf32, #tpu.memory_space<vmem>>, vector<16xf32>,
          tpu.vector_store %arg9[%parallel_loop3A_376, %parallel_loop3A_377], %parallel_loop3A_375 {strides = array<i32>} : memref<8x1024xf32, #tpu.memory_space<vmem>>, vector<16xf32>,
        } {sc.loop_unroll_factor = 8 : i64, sc.parallel_access}
        %get3A_265 = arith.constant 768 : index
        %get3A_266 = tpu.vector_load %arg5[%get3A_265] {strides = array<i32>} : memref<1024xi32, #tpu.memory_space<vmem>>, vector<16xi32>,
        %get3A_267 = arith.constant 784 : index
        %get3A_268 = tpu.vector_load %arg5[%get3A_267] {strides = array<i32>} : memref<1024xi32, #tpu.memory_space<vmem>>, vector<16xi32>,
        %get3A_269 = arith.constant 800 : index
        %get3A_270 = tpu.vector_load %arg5[%get3A_269] {strides = array<i32>} : memref<1024xi32, #tpu.memory_space<vmem>>, vector<16xi32>,
        %get3A_271 = arith.constant 816 : index
        %get3A_272 = tpu.vector_load %arg5[%get3A_271] {strides = array<i32>} : memref<1024xi32, #tpu.memory_space<vmem>>, vector<16xi32>,
        %get3A_273 = arith.constant 832 : index
        %get3A_274 = tpu.vector_load %arg5[%get3A_273] {strides = array<i32>} : memref<1024xi32, #tpu.memory_space<vmem>>, vector<16xi32>,
        %get3A_275 = arith.constant 848 : index
        %get3A_276 = tpu.vector_load %arg5[%get3A_275] {strides = array<i32>} : memref<1024xi32, #tpu.memory_space<vmem>>, vector<16xi32>,
        %get3A_277 = arith.constant 864 : index
        %get3A_278 = tpu.vector_load %arg5[%get3A_277] {strides = array<i32>} : memref<1024xi32, #tpu.memory_space<vmem>>, vector<16xi32>,
        %get3A_279 = arith.constant 880 : index
        %get3A_280 = tpu.vector_load %arg5[%get3A_279] {strides = array<i32>} : memref<1024xi32, #tpu.memory_space<vmem>>, vector<16xi32>,
        %get3A_281 = arith.constant 896 : index
        %get3A_282 = tpu.vector_load %arg5[%get3A_281] {strides = array<i32>} : memref<1024xi32, #tpu.memory_space<vmem>>, vector<16xi32>,
        %get3A_283 = arith.constant 912 : index
        %get3A_284 = tpu.vector_load %arg5[%get3A_283] {strides = array<i32>} : memref<1024xi32, #tpu.memory_space<vmem>>, vector<16xi32>,
        %get3A_285 = arith.constant 928 : index
        %get3A_286 = tpu.vector_load %arg5[%get3A_285] {strides = array<i32>} : memref<1024xi32, #tpu.memory_space<vmem>>, vector<16xi32>,
        %get3A_287 = arith.constant 944 : index
        %get3A_288 = tpu.vector_load %arg5[%get3A_287] {strides = array<i32>} : memref<1024xi32, #tpu.memory_space<vmem>>, vector<16xi32>,
        %get3A_289 = arith.constant 960 : index
        %get3A_290 = tpu.vector_load %arg5[%get3A_289] {strides = array<i32>} : memref<1024xi32, #tpu.memory_space<vmem>>, vector<16xi32>,
        %get3A_291 = arith.constant 976 : index
        %get3A_292 = tpu.vector_load %arg5[%get3A_291] {strides = array<i32>} : memref<1024xi32, #tpu.memory_space<vmem>>, vector<16xi32>,
        %get3A_293 = arith.constant 992 : index
        %get3A_294 = tpu.vector_load %arg5[%get3A_293] {strides = array<i32>} : memref<1024xi32, #tpu.memory_space<vmem>>, vector<16xi32>,
        %get3A_295 = arith.constant 1008 : index
        %get3A_296 = tpu.vector_load %arg5[%get3A_295] {strides = array<i32>} : memref<1024xi32, #tpu.memory_space<vmem>>, vector<16xi32>,
        %parallel_loop3A_297 = arith.constant 0 : i32
        %parallel_loop3A_298 = arith.constant 8 : i32
        %parallel_loop3A_299 = arith.constant 1 : i32
        scf.for %parallel_loop3A_313 = %parallel_loop3A_297 to %parallel_loop3A_298 step %parallel_loop3A_299  : i32 {
          %parallel_loop3A_314 = vector.broadcast %parallel_loop3A_313 : i32 to vector<16xi32>
          %parallel_loop3A_315 = tpu.vector_load_idx %arg7[%parallel_loop3A_314, %get3A_266] : memref<8x2048xf32, #tpu.memory_space<vmem>>[vector<16xi32>, vector<16xi32>], vector<16xf32>,
          %parallel_loop3A_316 = arith.index_cast %parallel_loop3A_313 : i32 to index
          %parallel_loop3A_317 = arith.constant 768 : index
          %parallel_loop3A_318 = tpu.vector_load %arg9[%parallel_loop3A_316, %parallel_loop3A_317] {strides = array<i32>} : memref<8x1024xf32, #tpu.memory_space<vmem>>, vector<16xf32>,
          tpu.vector_store %arg9[%parallel_loop3A_316, %parallel_loop3A_317], %parallel_loop3A_315 {strides = array<i32>} : memref<8x1024xf32, #tpu.memory_space<vmem>>, vector<16xf32>,
          %parallel_loop3A_319 = tpu.vector_load_idx %arg7[%parallel_loop3A_314, %get3A_268] : memref<8x2048xf32, #tpu.memory_space<vmem>>[vector<16xi32>, vector<16xi32>], vector<16xf32>,
          %parallel_loop3A_320 = arith.index_cast %parallel_loop3A_313 : i32 to index
          %parallel_loop3A_321 = arith.constant 784 : index
          %parallel_loop3A_322 = tpu.vector_load %arg9[%parallel_loop3A_320, %parallel_loop3A_321] {strides = array<i32>} : memref<8x1024xf32, #tpu.memory_space<vmem>>, vector<16xf32>,
          tpu.vector_store %arg9[%parallel_loop3A_320, %parallel_loop3A_321], %parallel_loop3A_319 {strides = array<i32>} : memref<8x1024xf32, #tpu.memory_space<vmem>>, vector<16xf32>,
          %parallel_loop3A_323 = tpu.vector_load_idx %arg7[%parallel_loop3A_314, %get3A_270] : memref<8x2048xf32, #tpu.memory_space<vmem>>[vector<16xi32>, vector<16xi32>], vector<16xf32>,
          %parallel_loop3A_324 = arith.index_cast %parallel_loop3A_313 : i32 to index
          %parallel_loop3A_325 = arith.constant 800 : index
          %parallel_loop3A_326 = tpu.vector_load %arg9[%parallel_loop3A_324, %parallel_loop3A_325] {strides = array<i32>} : memref<8x1024xf32, #tpu.memory_space<vmem>>, vector<16xf32>,
          tpu.vector_store %arg9[%parallel_loop3A_324, %parallel_loop3A_325], %parallel_loop3A_323 {strides = array<i32>} : memref<8x1024xf32, #tpu.memory_space<vmem>>, vector<16xf32>,
          %parallel_loop3A_327 = tpu.vector_load_idx %arg7[%parallel_loop3A_314, %get3A_272] : memref<8x2048xf32, #tpu.memory_space<vmem>>[vector<16xi32>, vector<16xi32>], vector<16xf32>,
          %parallel_loop3A_328 = arith.index_cast %parallel_loop3A_313 : i32 to index
          %parallel_loop3A_329 = arith.constant 816 : index
          %parallel_loop3A_330 = tpu.vector_load %arg9[%parallel_loop3A_328, %parallel_loop3A_329] {strides = array<i32>} : memref<8x1024xf32, #tpu.memory_space<vmem>>, vector<16xf32>,
          tpu.vector_store %arg9[%parallel_loop3A_328, %parallel_loop3A_329], %parallel_loop3A_327 {strides = array<i32>} : memref<8x1024xf32, #tpu.memory_space<vmem>>, vector<16xf32>,
          %parallel_loop3A_331 = tpu.vector_load_idx %arg7[%parallel_loop3A_314, %get3A_274] : memref<8x2048xf32, #tpu.memory_space<vmem>>[vector<16xi32>, vector<16xi32>], vector<16xf32>,
          %parallel_loop3A_332 = arith.index_cast %parallel_loop3A_313 : i32 to index
          %parallel_loop3A_333 = arith.constant 832 : index
          %parallel_loop3A_334 = tpu.vector_load %arg9[%parallel_loop3A_332, %parallel_loop3A_333] {strides = array<i32>} : memref<8x1024xf32, #tpu.memory_space<vmem>>, vector<16xf32>,
          tpu.vector_store %arg9[%parallel_loop3A_332, %parallel_loop3A_333], %parallel_loop3A_331 {strides = array<i32>} : memref<8x1024xf32, #tpu.memory_space<vmem>>, vector<16xf32>,
          %parallel_loop3A_335 = tpu.vector_load_idx %arg7[%parallel_loop3A_314, %get3A_276] : memref<8x2048xf32, #tpu.memory_space<vmem>>[vector<16xi32>, vector<16xi32>], vector<16xf32>,
          %parallel_loop3A_336 = arith.index_cast %parallel_loop3A_313 : i32 to index
          %parallel_loop3A_337 = arith.constant 848 : index
          %parallel_loop3A_338 = tpu.vector_load %arg9[%parallel_loop3A_336, %parallel_loop3A_337] {strides = array<i32>} : memref<8x1024xf32, #tpu.memory_space<vmem>>, vector<16xf32>,
          tpu.vector_store %arg9[%parallel_loop3A_336, %parallel_loop3A_337], %parallel_loop3A_335 {strides = array<i32>} : memref<8x1024xf32, #tpu.memory_space<vmem>>, vector<16xf32>,
          %parallel_loop3A_339 = tpu.vector_load_idx %arg7[%parallel_loop3A_314, %get3A_278] : memref<8x2048xf32, #tpu.memory_space<vmem>>[vector<16xi32>, vector<16xi32>], vector<16xf32>,
          %parallel_loop3A_340 = arith.index_cast %parallel_loop3A_313 : i32 to index
          %parallel_loop3A_341 = arith.constant 864 : index
          %parallel_loop3A_342 = tpu.vector_load %arg9[%parallel_loop3A_340, %parallel_loop3A_341] {strides = array<i32>} : memref<8x1024xf32, #tpu.memory_space<vmem>>, vector<16xf32>,
          tpu.vector_store %arg9[%parallel_loop3A_340, %parallel_loop3A_341], %parallel_loop3A_339 {strides = array<i32>} : memref<8x1024xf32, #tpu.memory_space<vmem>>, vector<16xf32>,
          %parallel_loop3A_343 = tpu.vector_load_idx %arg7[%parallel_loop3A_314, %get3A_280] : memref<8x2048xf32, #tpu.memory_space<vmem>>[vector<16xi32>, vector<16xi32>], vector<16xf32>,
          %parallel_loop3A_344 = arith.index_cast %parallel_loop3A_313 : i32 to index
          %parallel_loop3A_345 = arith.constant 880 : index
          %parallel_loop3A_346 = tpu.vector_load %arg9[%parallel_loop3A_344, %parallel_loop3A_345] {strides = array<i32>} : memref<8x1024xf32, #tpu.memory_space<vmem>>, vector<16xf32>,
          tpu.vector_store %arg9[%parallel_loop3A_344, %parallel_loop3A_345], %parallel_loop3A_343 {strides = array<i32>} : memref<8x1024xf32, #tpu.memory_space<vmem>>, vector<16xf32>,
          %parallel_loop3A_347 = tpu.vector_load_idx %arg7[%parallel_loop3A_314, %get3A_282] : memref<8x2048xf32, #tpu.memory_space<vmem>>[vector<16xi32>, vector<16xi32>], vector<16xf32>,
          %parallel_loop3A_348 = arith.index_cast %parallel_loop3A_313 : i32 to index
          %parallel_loop3A_349 = arith.constant 896 : index
          %parallel_loop3A_350 = tpu.vector_load %arg9[%parallel_loop3A_348, %parallel_loop3A_349] {strides = array<i32>} : memref<8x1024xf32, #tpu.memory_space<vmem>>, vector<16xf32>,
          tpu.vector_store %arg9[%parallel_loop3A_348, %parallel_loop3A_349], %parallel_loop3A_347 {strides = array<i32>} : memref<8x1024xf32, #tpu.memory_space<vmem>>, vector<16xf32>,
          %parallel_loop3A_351 = tpu.vector_load_idx %arg7[%parallel_loop3A_314, %get3A_284] : memref<8x2048xf32, #tpu.memory_space<vmem>>[vector<16xi32>, vector<16xi32>], vector<16xf32>,
          %parallel_loop3A_352 = arith.index_cast %parallel_loop3A_313 : i32 to index
          %parallel_loop3A_353 = arith.constant 912 : index
          %parallel_loop3A_354 = tpu.vector_load %arg9[%parallel_loop3A_352, %parallel_loop3A_353] {strides = array<i32>} : memref<8x1024xf32, #tpu.memory_space<vmem>>, vector<16xf32>,
          tpu.vector_store %arg9[%parallel_loop3A_352, %parallel_loop3A_353], %parallel_loop3A_351 {strides = array<i32>} : memref<8x1024xf32, #tpu.memory_space<vmem>>, vector<16xf32>,
          %parallel_loop3A_355 = tpu.vector_load_idx %arg7[%parallel_loop3A_314, %get3A_286] : memref<8x2048xf32, #tpu.memory_space<vmem>>[vector<16xi32>, vector<16xi32>], vector<16xf32>,
          %parallel_loop3A_356 = arith.index_cast %parallel_loop3A_313 : i32 to index
          %parallel_loop3A_357 = arith.constant 928 : index
          %parallel_loop3A_358 = tpu.vector_load %arg9[%parallel_loop3A_356, %parallel_loop3A_357] {strides = array<i32>} : memref<8x1024xf32, #tpu.memory_space<vmem>>, vector<16xf32>,
          tpu.vector_store %arg9[%parallel_loop3A_356, %parallel_loop3A_357], %parallel_loop3A_355 {strides = array<i32>} : memref<8x1024xf32, #tpu.memory_space<vmem>>, vector<16xf32>,
          %parallel_loop3A_359 = tpu.vector_load_idx %arg7[%parallel_loop3A_314, %get3A_288] : memref<8x2048xf32, #tpu.memory_space<vmem>>[vector<16xi32>, vector<16xi32>], vector<16xf32>,
          %parallel_loop3A_360 = arith.index_cast %parallel_loop3A_313 : i32 to index
          %parallel_loop3A_361 = arith.constant 944 : index
          %parallel_loop3A_362 = tpu.vector_load %arg9[%parallel_loop3A_360, %parallel_loop3A_361] {strides = array<i32>} : memref<8x1024xf32, #tpu.memory_space<vmem>>, vector<16xf32>,
          tpu.vector_store %arg9[%parallel_loop3A_360, %parallel_loop3A_361], %parallel_loop3A_359 {strides = array<i32>} : memref<8x1024xf32, #tpu.memory_space<vmem>>, vector<16xf32>,
          %parallel_loop3A_363 = tpu.vector_load_idx %arg7[%parallel_loop3A_314, %get3A_290] : memref<8x2048xf32, #tpu.memory_space<vmem>>[vector<16xi32>, vector<16xi32>], vector<16xf32>,
          %parallel_loop3A_364 = arith.index_cast %parallel_loop3A_313 : i32 to index
          %parallel_loop3A_365 = arith.constant 960 : index
          %parallel_loop3A_366 = tpu.vector_load %arg9[%parallel_loop3A_364, %parallel_loop3A_365] {strides = array<i32>} : memref<8x1024xf32, #tpu.memory_space<vmem>>, vector<16xf32>,
          tpu.vector_store %arg9[%parallel_loop3A_364, %parallel_loop3A_365], %parallel_loop3A_363 {strides = array<i32>} : memref<8x1024xf32, #tpu.memory_space<vmem>>, vector<16xf32>,
          %parallel_loop3A_367 = tpu.vector_load_idx %arg7[%parallel_loop3A_314, %get3A_292] : memref<8x2048xf32, #tpu.memory_space<vmem>>[vector<16xi32>, vector<16xi32>], vector<16xf32>,
          %parallel_loop3A_368 = arith.index_cast %parallel_loop3A_313 : i32 to index
          %parallel_loop3A_369 = arith.constant 976 : index
          %parallel_loop3A_370 = tpu.vector_load %arg9[%parallel_loop3A_368, %parallel_loop3A_369] {strides = array<i32>} : memref<8x1024xf32, #tpu.memory_space<vmem>>, vector<16xf32>,
          tpu.vector_store %arg9[%parallel_loop3A_368, %parallel_loop3A_369], %parallel_loop3A_367 {strides = array<i32>} : memref<8x1024xf32, #tpu.memory_space<vmem>>, vector<16xf32>,
          %parallel_loop3A_371 = tpu.vector_load_idx %arg7[%parallel_loop3A_314, %get3A_294] : memref<8x2048xf32, #tpu.memory_space<vmem>>[vector<16xi32>, vector<16xi32>], vector<16xf32>,
          %parallel_loop3A_372 = arith.index_cast %parallel_loop3A_313 : i32 to index
          %parallel_loop3A_373 = arith.constant 992 : index
          %parallel_loop3A_374 = tpu.vector_load %arg9[%parallel_loop3A_372, %parallel_loop3A_373] {strides = array<i32>} : memref<8x1024xf32, #tpu.memory_space<vmem>>, vector<16xf32>,
          tpu.vector_store %arg9[%parallel_loop3A_372, %parallel_loop3A_373], %parallel_loop3A_371 {strides = array<i32>} : memref<8x1024xf32, #tpu.memory_space<vmem>>, vector<16xf32>,
          %parallel_loop3A_375 = tpu.vector_load_idx %arg7[%parallel_loop3A_314, %get3A_296] : memref<8x2048xf32, #tpu.memory_space<vmem>>[vector<16xi32>, vector<16xi32>], vector<16xf32>,
          %parallel_loop3A_376 = arith.index_cast %parallel_loop3A_313 : i32 to index
          %parallel_loop3A_377 = arith.constant 1008 : index
          %parallel_loop3A_378 = tpu.vector_load %arg9[%parallel_loop3A_376, %parallel_loop3A_377] {strides = array<i32>} : memref<8x1024xf32, #tpu.memory_space<vmem>>, vector<16xf32>,
          tpu.vector_store %arg9[%parallel_loop3A_376, %parallel_loop3A_377], %parallel_loop3A_375 {strides = array<i32>} : memref<8x1024xf32, #tpu.memory_space<vmem>>, vector<16xf32>,
        } {sc.loop_unroll_factor = 8 : i64, sc.parallel_access}
        %mul3A_300 = arith.constant 8 : i32
        %mul3A_301 = arith.muli %add3A_146, %mul3A_300 : i32
        %multiple_of3A_302 = tpu.assume_multiple %mul3A_301, 8 : i32
        %dma_start3A_303 = arith.constant 0 : i32
        %dma_start3A_304 = tpu.memref_slice %arg4[%multiple_of3A_302, %dma_start3A_303] : memref<18816x1024xf32, #tpu.memory_space<hbm>> -> memref<8x1024xf32, #tpu.memory_space<hbm>>
        %dma_start3A_305 = arith.constant 0 : i32
        %dma_start3A_306 = tpu.memref_slice %arg4[%multiple_of3A_302, %dma_start3A_305] : memref<18816x1024xf32, #tpu.memory_space<hbm>> -> memref<8x1024xf32, #tpu.memory_space<hbm>>
        tpu.enqueue_dma source(%arg9 : memref<8x1024xf32, #tpu.memory_space<vmem>>) target(%dma_start3A_306 : memref<8x1024xf32, #tpu.memory_space<hbm>>) target_semaphore(%arg13 : memref<!tpu.dma_semaphore, #tpu.memory_space<semaphore_mem>>)
        %add3A_307 = arith.constant 2 : i32
        %add3A_308 = arith.addi %add3A_145, %add3A_307 : i32
        %lt3A_309 = arith.cmpi slt, %add3A_308, %sub3A_47 : i32
        %convert_element_type3A_310 = arith.extui %lt3A_309 : i1 to i32
        %cond3A_311 = arith.constant 0 : i32
        %cond3A_312 = arith.cmpi ne, %convert_element_type3A_310, %cond3A_311 : i32
        scf.if %cond3A_312 {
          %add3A_313 = arith.constant 2 : i32
          %add3A_314 = arith.addi %add3A_146, %add3A_313 : i32
          %mul3A_315 = arith.constant 8 : i32
          %mul3A_316 = arith.muli %add3A_314, %mul3A_315 : i32
          %multiple_of3A_317 = tpu.assume_multiple %mul3A_316, 8 : i32
          %dma_start3A_318 = arith.constant 0 : i32
          %dma_start3A_319 = tpu.memref_slice %arg2[%multiple_of3A_317, %dma_start3A_318] : memref<18816x2048xf32, #tpu.memory_space<hbm>> -> memref<8x2048xf32, #tpu.memory_space<hbm>>
          %dma_start3A_320 = arith.constant 0 : i32
          %dma_start3A_321 = tpu.memref_slice %arg2[%multiple_of3A_317, %dma_start3A_320] : memref<18816x2048xf32, #tpu.memory_space<hbm>> -> memref<8x2048xf32, #tpu.memory_space<hbm>>
          tpu.enqueue_dma source(%dma_start3A_321 : memref<8x2048xf32, #tpu.memory_space<hbm>>) target(%arg7 : memref<8x2048xf32, #tpu.memory_space<vmem>>) target_semaphore(%arg11 : memref<!tpu.dma_semaphore, #tpu.memory_space<semaphore_mem>>)
        } else {
        }
      } else {
      }
      %while3A_151 = arith.constant 0 : i32
      scf.yield %while3A_151 : i32
    }
    %while3A_97 = arith.constant 1 : i32
    %while3A_98 = scf.for %while3A_133 = %while3A_94 to %while3A_90 step %while3A_97 iter_args(%while3A_134 = %while3A_96) -> (i32)  : i32 {
      %mul3A_135 = arith.constant 2 : i32
      %mul3A_136 = arith.muli %mul3A_135, %while3A_133 : i32
      %add3A_137 = arith.addi %select_n3A, %mul3A_136 : i32
      %lt3A_138 = arith.cmpi slt, %mul3A_136, %sub3A_47 : i32
      %convert_element_type3A_139 = arith.extui %lt3A_138 : i1 to i32
      %cond3A_140 = arith.constant 0 : i32
      %cond3A_141 = arith.cmpi ne, %convert_element_type3A_139, %cond3A_140 : i32
      scf.if %cond3A_141 {
        %mul3A_152 = arith.constant 8 : i32
        %mul3A_153 = arith.muli %add3A_137, %mul3A_152 : i32
        %multiple_of3A_154 = tpu.assume_multiple %mul3A_153, 8 : i32
        %dma_wait3A = arith.constant 0 : i32
        %dma_wait3A_155 = tpu.memref_slice %arg2[%multiple_of3A_154, %dma_wait3A] : memref<18816x2048xf32, #tpu.memory_space<hbm>> -> memref<8x2048xf32, #tpu.memory_space<hbm>>
        %dma_wait3A_156 = arith.constant 0 : i32
        %dma_wait3A_157 = tpu.memref_slice %arg2[%multiple_of3A_154, %dma_wait3A_156] : memref<18816x2048xf32, #tpu.memory_space<hbm>> -> memref<8x2048xf32, #tpu.memory_space<hbm>>
        tpu.wait_dma2 semaphore(%arg10 : memref<!tpu.dma_semaphore, #tpu.memory_space<semaphore_mem>>) src(%dma_wait3A_157 : memref<8x2048xf32, #tpu.memory_space<hbm>>) dst(%arg6 : memref<8x2048xf32, #tpu.memory_space<vmem>>)
        %ge3A = arith.constant 2 : i32
        %ge3A_158 = arith.cmpi sge, %mul3A_136, %ge3A : i32
        %convert_element_type3A_159 = arith.extui %ge3A_158 : i1 to i32
        %cond3A_160 = arith.constant 0 : i32
        %cond3A_161 = arith.cmpi ne, %convert_element_type3A_159, %cond3A_160 : i32
        scf.if %cond3A_161 {
          %sub3A_313 = arith.constant 2 : i32
          %sub3A_314 = arith.subi %add3A_137, %sub3A_313 : i32
          %mul3A_315 = arith.constant 8 : i32
          %mul3A_316 = arith.muli %sub3A_314, %mul3A_315 : i32
          %multiple_of3A_317 = tpu.assume_multiple %mul3A_316, 8 : i32
          %dma_wait3A_318 = arith.constant 0 : i32
          %dma_wait3A_319 = tpu.memref_slice %arg4[%multiple_of3A_317, %dma_wait3A_318] : memref<18816x1024xf32, #tpu.memory_space<hbm>> -> memref<8x1024xf32, #tpu.memory_space<hbm>>
          %dma_wait3A_320 = arith.constant 0 : i32
          %dma_wait3A_321 = tpu.memref_slice %arg4[%multiple_of3A_317, %dma_wait3A_320] : memref<18816x1024xf32, #tpu.memory_space<hbm>> -> memref<8x1024xf32, #tpu.memory_space<hbm>>
          tpu.wait_dma2 semaphore(%arg12 : memref<!tpu.dma_semaphore, #tpu.memory_space<semaphore_mem>>) src(%arg8 : memref<8x1024xf32, #tpu.memory_space<vmem>>) dst(%dma_wait3A_321 : memref<8x1024xf32, #tpu.memory_space<hbm>>)
        } else {
        }
        %get3A = arith.constant 0 : index
        %get3A_162 = tpu.vector_load %arg5[%get3A] {strides = array<i32>} : memref<1024xi32, #tpu.memory_space<vmem>>, vector<16xi32>,
        %get3A_163 = arith.constant 16 : index
        %get3A_164 = tpu.vector_load %arg5[%get3A_163] {strides = array<i32>} : memref<1024xi32, #tpu.memory_space<vmem>>, vector<16xi32>,
        %get3A_165 = arith.constant 32 : index
        %get3A_166 = tpu.vector_load %arg5[%get3A_165] {strides = array<i32>} : memref<1024xi32, #tpu.memory_space<vmem>>, vector<16xi32>,
        %get3A_167 = arith.constant 48 : index
        %get3A_168 = tpu.vector_load %arg5[%get3A_167] {strides = array<i32>} : memref<1024xi32, #tpu.memory_space<vmem>>, vector<16xi32>,
        %get3A_169 = arith.constant 64 : index
        %get3A_170 = tpu.vector_load %arg5[%get3A_169] {strides = array<i32>} : memref<1024xi32, #tpu.memory_space<vmem>>, vector<16xi32>,
        %get3A_171 = arith.constant 80 : index
        %get3A_172 = tpu.vector_load %arg5[%get3A_171] {strides = array<i32>} : memref<1024xi32, #tpu.memory_space<vmem>>, vector<16xi32>,
        %get3A_173 = arith.constant 96 : index
        %get3A_174 = tpu.vector_load %arg5[%get3A_173] {strides = array<i32>} : memref<1024xi32, #tpu.memory_space<vmem>>, vector<16xi32>,
        %get3A_175 = arith.constant 112 : index
        %get3A_176 = tpu.vector_load %arg5[%get3A_175] {strides = array<i32>} : memref<1024xi32, #tpu.memory_space<vmem>>, vector<16xi32>,
        %get3A_177 = arith.constant 128 : index
        %get3A_178 = tpu.vector_load %arg5[%get3A_177] {strides = array<i32>} : memref<1024xi32, #tpu.memory_space<vmem>>, vector<16xi32>,
        %get3A_179 = arith.constant 144 : index
        %get3A_180 = tpu.vector_load %arg5[%get3A_179] {strides = array<i32>} : memref<1024xi32, #tpu.memory_space<vmem>>, vector<16xi32>,
        %get3A_181 = arith.constant 160 : index
        %get3A_182 = tpu.vector_load %arg5[%get3A_181] {strides = array<i32>} : memref<1024xi32, #tpu.memory_space<vmem>>, vector<16xi32>,
        %get3A_183 = arith.constant 176 : index
        %get3A_184 = tpu.vector_load %arg5[%get3A_183] {strides = array<i32>} : memref<1024xi32, #tpu.memory_space<vmem>>, vector<16xi32>,
        %get3A_185 = arith.constant 192 : index
        %get3A_186 = tpu.vector_load %arg5[%get3A_185] {strides = array<i32>} : memref<1024xi32, #tpu.memory_space<vmem>>, vector<16xi32>,
        %get3A_187 = arith.constant 208 : index
        %get3A_188 = tpu.vector_load %arg5[%get3A_187] {strides = array<i32>} : memref<1024xi32, #tpu.memory_space<vmem>>, vector<16xi32>,
        %get3A_189 = arith.constant 224 : index
        %get3A_190 = tpu.vector_load %arg5[%get3A_189] {strides = array<i32>} : memref<1024xi32, #tpu.memory_space<vmem>>, vector<16xi32>,
        %get3A_191 = arith.constant 240 : index
        %get3A_192 = tpu.vector_load %arg5[%get3A_191] {strides = array<i32>} : memref<1024xi32, #tpu.memory_space<vmem>>, vector<16xi32>,
        %parallel_loop3A = arith.constant 0 : i32
        %parallel_loop3A_193 = arith.constant 8 : i32
        %parallel_loop3A_194 = arith.constant 1 : i32
        scf.for %parallel_loop3A_313 = %parallel_loop3A to %parallel_loop3A_193 step %parallel_loop3A_194  : i32 {
          %parallel_loop3A_314 = vector.broadcast %parallel_loop3A_313 : i32 to vector<16xi32>
          %parallel_loop3A_315 = tpu.vector_load_idx %arg6[%parallel_loop3A_314, %get3A_162] : memref<8x2048xf32, #tpu.memory_space<vmem>>[vector<16xi32>, vector<16xi32>], vector<16xf32>,
          %parallel_loop3A_316 = arith.index_cast %parallel_loop3A_313 : i32 to index
          %parallel_loop3A_317 = arith.constant 0 : index
          %parallel_loop3A_318 = tpu.vector_load %arg8[%parallel_loop3A_316, %parallel_loop3A_317] {strides = array<i32>} : memref<8x1024xf32, #tpu.memory_space<vmem>>, vector<16xf32>,
          tpu.vector_store %arg8[%parallel_loop3A_316, %parallel_loop3A_317], %parallel_loop3A_315 {strides = array<i32>} : memref<8x1024xf32, #tpu.memory_space<vmem>>, vector<16xf32>,
          %parallel_loop3A_319 = tpu.vector_load_idx %arg6[%parallel_loop3A_314, %get3A_164] : memref<8x2048xf32, #tpu.memory_space<vmem>>[vector<16xi32>, vector<16xi32>], vector<16xf32>,
          %parallel_loop3A_320 = arith.index_cast %parallel_loop3A_313 : i32 to index
          %parallel_loop3A_321 = arith.constant 16 : index
          %parallel_loop3A_322 = tpu.vector_load %arg8[%parallel_loop3A_320, %parallel_loop3A_321] {strides = array<i32>} : memref<8x1024xf32, #tpu.memory_space<vmem>>, vector<16xf32>,
          tpu.vector_store %arg8[%parallel_loop3A_320, %parallel_loop3A_321], %parallel_loop3A_319 {strides = array<i32>} : memref<8x1024xf32, #tpu.memory_space<vmem>>, vector<16xf32>,
          %parallel_loop3A_323 = tpu.vector_load_idx %arg6[%parallel_loop3A_314, %get3A_166] : memref<8x2048xf32, #tpu.memory_space<vmem>>[vector<16xi32>, vector<16xi32>], vector<16xf32>,
          %parallel_loop3A_324 = arith.index_cast %parallel_loop3A_313 : i32 to index
          %parallel_loop3A_325 = arith.constant 32 : index
          %parallel_loop3A_326 = tpu.vector_load %arg8[%parallel_loop3A_324, %parallel_loop3A_325] {strides = array<i32>} : memref<8x1024xf32, #tpu.memory_space<vmem>>, vector<16xf32>,
          tpu.vector_store %arg8[%parallel_loop3A_324, %parallel_loop3A_325], %parallel_loop3A_323 {strides = array<i32>} : memref<8x1024xf32, #tpu.memory_space<vmem>>, vector<16xf32>,
          %parallel_loop3A_327 = tpu.vector_load_idx %arg6[%parallel_loop3A_314, %get3A_168] : memref<8x2048xf32, #tpu.memory_space<vmem>>[vector<16xi32>, vector<16xi32>], vector<16xf32>,
          %parallel_loop3A_328 = arith.index_cast %parallel_loop3A_313 : i32 to index
          %parallel_loop3A_329 = arith.constant 48 : index
          %parallel_loop3A_330 = tpu.vector_load %arg8[%parallel_loop3A_328, %parallel_loop3A_329] {strides = array<i32>} : memref<8x1024xf32, #tpu.memory_space<vmem>>, vector<16xf32>,
          tpu.vector_store %arg8[%parallel_loop3A_328, %parallel_loop3A_329], %parallel_loop3A_327 {strides = array<i32>} : memref<8x1024xf32, #tpu.memory_space<vmem>>, vector<16xf32>,
          %parallel_loop3A_331 = tpu.vector_load_idx %arg6[%parallel_loop3A_314, %get3A_170] : memref<8x2048xf32, #tpu.memory_space<vmem>>[vector<16xi32>, vector<16xi32>], vector<16xf32>,
          %parallel_loop3A_332 = arith.index_cast %parallel_loop3A_313 : i32 to index
          %parallel_loop3A_333 = arith.constant 64 : index
          %parallel_loop3A_334 = tpu.vector_load %arg8[%parallel_loop3A_332, %parallel_loop3A_333] {strides = array<i32>} : memref<8x1024xf32, #tpu.memory_space<vmem>>, vector<16xf32>,
          tpu.vector_store %arg8[%parallel_loop3A_332, %parallel_loop3A_333], %parallel_loop3A_331 {strides = array<i32>} : memref<8x1024xf32, #tpu.memory_space<vmem>>, vector<16xf32>,
          %parallel_loop3A_335 = tpu.vector_load_idx %arg6[%parallel_loop3A_314, %get3A_172] : memref<8x2048xf32, #tpu.memory_space<vmem>>[vector<16xi32>, vector<16xi32>], vector<16xf32>,
          %parallel_loop3A_336 = arith.index_cast %parallel_loop3A_313 : i32 to index
          %parallel_loop3A_337 = arith.constant 80 : index
          %parallel_loop3A_338 = tpu.vector_load %arg8[%parallel_loop3A_336, %parallel_loop3A_337] {strides = array<i32>} : memref<8x1024xf32, #tpu.memory_space<vmem>>, vector<16xf32>,
          tpu.vector_store %arg8[%parallel_loop3A_336, %parallel_loop3A_337], %parallel_loop3A_335 {strides = array<i32>} : memref<8x1024xf32, #tpu.memory_space<vmem>>, vector<16xf32>,
          %parallel_loop3A_339 = tpu.vector_load_idx %arg6[%parallel_loop3A_314, %get3A_174] : memref<8x2048xf32, #tpu.memory_space<vmem>>[vector<16xi32>, vector<16xi32>], vector<16xf32>,
          %parallel_loop3A_340 = arith.index_cast %parallel_loop3A_313 : i32 to index
          %parallel_loop3A_341 = arith.constant 96 : index
          %parallel_loop3A_342 = tpu.vector_load %arg8[%parallel_loop3A_340, %parallel_loop3A_341] {strides = array<i32>} : memref<8x1024xf32, #tpu.memory_space<vmem>>, vector<16xf32>,
          tpu.vector_store %arg8[%parallel_loop3A_340, %parallel_loop3A_341], %parallel_loop3A_339 {strides = array<i32>} : memref<8x1024xf32, #tpu.memory_space<vmem>>, vector<16xf32>,
          %parallel_loop3A_343 = tpu.vector_load_idx %arg6[%parallel_loop3A_314, %get3A_176] : memref<8x2048xf32, #tpu.memory_space<vmem>>[vector<16xi32>, vector<16xi32>], vector<16xf32>,
          %parallel_loop3A_344 = arith.index_cast %parallel_loop3A_313 : i32 to index
          %parallel_loop3A_345 = arith.constant 112 : index
          %parallel_loop3A_346 = tpu.vector_load %arg8[%parallel_loop3A_344, %parallel_loop3A_345] {strides = array<i32>} : memref<8x1024xf32, #tpu.memory_space<vmem>>, vector<16xf32>,
          tpu.vector_store %arg8[%parallel_loop3A_344, %parallel_loop3A_345], %parallel_loop3A_343 {strides = array<i32>} : memref<8x1024xf32, #tpu.memory_space<vmem>>, vector<16xf32>,
          %parallel_loop3A_347 = tpu.vector_load_idx %arg6[%parallel_loop3A_314, %get3A_178] : memref<8x2048xf32, #tpu.memory_space<vmem>>[vector<16xi32>, vector<16xi32>], vector<16xf32>,
          %parallel_loop3A_348 = arith.index_cast %parallel_loop3A_313 : i32 to index
          %parallel_loop3A_349 = arith.constant 128 : index
          %parallel_loop3A_350 = tpu.vector_load %arg8[%parallel_loop3A_348, %parallel_loop3A_349] {strides = array<i32>} : memref<8x1024xf32, #tpu.memory_space<vmem>>, vector<16xf32>,
          tpu.vector_store %arg8[%parallel_loop3A_348, %parallel_loop3A_349], %parallel_loop3A_347 {strides = array<i32>} : memref<8x1024xf32, #tpu.memory_space<vmem>>, vector<16xf32>,
          %parallel_loop3A_351 = tpu.vector_load_idx %arg6[%parallel_loop3A_314, %get3A_180] : memref<8x2048xf32, #tpu.memory_space<vmem>>[vector<16xi32>, vector<16xi32>], vector<16xf32>,
          %parallel_loop3A_352 = arith.index_cast %parallel_loop3A_313 : i32 to index
          %parallel_loop3A_353 = arith.constant 144 : index
          %parallel_loop3A_354 = tpu.vector_load %arg8[%parallel_loop3A_352, %parallel_loop3A_353] {strides = array<i32>} : memref<8x1024xf32, #tpu.memory_space<vmem>>, vector<16xf32>,
          tpu.vector_store %arg8[%parallel_loop3A_352, %parallel_loop3A_353], %parallel_loop3A_351 {strides = array<i32>} : memref<8x1024xf32, #tpu.memory_space<vmem>>, vector<16xf32>,
          %parallel_loop3A_355 = tpu.vector_load_idx %arg6[%parallel_loop3A_314, %get3A_182] : memref<8x2048xf32, #tpu.memory_space<vmem>>[vector<16xi32>, vector<16xi32>], vector<16xf32>,
          %parallel_loop3A_356 = arith.index_cast %parallel_loop3A_313 : i32 to index
          %parallel_loop3A_357 = arith.constant 160 : index
          %parallel_loop3A_358 = tpu.vector_load %arg8[%parallel_loop3A_356, %parallel_loop3A_357] {strides = array<i32>} : memref<8x1024xf32, #tpu.memory_space<vmem>>, vector<16xf32>,
          tpu.vector_store %arg8[%parallel_loop3A_356, %parallel_loop3A_357], %parallel_loop3A_355 {strides = array<i32>} : memref<8x1024xf32, #tpu.memory_space<vmem>>, vector<16xf32>,
          %parallel_loop3A_359 = tpu.vector_load_idx %arg6[%parallel_loop3A_314, %get3A_184] : memref<8x2048xf32, #tpu.memory_space<vmem>>[vector<16xi32>, vector<16xi32>], vector<16xf32>,
          %parallel_loop3A_360 = arith.index_cast %parallel_loop3A_313 : i32 to index
          %parallel_loop3A_361 = arith.constant 176 : index
          %parallel_loop3A_362 = tpu.vector_load %arg8[%parallel_loop3A_360, %parallel_loop3A_361] {strides = array<i32>} : memref<8x1024xf32, #tpu.memory_space<vmem>>, vector<16xf32>,
          tpu.vector_store %arg8[%parallel_loop3A_360, %parallel_loop3A_361], %parallel_loop3A_359 {strides = array<i32>} : memref<8x1024xf32, #tpu.memory_space<vmem>>, vector<16xf32>,
          %parallel_loop3A_363 = tpu.vector_load_idx %arg6[%parallel_loop3A_314, %get3A_186] : memref<8x2048xf32, #tpu.memory_space<vmem>>[vector<16xi32>, vector<16xi32>], vector<16xf32>,
          %parallel_loop3A_364 = arith.index_cast %parallel_loop3A_313 : i32 to index
          %parallel_loop3A_365 = arith.constant 192 : index
          %parallel_loop3A_366 = tpu.vector_load %arg8[%parallel_loop3A_364, %parallel_loop3A_365] {strides = array<i32>} : memref<8x1024xf32, #tpu.memory_space<vmem>>, vector<16xf32>,
          tpu.vector_store %arg8[%parallel_loop3A_364, %parallel_loop3A_365], %parallel_loop3A_363 {strides = array<i32>} : memref<8x1024xf32, #tpu.memory_space<vmem>>, vector<16xf32>,
          %parallel_loop3A_367 = tpu.vector_load_idx %arg6[%parallel_loop3A_314, %get3A_188] : memref<8x2048xf32, #tpu.memory_space<vmem>>[vector<16xi32>, vector<16xi32>], vector<16xf32>,
          %parallel_loop3A_368 = arith.index_cast %parallel_loop3A_313 : i32 to index
          %parallel_loop3A_369 = arith.constant 208 : index
          %parallel_loop3A_370 = tpu.vector_load %arg8[%parallel_loop3A_368, %parallel_loop3A_369] {strides = array<i32>} : memref<8x1024xf32, #tpu.memory_space<vmem>>, vector<16xf32>,
          tpu.vector_store %arg8[%parallel_loop3A_368, %parallel_loop3A_369], %parallel_loop3A_367 {strides = array<i32>} : memref<8x1024xf32, #tpu.memory_space<vmem>>, vector<16xf32>,
          %parallel_loop3A_371 = tpu.vector_load_idx %arg6[%parallel_loop3A_314, %get3A_190] : memref<8x2048xf32, #tpu.memory_space<vmem>>[vector<16xi32>, vector<16xi32>], vector<16xf32>,
          %parallel_loop3A_372 = arith.index_cast %parallel_loop3A_313 : i32 to index
          %parallel_loop3A_373 = arith.constant 224 : index
          %parallel_loop3A_374 = tpu.vector_load %arg8[%parallel_loop3A_372, %parallel_loop3A_373] {strides = array<i32>} : memref<8x1024xf32, #tpu.memory_space<vmem>>, vector<16xf32>,
          tpu.vector_store %arg8[%parallel_loop3A_372, %parallel_loop3A_373], %parallel_loop3A_371 {strides = array<i32>} : memref<8x1024xf32, #tpu.memory_space<vmem>>, vector<16xf32>,
          %parallel_loop3A_375 = tpu.vector_load_idx %arg6[%parallel_loop3A_314, %get3A_192] : memref<8x2048xf32, #tpu.memory_space<vmem>>[vector<16xi32>, vector<16xi32>], vector<16xf32>,
          %parallel_loop3A_376 = arith.index_cast %parallel_loop3A_313 : i32 to index
          %parallel_loop3A_377 = arith.constant 240 : index
          %parallel_loop3A_378 = tpu.vector_load %arg8[%parallel_loop3A_376, %parallel_loop3A_377] {strides = array<i32>} : memref<8x1024xf32, #tpu.memory_space<vmem>>, vector<16xf32>,
          tpu.vector_store %arg8[%parallel_loop3A_376, %parallel_loop3A_377], %parallel_loop3A_375 {strides = array<i32>} : memref<8x1024xf32, #tpu.memory_space<vmem>>, vector<16xf32>,
        } {sc.loop_unroll_factor = 8 : i64, sc.parallel_access}
        %get3A_195 = arith.constant 256 : index
        %get3A_196 = tpu.vector_load %arg5[%get3A_195] {strides = array<i32>} : memref<1024xi32, #tpu.memory_space<vmem>>, vector<16xi32>,
        %get3A_197 = arith.constant 272 : index
        %get3A_198 = tpu.vector_load %arg5[%get3A_197] {strides = array<i32>} : memref<1024xi32, #tpu.memory_space<vmem>>, vector<16xi32>,
        %get3A_199 = arith.constant 288 : index
        %get3A_200 = tpu.vector_load %arg5[%get3A_199] {strides = array<i32>} : memref<1024xi32, #tpu.memory_space<vmem>>, vector<16xi32>,
        %get3A_201 = arith.constant 304 : index
        %get3A_202 = tpu.vector_load %arg5[%get3A_201] {strides = array<i32>} : memref<1024xi32, #tpu.memory_space<vmem>>, vector<16xi32>,
        %get3A_203 = arith.constant 320 : index
        %get3A_204 = tpu.vector_load %arg5[%get3A_203] {strides = array<i32>} : memref<1024xi32, #tpu.memory_space<vmem>>, vector<16xi32>,
        %get3A_205 = arith.constant 336 : index
        %get3A_206 = tpu.vector_load %arg5[%get3A_205] {strides = array<i32>} : memref<1024xi32, #tpu.memory_space<vmem>>, vector<16xi32>,
        %get3A_207 = arith.constant 352 : index
        %get3A_208 = tpu.vector_load %arg5[%get3A_207] {strides = array<i32>} : memref<1024xi32, #tpu.memory_space<vmem>>, vector<16xi32>,
        %get3A_209 = arith.constant 368 : index
        %get3A_210 = tpu.vector_load %arg5[%get3A_209] {strides = array<i32>} : memref<1024xi32, #tpu.memory_space<vmem>>, vector<16xi32>,
        %get3A_211 = arith.constant 384 : index
        %get3A_212 = tpu.vector_load %arg5[%get3A_211] {strides = array<i32>} : memref<1024xi32, #tpu.memory_space<vmem>>, vector<16xi32>,
        %get3A_213 = arith.constant 400 : index
        %get3A_214 = tpu.vector_load %arg5[%get3A_213] {strides = array<i32>} : memref<1024xi32, #tpu.memory_space<vmem>>, vector<16xi32>,
        %get3A_215 = arith.constant 416 : index
        %get3A_216 = tpu.vector_load %arg5[%get3A_215] {strides = array<i32>} : memref<1024xi32, #tpu.memory_space<vmem>>, vector<16xi32>,
        %get3A_217 = arith.constant 432 : index
        %get3A_218 = tpu.vector_load %arg5[%get3A_217] {strides = array<i32>} : memref<1024xi32, #tpu.memory_space<vmem>>, vector<16xi32>,
        %get3A_219 = arith.constant 448 : index
        %get3A_220 = tpu.vector_load %arg5[%get3A_219] {strides = array<i32>} : memref<1024xi32, #tpu.memory_space<vmem>>, vector<16xi32>,
        %get3A_221 = arith.constant 464 : index
        %get3A_222 = tpu.vector_load %arg5[%get3A_221] {strides = array<i32>} : memref<1024xi32, #tpu.memory_space<vmem>>, vector<16xi32>,
        %get3A_223 = arith.constant 480 : index
        %get3A_224 = tpu.vector_load %arg5[%get3A_223] {strides = array<i32>} : memref<1024xi32, #tpu.memory_space<vmem>>, vector<16xi32>,
        %get3A_225 = arith.constant 496 : index
        %get3A_226 = tpu.vector_load %arg5[%get3A_225] {strides = array<i32>} : memref<1024xi32, #tpu.memory_space<vmem>>, vector<16xi32>,
        %parallel_loop3A_227 = arith.constant 0 : i32
        %parallel_loop3A_228 = arith.constant 8 : i32
        %parallel_loop3A_229 = arith.constant 1 : i32
        scf.for %parallel_loop3A_313 = %parallel_loop3A_227 to %parallel_loop3A_228 step %parallel_loop3A_229  : i32 {
          %parallel_loop3A_314 = vector.broadcast %parallel_loop3A_313 : i32 to vector<16xi32>
          %parallel_loop3A_315 = tpu.vector_load_idx %arg6[%parallel_loop3A_314, %get3A_196] : memref<8x2048xf32, #tpu.memory_space<vmem>>[vector<16xi32>, vector<16xi32>], vector<16xf32>,
          %parallel_loop3A_316 = arith.index_cast %parallel_loop3A_313 : i32 to index
          %parallel_loop3A_317 = arith.constant 256 : index
          %parallel_loop3A_318 = tpu.vector_load %arg8[%parallel_loop3A_316, %parallel_loop3A_317] {strides = array<i32>} : memref<8x1024xf32, #tpu.memory_space<vmem>>, vector<16xf32>,
          tpu.vector_store %arg8[%parallel_loop3A_316, %parallel_loop3A_317], %parallel_loop3A_315 {strides = array<i32>} : memref<8x1024xf32, #tpu.memory_space<vmem>>, vector<16xf32>,
          %parallel_loop3A_319 = tpu.vector_load_idx %arg6[%parallel_loop3A_314, %get3A_198] : memref<8x2048xf32, #tpu.memory_space<vmem>>[vector<16xi32>, vector<16xi32>], vector<16xf32>,
          %parallel_loop3A_320 = arith.index_cast %parallel_loop3A_313 : i32 to index
          %parallel_loop3A_321 = arith.constant 272 : index
          %parallel_loop3A_322 = tpu.vector_load %arg8[%parallel_loop3A_320, %parallel_loop3A_321] {strides = array<i32>} : memref<8x1024xf32, #tpu.memory_space<vmem>>, vector<16xf32>,
          tpu.vector_store %arg8[%parallel_loop3A_320, %parallel_loop3A_321], %parallel_loop3A_319 {strides = array<i32>} : memref<8x1024xf32, #tpu.memory_space<vmem>>, vector<16xf32>,
          %parallel_loop3A_323 = tpu.vector_load_idx %arg6[%parallel_loop3A_314, %get3A_200] : memref<8x2048xf32, #tpu.memory_space<vmem>>[vector<16xi32>, vector<16xi32>], vector<16xf32>,
          %parallel_loop3A_324 = arith.index_cast %parallel_loop3A_313 : i32 to index
          %parallel_loop3A_325 = arith.constant 288 : index
          %parallel_loop3A_326 = tpu.vector_load %arg8[%parallel_loop3A_324, %parallel_loop3A_325] {strides = array<i32>} : memref<8x1024xf32, #tpu.memory_space<vmem>>, vector<16xf32>,
          tpu.vector_store %arg8[%parallel_loop3A_324, %parallel_loop3A_325], %parallel_loop3A_323 {strides = array<i32>} : memref<8x1024xf32, #tpu.memory_space<vmem>>, vector<16xf32>,
          %parallel_loop3A_327 = tpu.vector_load_idx %arg6[%parallel_loop3A_314, %get3A_202] : memref<8x2048xf32, #tpu.memory_space<vmem>>[vector<16xi32>, vector<16xi32>], vector<16xf32>,
          %parallel_loop3A_328 = arith.index_cast %parallel_loop3A_313 : i32 to index
          %parallel_loop3A_329 = arith.constant 304 : index
          %parallel_loop3A_330 = tpu.vector_load %arg8[%parallel_loop3A_328, %parallel_loop3A_329] {strides = array<i32>} : memref<8x1024xf32, #tpu.memory_space<vmem>>, vector<16xf32>,
          tpu.vector_store %arg8[%parallel_loop3A_328, %parallel_loop3A_329], %parallel_loop3A_327 {strides = array<i32>} : memref<8x1024xf32, #tpu.memory_space<vmem>>, vector<16xf32>,
          %parallel_loop3A_331 = tpu.vector_load_idx %arg6[%parallel_loop3A_314, %get3A_204] : memref<8x2048xf32, #tpu.memory_space<vmem>>[vector<16xi32>, vector<16xi32>], vector<16xf32>,
          %parallel_loop3A_332 = arith.index_cast %parallel_loop3A_313 : i32 to index
          %parallel_loop3A_333 = arith.constant 320 : index
          %parallel_loop3A_334 = tpu.vector_load %arg8[%parallel_loop3A_332, %parallel_loop3A_333] {strides = array<i32>} : memref<8x1024xf32, #tpu.memory_space<vmem>>, vector<16xf32>,
          tpu.vector_store %arg8[%parallel_loop3A_332, %parallel_loop3A_333], %parallel_loop3A_331 {strides = array<i32>} : memref<8x1024xf32, #tpu.memory_space<vmem>>, vector<16xf32>,
          %parallel_loop3A_335 = tpu.vector_load_idx %arg6[%parallel_loop3A_314, %get3A_206] : memref<8x2048xf32, #tpu.memory_space<vmem>>[vector<16xi32>, vector<16xi32>], vector<16xf32>,
          %parallel_loop3A_336 = arith.index_cast %parallel_loop3A_313 : i32 to index
          %parallel_loop3A_337 = arith.constant 336 : index
          %parallel_loop3A_338 = tpu.vector_load %arg8[%parallel_loop3A_336, %parallel_loop3A_337] {strides = array<i32>} : memref<8x1024xf32, #tpu.memory_space<vmem>>, vector<16xf32>,
          tpu.vector_store %arg8[%parallel_loop3A_336, %parallel_loop3A_337], %parallel_loop3A_335 {strides = array<i32>} : memref<8x1024xf32, #tpu.memory_space<vmem>>, vector<16xf32>,
          %parallel_loop3A_339 = tpu.vector_load_idx %arg6[%parallel_loop3A_314, %get3A_208] : memref<8x2048xf32, #tpu.memory_space<vmem>>[vector<16xi32>, vector<16xi32>], vector<16xf32>,
          %parallel_loop3A_340 = arith.index_cast %parallel_loop3A_313 : i32 to index
          %parallel_loop3A_341 = arith.constant 352 : index
          %parallel_loop3A_342 = tpu.vector_load %arg8[%parallel_loop3A_340, %parallel_loop3A_341] {strides = array<i32>} : memref<8x1024xf32, #tpu.memory_space<vmem>>, vector<16xf32>,
          tpu.vector_store %arg8[%parallel_loop3A_340, %parallel_loop3A_341], %parallel_loop3A_339 {strides = array<i32>} : memref<8x1024xf32, #tpu.memory_space<vmem>>, vector<16xf32>,
          %parallel_loop3A_343 = tpu.vector_load_idx %arg6[%parallel_loop3A_314, %get3A_210] : memref<8x2048xf32, #tpu.memory_space<vmem>>[vector<16xi32>, vector<16xi32>], vector<16xf32>,
          %parallel_loop3A_344 = arith.index_cast %parallel_loop3A_313 : i32 to index
          %parallel_loop3A_345 = arith.constant 368 : index
          %parallel_loop3A_346 = tpu.vector_load %arg8[%parallel_loop3A_344, %parallel_loop3A_345] {strides = array<i32>} : memref<8x1024xf32, #tpu.memory_space<vmem>>, vector<16xf32>,
          tpu.vector_store %arg8[%parallel_loop3A_344, %parallel_loop3A_345], %parallel_loop3A_343 {strides = array<i32>} : memref<8x1024xf32, #tpu.memory_space<vmem>>, vector<16xf32>,
          %parallel_loop3A_347 = tpu.vector_load_idx %arg6[%parallel_loop3A_314, %get3A_212] : memref<8x2048xf32, #tpu.memory_space<vmem>>[vector<16xi32>, vector<16xi32>], vector<16xf32>,
          %parallel_loop3A_348 = arith.index_cast %parallel_loop3A_313 : i32 to index
          %parallel_loop3A_349 = arith.constant 384 : index
          %parallel_loop3A_350 = tpu.vector_load %arg8[%parallel_loop3A_348, %parallel_loop3A_349] {strides = array<i32>} : memref<8x1024xf32, #tpu.memory_space<vmem>>, vector<16xf32>,
          tpu.vector_store %arg8[%parallel_loop3A_348, %parallel_loop3A_349], %parallel_loop3A_347 {strides = array<i32>} : memref<8x1024xf32, #tpu.memory_space<vmem>>, vector<16xf32>,
          %parallel_loop3A_351 = tpu.vector_load_idx %arg6[%parallel_loop3A_314, %get3A_214] : memref<8x2048xf32, #tpu.memory_space<vmem>>[vector<16xi32>, vector<16xi32>], vector<16xf32>,
          %parallel_loop3A_352 = arith.index_cast %parallel_loop3A_313 : i32 to index
          %parallel_loop3A_353 = arith.constant 400 : index
          %parallel_loop3A_354 = tpu.vector_load %arg8[%parallel_loop3A_352, %parallel_loop3A_353] {strides = array<i32>} : memref<8x1024xf32, #tpu.memory_space<vmem>>, vector<16xf32>,
          tpu.vector_store %arg8[%parallel_loop3A_352, %parallel_loop3A_353], %parallel_loop3A_351 {strides = array<i32>} : memref<8x1024xf32, #tpu.memory_space<vmem>>, vector<16xf32>,
          %parallel_loop3A_355 = tpu.vector_load_idx %arg6[%parallel_loop3A_314, %get3A_216] : memref<8x2048xf32, #tpu.memory_space<vmem>>[vector<16xi32>, vector<16xi32>], vector<16xf32>,
          %parallel_loop3A_356 = arith.index_cast %parallel_loop3A_313 : i32 to index
          %parallel_loop3A_357 = arith.constant 416 : index
          %parallel_loop3A_358 = tpu.vector_load %arg8[%parallel_loop3A_356, %parallel_loop3A_357] {strides = array<i32>} : memref<8x1024xf32, #tpu.memory_space<vmem>>, vector<16xf32>,
          tpu.vector_store %arg8[%parallel_loop3A_356, %parallel_loop3A_357], %parallel_loop3A_355 {strides = array<i32>} : memref<8x1024xf32, #tpu.memory_space<vmem>>, vector<16xf32>,
          %parallel_loop3A_359 = tpu.vector_load_idx %arg6[%parallel_loop3A_314, %get3A_218] : memref<8x2048xf32, #tpu.memory_space<vmem>>[vector<16xi32>, vector<16xi32>], vector<16xf32>,
          %parallel_loop3A_360 = arith.index_cast %parallel_loop3A_313 : i32 to index
          %parallel_loop3A_361 = arith.constant 432 : index
          %parallel_loop3A_362 = tpu.vector_load %arg8[%parallel_loop3A_360, %parallel_loop3A_361] {strides = array<i32>} : memref<8x1024xf32, #tpu.memory_space<vmem>>, vector<16xf32>,
          tpu.vector_store %arg8[%parallel_loop3A_360, %parallel_loop3A_361], %parallel_loop3A_359 {strides = array<i32>} : memref<8x1024xf32, #tpu.memory_space<vmem>>, vector<16xf32>,
          %parallel_loop3A_363 = tpu.vector_load_idx %arg6[%parallel_loop3A_314, %get3A_220] : memref<8x2048xf32, #tpu.memory_space<vmem>>[vector<16xi32>, vector<16xi32>], vector<16xf32>,
          %parallel_loop3A_364 = arith.index_cast %parallel_loop3A_313 : i32 to index
          %parallel_loop3A_365 = arith.constant 448 : index
          %parallel_loop3A_366 = tpu.vector_load %arg8[%parallel_loop3A_364, %parallel_loop3A_365] {strides = array<i32>} : memref<8x1024xf32, #tpu.memory_space<vmem>>, vector<16xf32>,
          tpu.vector_store %arg8[%parallel_loop3A_364, %parallel_loop3A_365], %parallel_loop3A_363 {strides = array<i32>} : memref<8x1024xf32, #tpu.memory_space<vmem>>, vector<16xf32>,
          %parallel_loop3A_367 = tpu.vector_load_idx %arg6[%parallel_loop3A_314, %get3A_222] : memref<8x2048xf32, #tpu.memory_space<vmem>>[vector<16xi32>, vector<16xi32>], vector<16xf32>,
          %parallel_loop3A_368 = arith.index_cast %parallel_loop3A_313 : i32 to index
          %parallel_loop3A_369 = arith.constant 464 : index
          %parallel_loop3A_370 = tpu.vector_load %arg8[%parallel_loop3A_368, %parallel_loop3A_369] {strides = array<i32>} : memref<8x1024xf32, #tpu.memory_space<vmem>>, vector<16xf32>,
          tpu.vector_store %arg8[%parallel_loop3A_368, %parallel_loop3A_369], %parallel_loop3A_367 {strides = array<i32>} : memref<8x1024xf32, #tpu.memory_space<vmem>>, vector<16xf32>,
          %parallel_loop3A_371 = tpu.vector_load_idx %arg6[%parallel_loop3A_314, %get3A_224] : memref<8x2048xf32, #tpu.memory_space<vmem>>[vector<16xi32>, vector<16xi32>], vector<16xf32>,
          %parallel_loop3A_372 = arith.index_cast %parallel_loop3A_313 : i32 to index
          %parallel_loop3A_373 = arith.constant 480 : index
          %parallel_loop3A_374 = tpu.vector_load %arg8[%parallel_loop3A_372, %parallel_loop3A_373] {strides = array<i32>} : memref<8x1024xf32, #tpu.memory_space<vmem>>, vector<16xf32>,
          tpu.vector_store %arg8[%parallel_loop3A_372, %parallel_loop3A_373], %parallel_loop3A_371 {strides = array<i32>} : memref<8x1024xf32, #tpu.memory_space<vmem>>, vector<16xf32>,
          %parallel_loop3A_375 = tpu.vector_load_idx %arg6[%parallel_loop3A_314, %get3A_226] : memref<8x2048xf32, #tpu.memory_space<vmem>>[vector<16xi32>, vector<16xi32>], vector<16xf32>,
          %parallel_loop3A_376 = arith.index_cast %parallel_loop3A_313 : i32 to index
          %parallel_loop3A_377 = arith.constant 496 : index
          %parallel_loop3A_378 = tpu.vector_load %arg8[%parallel_loop3A_376, %parallel_loop3A_377] {strides = array<i32>} : memref<8x1024xf32, #tpu.memory_space<vmem>>, vector<16xf32>,
          tpu.vector_store %arg8[%parallel_loop3A_376, %parallel_loop3A_377], %parallel_loop3A_375 {strides = array<i32>} : memref<8x1024xf32, #tpu.memory_space<vmem>>, vector<16xf32>,
        } {sc.loop_unroll_factor = 8 : i64, sc.parallel_access}
        %get3A_230 = arith.constant 512 : index
        %get3A_231 = tpu.vector_load %arg5[%get3A_230] {strides = array<i32>} : memref<1024xi32, #tpu.memory_space<vmem>>, vector<16xi32>,
        %get3A_232 = arith.constant 528 : index
        %get3A_233 = tpu.vector_load %arg5[%get3A_232] {strides = array<i32>} : memref<1024xi32, #tpu.memory_space<vmem>>, vector<16xi32>,
        %get3A_234 = arith.constant 544 : index
        %get3A_235 = tpu.vector_load %arg5[%get3A_234] {strides = array<i32>} : memref<1024xi32, #tpu.memory_space<vmem>>, vector<16xi32>,
        %get3A_236 = arith.constant 560 : index
        %get3A_237 = tpu.vector_load %arg5[%get3A_236] {strides = array<i32>} : memref<1024xi32, #tpu.memory_space<vmem>>, vector<16xi32>,
        %get3A_238 = arith.constant 576 : index
        %get3A_239 = tpu.vector_load %arg5[%get3A_238] {strides = array<i32>} : memref<1024xi32, #tpu.memory_space<vmem>>, vector<16xi32>,
        %get3A_240 = arith.constant 592 : index
        %get3A_241 = tpu.vector_load %arg5[%get3A_240] {strides = array<i32>} : memref<1024xi32, #tpu.memory_space<vmem>>, vector<16xi32>,
        %get3A_242 = arith.constant 608 : index
        %get3A_243 = tpu.vector_load %arg5[%get3A_242] {strides = array<i32>} : memref<1024xi32, #tpu.memory_space<vmem>>, vector<16xi32>,
        %get3A_244 = arith.constant 624 : index
        %get3A_245 = tpu.vector_load %arg5[%get3A_244] {strides = array<i32>} : memref<1024xi32, #tpu.memory_space<vmem>>, vector<16xi32>,
        %get3A_246 = arith.constant 640 : index
        %get3A_247 = tpu.vector_load %arg5[%get3A_246] {strides = array<i32>} : memref<1024xi32, #tpu.memory_space<vmem>>, vector<16xi32>,
        %get3A_248 = arith.constant 656 : index
        %get3A_249 = tpu.vector_load %arg5[%get3A_248] {strides = array<i32>} : memref<1024xi32, #tpu.memory_space<vmem>>, vector<16xi32>,
        %get3A_250 = arith.constant 672 : index
        %get3A_251 = tpu.vector_load %arg5[%get3A_250] {strides = array<i32>} : memref<1024xi32, #tpu.memory_space<vmem>>, vector<16xi32>,
        %get3A_252 = arith.constant 688 : index
        %get3A_253 = tpu.vector_load %arg5[%get3A_252] {strides = array<i32>} : memref<1024xi32, #tpu.memory_space<vmem>>, vector<16xi32>,
        %get3A_254 = arith.constant 704 : index
        %get3A_255 = tpu.vector_load %arg5[%get3A_254] {strides = array<i32>} : memref<1024xi32, #tpu.memory_space<vmem>>, vector<16xi32>,
        %get3A_256 = arith.constant 720 : index
        %get3A_257 = tpu.vector_load %arg5[%get3A_256] {strides = array<i32>} : memref<1024xi32, #tpu.memory_space<vmem>>, vector<16xi32>,
        %get3A_258 = arith.constant 736 : index
        %get3A_259 = tpu.vector_load %arg5[%get3A_258] {strides = array<i32>} : memref<1024xi32, #tpu.memory_space<vmem>>, vector<16xi32>,
        %get3A_260 = arith.constant 752 : index
        %get3A_261 = tpu.vector_load %arg5[%get3A_260] {strides = array<i32>} : memref<1024xi32, #tpu.memory_space<vmem>>, vector<16xi32>,
        %parallel_loop3A_262 = arith.constant 0 : i32
        %parallel_loop3A_263 = arith.constant 8 : i32
        %parallel_loop3A_264 = arith.constant 1 : i32
        scf.for %parallel_loop3A_313 = %parallel_loop3A_262 to %parallel_loop3A_263 step %parallel_loop3A_264  : i32 {
          %parallel_loop3A_314 = vector.broadcast %parallel_loop3A_313 : i32 to vector<16xi32>
          %parallel_loop3A_315 = tpu.vector_load_idx %arg6[%parallel_loop3A_314, %get3A_231] : memref<8x2048xf32, #tpu.memory_space<vmem>>[vector<16xi32>, vector<16xi32>], vector<16xf32>,
          %parallel_loop3A_316 = arith.index_cast %parallel_loop3A_313 : i32 to index
          %parallel_loop3A_317 = arith.constant 512 : index
          %parallel_loop3A_318 = tpu.vector_load %arg8[%parallel_loop3A_316, %parallel_loop3A_317] {strides = array<i32>} : memref<8x1024xf32, #tpu.memory_space<vmem>>, vector<16xf32>,
          tpu.vector_store %arg8[%parallel_loop3A_316, %parallel_loop3A_317], %parallel_loop3A_315 {strides = array<i32>} : memref<8x1024xf32, #tpu.memory_space<vmem>>, vector<16xf32>,
          %parallel_loop3A_319 = tpu.vector_load_idx %arg6[%parallel_loop3A_314, %get3A_233] : memref<8x2048xf32, #tpu.memory_space<vmem>>[vector<16xi32>, vector<16xi32>], vector<16xf32>,
          %parallel_loop3A_320 = arith.index_cast %parallel_loop3A_313 : i32 to index
          %parallel_loop3A_321 = arith.constant 528 : index
          %parallel_loop3A_322 = tpu.vector_load %arg8[%parallel_loop3A_320, %parallel_loop3A_321] {strides = array<i32>} : memref<8x1024xf32, #tpu.memory_space<vmem>>, vector<16xf32>,
          tpu.vector_store %arg8[%parallel_loop3A_320, %parallel_loop3A_321], %parallel_loop3A_319 {strides = array<i32>} : memref<8x1024xf32, #tpu.memory_space<vmem>>, vector<16xf32>,
          %parallel_loop3A_323 = tpu.vector_load_idx %arg6[%parallel_loop3A_314, %get3A_235] : memref<8x2048xf32, #tpu.memory_space<vmem>>[vector<16xi32>, vector<16xi32>], vector<16xf32>,
          %parallel_loop3A_324 = arith.index_cast %parallel_loop3A_313 : i32 to index
          %parallel_loop3A_325 = arith.constant 544 : index
          %parallel_loop3A_326 = tpu.vector_load %arg8[%parallel_loop3A_324, %parallel_loop3A_325] {strides = array<i32>} : memref<8x1024xf32, #tpu.memory_space<vmem>>, vector<16xf32>,
          tpu.vector_store %arg8[%parallel_loop3A_324, %parallel_loop3A_325], %parallel_loop3A_323 {strides = array<i32>} : memref<8x1024xf32, #tpu.memory_space<vmem>>, vector<16xf32>,
          %parallel_loop3A_327 = tpu.vector_load_idx %arg6[%parallel_loop3A_314, %get3A_237] : memref<8x2048xf32, #tpu.memory_space<vmem>>[vector<16xi32>, vector<16xi32>], vector<16xf32>,
          %parallel_loop3A_328 = arith.index_cast %parallel_loop3A_313 : i32 to index
          %parallel_loop3A_329 = arith.constant 560 : index
          %parallel_loop3A_330 = tpu.vector_load %arg8[%parallel_loop3A_328, %parallel_loop3A_329] {strides = array<i32>} : memref<8x1024xf32, #tpu.memory_space<vmem>>, vector<16xf32>,
          tpu.vector_store %arg8[%parallel_loop3A_328, %parallel_loop3A_329], %parallel_loop3A_327 {strides = array<i32>} : memref<8x1024xf32, #tpu.memory_space<vmem>>, vector<16xf32>,
          %parallel_loop3A_331 = tpu.vector_load_idx %arg6[%parallel_loop3A_314, %get3A_239] : memref<8x2048xf32, #tpu.memory_space<vmem>>[vector<16xi32>, vector<16xi32>], vector<16xf32>,
          %parallel_loop3A_332 = arith.index_cast %parallel_loop3A_313 : i32 to index
          %parallel_loop3A_333 = arith.constant 576 : index
          %parallel_loop3A_334 = tpu.vector_load %arg8[%parallel_loop3A_332, %parallel_loop3A_333] {strides = array<i32>} : memref<8x1024xf32, #tpu.memory_space<vmem>>, vector<16xf32>,
          tpu.vector_store %arg8[%parallel_loop3A_332, %parallel_loop3A_333], %parallel_loop3A_331 {strides = array<i32>} : memref<8x1024xf32, #tpu.memory_space<vmem>>, vector<16xf32>,
          %parallel_loop3A_335 = tpu.vector_load_idx %arg6[%parallel_loop3A_314, %get3A_241] : memref<8x2048xf32, #tpu.memory_space<vmem>>[vector<16xi32>, vector<16xi32>], vector<16xf32>,
          %parallel_loop3A_336 = arith.index_cast %parallel_loop3A_313 : i32 to index
          %parallel_loop3A_337 = arith.constant 592 : index
          %parallel_loop3A_338 = tpu.vector_load %arg8[%parallel_loop3A_336, %parallel_loop3A_337] {strides = array<i32>} : memref<8x1024xf32, #tpu.memory_space<vmem>>, vector<16xf32>,
          tpu.vector_store %arg8[%parallel_loop3A_336, %parallel_loop3A_337], %parallel_loop3A_335 {strides = array<i32>} : memref<8x1024xf32, #tpu.memory_space<vmem>>, vector<16xf32>,
          %parallel_loop3A_339 = tpu.vector_load_idx %arg6[%parallel_loop3A_314, %get3A_243] : memref<8x2048xf32, #tpu.memory_space<vmem>>[vector<16xi32>, vector<16xi32>], vector<16xf32>,
          %parallel_loop3A_340 = arith.index_cast %parallel_loop3A_313 : i32 to index
          %parallel_loop3A_341 = arith.constant 608 : index
          %parallel_loop3A_342 = tpu.vector_load %arg8[%parallel_loop3A_340, %parallel_loop3A_341] {strides = array<i32>} : memref<8x1024xf32, #tpu.memory_space<vmem>>, vector<16xf32>,
          tpu.vector_store %arg8[%parallel_loop3A_340, %parallel_loop3A_341], %parallel_loop3A_339 {strides = array<i32>} : memref<8x1024xf32, #tpu.memory_space<vmem>>, vector<16xf32>,
          %parallel_loop3A_343 = tpu.vector_load_idx %arg6[%parallel_loop3A_314, %get3A_245] : memref<8x2048xf32, #tpu.memory_space<vmem>>[vector<16xi32>, vector<16xi32>], vector<16xf32>,
          %parallel_loop3A_344 = arith.index_cast %parallel_loop3A_313 : i32 to index
          %parallel_loop3A_345 = arith.constant 624 : index
          %parallel_loop3A_346 = tpu.vector_load %arg8[%parallel_loop3A_344, %parallel_loop3A_345] {strides = array<i32>} : memref<8x1024xf32, #tpu.memory_space<vmem>>, vector<16xf32>,
          tpu.vector_store %arg8[%parallel_loop3A_344, %parallel_loop3A_345], %parallel_loop3A_343 {strides = array<i32>} : memref<8x1024xf32, #tpu.memory_space<vmem>>, vector<16xf32>,
          %parallel_loop3A_347 = tpu.vector_load_idx %arg6[%parallel_loop3A_314, %get3A_247] : memref<8x2048xf32, #tpu.memory_space<vmem>>[vector<16xi32>, vector<16xi32>], vector<16xf32>,
          %parallel_loop3A_348 = arith.index_cast %parallel_loop3A_313 : i32 to index
          %parallel_loop3A_349 = arith.constant 640 : index
          %parallel_loop3A_350 = tpu.vector_load %arg8[%parallel_loop3A_348, %parallel_loop3A_349] {strides = array<i32>} : memref<8x1024xf32, #tpu.memory_space<vmem>>, vector<16xf32>,
          tpu.vector_store %arg8[%parallel_loop3A_348, %parallel_loop3A_349], %parallel_loop3A_347 {strides = array<i32>} : memref<8x1024xf32, #tpu.memory_space<vmem>>, vector<16xf32>,
          %parallel_loop3A_351 = tpu.vector_load_idx %arg6[%parallel_loop3A_314, %get3A_249] : memref<8x2048xf32, #tpu.memory_space<vmem>>[vector<16xi32>, vector<16xi32>], vector<16xf32>,
          %parallel_loop3A_352 = arith.index_cast %parallel_loop3A_313 : i32 to index
          %parallel_loop3A_353 = arith.constant 656 : index
          %parallel_loop3A_354 = tpu.vector_load %arg8[%parallel_loop3A_352, %parallel_loop3A_353] {strides = array<i32>} : memref<8x1024xf32, #tpu.memory_space<vmem>>, vector<16xf32>,
          tpu.vector_store %arg8[%parallel_loop3A_352, %parallel_loop3A_353], %parallel_loop3A_351 {strides = array<i32>} : memref<8x1024xf32, #tpu.memory_space<vmem>>, vector<16xf32>,
          %parallel_loop3A_355 = tpu.vector_load_idx %arg6[%parallel_loop3A_314, %get3A_251] : memref<8x2048xf32, #tpu.memory_space<vmem>>[vector<16xi32>, vector<16xi32>], vector<16xf32>,
          %parallel_loop3A_356 = arith.index_cast %parallel_loop3A_313 : i32 to index
          %parallel_loop3A_357 = arith.constant 672 : index
          %parallel_loop3A_358 = tpu.vector_load %arg8[%parallel_loop3A_356, %parallel_loop3A_357] {strides = array<i32>} : memref<8x1024xf32, #tpu.memory_space<vmem>>, vector<16xf32>,
          tpu.vector_store %arg8[%parallel_loop3A_356, %parallel_loop3A_357], %parallel_loop3A_355 {strides = array<i32>} : memref<8x1024xf32, #tpu.memory_space<vmem>>, vector<16xf32>,
          %parallel_loop3A_359 = tpu.vector_load_idx %arg6[%parallel_loop3A_314, %get3A_253] : memref<8x2048xf32, #tpu.memory_space<vmem>>[vector<16xi32>, vector<16xi32>], vector<16xf32>,
          %parallel_loop3A_360 = arith.index_cast %parallel_loop3A_313 : i32 to index
          %parallel_loop3A_361 = arith.constant 688 : index
          %parallel_loop3A_362 = tpu.vector_load %arg8[%parallel_loop3A_360, %parallel_loop3A_361] {strides = array<i32>} : memref<8x1024xf32, #tpu.memory_space<vmem>>, vector<16xf32>,
          tpu.vector_store %arg8[%parallel_loop3A_360, %parallel_loop3A_361], %parallel_loop3A_359 {strides = array<i32>} : memref<8x1024xf32, #tpu.memory_space<vmem>>, vector<16xf32>,
          %parallel_loop3A_363 = tpu.vector_load_idx %arg6[%parallel_loop3A_314, %get3A_255] : memref<8x2048xf32, #tpu.memory_space<vmem>>[vector<16xi32>, vector<16xi32>], vector<16xf32>,
          %parallel_loop3A_364 = arith.index_cast %parallel_loop3A_313 : i32 to index
          %parallel_loop3A_365 = arith.constant 704 : index
          %parallel_loop3A_366 = tpu.vector_load %arg8[%parallel_loop3A_364, %parallel_loop3A_365] {strides = array<i32>} : memref<8x1024xf32, #tpu.memory_space<vmem>>, vector<16xf32>,
          tpu.vector_store %arg8[%parallel_loop3A_364, %parallel_loop3A_365], %parallel_loop3A_363 {strides = array<i32>} : memref<8x1024xf32, #tpu.memory_space<vmem>>, vector<16xf32>,
          %parallel_loop3A_367 = tpu.vector_load_idx %arg6[%parallel_loop3A_314, %get3A_257] : memref<8x2048xf32, #tpu.memory_space<vmem>>[vector<16xi32>, vector<16xi32>], vector<16xf32>,
          %parallel_loop3A_368 = arith.index_cast %parallel_loop3A_313 : i32 to index
          %parallel_loop3A_369 = arith.constant 720 : index
          %parallel_loop3A_370 = tpu.vector_load %arg8[%parallel_loop3A_368, %parallel_loop3A_369] {strides = array<i32>} : memref<8x1024xf32, #tpu.memory_space<vmem>>, vector<16xf32>,
          tpu.vector_store %arg8[%parallel_loop3A_368, %parallel_loop3A_369], %parallel_loop3A_367 {strides = array<i32>} : memref<8x1024xf32, #tpu.memory_space<vmem>>, vector<16xf32>,
          %parallel_loop3A_371 = tpu.vector_load_idx %arg6[%parallel_loop3A_314, %get3A_259] : memref<8x2048xf32, #tpu.memory_space<vmem>>[vector<16xi32>, vector<16xi32>], vector<16xf32>,
          %parallel_loop3A_372 = arith.index_cast %parallel_loop3A_313 : i32 to index
          %parallel_loop3A_373 = arith.constant 736 : index
          %parallel_loop3A_374 = tpu.vector_load %arg8[%parallel_loop3A_372, %parallel_loop3A_373] {strides = array<i32>} : memref<8x1024xf32, #tpu.memory_space<vmem>>, vector<16xf32>,
          tpu.vector_store %arg8[%parallel_loop3A_372, %parallel_loop3A_373], %parallel_loop3A_371 {strides = array<i32>} : memref<8x1024xf32, #tpu.memory_space<vmem>>, vector<16xf32>,
          %parallel_loop3A_375 = tpu.vector_load_idx %arg6[%parallel_loop3A_314, %get3A_261] : memref<8x2048xf32, #tpu.memory_space<vmem>>[vector<16xi32>, vector<16xi32>], vector<16xf32>,
          %parallel_loop3A_376 = arith.index_cast %parallel_loop3A_313 : i32 to index
          %parallel_loop3A_377 = arith.constant 752 : index
          %parallel_loop3A_378 = tpu.vector_load %arg8[%parallel_loop3A_376, %parallel_loop3A_377] {strides = array<i32>} : memref<8x1024xf32, #tpu.memory_space<vmem>>, vector<16xf32>,
          tpu.vector_store %arg8[%parallel_loop3A_376, %parallel_loop3A_377], %parallel_loop3A_375 {strides = array<i32>} : memref<8x1024xf32, #tpu.memory_space<vmem>>, vector<16xf32>,
        } {sc.loop_unroll_factor = 8 : i64, sc.parallel_access}
        %get3A_265 = arith.constant 768 : index
        %get3A_266 = tpu.vector_load %arg5[%get3A_265] {strides = array<i32>} : memref<1024xi32, #tpu.memory_space<vmem>>, vector<16xi32>,
        %get3A_267 = arith.constant 784 : index
        %get3A_268 = tpu.vector_load %arg5[%get3A_267] {strides = array<i32>} : memref<1024xi32, #tpu.memory_space<vmem>>, vector<16xi32>,
        %get3A_269 = arith.constant 800 : index
        %get3A_270 = tpu.vector_load %arg5[%get3A_269] {strides = array<i32>} : memref<1024xi32, #tpu.memory_space<vmem>>, vector<16xi32>,
        %get3A_271 = arith.constant 816 : index
        %get3A_272 = tpu.vector_load %arg5[%get3A_271] {strides = array<i32>} : memref<1024xi32, #tpu.memory_space<vmem>>, vector<16xi32>,
        %get3A_273 = arith.constant 832 : index
        %get3A_274 = tpu.vector_load %arg5[%get3A_273] {strides = array<i32>} : memref<1024xi32, #tpu.memory_space<vmem>>, vector<16xi32>,
        %get3A_275 = arith.constant 848 : index
        %get3A_276 = tpu.vector_load %arg5[%get3A_275] {strides = array<i32>} : memref<1024xi32, #tpu.memory_space<vmem>>, vector<16xi32>,
        %get3A_277 = arith.constant 864 : index
        %get3A_278 = tpu.vector_load %arg5[%get3A_277] {strides = array<i32>} : memref<1024xi32, #tpu.memory_space<vmem>>, vector<16xi32>,
        %get3A_279 = arith.constant 880 : index
        %get3A_280 = tpu.vector_load %arg5[%get3A_279] {strides = array<i32>} : memref<1024xi32, #tpu.memory_space<vmem>>, vector<16xi32>,
        %get3A_281 = arith.constant 896 : index
        %get3A_282 = tpu.vector_load %arg5[%get3A_281] {strides = array<i32>} : memref<1024xi32, #tpu.memory_space<vmem>>, vector<16xi32>,
        %get3A_283 = arith.constant 912 : index
        %get3A_284 = tpu.vector_load %arg5[%get3A_283] {strides = array<i32>} : memref<1024xi32, #tpu.memory_space<vmem>>, vector<16xi32>,
        %get3A_285 = arith.constant 928 : index
        %get3A_286 = tpu.vector_load %arg5[%get3A_285] {strides = array<i32>} : memref<1024xi32, #tpu.memory_space<vmem>>, vector<16xi32>,
        %get3A_287 = arith.constant 944 : index
        %get3A_288 = tpu.vector_load %arg5[%get3A_287] {strides = array<i32>} : memref<1024xi32, #tpu.memory_space<vmem>>, vector<16xi32>,
        %get3A_289 = arith.constant 960 : index
        %get3A_290 = tpu.vector_load %arg5[%get3A_289] {strides = array<i32>} : memref<1024xi32, #tpu.memory_space<vmem>>, vector<16xi32>,
        %get3A_291 = arith.constant 976 : index
        %get3A_292 = tpu.vector_load %arg5[%get3A_291] {strides = array<i32>} : memref<1024xi32, #tpu.memory_space<vmem>>, vector<16xi32>,
        %get3A_293 = arith.constant 992 : index
        %get3A_294 = tpu.vector_load %arg5[%get3A_293] {strides = array<i32>} : memref<1024xi32, #tpu.memory_space<vmem>>, vector<16xi32>,
        %get3A_295 = arith.constant 1008 : index
        %get3A_296 = tpu.vector_load %arg5[%get3A_295] {strides = array<i32>} : memref<1024xi32, #tpu.memory_space<vmem>>, vector<16xi32>,
        %parallel_loop3A_297 = arith.constant 0 : i32
        %parallel_loop3A_298 = arith.constant 8 : i32
        %parallel_loop3A_299 = arith.constant 1 : i32
        scf.for %parallel_loop3A_313 = %parallel_loop3A_297 to %parallel_loop3A_298 step %parallel_loop3A_299  : i32 {
          %parallel_loop3A_314 = vector.broadcast %parallel_loop3A_313 : i32 to vector<16xi32>
          %parallel_loop3A_315 = tpu.vector_load_idx %arg6[%parallel_loop3A_314, %get3A_266] : memref<8x2048xf32, #tpu.memory_space<vmem>>[vector<16xi32>, vector<16xi32>], vector<16xf32>,
          %parallel_loop3A_316 = arith.index_cast %parallel_loop3A_313 : i32 to index
          %parallel_loop3A_317 = arith.constant 768 : index
          %parallel_loop3A_318 = tpu.vector_load %arg8[%parallel_loop3A_316, %parallel_loop3A_317] {strides = array<i32>} : memref<8x1024xf32, #tpu.memory_space<vmem>>, vector<16xf32>,
          tpu.vector_store %arg8[%parallel_loop3A_316, %parallel_loop3A_317], %parallel_loop3A_315 {strides = array<i32>} : memref<8x1024xf32, #tpu.memory_space<vmem>>, vector<16xf32>,
          %parallel_loop3A_319 = tpu.vector_load_idx %arg6[%parallel_loop3A_314, %get3A_268] : memref<8x2048xf32, #tpu.memory_space<vmem>>[vector<16xi32>, vector<16xi32>], vector<16xf32>,
          %parallel_loop3A_320 = arith.index_cast %parallel_loop3A_313 : i32 to index
          %parallel_loop3A_321 = arith.constant 784 : index
          %parallel_loop3A_322 = tpu.vector_load %arg8[%parallel_loop3A_320, %parallel_loop3A_321] {strides = array<i32>} : memref<8x1024xf32, #tpu.memory_space<vmem>>, vector<16xf32>,
          tpu.vector_store %arg8[%parallel_loop3A_320, %parallel_loop3A_321], %parallel_loop3A_319 {strides = array<i32>} : memref<8x1024xf32, #tpu.memory_space<vmem>>, vector<16xf32>,
          %parallel_loop3A_323 = tpu.vector_load_idx %arg6[%parallel_loop3A_314, %get3A_270] : memref<8x2048xf32, #tpu.memory_space<vmem>>[vector<16xi32>, vector<16xi32>], vector<16xf32>,
          %parallel_loop3A_324 = arith.index_cast %parallel_loop3A_313 : i32 to index
          %parallel_loop3A_325 = arith.constant 800 : index
          %parallel_loop3A_326 = tpu.vector_load %arg8[%parallel_loop3A_324, %parallel_loop3A_325] {strides = array<i32>} : memref<8x1024xf32, #tpu.memory_space<vmem>>, vector<16xf32>,
          tpu.vector_store %arg8[%parallel_loop3A_324, %parallel_loop3A_325], %parallel_loop3A_323 {strides = array<i32>} : memref<8x1024xf32, #tpu.memory_space<vmem>>, vector<16xf32>,
          %parallel_loop3A_327 = tpu.vector_load_idx %arg6[%parallel_loop3A_314, %get3A_272] : memref<8x2048xf32, #tpu.memory_space<vmem>>[vector<16xi32>, vector<16xi32>], vector<16xf32>,
          %parallel_loop3A_328 = arith.index_cast %parallel_loop3A_313 : i32 to index
          %parallel_loop3A_329 = arith.constant 816 : index
          %parallel_loop3A_330 = tpu.vector_load %arg8[%parallel_loop3A_328, %parallel_loop3A_329] {strides = array<i32>} : memref<8x1024xf32, #tpu.memory_space<vmem>>, vector<16xf32>,
          tpu.vector_store %arg8[%parallel_loop3A_328, %parallel_loop3A_329], %parallel_loop3A_327 {strides = array<i32>} : memref<8x1024xf32, #tpu.memory_space<vmem>>, vector<16xf32>,
          %parallel_loop3A_331 = tpu.vector_load_idx %arg6[%parallel_loop3A_314, %get3A_274] : memref<8x2048xf32, #tpu.memory_space<vmem>>[vector<16xi32>, vector<16xi32>], vector<16xf32>,
          %parallel_loop3A_332 = arith.index_cast %parallel_loop3A_313 : i32 to index
          %parallel_loop3A_333 = arith.constant 832 : index
          %parallel_loop3A_334 = tpu.vector_load %arg8[%parallel_loop3A_332, %parallel_loop3A_333] {strides = array<i32>} : memref<8x1024xf32, #tpu.memory_space<vmem>>, vector<16xf32>,
          tpu.vector_store %arg8[%parallel_loop3A_332, %parallel_loop3A_333], %parallel_loop3A_331 {strides = array<i32>} : memref<8x1024xf32, #tpu.memory_space<vmem>>, vector<16xf32>,
          %parallel_loop3A_335 = tpu.vector_load_idx %arg6[%parallel_loop3A_314, %get3A_276] : memref<8x2048xf32, #tpu.memory_space<vmem>>[vector<16xi32>, vector<16xi32>], vector<16xf32>,
          %parallel_loop3A_336 = arith.index_cast %parallel_loop3A_313 : i32 to index
          %parallel_loop3A_337 = arith.constant 848 : index
          %parallel_loop3A_338 = tpu.vector_load %arg8[%parallel_loop3A_336, %parallel_loop3A_337] {strides = array<i32>} : memref<8x1024xf32, #tpu.memory_space<vmem>>, vector<16xf32>,
          tpu.vector_store %arg8[%parallel_loop3A_336, %parallel_loop3A_337], %parallel_loop3A_335 {strides = array<i32>} : memref<8x1024xf32, #tpu.memory_space<vmem>>, vector<16xf32>,
          %parallel_loop3A_339 = tpu.vector_load_idx %arg6[%parallel_loop3A_314, %get3A_278] : memref<8x2048xf32, #tpu.memory_space<vmem>>[vector<16xi32>, vector<16xi32>], vector<16xf32>,
          %parallel_loop3A_340 = arith.index_cast %parallel_loop3A_313 : i32 to index
          %parallel_loop3A_341 = arith.constant 864 : index
          %parallel_loop3A_342 = tpu.vector_load %arg8[%parallel_loop3A_340, %parallel_loop3A_341] {strides = array<i32>} : memref<8x1024xf32, #tpu.memory_space<vmem>>, vector<16xf32>,
          tpu.vector_store %arg8[%parallel_loop3A_340, %parallel_loop3A_341], %parallel_loop3A_339 {strides = array<i32>} : memref<8x1024xf32, #tpu.memory_space<vmem>>, vector<16xf32>,
          %parallel_loop3A_343 = tpu.vector_load_idx %arg6[%parallel_loop3A_314, %get3A_280] : memref<8x2048xf32, #tpu.memory_space<vmem>>[vector<16xi32>, vector<16xi32>], vector<16xf32>,
          %parallel_loop3A_344 = arith.index_cast %parallel_loop3A_313 : i32 to index
          %parallel_loop3A_345 = arith.constant 880 : index
          %parallel_loop3A_346 = tpu.vector_load %arg8[%parallel_loop3A_344, %parallel_loop3A_345] {strides = array<i32>} : memref<8x1024xf32, #tpu.memory_space<vmem>>, vector<16xf32>,
          tpu.vector_store %arg8[%parallel_loop3A_344, %parallel_loop3A_345], %parallel_loop3A_343 {strides = array<i32>} : memref<8x1024xf32, #tpu.memory_space<vmem>>, vector<16xf32>,
          %parallel_loop3A_347 = tpu.vector_load_idx %arg6[%parallel_loop3A_314, %get3A_282] : memref<8x2048xf32, #tpu.memory_space<vmem>>[vector<16xi32>, vector<16xi32>], vector<16xf32>,
          %parallel_loop3A_348 = arith.index_cast %parallel_loop3A_313 : i32 to index
          %parallel_loop3A_349 = arith.constant 896 : index
          %parallel_loop3A_350 = tpu.vector_load %arg8[%parallel_loop3A_348, %parallel_loop3A_349] {strides = array<i32>} : memref<8x1024xf32, #tpu.memory_space<vmem>>, vector<16xf32>,
          tpu.vector_store %arg8[%parallel_loop3A_348, %parallel_loop3A_349], %parallel_loop3A_347 {strides = array<i32>} : memref<8x1024xf32, #tpu.memory_space<vmem>>, vector<16xf32>,
          %parallel_loop3A_351 = tpu.vector_load_idx %arg6[%parallel_loop3A_314, %get3A_284] : memref<8x2048xf32, #tpu.memory_space<vmem>>[vector<16xi32>, vector<16xi32>], vector<16xf32>,
          %parallel_loop3A_352 = arith.index_cast %parallel_loop3A_313 : i32 to index
          %parallel_loop3A_353 = arith.constant 912 : index
          %parallel_loop3A_354 = tpu.vector_load %arg8[%parallel_loop3A_352, %parallel_loop3A_353] {strides = array<i32>} : memref<8x1024xf32, #tpu.memory_space<vmem>>, vector<16xf32>,
          tpu.vector_store %arg8[%parallel_loop3A_352, %parallel_loop3A_353], %parallel_loop3A_351 {strides = array<i32>} : memref<8x1024xf32, #tpu.memory_space<vmem>>, vector<16xf32>,
          %parallel_loop3A_355 = tpu.vector_load_idx %arg6[%parallel_loop3A_314, %get3A_286] : memref<8x2048xf32, #tpu.memory_space<vmem>>[vector<16xi32>, vector<16xi32>], vector<16xf32>,
          %parallel_loop3A_356 = arith.index_cast %parallel_loop3A_313 : i32 to index
          %parallel_loop3A_357 = arith.constant 928 : index
          %parallel_loop3A_358 = tpu.vector_load %arg8[%parallel_loop3A_356, %parallel_loop3A_357] {strides = array<i32>} : memref<8x1024xf32, #tpu.memory_space<vmem>>, vector<16xf32>,
          tpu.vector_store %arg8[%parallel_loop3A_356, %parallel_loop3A_357], %parallel_loop3A_355 {strides = array<i32>} : memref<8x1024xf32, #tpu.memory_space<vmem>>, vector<16xf32>,
          %parallel_loop3A_359 = tpu.vector_load_idx %arg6[%parallel_loop3A_314, %get3A_288] : memref<8x2048xf32, #tpu.memory_space<vmem>>[vector<16xi32>, vector<16xi32>], vector<16xf32>,
          %parallel_loop3A_360 = arith.index_cast %parallel_loop3A_313 : i32 to index
          %parallel_loop3A_361 = arith.constant 944 : index
          %parallel_loop3A_362 = tpu.vector_load %arg8[%parallel_loop3A_360, %parallel_loop3A_361] {strides = array<i32>} : memref<8x1024xf32, #tpu.memory_space<vmem>>, vector<16xf32>,
          tpu.vector_store %arg8[%parallel_loop3A_360, %parallel_loop3A_361], %parallel_loop3A_359 {strides = array<i32>} : memref<8x1024xf32, #tpu.memory_space<vmem>>, vector<16xf32>,
          %parallel_loop3A_363 = tpu.vector_load_idx %arg6[%parallel_loop3A_314, %get3A_290] : memref<8x2048xf32, #tpu.memory_space<vmem>>[vector<16xi32>, vector<16xi32>], vector<16xf32>,
          %parallel_loop3A_364 = arith.index_cast %parallel_loop3A_313 : i32 to index
          %parallel_loop3A_365 = arith.constant 960 : index
          %parallel_loop3A_366 = tpu.vector_load %arg8[%parallel_loop3A_364, %parallel_loop3A_365] {strides = array<i32>} : memref<8x1024xf32, #tpu.memory_space<vmem>>, vector<16xf32>,
          tpu.vector_store %arg8[%parallel_loop3A_364, %parallel_loop3A_365], %parallel_loop3A_363 {strides = array<i32>} : memref<8x1024xf32, #tpu.memory_space<vmem>>, vector<16xf32>,
          %parallel_loop3A_367 = tpu.vector_load_idx %arg6[%parallel_loop3A_314, %get3A_292] : memref<8x2048xf32, #tpu.memory_space<vmem>>[vector<16xi32>, vector<16xi32>], vector<16xf32>,
          %parallel_loop3A_368 = arith.index_cast %parallel_loop3A_313 : i32 to index
          %parallel_loop3A_369 = arith.constant 976 : index
          %parallel_loop3A_370 = tpu.vector_load %arg8[%parallel_loop3A_368, %parallel_loop3A_369] {strides = array<i32>} : memref<8x1024xf32, #tpu.memory_space<vmem>>, vector<16xf32>,
          tpu.vector_store %arg8[%parallel_loop3A_368, %parallel_loop3A_369], %parallel_loop3A_367 {strides = array<i32>} : memref<8x1024xf32, #tpu.memory_space<vmem>>, vector<16xf32>,
          %parallel_loop3A_371 = tpu.vector_load_idx %arg6[%parallel_loop3A_314, %get3A_294] : memref<8x2048xf32, #tpu.memory_space<vmem>>[vector<16xi32>, vector<16xi32>], vector<16xf32>,
          %parallel_loop3A_372 = arith.index_cast %parallel_loop3A_313 : i32 to index
          %parallel_loop3A_373 = arith.constant 992 : index
          %parallel_loop3A_374 = tpu.vector_load %arg8[%parallel_loop3A_372, %parallel_loop3A_373] {strides = array<i32>} : memref<8x1024xf32, #tpu.memory_space<vmem>>, vector<16xf32>,
          tpu.vector_store %arg8[%parallel_loop3A_372, %parallel_loop3A_373], %parallel_loop3A_371 {strides = array<i32>} : memref<8x1024xf32, #tpu.memory_space<vmem>>, vector<16xf32>,
          %parallel_loop3A_375 = tpu.vector_load_idx %arg6[%parallel_loop3A_314, %get3A_296] : memref<8x2048xf32, #tpu.memory_space<vmem>>[vector<16xi32>, vector<16xi32>], vector<16xf32>,
          %parallel_loop3A_376 = arith.index_cast %parallel_loop3A_313 : i32 to index
          %parallel_loop3A_377 = arith.constant 1008 : index
          %parallel_loop3A_378 = tpu.vector_load %arg8[%parallel_loop3A_376, %parallel_loop3A_377] {strides = array<i32>} : memref<8x1024xf32, #tpu.memory_space<vmem>>, vector<16xf32>,
          tpu.vector_store %arg8[%parallel_loop3A_376, %parallel_loop3A_377], %parallel_loop3A_375 {strides = array<i32>} : memref<8x1024xf32, #tpu.memory_space<vmem>>, vector<16xf32>,
        } {sc.loop_unroll_factor = 8 : i64, sc.parallel_access}
        %mul3A_300 = arith.constant 8 : i32
        %mul3A_301 = arith.muli %add3A_137, %mul3A_300 : i32
        %multiple_of3A_302 = tpu.assume_multiple %mul3A_301, 8 : i32
        %dma_start3A_303 = arith.constant 0 : i32
        %dma_start3A_304 = tpu.memref_slice %arg4[%multiple_of3A_302, %dma_start3A_303] : memref<18816x1024xf32, #tpu.memory_space<hbm>> -> memref<8x1024xf32, #tpu.memory_space<hbm>>
        %dma_start3A_305 = arith.constant 0 : i32
        %dma_start3A_306 = tpu.memref_slice %arg4[%multiple_of3A_302, %dma_start3A_305] : memref<18816x1024xf32, #tpu.memory_space<hbm>> -> memref<8x1024xf32, #tpu.memory_space<hbm>>
        tpu.enqueue_dma source(%arg8 : memref<8x1024xf32, #tpu.memory_space<vmem>>) target(%dma_start3A_306 : memref<8x1024xf32, #tpu.memory_space<hbm>>) target_semaphore(%arg12 : memref<!tpu.dma_semaphore, #tpu.memory_space<semaphore_mem>>)
        %add3A_307 = arith.constant 2 : i32
        %add3A_308 = arith.addi %mul3A_136, %add3A_307 : i32
        %lt3A_309 = arith.cmpi slt, %add3A_308, %sub3A_47 : i32
        %convert_element_type3A_310 = arith.extui %lt3A_309 : i1 to i32
        %cond3A_311 = arith.constant 0 : i32
        %cond3A_312 = arith.cmpi ne, %convert_element_type3A_310, %cond3A_311 : i32
        scf.if %cond3A_312 {
          %add3A_313 = arith.constant 2 : i32
          %add3A_314 = arith.addi %add3A_137, %add3A_313 : i32
          %mul3A_315 = arith.constant 8 : i32
          %mul3A_316 = arith.muli %add3A_314, %mul3A_315 : i32
          %multiple_of3A_317 = tpu.assume_multiple %mul3A_316, 8 : i32
          %dma_start3A_318 = arith.constant 0 : i32
          %dma_start3A_319 = tpu.memref_slice %arg2[%multiple_of3A_317, %dma_start3A_318] : memref<18816x2048xf32, #tpu.memory_space<hbm>> -> memref<8x2048xf32, #tpu.memory_space<hbm>>
          %dma_start3A_320 = arith.constant 0 : i32
          %dma_start3A_321 = tpu.memref_slice %arg2[%multiple_of3A_317, %dma_start3A_320] : memref<18816x2048xf32, #tpu.memory_space<hbm>> -> memref<8x2048xf32, #tpu.memory_space<hbm>>
          tpu.enqueue_dma source(%dma_start3A_321 : memref<8x2048xf32, #tpu.memory_space<hbm>>) target(%arg6 : memref<8x2048xf32, #tpu.memory_space<vmem>>) target_semaphore(%arg10 : memref<!tpu.dma_semaphore, #tpu.memory_space<semaphore_mem>>)
        } else {
        }
      } else {
      }
      %mul3A_142 = arith.constant 2 : i32
      %mul3A_143 = arith.muli %mul3A_142, %while3A_133 : i32
      %add3A_144 = arith.constant 1 : i32
      %add3A_145 = arith.addi %mul3A_143, %add3A_144 : i32
      %add3A_146 = arith.addi %select_n3A, %add3A_145 : i32
      %lt3A_147 = arith.cmpi slt, %add3A_145, %sub3A_47 : i32
      %convert_element_type3A_148 = arith.extui %lt3A_147 : i1 to i32
      %cond3A_149 = arith.constant 0 : i32
      %cond3A_150 = arith.cmpi ne, %convert_element_type3A_148, %cond3A_149 : i32
      scf.if %cond3A_150 {
        %mul3A_152 = arith.constant 8 : i32
        %mul3A_153 = arith.muli %add3A_146, %mul3A_152 : i32
        %multiple_of3A_154 = tpu.assume_multiple %mul3A_153, 8 : i32
        %dma_wait3A = arith.constant 0 : i32
        %dma_wait3A_155 = tpu.memref_slice %arg2[%multiple_of3A_154, %dma_wait3A] : memref<18816x2048xf32, #tpu.memory_space<hbm>> -> memref<8x2048xf32, #tpu.memory_space<hbm>>
        %dma_wait3A_156 = arith.constant 0 : i32
        %dma_wait3A_157 = tpu.memref_slice %arg2[%multiple_of3A_154, %dma_wait3A_156] : memref<18816x2048xf32, #tpu.memory_space<hbm>> -> memref<8x2048xf32, #tpu.memory_space<hbm>>
        tpu.wait_dma2 semaphore(%arg11 : memref<!tpu.dma_semaphore, #tpu.memory_space<semaphore_mem>>) src(%dma_wait3A_157 : memref<8x2048xf32, #tpu.memory_space<hbm>>) dst(%arg7 : memref<8x2048xf32, #tpu.memory_space<vmem>>)
        %ge3A = arith.constant 2 : i32
        %ge3A_158 = arith.cmpi sge, %add3A_145, %ge3A : i32
        %convert_element_type3A_159 = arith.extui %ge3A_158 : i1 to i32
        %cond3A_160 = arith.constant 0 : i32
        %cond3A_161 = arith.cmpi ne, %convert_element_type3A_159, %cond3A_160 : i32
        scf.if %cond3A_161 {
          %sub3A_313 = arith.constant 2 : i32
          %sub3A_314 = arith.subi %add3A_146, %sub3A_313 : i32
          %mul3A_315 = arith.constant 8 : i32
          %mul3A_316 = arith.muli %sub3A_314, %mul3A_315 : i32
          %multiple_of3A_317 = tpu.assume_multiple %mul3A_316, 8 : i32
          %dma_wait3A_318 = arith.constant 0 : i32
          %dma_wait3A_319 = tpu.memref_slice %arg4[%multiple_of3A_317, %dma_wait3A_318] : memref<18816x1024xf32, #tpu.memory_space<hbm>> -> memref<8x1024xf32, #tpu.memory_space<hbm>>
          %dma_wait3A_320 = arith.constant 0 : i32
          %dma_wait3A_321 = tpu.memref_slice %arg4[%multiple_of3A_317, %dma_wait3A_320] : memref<18816x1024xf32, #tpu.memory_space<hbm>> -> memref<8x1024xf32, #tpu.memory_space<hbm>>
          tpu.wait_dma2 semaphore(%arg13 : memref<!tpu.dma_semaphore, #tpu.memory_space<semaphore_mem>>) src(%arg9 : memref<8x1024xf32, #tpu.memory_space<vmem>>) dst(%dma_wait3A_321 : memref<8x1024xf32, #tpu.memory_space<hbm>>)
        } else {
        }
        %get3A = arith.constant 0 : index
        %get3A_162 = tpu.vector_load %arg5[%get3A] {strides = array<i32>} : memref<1024xi32, #tpu.memory_space<vmem>>, vector<16xi32>,
        %get3A_163 = arith.constant 16 : index
        %get3A_164 = tpu.vector_load %arg5[%get3A_163] {strides = array<i32>} : memref<1024xi32, #tpu.memory_space<vmem>>, vector<16xi32>,
        %get3A_165 = arith.constant 32 : index
        %get3A_166 = tpu.vector_load %arg5[%get3A_165] {strides = array<i32>} : memref<1024xi32, #tpu.memory_space<vmem>>, vector<16xi32>,
        %get3A_167 = arith.constant 48 : index
        %get3A_168 = tpu.vector_load %arg5[%get3A_167] {strides = array<i32>} : memref<1024xi32, #tpu.memory_space<vmem>>, vector<16xi32>,
        %get3A_169 = arith.constant 64 : index
        %get3A_170 = tpu.vector_load %arg5[%get3A_169] {strides = array<i32>} : memref<1024xi32, #tpu.memory_space<vmem>>, vector<16xi32>,
        %get3A_171 = arith.constant 80 : index
        %get3A_172 = tpu.vector_load %arg5[%get3A_171] {strides = array<i32>} : memref<1024xi32, #tpu.memory_space<vmem>>, vector<16xi32>,
        %get3A_173 = arith.constant 96 : index
        %get3A_174 = tpu.vector_load %arg5[%get3A_173] {strides = array<i32>} : memref<1024xi32, #tpu.memory_space<vmem>>, vector<16xi32>,
        %get3A_175 = arith.constant 112 : index
        %get3A_176 = tpu.vector_load %arg5[%get3A_175] {strides = array<i32>} : memref<1024xi32, #tpu.memory_space<vmem>>, vector<16xi32>,
        %get3A_177 = arith.constant 128 : index
        %get3A_178 = tpu.vector_load %arg5[%get3A_177] {strides = array<i32>} : memref<1024xi32, #tpu.memory_space<vmem>>, vector<16xi32>,
        %get3A_179 = arith.constant 144 : index
        %get3A_180 = tpu.vector_load %arg5[%get3A_179] {strides = array<i32>} : memref<1024xi32, #tpu.memory_space<vmem>>, vector<16xi32>,
        %get3A_181 = arith.constant 160 : index
        %get3A_182 = tpu.vector_load %arg5[%get3A_181] {strides = array<i32>} : memref<1024xi32, #tpu.memory_space<vmem>>, vector<16xi32>,
        %get3A_183 = arith.constant 176 : index
        %get3A_184 = tpu.vector_load %arg5[%get3A_183] {strides = array<i32>} : memref<1024xi32, #tpu.memory_space<vmem>>, vector<16xi32>,
        %get3A_185 = arith.constant 192 : index
        %get3A_186 = tpu.vector_load %arg5[%get3A_185] {strides = array<i32>} : memref<1024xi32, #tpu.memory_space<vmem>>, vector<16xi32>,
        %get3A_187 = arith.constant 208 : index
        %get3A_188 = tpu.vector_load %arg5[%get3A_187] {strides = array<i32>} : memref<1024xi32, #tpu.memory_space<vmem>>, vector<16xi32>,
        %get3A_189 = arith.constant 224 : index
        %get3A_190 = tpu.vector_load %arg5[%get3A_189] {strides = array<i32>} : memref<1024xi32, #tpu.memory_space<vmem>>, vector<16xi32>,
        %get3A_191 = arith.constant 240 : index
        %get3A_192 = tpu.vector_load %arg5[%get3A_191] {strides = array<i32>} : memref<1024xi32, #tpu.memory_space<vmem>>, vector<16xi32>,
        %parallel_loop3A = arith.constant 0 : i32
        %parallel_loop3A_193 = arith.constant 8 : i32
        %parallel_loop3A_194 = arith.constant 1 : i32
        scf.for %parallel_loop3A_313 = %parallel_loop3A to %parallel_loop3A_193 step %parallel_loop3A_194  : i32 {
          %parallel_loop3A_314 = vector.broadcast %parallel_loop3A_313 : i32 to vector<16xi32>
          %parallel_loop3A_315 = tpu.vector_load_idx %arg7[%parallel_loop3A_314, %get3A_162] : memref<8x2048xf32, #tpu.memory_space<vmem>>[vector<16xi32>, vector<16xi32>], vector<16xf32>,
          %parallel_loop3A_316 = arith.index_cast %parallel_loop3A_313 : i32 to index
          %parallel_loop3A_317 = arith.constant 0 : index
          %parallel_loop3A_318 = tpu.vector_load %arg9[%parallel_loop3A_316, %parallel_loop3A_317] {strides = array<i32>} : memref<8x1024xf32, #tpu.memory_space<vmem>>, vector<16xf32>,
          tpu.vector_store %arg9[%parallel_loop3A_316, %parallel_loop3A_317], %parallel_loop3A_315 {strides = array<i32>} : memref<8x1024xf32, #tpu.memory_space<vmem>>, vector<16xf32>,
          %parallel_loop3A_319 = tpu.vector_load_idx %arg7[%parallel_loop3A_314, %get3A_164] : memref<8x2048xf32, #tpu.memory_space<vmem>>[vector<16xi32>, vector<16xi32>], vector<16xf32>,
          %parallel_loop3A_320 = arith.index_cast %parallel_loop3A_313 : i32 to index
          %parallel_loop3A_321 = arith.constant 16 : index
          %parallel_loop3A_322 = tpu.vector_load %arg9[%parallel_loop3A_320, %parallel_loop3A_321] {strides = array<i32>} : memref<8x1024xf32, #tpu.memory_space<vmem>>, vector<16xf32>,
          tpu.vector_store %arg9[%parallel_loop3A_320, %parallel_loop3A_321], %parallel_loop3A_319 {strides = array<i32>} : memref<8x1024xf32, #tpu.memory_space<vmem>>, vector<16xf32>,
          %parallel_loop3A_323 = tpu.vector_load_idx %arg7[%parallel_loop3A_314, %get3A_166] : memref<8x2048xf32, #tpu.memory_space<vmem>>[vector<16xi32>, vector<16xi32>], vector<16xf32>,
          %parallel_loop3A_324 = arith.index_cast %parallel_loop3A_313 : i32 to index
          %parallel_loop3A_325 = arith.constant 32 : index
          %parallel_loop3A_326 = tpu.vector_load %arg9[%parallel_loop3A_324, %parallel_loop3A_325] {strides = array<i32>} : memref<8x1024xf32, #tpu.memory_space<vmem>>, vector<16xf32>,
          tpu.vector_store %arg9[%parallel_loop3A_324, %parallel_loop3A_325], %parallel_loop3A_323 {strides = array<i32>} : memref<8x1024xf32, #tpu.memory_space<vmem>>, vector<16xf32>,
          %parallel_loop3A_327 = tpu.vector_load_idx %arg7[%parallel_loop3A_314, %get3A_168] : memref<8x2048xf32, #tpu.memory_space<vmem>>[vector<16xi32>, vector<16xi32>], vector<16xf32>,
          %parallel_loop3A_328 = arith.index_cast %parallel_loop3A_313 : i32 to index
          %parallel_loop3A_329 = arith.constant 48 : index
          %parallel_loop3A_330 = tpu.vector_load %arg9[%parallel_loop3A_328, %parallel_loop3A_329] {strides = array<i32>} : memref<8x1024xf32, #tpu.memory_space<vmem>>, vector<16xf32>,
          tpu.vector_store %arg9[%parallel_loop3A_328, %parallel_loop3A_329], %parallel_loop3A_327 {strides = array<i32>} : memref<8x1024xf32, #tpu.memory_space<vmem>>, vector<16xf32>,
          %parallel_loop3A_331 = tpu.vector_load_idx %arg7[%parallel_loop3A_314, %get3A_170] : memref<8x2048xf32, #tpu.memory_space<vmem>>[vector<16xi32>, vector<16xi32>], vector<16xf32>,
          %parallel_loop3A_332 = arith.index_cast %parallel_loop3A_313 : i32 to index
          %parallel_loop3A_333 = arith.constant 64 : index
          %parallel_loop3A_334 = tpu.vector_load %arg9[%parallel_loop3A_332, %parallel_loop3A_333] {strides = array<i32>} : memref<8x1024xf32, #tpu.memory_space<vmem>>, vector<16xf32>,
          tpu.vector_store %arg9[%parallel_loop3A_332, %parallel_loop3A_333], %parallel_loop3A_331 {strides = array<i32>} : memref<8x1024xf32, #tpu.memory_space<vmem>>, vector<16xf32>,
          %parallel_loop3A_335 = tpu.vector_load_idx %arg7[%parallel_loop3A_314, %get3A_172] : memref<8x2048xf32, #tpu.memory_space<vmem>>[vector<16xi32>, vector<16xi32>], vector<16xf32>,
          %parallel_loop3A_336 = arith.index_cast %parallel_loop3A_313 : i32 to index
          %parallel_loop3A_337 = arith.constant 80 : index
          %parallel_loop3A_338 = tpu.vector_load %arg9[%parallel_loop3A_336, %parallel_loop3A_337] {strides = array<i32>} : memref<8x1024xf32, #tpu.memory_space<vmem>>, vector<16xf32>,
          tpu.vector_store %arg9[%parallel_loop3A_336, %parallel_loop3A_337], %parallel_loop3A_335 {strides = array<i32>} : memref<8x1024xf32, #tpu.memory_space<vmem>>, vector<16xf32>,
          %parallel_loop3A_339 = tpu.vector_load_idx %arg7[%parallel_loop3A_314, %get3A_174] : memref<8x2048xf32, #tpu.memory_space<vmem>>[vector<16xi32>, vector<16xi32>], vector<16xf32>,
          %parallel_loop3A_340 = arith.index_cast %parallel_loop3A_313 : i32 to index
          %parallel_loop3A_341 = arith.constant 96 : index
          %parallel_loop3A_342 = tpu.vector_load %arg9[%parallel_loop3A_340, %parallel_loop3A_341] {strides = array<i32>} : memref<8x1024xf32, #tpu.memory_space<vmem>>, vector<16xf32>,
          tpu.vector_store %arg9[%parallel_loop3A_340, %parallel_loop3A_341], %parallel_loop3A_339 {strides = array<i32>} : memref<8x1024xf32, #tpu.memory_space<vmem>>, vector<16xf32>,
          %parallel_loop3A_343 = tpu.vector_load_idx %arg7[%parallel_loop3A_314, %get3A_176] : memref<8x2048xf32, #tpu.memory_space<vmem>>[vector<16xi32>, vector<16xi32>], vector<16xf32>,
          %parallel_loop3A_344 = arith.index_cast %parallel_loop3A_313 : i32 to index
          %parallel_loop3A_345 = arith.constant 112 : index
          %parallel_loop3A_346 = tpu.vector_load %arg9[%parallel_loop3A_344, %parallel_loop3A_345] {strides = array<i32>} : memref<8x1024xf32, #tpu.memory_space<vmem>>, vector<16xf32>,
          tpu.vector_store %arg9[%parallel_loop3A_344, %parallel_loop3A_345], %parallel_loop3A_343 {strides = array<i32>} : memref<8x1024xf32, #tpu.memory_space<vmem>>, vector<16xf32>,
          %parallel_loop3A_347 = tpu.vector_load_idx %arg7[%parallel_loop3A_314, %get3A_178] : memref<8x2048xf32, #tpu.memory_space<vmem>>[vector<16xi32>, vector<16xi32>], vector<16xf32>,
          %parallel_loop3A_348 = arith.index_cast %parallel_loop3A_313 : i32 to index
          %parallel_loop3A_349 = arith.constant 128 : index
          %parallel_loop3A_350 = tpu.vector_load %arg9[%parallel_loop3A_348, %parallel_loop3A_349] {strides = array<i32>} : memref<8x1024xf32, #tpu.memory_space<vmem>>, vector<16xf32>,
          tpu.vector_store %arg9[%parallel_loop3A_348, %parallel_loop3A_349], %parallel_loop3A_347 {strides = array<i32>} : memref<8x1024xf32, #tpu.memory_space<vmem>>, vector<16xf32>,
          %parallel_loop3A_351 = tpu.vector_load_idx %arg7[%parallel_loop3A_314, %get3A_180] : memref<8x2048xf32, #tpu.memory_space<vmem>>[vector<16xi32>, vector<16xi32>], vector<16xf32>,
          %parallel_loop3A_352 = arith.index_cast %parallel_loop3A_313 : i32 to index
          %parallel_loop3A_353 = arith.constant 144 : index
          %parallel_loop3A_354 = tpu.vector_load %arg9[%parallel_loop3A_352, %parallel_loop3A_353] {strides = array<i32>} : memref<8x1024xf32, #tpu.memory_space<vmem>>, vector<16xf32>,
          tpu.vector_store %arg9[%parallel_loop3A_352, %parallel_loop3A_353], %parallel_loop3A_351 {strides = array<i32>} : memref<8x1024xf32, #tpu.memory_space<vmem>>, vector<16xf32>,
          %parallel_loop3A_355 = tpu.vector_load_idx %arg7[%parallel_loop3A_314, %get3A_182] : memref<8x2048xf32, #tpu.memory_space<vmem>>[vector<16xi32>, vector<16xi32>], vector<16xf32>,
          %parallel_loop3A_356 = arith.index_cast %parallel_loop3A_313 : i32 to index
          %parallel_loop3A_357 = arith.constant 160 : index
          %parallel_loop3A_358 = tpu.vector_load %arg9[%parallel_loop3A_356, %parallel_loop3A_357] {strides = array<i32>} : memref<8x1024xf32, #tpu.memory_space<vmem>>, vector<16xf32>,
          tpu.vector_store %arg9[%parallel_loop3A_356, %parallel_loop3A_357], %parallel_loop3A_355 {strides = array<i32>} : memref<8x1024xf32, #tpu.memory_space<vmem>>, vector<16xf32>,
          %parallel_loop3A_359 = tpu.vector_load_idx %arg7[%parallel_loop3A_314, %get3A_184] : memref<8x2048xf32, #tpu.memory_space<vmem>>[vector<16xi32>, vector<16xi32>], vector<16xf32>,
          %parallel_loop3A_360 = arith.index_cast %parallel_loop3A_313 : i32 to index
          %parallel_loop3A_361 = arith.constant 176 : index
          %parallel_loop3A_362 = tpu.vector_load %arg9[%parallel_loop3A_360, %parallel_loop3A_361] {strides = array<i32>} : memref<8x1024xf32, #tpu.memory_space<vmem>>, vector<16xf32>,
          tpu.vector_store %arg9[%parallel_loop3A_360, %parallel_loop3A_361], %parallel_loop3A_359 {strides = array<i32>} : memref<8x1024xf32, #tpu.memory_space<vmem>>, vector<16xf32>,
          %parallel_loop3A_363 = tpu.vector_load_idx %arg7[%parallel_loop3A_314, %get3A_186] : memref<8x2048xf32, #tpu.memory_space<vmem>>[vector<16xi32>, vector<16xi32>], vector<16xf32>,
          %parallel_loop3A_364 = arith.index_cast %parallel_loop3A_313 : i32 to index
          %parallel_loop3A_365 = arith.constant 192 : index
          %parallel_loop3A_366 = tpu.vector_load %arg9[%parallel_loop3A_364, %parallel_loop3A_365] {strides = array<i32>} : memref<8x1024xf32, #tpu.memory_space<vmem>>, vector<16xf32>,
          tpu.vector_store %arg9[%parallel_loop3A_364, %parallel_loop3A_365], %parallel_loop3A_363 {strides = array<i32>} : memref<8x1024xf32, #tpu.memory_space<vmem>>, vector<16xf32>,
          %parallel_loop3A_367 = tpu.vector_load_idx %arg7[%parallel_loop3A_314, %get3A_188] : memref<8x2048xf32, #tpu.memory_space<vmem>>[vector<16xi32>, vector<16xi32>], vector<16xf32>,
          %parallel_loop3A_368 = arith.index_cast %parallel_loop3A_313 : i32 to index
          %parallel_loop3A_369 = arith.constant 208 : index
          %parallel_loop3A_370 = tpu.vector_load %arg9[%parallel_loop3A_368, %parallel_loop3A_369] {strides = array<i32>} : memref<8x1024xf32, #tpu.memory_space<vmem>>, vector<16xf32>,
          tpu.vector_store %arg9[%parallel_loop3A_368, %parallel_loop3A_369], %parallel_loop3A_367 {strides = array<i32>} : memref<8x1024xf32, #tpu.memory_space<vmem>>, vector<16xf32>,
          %parallel_loop3A_371 = tpu.vector_load_idx %arg7[%parallel_loop3A_314, %get3A_190] : memref<8x2048xf32, #tpu.memory_space<vmem>>[vector<16xi32>, vector<16xi32>], vector<16xf32>,
          %parallel_loop3A_372 = arith.index_cast %parallel_loop3A_313 : i32 to index
          %parallel_loop3A_373 = arith.constant 224 : index
          %parallel_loop3A_374 = tpu.vector_load %arg9[%parallel_loop3A_372, %parallel_loop3A_373] {strides = array<i32>} : memref<8x1024xf32, #tpu.memory_space<vmem>>, vector<16xf32>,
          tpu.vector_store %arg9[%parallel_loop3A_372, %parallel_loop3A_373], %parallel_loop3A_371 {strides = array<i32>} : memref<8x1024xf32, #tpu.memory_space<vmem>>, vector<16xf32>,
          %parallel_loop3A_375 = tpu.vector_load_idx %arg7[%parallel_loop3A_314, %get3A_192] : memref<8x2048xf32, #tpu.memory_space<vmem>>[vector<16xi32>, vector<16xi32>], vector<16xf32>,
          %parallel_loop3A_376 = arith.index_cast %parallel_loop3A_313 : i32 to index
          %parallel_loop3A_377 = arith.constant 240 : index
          %parallel_loop3A_378 = tpu.vector_load %arg9[%parallel_loop3A_376, %parallel_loop3A_377] {strides = array<i32>} : memref<8x1024xf32, #tpu.memory_space<vmem>>, vector<16xf32>,
          tpu.vector_store %arg9[%parallel_loop3A_376, %parallel_loop3A_377], %parallel_loop3A_375 {strides = array<i32>} : memref<8x1024xf32, #tpu.memory_space<vmem>>, vector<16xf32>,
        } {sc.loop_unroll_factor = 8 : i64, sc.parallel_access}
        %get3A_195 = arith.constant 256 : index
        %get3A_196 = tpu.vector_load %arg5[%get3A_195] {strides = array<i32>} : memref<1024xi32, #tpu.memory_space<vmem>>, vector<16xi32>,
        %get3A_197 = arith.constant 272 : index
        %get3A_198 = tpu.vector_load %arg5[%get3A_197] {strides = array<i32>} : memref<1024xi32, #tpu.memory_space<vmem>>, vector<16xi32>,
        %get3A_199 = arith.constant 288 : index
        %get3A_200 = tpu.vector_load %arg5[%get3A_199] {strides = array<i32>} : memref<1024xi32, #tpu.memory_space<vmem>>, vector<16xi32>,
        %get3A_201 = arith.constant 304 : index
        %get3A_202 = tpu.vector_load %arg5[%get3A_201] {strides = array<i32>} : memref<1024xi32, #tpu.memory_space<vmem>>, vector<16xi32>,
        %get3A_203 = arith.constant 320 : index
        %get3A_204 = tpu.vector_load %arg5[%get3A_203] {strides = array<i32>} : memref<1024xi32, #tpu.memory_space<vmem>>, vector<16xi32>,
        %get3A_205 = arith.constant 336 : index
        %get3A_206 = tpu.vector_load %arg5[%get3A_205] {strides = array<i32>} : memref<1024xi32, #tpu.memory_space<vmem>>, vector<16xi32>,
        %get3A_207 = arith.constant 352 : index
        %get3A_208 = tpu.vector_load %arg5[%get3A_207] {strides = array<i32>} : memref<1024xi32, #tpu.memory_space<vmem>>, vector<16xi32>,
        %get3A_209 = arith.constant 368 : index
        %get3A_210 = tpu.vector_load %arg5[%get3A_209] {strides = array<i32>} : memref<1024xi32, #tpu.memory_space<vmem>>, vector<16xi32>,
        %get3A_211 = arith.constant 384 : index
        %get3A_212 = tpu.vector_load %arg5[%get3A_211] {strides = array<i32>} : memref<1024xi32, #tpu.memory_space<vmem>>, vector<16xi32>,
        %get3A_213 = arith.constant 400 : index
        %get3A_214 = tpu.vector_load %arg5[%get3A_213] {strides = array<i32>} : memref<1024xi32, #tpu.memory_space<vmem>>, vector<16xi32>,
        %get3A_215 = arith.constant 416 : index
        %get3A_216 = tpu.vector_load %arg5[%get3A_215] {strides = array<i32>} : memref<1024xi32, #tpu.memory_space<vmem>>, vector<16xi32>,
        %get3A_217 = arith.constant 432 : index
        %get3A_218 = tpu.vector_load %arg5[%get3A_217] {strides = array<i32>} : memref<1024xi32, #tpu.memory_space<vmem>>, vector<16xi32>,
        %get3A_219 = arith.constant 448 : index
        %get3A_220 = tpu.vector_load %arg5[%get3A_219] {strides = array<i32>} : memref<1024xi32, #tpu.memory_space<vmem>>, vector<16xi32>,
        %get3A_221 = arith.constant 464 : index
        %get3A_222 = tpu.vector_load %arg5[%get3A_221] {strides = array<i32>} : memref<1024xi32, #tpu.memory_space<vmem>>, vector<16xi32>,
        %get3A_223 = arith.constant 480 : index
        %get3A_224 = tpu.vector_load %arg5[%get3A_223] {strides = array<i32>} : memref<1024xi32, #tpu.memory_space<vmem>>, vector<16xi32>,
        %get3A_225 = arith.constant 496 : index
        %get3A_226 = tpu.vector_load %arg5[%get3A_225] {strides = array<i32>} : memref<1024xi32, #tpu.memory_space<vmem>>, vector<16xi32>,
        %parallel_loop3A_227 = arith.constant 0 : i32
        %parallel_loop3A_228 = arith.constant 8 : i32
        %parallel_loop3A_229 = arith.constant 1 : i32
        scf.for %parallel_loop3A_313 = %parallel_loop3A_227 to %parallel_loop3A_228 step %parallel_loop3A_229  : i32 {
          %parallel_loop3A_314 = vector.broadcast %parallel_loop3A_313 : i32 to vector<16xi32>
          %parallel_loop3A_315 = tpu.vector_load_idx %arg7[%parallel_loop3A_314, %get3A_196] : memref<8x2048xf32, #tpu.memory_space<vmem>>[vector<16xi32>, vector<16xi32>], vector<16xf32>,
          %parallel_loop3A_316 = arith.index_cast %parallel_loop3A_313 : i32 to index
          %parallel_loop3A_317 = arith.constant 256 : index
          %parallel_loop3A_318 = tpu.vector_load %arg9[%parallel_loop3A_316, %parallel_loop3A_317] {strides = array<i32>} : memref<8x1024xf32, #tpu.memory_space<vmem>>, vector<16xf32>,
          tpu.vector_store %arg9[%parallel_loop3A_316, %parallel_loop3A_317], %parallel_loop3A_315 {strides = array<i32>} : memref<8x1024xf32, #tpu.memory_space<vmem>>, vector<16xf32>,
          %parallel_loop3A_319 = tpu.vector_load_idx %arg7[%parallel_loop3A_314, %get3A_198] : memref<8x2048xf32, #tpu.memory_space<vmem>>[vector<16xi32>, vector<16xi32>], vector<16xf32>,
          %parallel_loop3A_320 = arith.index_cast %parallel_loop3A_313 : i32 to index
          %parallel_loop3A_321 = arith.constant 272 : index
          %parallel_loop3A_322 = tpu.vector_load %arg9[%parallel_loop3A_320, %parallel_loop3A_321] {strides = array<i32>} : memref<8x1024xf32, #tpu.memory_space<vmem>>, vector<16xf32>,
          tpu.vector_store %arg9[%parallel_loop3A_320, %parallel_loop3A_321], %parallel_loop3A_319 {strides = array<i32>} : memref<8x1024xf32, #tpu.memory_space<vmem>>, vector<16xf32>,
          %parallel_loop3A_323 = tpu.vector_load_idx %arg7[%parallel_loop3A_314, %get3A_200] : memref<8x2048xf32, #tpu.memory_space<vmem>>[vector<16xi32>, vector<16xi32>], vector<16xf32>,
          %parallel_loop3A_324 = arith.index_cast %parallel_loop3A_313 : i32 to index
          %parallel_loop3A_325 = arith.constant 288 : index
          %parallel_loop3A_326 = tpu.vector_load %arg9[%parallel_loop3A_324, %parallel_loop3A_325] {strides = array<i32>} : memref<8x1024xf32, #tpu.memory_space<vmem>>, vector<16xf32>,
          tpu.vector_store %arg9[%parallel_loop3A_324, %parallel_loop3A_325], %parallel_loop3A_323 {strides = array<i32>} : memref<8x1024xf32, #tpu.memory_space<vmem>>, vector<16xf32>,
          %parallel_loop3A_327 = tpu.vector_load_idx %arg7[%parallel_loop3A_314, %get3A_202] : memref<8x2048xf32, #tpu.memory_space<vmem>>[vector<16xi32>, vector<16xi32>], vector<16xf32>,
          %parallel_loop3A_328 = arith.index_cast %parallel_loop3A_313 : i32 to index
          %parallel_loop3A_329 = arith.constant 304 : index
          %parallel_loop3A_330 = tpu.vector_load %arg9[%parallel_loop3A_328, %parallel_loop3A_329] {strides = array<i32>} : memref<8x1024xf32, #tpu.memory_space<vmem>>, vector<16xf32>,
          tpu.vector_store %arg9[%parallel_loop3A_328, %parallel_loop3A_329], %parallel_loop3A_327 {strides = array<i32>} : memref<8x1024xf32, #tpu.memory_space<vmem>>, vector<16xf32>,
          %parallel_loop3A_331 = tpu.vector_load_idx %arg7[%parallel_loop3A_314, %get3A_204] : memref<8x2048xf32, #tpu.memory_space<vmem>>[vector<16xi32>, vector<16xi32>], vector<16xf32>,
          %parallel_loop3A_332 = arith.index_cast %parallel_loop3A_313 : i32 to index
          %parallel_loop3A_333 = arith.constant 320 : index
          %parallel_loop3A_334 = tpu.vector_load %arg9[%parallel_loop3A_332, %parallel_loop3A_333] {strides = array<i32>} : memref<8x1024xf32, #tpu.memory_space<vmem>>, vector<16xf32>,
          tpu.vector_store %arg9[%parallel_loop3A_332, %parallel_loop3A_333], %parallel_loop3A_331 {strides = array<i32>} : memref<8x1024xf32, #tpu.memory_space<vmem>>, vector<16xf32>,
          %parallel_loop3A_335 = tpu.vector_load_idx %arg7[%parallel_loop3A_314, %get3A_206] : memref<8x2048xf32, #tpu.memory_space<vmem>>[vector<16xi32>, vector<16xi32>], vector<16xf32>,
          %parallel_loop3A_336 = arith.index_cast %parallel_loop3A_313 : i32 to index
          %parallel_loop3A_337 = arith.constant 336 : index
          %parallel_loop3A_338 = tpu.vector_load %arg9[%parallel_loop3A_336, %parallel_loop3A_337] {strides = array<i32>} : memref<8x1024xf32, #tpu.memory_space<vmem>>, vector<16xf32>,
          tpu.vector_store %arg9[%parallel_loop3A_336, %parallel_loop3A_337], %parallel_loop3A_335 {strides = array<i32>} : memref<8x1024xf32, #tpu.memory_space<vmem>>, vector<16xf32>,
          %parallel_loop3A_339 = tpu.vector_load_idx %arg7[%parallel_loop3A_314, %get3A_208] : memref<8x2048xf32, #tpu.memory_space<vmem>>[vector<16xi32>, vector<16xi32>], vector<16xf32>,
          %parallel_loop3A_340 = arith.index_cast %parallel_loop3A_313 : i32 to index
          %parallel_loop3A_341 = arith.constant 352 : index
          %parallel_loop3A_342 = tpu.vector_load %arg9[%parallel_loop3A_340, %parallel_loop3A_341] {strides = array<i32>} : memref<8x1024xf32, #tpu.memory_space<vmem>>, vector<16xf32>,
          tpu.vector_store %arg9[%parallel_loop3A_340, %parallel_loop3A_341], %parallel_loop3A_339 {strides = array<i32>} : memref<8x1024xf32, #tpu.memory_space<vmem>>, vector<16xf32>,
          %parallel_loop3A_343 = tpu.vector_load_idx %arg7[%parallel_loop3A_314, %get3A_210] : memref<8x2048xf32, #tpu.memory_space<vmem>>[vector<16xi32>, vector<16xi32>], vector<16xf32>,
          %parallel_loop3A_344 = arith.index_cast %parallel_loop3A_313 : i32 to index
          %parallel_loop3A_345 = arith.constant 368 : index
          %parallel_loop3A_346 = tpu.vector_load %arg9[%parallel_loop3A_344, %parallel_loop3A_345] {strides = array<i32>} : memref<8x1024xf32, #tpu.memory_space<vmem>>, vector<16xf32>,
          tpu.vector_store %arg9[%parallel_loop3A_344, %parallel_loop3A_345], %parallel_loop3A_343 {strides = array<i32>} : memref<8x1024xf32, #tpu.memory_space<vmem>>, vector<16xf32>,
          %parallel_loop3A_347 = tpu.vector_load_idx %arg7[%parallel_loop3A_314, %get3A_212] : memref<8x2048xf32, #tpu.memory_space<vmem>>[vector<16xi32>, vector<16xi32>], vector<16xf32>,
          %parallel_loop3A_348 = arith.index_cast %parallel_loop3A_313 : i32 to index
          %parallel_loop3A_349 = arith.constant 384 : index
          %parallel_loop3A_350 = tpu.vector_load %arg9[%parallel_loop3A_348, %parallel_loop3A_349] {strides = array<i32>} : memref<8x1024xf32, #tpu.memory_space<vmem>>, vector<16xf32>,
          tpu.vector_store %arg9[%parallel_loop3A_348, %parallel_loop3A_349], %parallel_loop3A_347 {strides = array<i32>} : memref<8x1024xf32, #tpu.memory_space<vmem>>, vector<16xf32>,
          %parallel_loop3A_351 = tpu.vector_load_idx %arg7[%parallel_loop3A_314, %get3A_214] : memref<8x2048xf32, #tpu.memory_space<vmem>>[vector<16xi32>, vector<16xi32>], vector<16xf32>,
          %parallel_loop3A_352 = arith.index_cast %parallel_loop3A_313 : i32 to index
          %parallel_loop3A_353 = arith.constant 400 : index
          %parallel_loop3A_354 = tpu.vector_load %arg9[%parallel_loop3A_352, %parallel_loop3A_353] {strides = array<i32>} : memref<8x1024xf32, #tpu.memory_space<vmem>>, vector<16xf32>,
          tpu.vector_store %arg9[%parallel_loop3A_352, %parallel_loop3A_353], %parallel_loop3A_351 {strides = array<i32>} : memref<8x1024xf32, #tpu.memory_space<vmem>>, vector<16xf32>,
          %parallel_loop3A_355 = tpu.vector_load_idx %arg7[%parallel_loop3A_314, %get3A_216] : memref<8x2048xf32, #tpu.memory_space<vmem>>[vector<16xi32>, vector<16xi32>], vector<16xf32>,
          %parallel_loop3A_356 = arith.index_cast %parallel_loop3A_313 : i32 to index
          %parallel_loop3A_357 = arith.constant 416 : index
          %parallel_loop3A_358 = tpu.vector_load %arg9[%parallel_loop3A_356, %parallel_loop3A_357] {strides = array<i32>} : memref<8x1024xf32, #tpu.memory_space<vmem>>, vector<16xf32>,
          tpu.vector_store %arg9[%parallel_loop3A_356, %parallel_loop3A_357], %parallel_loop3A_355 {strides = array<i32>} : memref<8x1024xf32, #tpu.memory_space<vmem>>, vector<16xf32>,
          %parallel_loop3A_359 = tpu.vector_load_idx %arg7[%parallel_loop3A_314, %get3A_218] : memref<8x2048xf32, #tpu.memory_space<vmem>>[vector<16xi32>, vector<16xi32>], vector<16xf32>,
          %parallel_loop3A_360 = arith.index_cast %parallel_loop3A_313 : i32 to index
          %parallel_loop3A_361 = arith.constant 432 : index
          %parallel_loop3A_362 = tpu.vector_load %arg9[%parallel_loop3A_360, %parallel_loop3A_361] {strides = array<i32>} : memref<8x1024xf32, #tpu.memory_space<vmem>>, vector<16xf32>,
          tpu.vector_store %arg9[%parallel_loop3A_360, %parallel_loop3A_361], %parallel_loop3A_359 {strides = array<i32>} : memref<8x1024xf32, #tpu.memory_space<vmem>>, vector<16xf32>,
          %parallel_loop3A_363 = tpu.vector_load_idx %arg7[%parallel_loop3A_314, %get3A_220] : memref<8x2048xf32, #tpu.memory_space<vmem>>[vector<16xi32>, vector<16xi32>], vector<16xf32>,
          %parallel_loop3A_364 = arith.index_cast %parallel_loop3A_313 : i32 to index
          %parallel_loop3A_365 = arith.constant 448 : index
          %parallel_loop3A_366 = tpu.vector_load %arg9[%parallel_loop3A_364, %parallel_loop3A_365] {strides = array<i32>} : memref<8x1024xf32, #tpu.memory_space<vmem>>, vector<16xf32>,
          tpu.vector_store %arg9[%parallel_loop3A_364, %parallel_loop3A_365], %parallel_loop3A_363 {strides = array<i32>} : memref<8x1024xf32, #tpu.memory_space<vmem>>, vector<16xf32>,
          %parallel_loop3A_367 = tpu.vector_load_idx %arg7[%parallel_loop3A_314, %get3A_222] : memref<8x2048xf32, #tpu.memory_space<vmem>>[vector<16xi32>, vector<16xi32>], vector<16xf32>,
          %parallel_loop3A_368 = arith.index_cast %parallel_loop3A_313 : i32 to index
          %parallel_loop3A_369 = arith.constant 464 : index
          %parallel_loop3A_370 = tpu.vector_load %arg9[%parallel_loop3A_368, %parallel_loop3A_369] {strides = array<i32>} : memref<8x1024xf32, #tpu.memory_space<vmem>>, vector<16xf32>,
          tpu.vector_store %arg9[%parallel_loop3A_368, %parallel_loop3A_369], %parallel_loop3A_367 {strides = array<i32>} : memref<8x1024xf32, #tpu.memory_space<vmem>>, vector<16xf32>,
          %parallel_loop3A_371 = tpu.vector_load_idx %arg7[%parallel_loop3A_314, %get3A_224] : memref<8x2048xf32, #tpu.memory_space<vmem>>[vector<16xi32>, vector<16xi32>], vector<16xf32>,
          %parallel_loop3A_372 = arith.index_cast %parallel_loop3A_313 : i32 to index
          %parallel_loop3A_373 = arith.constant 480 : index
          %parallel_loop3A_374 = tpu.vector_load %arg9[%parallel_loop3A_372, %parallel_loop3A_373] {strides = array<i32>} : memref<8x1024xf32, #tpu.memory_space<vmem>>, vector<16xf32>,
          tpu.vector_store %arg9[%parallel_loop3A_372, %parallel_loop3A_373], %parallel_loop3A_371 {strides = array<i32>} : memref<8x1024xf32, #tpu.memory_space<vmem>>, vector<16xf32>,
          %parallel_loop3A_375 = tpu.vector_load_idx %arg7[%parallel_loop3A_314, %get3A_226] : memref<8x2048xf32, #tpu.memory_space<vmem>>[vector<16xi32>, vector<16xi32>], vector<16xf32>,
          %parallel_loop3A_376 = arith.index_cast %parallel_loop3A_313 : i32 to index
          %parallel_loop3A_377 = arith.constant 496 : index
          %parallel_loop3A_378 = tpu.vector_load %arg9[%parallel_loop3A_376, %parallel_loop3A_377] {strides = array<i32>} : memref<8x1024xf32, #tpu.memory_space<vmem>>, vector<16xf32>,
          tpu.vector_store %arg9[%parallel_loop3A_376, %parallel_loop3A_377], %parallel_loop3A_375 {strides = array<i32>} : memref<8x1024xf32, #tpu.memory_space<vmem>>, vector<16xf32>,
        } {sc.loop_unroll_factor = 8 : i64, sc.parallel_access}
        %get3A_230 = arith.constant 512 : index
        %get3A_231 = tpu.vector_load %arg5[%get3A_230] {strides = array<i32>} : memref<1024xi32, #tpu.memory_space<vmem>>, vector<16xi32>,
        %get3A_232 = arith.constant 528 : index
        %get3A_233 = tpu.vector_load %arg5[%get3A_232] {strides = array<i32>} : memref<1024xi32, #tpu.memory_space<vmem>>, vector<16xi32>,
        %get3A_234 = arith.constant 544 : index
        %get3A_235 = tpu.vector_load %arg5[%get3A_234] {strides = array<i32>} : memref<1024xi32, #tpu.memory_space<vmem>>, vector<16xi32>,
        %get3A_236 = arith.constant 560 : index
        %get3A_237 = tpu.vector_load %arg5[%get3A_236] {strides = array<i32>} : memref<1024xi32, #tpu.memory_space<vmem>>, vector<16xi32>,
        %get3A_238 = arith.constant 576 : index
        %get3A_239 = tpu.vector_load %arg5[%get3A_238] {strides = array<i32>} : memref<1024xi32, #tpu.memory_space<vmem>>, vector<16xi32>,
        %get3A_240 = arith.constant 592 : index
        %get3A_241 = tpu.vector_load %arg5[%get3A_240] {strides = array<i32>} : memref<1024xi32, #tpu.memory_space<vmem>>, vector<16xi32>,
        %get3A_242 = arith.constant 608 : index
        %get3A_243 = tpu.vector_load %arg5[%get3A_242] {strides = array<i32>} : memref<1024xi32, #tpu.memory_space<vmem>>, vector<16xi32>,
        %get3A_244 = arith.constant 624 : index
        %get3A_245 = tpu.vector_load %arg5[%get3A_244] {strides = array<i32>} : memref<1024xi32, #tpu.memory_space<vmem>>, vector<16xi32>,
        %get3A_246 = arith.constant 640 : index
        %get3A_247 = tpu.vector_load %arg5[%get3A_246] {strides = array<i32>} : memref<1024xi32, #tpu.memory_space<vmem>>, vector<16xi32>,
        %get3A_248 = arith.constant 656 : index
        %get3A_249 = tpu.vector_load %arg5[%get3A_248] {strides = array<i32>} : memref<1024xi32, #tpu.memory_space<vmem>>, vector<16xi32>,
        %get3A_250 = arith.constant 672 : index
        %get3A_251 = tpu.vector_load %arg5[%get3A_250] {strides = array<i32>} : memref<1024xi32, #tpu.memory_space<vmem>>, vector<16xi32>,
        %get3A_252 = arith.constant 688 : index
        %get3A_253 = tpu.vector_load %arg5[%get3A_252] {strides = array<i32>} : memref<1024xi32, #tpu.memory_space<vmem>>, vector<16xi32>,
        %get3A_254 = arith.constant 704 : index
        %get3A_255 = tpu.vector_load %arg5[%get3A_254] {strides = array<i32>} : memref<1024xi32, #tpu.memory_space<vmem>>, vector<16xi32>,
        %get3A_256 = arith.constant 720 : index
        %get3A_257 = tpu.vector_load %arg5[%get3A_256] {strides = array<i32>} : memref<1024xi32, #tpu.memory_space<vmem>>, vector<16xi32>,
        %get3A_258 = arith.constant 736 : index
        %get3A_259 = tpu.vector_load %arg5[%get3A_258] {strides = array<i32>} : memref<1024xi32, #tpu.memory_space<vmem>>, vector<16xi32>,
        %get3A_260 = arith.constant 752 : index
        %get3A_261 = tpu.vector_load %arg5[%get3A_260] {strides = array<i32>} : memref<1024xi32, #tpu.memory_space<vmem>>, vector<16xi32>,
        %parallel_loop3A_262 = arith.constant 0 : i32
        %parallel_loop3A_263 = arith.constant 8 : i32
        %parallel_loop3A_264 = arith.constant 1 : i32
        scf.for %parallel_loop3A_313 = %parallel_loop3A_262 to %parallel_loop3A_263 step %parallel_loop3A_264  : i32 {
          %parallel_loop3A_314 = vector.broadcast %parallel_loop3A_313 : i32 to vector<16xi32>
          %parallel_loop3A_315 = tpu.vector_load_idx %arg7[%parallel_loop3A_314, %get3A_231] : memref<8x2048xf32, #tpu.memory_space<vmem>>[vector<16xi32>, vector<16xi32>], vector<16xf32>,
          %parallel_loop3A_316 = arith.index_cast %parallel_loop3A_313 : i32 to index
          %parallel_loop3A_317 = arith.constant 512 : index
          %parallel_loop3A_318 = tpu.vector_load %arg9[%parallel_loop3A_316, %parallel_loop3A_317] {strides = array<i32>} : memref<8x1024xf32, #tpu.memory_space<vmem>>, vector<16xf32>,
          tpu.vector_store %arg9[%parallel_loop3A_316, %parallel_loop3A_317], %parallel_loop3A_315 {strides = array<i32>} : memref<8x1024xf32, #tpu.memory_space<vmem>>, vector<16xf32>,
          %parallel_loop3A_319 = tpu.vector_load_idx %arg7[%parallel_loop3A_314, %get3A_233] : memref<8x2048xf32, #tpu.memory_space<vmem>>[vector<16xi32>, vector<16xi32>], vector<16xf32>,
          %parallel_loop3A_320 = arith.index_cast %parallel_loop3A_313 : i32 to index
          %parallel_loop3A_321 = arith.constant 528 : index
          %parallel_loop3A_322 = tpu.vector_load %arg9[%parallel_loop3A_320, %parallel_loop3A_321] {strides = array<i32>} : memref<8x1024xf32, #tpu.memory_space<vmem>>, vector<16xf32>,
          tpu.vector_store %arg9[%parallel_loop3A_320, %parallel_loop3A_321], %parallel_loop3A_319 {strides = array<i32>} : memref<8x1024xf32, #tpu.memory_space<vmem>>, vector<16xf32>,
          %parallel_loop3A_323 = tpu.vector_load_idx %arg7[%parallel_loop3A_314, %get3A_235] : memref<8x2048xf32, #tpu.memory_space<vmem>>[vector<16xi32>, vector<16xi32>], vector<16xf32>,
          %parallel_loop3A_324 = arith.index_cast %parallel_loop3A_313 : i32 to index
          %parallel_loop3A_325 = arith.constant 544 : index
          %parallel_loop3A_326 = tpu.vector_load %arg9[%parallel_loop3A_324, %parallel_loop3A_325] {strides = array<i32>} : memref<8x1024xf32, #tpu.memory_space<vmem>>, vector<16xf32>,
          tpu.vector_store %arg9[%parallel_loop3A_324, %parallel_loop3A_325], %parallel_loop3A_323 {strides = array<i32>} : memref<8x1024xf32, #tpu.memory_space<vmem>>, vector<16xf32>,
          %parallel_loop3A_327 = tpu.vector_load_idx %arg7[%parallel_loop3A_314, %get3A_237] : memref<8x2048xf32, #tpu.memory_space<vmem>>[vector<16xi32>, vector<16xi32>], vector<16xf32>,
          %parallel_loop3A_328 = arith.index_cast %parallel_loop3A_313 : i32 to index
          %parallel_loop3A_329 = arith.constant 560 : index
          %parallel_loop3A_330 = tpu.vector_load %arg9[%parallel_loop3A_328, %parallel_loop3A_329] {strides = array<i32>} : memref<8x1024xf32, #tpu.memory_space<vmem>>, vector<16xf32>,
          tpu.vector_store %arg9[%parallel_loop3A_328, %parallel_loop3A_329], %parallel_loop3A_327 {strides = array<i32>} : memref<8x1024xf32, #tpu.memory_space<vmem>>, vector<16xf32>,
          %parallel_loop3A_331 = tpu.vector_load_idx %arg7[%parallel_loop3A_314, %get3A_239] : memref<8x2048xf32, #tpu.memory_space<vmem>>[vector<16xi32>, vector<16xi32>], vector<16xf32>,
          %parallel_loop3A_332 = arith.index_cast %parallel_loop3A_313 : i32 to index
          %parallel_loop3A_333 = arith.constant 576 : index
          %parallel_loop3A_334 = tpu.vector_load %arg9[%parallel_loop3A_332, %parallel_loop3A_333] {strides = array<i32>} : memref<8x1024xf32, #tpu.memory_space<vmem>>, vector<16xf32>,
          tpu.vector_store %arg9[%parallel_loop3A_332, %parallel_loop3A_333], %parallel_loop3A_331 {strides = array<i32>} : memref<8x1024xf32, #tpu.memory_space<vmem>>, vector<16xf32>,
          %parallel_loop3A_335 = tpu.vector_load_idx %arg7[%parallel_loop3A_314, %get3A_241] : memref<8x2048xf32, #tpu.memory_space<vmem>>[vector<16xi32>, vector<16xi32>], vector<16xf32>,
          %parallel_loop3A_336 = arith.index_cast %parallel_loop3A_313 : i32 to index
          %parallel_loop3A_337 = arith.constant 592 : index
          %parallel_loop3A_338 = tpu.vector_load %arg9[%parallel_loop3A_336, %parallel_loop3A_337] {strides = array<i32>} : memref<8x1024xf32, #tpu.memory_space<vmem>>, vector<16xf32>,
          tpu.vector_store %arg9[%parallel_loop3A_336, %parallel_loop3A_337], %parallel_loop3A_335 {strides = array<i32>} : memref<8x1024xf32, #tpu.memory_space<vmem>>, vector<16xf32>,
          %parallel_loop3A_339 = tpu.vector_load_idx %arg7[%parallel_loop3A_314, %get3A_243] : memref<8x2048xf32, #tpu.memory_space<vmem>>[vector<16xi32>, vector<16xi32>], vector<16xf32>,
          %parallel_loop3A_340 = arith.index_cast %parallel_loop3A_313 : i32 to index
          %parallel_loop3A_341 = arith.constant 608 : index
          %parallel_loop3A_342 = tpu.vector_load %arg9[%parallel_loop3A_340, %parallel_loop3A_341] {strides = array<i32>} : memref<8x1024xf32, #tpu.memory_space<vmem>>, vector<16xf32>,
          tpu.vector_store %arg9[%parallel_loop3A_340, %parallel_loop3A_341], %parallel_loop3A_339 {strides = array<i32>} : memref<8x1024xf32, #tpu.memory_space<vmem>>, vector<16xf32>,
          %parallel_loop3A_343 = tpu.vector_load_idx %arg7[%parallel_loop3A_314, %get3A_245] : memref<8x2048xf32, #tpu.memory_space<vmem>>[vector<16xi32>, vector<16xi32>], vector<16xf32>,
          %parallel_loop3A_344 = arith.index_cast %parallel_loop3A_313 : i32 to index
          %parallel_loop3A_345 = arith.constant 624 : index
          %parallel_loop3A_346 = tpu.vector_load %arg9[%parallel_loop3A_344, %parallel_loop3A_345] {strides = array<i32>} : memref<8x1024xf32, #tpu.memory_space<vmem>>, vector<16xf32>,
          tpu.vector_store %arg9[%parallel_loop3A_344, %parallel_loop3A_345], %parallel_loop3A_343 {strides = array<i32>} : memref<8x1024xf32, #tpu.memory_space<vmem>>, vector<16xf32>,
          %parallel_loop3A_347 = tpu.vector_load_idx %arg7[%parallel_loop3A_314, %get3A_247] : memref<8x2048xf32, #tpu.memory_space<vmem>>[vector<16xi32>, vector<16xi32>], vector<16xf32>,
          %parallel_loop3A_348 = arith.index_cast %parallel_loop3A_313 : i32 to index
          %parallel_loop3A_349 = arith.constant 640 : index
          %parallel_loop3A_350 = tpu.vector_load %arg9[%parallel_loop3A_348, %parallel_loop3A_349] {strides = array<i32>} : memref<8x1024xf32, #tpu.memory_space<vmem>>, vector<16xf32>,
          tpu.vector_store %arg9[%parallel_loop3A_348, %parallel_loop3A_349], %parallel_loop3A_347 {strides = array<i32>} : memref<8x1024xf32, #tpu.memory_space<vmem>>, vector<16xf32>,
          %parallel_loop3A_351 = tpu.vector_load_idx %arg7[%parallel_loop3A_314, %get3A_249] : memref<8x2048xf32, #tpu.memory_space<vmem>>[vector<16xi32>, vector<16xi32>], vector<16xf32>,
          %parallel_loop3A_352 = arith.index_cast %parallel_loop3A_313 : i32 to index
          %parallel_loop3A_353 = arith.constant 656 : index
          %parallel_loop3A_354 = tpu.vector_load %arg9[%parallel_loop3A_352, %parallel_loop3A_353] {strides = array<i32>} : memref<8x1024xf32, #tpu.memory_space<vmem>>, vector<16xf32>,
          tpu.vector_store %arg9[%parallel_loop3A_352, %parallel_loop3A_353], %parallel_loop3A_351 {strides = array<i32>} : memref<8x1024xf32, #tpu.memory_space<vmem>>, vector<16xf32>,
          %parallel_loop3A_355 = tpu.vector_load_idx %arg7[%parallel_loop3A_314, %get3A_251] : memref<8x2048xf32, #tpu.memory_space<vmem>>[vector<16xi32>, vector<16xi32>], vector<16xf32>,
          %parallel_loop3A_356 = arith.index_cast %parallel_loop3A_313 : i32 to index
          %parallel_loop3A_357 = arith.constant 672 : index
          %parallel_loop3A_358 = tpu.vector_load %arg9[%parallel_loop3A_356, %parallel_loop3A_357] {strides = array<i32>} : memref<8x1024xf32, #tpu.memory_space<vmem>>, vector<16xf32>,
          tpu.vector_store %arg9[%parallel_loop3A_356, %parallel_loop3A_357], %parallel_loop3A_355 {strides = array<i32>} : memref<8x1024xf32, #tpu.memory_space<vmem>>, vector<16xf32>,
          %parallel_loop3A_359 = tpu.vector_load_idx %arg7[%parallel_loop3A_314, %get3A_253] : memref<8x2048xf32, #tpu.memory_space<vmem>>[vector<16xi32>, vector<16xi32>], vector<16xf32>,
          %parallel_loop3A_360 = arith.index_cast %parallel_loop3A_313 : i32 to index
          %parallel_loop3A_361 = arith.constant 688 : index
          %parallel_loop3A_362 = tpu.vector_load %arg9[%parallel_loop3A_360, %parallel_loop3A_361] {strides = array<i32>} : memref<8x1024xf32, #tpu.memory_space<vmem>>, vector<16xf32>,
          tpu.vector_store %arg9[%parallel_loop3A_360, %parallel_loop3A_361], %parallel_loop3A_359 {strides = array<i32>} : memref<8x1024xf32, #tpu.memory_space<vmem>>, vector<16xf32>,
          %parallel_loop3A_363 = tpu.vector_load_idx %arg7[%parallel_loop3A_314, %get3A_255] : memref<8x2048xf32, #tpu.memory_space<vmem>>[vector<16xi32>, vector<16xi32>], vector<16xf32>,
          %parallel_loop3A_364 = arith.index_cast %parallel_loop3A_313 : i32 to index
          %parallel_loop3A_365 = arith.constant 704 : index
          %parallel_loop3A_366 = tpu.vector_load %arg9[%parallel_loop3A_364, %parallel_loop3A_365] {strides = array<i32>} : memref<8x1024xf32, #tpu.memory_space<vmem>>, vector<16xf32>,
          tpu.vector_store %arg9[%parallel_loop3A_364, %parallel_loop3A_365], %parallel_loop3A_363 {strides = array<i32>} : memref<8x1024xf32, #tpu.memory_space<vmem>>, vector<16xf32>,
          %parallel_loop3A_367 = tpu.vector_load_idx %arg7[%parallel_loop3A_314, %get3A_257] : memref<8x2048xf32, #tpu.memory_space<vmem>>[vector<16xi32>, vector<16xi32>], vector<16xf32>,
          %parallel_loop3A_368 = arith.index_cast %parallel_loop3A_313 : i32 to index
          %parallel_loop3A_369 = arith.constant 720 : index
          %parallel_loop3A_370 = tpu.vector_load %arg9[%parallel_loop3A_368, %parallel_loop3A_369] {strides = array<i32>} : memref<8x1024xf32, #tpu.memory_space<vmem>>, vector<16xf32>,
          tpu.vector_store %arg9[%parallel_loop3A_368, %parallel_loop3A_369], %parallel_loop3A_367 {strides = array<i32>} : memref<8x1024xf32, #tpu.memory_space<vmem>>, vector<16xf32>,
          %parallel_loop3A_371 = tpu.vector_load_idx %arg7[%parallel_loop3A_314, %get3A_259] : memref<8x2048xf32, #tpu.memory_space<vmem>>[vector<16xi32>, vector<16xi32>], vector<16xf32>,
          %parallel_loop3A_372 = arith.index_cast %parallel_loop3A_313 : i32 to index
          %parallel_loop3A_373 = arith.constant 736 : index
          %parallel_loop3A_374 = tpu.vector_load %arg9[%parallel_loop3A_372, %parallel_loop3A_373] {strides = array<i32>} : memref<8x1024xf32, #tpu.memory_space<vmem>>, vector<16xf32>,
          tpu.vector_store %arg9[%parallel_loop3A_372, %parallel_loop3A_373], %parallel_loop3A_371 {strides = array<i32>} : memref<8x1024xf32, #tpu.memory_space<vmem>>, vector<16xf32>,
          %parallel_loop3A_375 = tpu.vector_load_idx %arg7[%parallel_loop3A_314, %get3A_261] : memref<8x2048xf32, #tpu.memory_space<vmem>>[vector<16xi32>, vector<16xi32>], vector<16xf32>,
          %parallel_loop3A_376 = arith.index_cast %parallel_loop3A_313 : i32 to index
          %parallel_loop3A_377 = arith.constant 752 : index
          %parallel_loop3A_378 = tpu.vector_load %arg9[%parallel_loop3A_376, %parallel_loop3A_377] {strides = array<i32>} : memref<8x1024xf32, #tpu.memory_space<vmem>>, vector<16xf32>,
          tpu.vector_store %arg9[%parallel_loop3A_376, %parallel_loop3A_377], %parallel_loop3A_375 {strides = array<i32>} : memref<8x1024xf32, #tpu.memory_space<vmem>>, vector<16xf32>,
        } {sc.loop_unroll_factor = 8 : i64, sc.parallel_access}
        %get3A_265 = arith.constant 768 : index
        %get3A_266 = tpu.vector_load %arg5[%get3A_265] {strides = array<i32>} : memref<1024xi32, #tpu.memory_space<vmem>>, vector<16xi32>,
        %get3A_267 = arith.constant 784 : index
        %get3A_268 = tpu.vector_load %arg5[%get3A_267] {strides = array<i32>} : memref<1024xi32, #tpu.memory_space<vmem>>, vector<16xi32>,
        %get3A_269 = arith.constant 800 : index
        %get3A_270 = tpu.vector_load %arg5[%get3A_269] {strides = array<i32>} : memref<1024xi32, #tpu.memory_space<vmem>>, vector<16xi32>,
        %get3A_271 = arith.constant 816 : index
        %get3A_272 = tpu.vector_load %arg5[%get3A_271] {strides = array<i32>} : memref<1024xi32, #tpu.memory_space<vmem>>, vector<16xi32>,
        %get3A_273 = arith.constant 832 : index
        %get3A_274 = tpu.vector_load %arg5[%get3A_273] {strides = array<i32>} : memref<1024xi32, #tpu.memory_space<vmem>>, vector<16xi32>,
        %get3A_275 = arith.constant 848 : index
        %get3A_276 = tpu.vector_load %arg5[%get3A_275] {strides = array<i32>} : memref<1024xi32, #tpu.memory_space<vmem>>, vector<16xi32>,
        %get3A_277 = arith.constant 864 : index
        %get3A_278 = tpu.vector_load %arg5[%get3A_277] {strides = array<i32>} : memref<1024xi32, #tpu.memory_space<vmem>>, vector<16xi32>,
        %get3A_279 = arith.constant 880 : index
        %get3A_280 = tpu.vector_load %arg5[%get3A_279] {strides = array<i32>} : memref<1024xi32, #tpu.memory_space<vmem>>, vector<16xi32>,
        %get3A_281 = arith.constant 896 : index
        %get3A_282 = tpu.vector_load %arg5[%get3A_281] {strides = array<i32>} : memref<1024xi32, #tpu.memory_space<vmem>>, vector<16xi32>,
        %get3A_283 = arith.constant 912 : index
        %get3A_284 = tpu.vector_load %arg5[%get3A_283] {strides = array<i32>} : memref<1024xi32, #tpu.memory_space<vmem>>, vector<16xi32>,
        %get3A_285 = arith.constant 928 : index
        %get3A_286 = tpu.vector_load %arg5[%get3A_285] {strides = array<i32>} : memref<1024xi32, #tpu.memory_space<vmem>>, vector<16xi32>,
        %get3A_287 = arith.constant 944 : index
        %get3A_288 = tpu.vector_load %arg5[%get3A_287] {strides = array<i32>} : memref<1024xi32, #tpu.memory_space<vmem>>, vector<16xi32>,
        %get3A_289 = arith.constant 960 : index
        %get3A_290 = tpu.vector_load %arg5[%get3A_289] {strides = array<i32>} : memref<1024xi32, #tpu.memory_space<vmem>>, vector<16xi32>,
        %get3A_291 = arith.constant 976 : index
        %get3A_292 = tpu.vector_load %arg5[%get3A_291] {strides = array<i32>} : memref<1024xi32, #tpu.memory_space<vmem>>, vector<16xi32>,
        %get3A_293 = arith.constant 992 : index
        %get3A_294 = tpu.vector_load %arg5[%get3A_293] {strides = array<i32>} : memref<1024xi32, #tpu.memory_space<vmem>>, vector<16xi32>,
        %get3A_295 = arith.constant 1008 : index
        %get3A_296 = tpu.vector_load %arg5[%get3A_295] {strides = array<i32>} : memref<1024xi32, #tpu.memory_space<vmem>>, vector<16xi32>,
        %parallel_loop3A_297 = arith.constant 0 : i32
        %parallel_loop3A_298 = arith.constant 8 : i32
        %parallel_loop3A_299 = arith.constant 1 : i32
        scf.for %parallel_loop3A_313 = %parallel_loop3A_297 to %parallel_loop3A_298 step %parallel_loop3A_299  : i32 {
          %parallel_loop3A_314 = vector.broadcast %parallel_loop3A_313 : i32 to vector<16xi32>
          %parallel_loop3A_315 = tpu.vector_load_idx %arg7[%parallel_loop3A_314, %get3A_266] : memref<8x2048xf32, #tpu.memory_space<vmem>>[vector<16xi32>, vector<16xi32>], vector<16xf32>,
          %parallel_loop3A_316 = arith.index_cast %parallel_loop3A_313 : i32 to index
          %parallel_loop3A_317 = arith.constant 768 : index
          %parallel_loop3A_318 = tpu.vector_load %arg9[%parallel_loop3A_316, %parallel_loop3A_317] {strides = array<i32>} : memref<8x1024xf32, #tpu.memory_space<vmem>>, vector<16xf32>,
          tpu.vector_store %arg9[%parallel_loop3A_316, %parallel_loop3A_317], %parallel_loop3A_315 {strides = array<i32>} : memref<8x1024xf32, #tpu.memory_space<vmem>>, vector<16xf32>,
          %parallel_loop3A_319 = tpu.vector_load_idx %arg7[%parallel_loop3A_314, %get3A_268] : memref<8x2048xf32, #tpu.memory_space<vmem>>[vector<16xi32>, vector<16xi32>], vector<16xf32>,
          %parallel_loop3A_320 = arith.index_cast %parallel_loop3A_313 : i32 to index
          %parallel_loop3A_321 = arith.constant 784 : index
          %parallel_loop3A_322 = tpu.vector_load %arg9[%parallel_loop3A_320, %parallel_loop3A_321] {strides = array<i32>} : memref<8x1024xf32, #tpu.memory_space<vmem>>, vector<16xf32>,
          tpu.vector_store %arg9[%parallel_loop3A_320, %parallel_loop3A_321], %parallel_loop3A_319 {strides = array<i32>} : memref<8x1024xf32, #tpu.memory_space<vmem>>, vector<16xf32>,
          %parallel_loop3A_323 = tpu.vector_load_idx %arg7[%parallel_loop3A_314, %get3A_270] : memref<8x2048xf32, #tpu.memory_space<vmem>>[vector<16xi32>, vector<16xi32>], vector<16xf32>,
          %parallel_loop3A_324 = arith.index_cast %parallel_loop3A_313 : i32 to index
          %parallel_loop3A_325 = arith.constant 800 : index
          %parallel_loop3A_326 = tpu.vector_load %arg9[%parallel_loop3A_324, %parallel_loop3A_325] {strides = array<i32>} : memref<8x1024xf32, #tpu.memory_space<vmem>>, vector<16xf32>,
          tpu.vector_store %arg9[%parallel_loop3A_324, %parallel_loop3A_325], %parallel_loop3A_323 {strides = array<i32>} : memref<8x1024xf32, #tpu.memory_space<vmem>>, vector<16xf32>,
          %parallel_loop3A_327 = tpu.vector_load_idx %arg7[%parallel_loop3A_314, %get3A_272] : memref<8x2048xf32, #tpu.memory_space<vmem>>[vector<16xi32>, vector<16xi32>], vector<16xf32>,
          %parallel_loop3A_328 = arith.index_cast %parallel_loop3A_313 : i32 to index
          %parallel_loop3A_329 = arith.constant 816 : index
          %parallel_loop3A_330 = tpu.vector_load %arg9[%parallel_loop3A_328, %parallel_loop3A_329] {strides = array<i32>} : memref<8x1024xf32, #tpu.memory_space<vmem>>, vector<16xf32>,
          tpu.vector_store %arg9[%parallel_loop3A_328, %parallel_loop3A_329], %parallel_loop3A_327 {strides = array<i32>} : memref<8x1024xf32, #tpu.memory_space<vmem>>, vector<16xf32>,
          %parallel_loop3A_331 = tpu.vector_load_idx %arg7[%parallel_loop3A_314, %get3A_274] : memref<8x2048xf32, #tpu.memory_space<vmem>>[vector<16xi32>, vector<16xi32>], vector<16xf32>,
          %parallel_loop3A_332 = arith.index_cast %parallel_loop3A_313 : i32 to index
          %parallel_loop3A_333 = arith.constant 832 : index
          %parallel_loop3A_334 = tpu.vector_load %arg9[%parallel_loop3A_332, %parallel_loop3A_333] {strides = array<i32>} : memref<8x1024xf32, #tpu.memory_space<vmem>>, vector<16xf32>,
          tpu.vector_store %arg9[%parallel_loop3A_332, %parallel_loop3A_333], %parallel_loop3A_331 {strides = array<i32>} : memref<8x1024xf32, #tpu.memory_space<vmem>>, vector<16xf32>,
          %parallel_loop3A_335 = tpu.vector_load_idx %arg7[%parallel_loop3A_314, %get3A_276] : memref<8x2048xf32, #tpu.memory_space<vmem>>[vector<16xi32>, vector<16xi32>], vector<16xf32>,
          %parallel_loop3A_336 = arith.index_cast %parallel_loop3A_313 : i32 to index
          %parallel_loop3A_337 = arith.constant 848 : index
          %parallel_loop3A_338 = tpu.vector_load %arg9[%parallel_loop3A_336, %parallel_loop3A_337] {strides = array<i32>} : memref<8x1024xf32, #tpu.memory_space<vmem>>, vector<16xf32>,
          tpu.vector_store %arg9[%parallel_loop3A_336, %parallel_loop3A_337], %parallel_loop3A_335 {strides = array<i32>} : memref<8x1024xf32, #tpu.memory_space<vmem>>, vector<16xf32>,
          %parallel_loop3A_339 = tpu.vector_load_idx %arg7[%parallel_loop3A_314, %get3A_278] : memref<8x2048xf32, #tpu.memory_space<vmem>>[vector<16xi32>, vector<16xi32>], vector<16xf32>,
          %parallel_loop3A_340 = arith.index_cast %parallel_loop3A_313 : i32 to index
          %parallel_loop3A_341 = arith.constant 864 : index
          %parallel_loop3A_342 = tpu.vector_load %arg9[%parallel_loop3A_340, %parallel_loop3A_341] {strides = array<i32>} : memref<8x1024xf32, #tpu.memory_space<vmem>>, vector<16xf32>,
          tpu.vector_store %arg9[%parallel_loop3A_340, %parallel_loop3A_341], %parallel_loop3A_339 {strides = array<i32>} : memref<8x1024xf32, #tpu.memory_space<vmem>>, vector<16xf32>,
          %parallel_loop3A_343 = tpu.vector_load_idx %arg7[%parallel_loop3A_314, %get3A_280] : memref<8x2048xf32, #tpu.memory_space<vmem>>[vector<16xi32>, vector<16xi32>], vector<16xf32>,
          %parallel_loop3A_344 = arith.index_cast %parallel_loop3A_313 : i32 to index
          %parallel_loop3A_345 = arith.constant 880 : index
          %parallel_loop3A_346 = tpu.vector_load %arg9[%parallel_loop3A_344, %parallel_loop3A_345] {strides = array<i32>} : memref<8x1024xf32, #tpu.memory_space<vmem>>, vector<16xf32>,
          tpu.vector_store %arg9[%parallel_loop3A_344, %parallel_loop3A_345], %parallel_loop3A_343 {strides = array<i32>} : memref<8x1024xf32, #tpu.memory_space<vmem>>, vector<16xf32>,
          %parallel_loop3A_347 = tpu.vector_load_idx %arg7[%parallel_loop3A_314, %get3A_282] : memref<8x2048xf32, #tpu.memory_space<vmem>>[vector<16xi32>, vector<16xi32>], vector<16xf32>,
          %parallel_loop3A_348 = arith.index_cast %parallel_loop3A_313 : i32 to index
          %parallel_loop3A_349 = arith.constant 896 : index
          %parallel_loop3A_350 = tpu.vector_load %arg9[%parallel_loop3A_348, %parallel_loop3A_349] {strides = array<i32>} : memref<8x1024xf32, #tpu.memory_space<vmem>>, vector<16xf32>,
          tpu.vector_store %arg9[%parallel_loop3A_348, %parallel_loop3A_349], %parallel_loop3A_347 {strides = array<i32>} : memref<8x1024xf32, #tpu.memory_space<vmem>>, vector<16xf32>,
          %parallel_loop3A_351 = tpu.vector_load_idx %arg7[%parallel_loop3A_314, %get3A_284] : memref<8x2048xf32, #tpu.memory_space<vmem>>[vector<16xi32>, vector<16xi32>], vector<16xf32>,
          %parallel_loop3A_352 = arith.index_cast %parallel_loop3A_313 : i32 to index
          %parallel_loop3A_353 = arith.constant 912 : index
          %parallel_loop3A_354 = tpu.vector_load %arg9[%parallel_loop3A_352, %parallel_loop3A_353] {strides = array<i32>} : memref<8x1024xf32, #tpu.memory_space<vmem>>, vector<16xf32>,
          tpu.vector_store %arg9[%parallel_loop3A_352, %parallel_loop3A_353], %parallel_loop3A_351 {strides = array<i32>} : memref<8x1024xf32, #tpu.memory_space<vmem>>, vector<16xf32>,
          %parallel_loop3A_355 = tpu.vector_load_idx %arg7[%parallel_loop3A_314, %get3A_286] : memref<8x2048xf32, #tpu.memory_space<vmem>>[vector<16xi32>, vector<16xi32>], vector<16xf32>,
          %parallel_loop3A_356 = arith.index_cast %parallel_loop3A_313 : i32 to index
          %parallel_loop3A_357 = arith.constant 928 : index
          %parallel_loop3A_358 = tpu.vector_load %arg9[%parallel_loop3A_356, %parallel_loop3A_357] {strides = array<i32>} : memref<8x1024xf32, #tpu.memory_space<vmem>>, vector<16xf32>,
          tpu.vector_store %arg9[%parallel_loop3A_356, %parallel_loop3A_357], %parallel_loop3A_355 {strides = array<i32>} : memref<8x1024xf32, #tpu.memory_space<vmem>>, vector<16xf32>,
          %parallel_loop3A_359 = tpu.vector_load_idx %arg7[%parallel_loop3A_314, %get3A_288] : memref<8x2048xf32, #tpu.memory_space<vmem>>[vector<16xi32>, vector<16xi32>], vector<16xf32>,
          %parallel_loop3A_360 = arith.index_cast %parallel_loop3A_313 : i32 to index
          %parallel_loop3A_361 = arith.constant 944 : index
          %parallel_loop3A_362 = tpu.vector_load %arg9[%parallel_loop3A_360, %parallel_loop3A_361] {strides = array<i32>} : memref<8x1024xf32, #tpu.memory_space<vmem>>, vector<16xf32>,
          tpu.vector_store %arg9[%parallel_loop3A_360, %parallel_loop3A_361], %parallel_loop3A_359 {strides = array<i32>} : memref<8x1024xf32, #tpu.memory_space<vmem>>, vector<16xf32>,
          %parallel_loop3A_363 = tpu.vector_load_idx %arg7[%parallel_loop3A_314, %get3A_290] : memref<8x2048xf32, #tpu.memory_space<vmem>>[vector<16xi32>, vector<16xi32>], vector<16xf32>,
          %parallel_loop3A_364 = arith.index_cast %parallel_loop3A_313 : i32 to index
          %parallel_loop3A_365 = arith.constant 960 : index
          %parallel_loop3A_366 = tpu.vector_load %arg9[%parallel_loop3A_364, %parallel_loop3A_365] {strides = array<i32>} : memref<8x1024xf32, #tpu.memory_space<vmem>>, vector<16xf32>,
          tpu.vector_store %arg9[%parallel_loop3A_364, %parallel_loop3A_365], %parallel_loop3A_363 {strides = array<i32>} : memref<8x1024xf32, #tpu.memory_space<vmem>>, vector<16xf32>,
          %parallel_loop3A_367 = tpu.vector_load_idx %arg7[%parallel_loop3A_314, %get3A_292] : memref<8x2048xf32, #tpu.memory_space<vmem>>[vector<16xi32>, vector<16xi32>], vector<16xf32>,
          %parallel_loop3A_368 = arith.index_cast %parallel_loop3A_313 : i32 to index
          %parallel_loop3A_369 = arith.constant 976 : index
          %parallel_loop3A_370 = tpu.vector_load %arg9[%parallel_loop3A_368, %parallel_loop3A_369] {strides = array<i32>} : memref<8x1024xf32, #tpu.memory_space<vmem>>, vector<16xf32>,
          tpu.vector_store %arg9[%parallel_loop3A_368, %parallel_loop3A_369], %parallel_loop3A_367 {strides = array<i32>} : memref<8x1024xf32, #tpu.memory_space<vmem>>, vector<16xf32>,
          %parallel_loop3A_371 = tpu.vector_load_idx %arg7[%parallel_loop3A_314, %get3A_294] : memref<8x2048xf32, #tpu.memory_space<vmem>>[vector<16xi32>, vector<16xi32>], vector<16xf32>,
          %parallel_loop3A_372 = arith.index_cast %parallel_loop3A_313 : i32 to index
          %parallel_loop3A_373 = arith.constant 992 : index
          %parallel_loop3A_374 = tpu.vector_load %arg9[%parallel_loop3A_372, %parallel_loop3A_373] {strides = array<i32>} : memref<8x1024xf32, #tpu.memory_space<vmem>>, vector<16xf32>,
          tpu.vector_store %arg9[%parallel_loop3A_372, %parallel_loop3A_373], %parallel_loop3A_371 {strides = array<i32>} : memref<8x1024xf32, #tpu.memory_space<vmem>>, vector<16xf32>,
          %parallel_loop3A_375 = tpu.vector_load_idx %arg7[%parallel_loop3A_314, %get3A_296] : memref<8x2048xf32, #tpu.memory_space<vmem>>[vector<16xi32>, vector<16xi32>], vector<16xf32>,
          %parallel_loop3A_376 = arith.index_cast %parallel_loop3A_313 : i32 to index
          %parallel_loop3A_377 = arith.constant 1008 : index
          %parallel_loop3A_378 = tpu.vector_load %arg9[%parallel_loop3A_376, %parallel_loop3A_377] {strides = array<i32>} : memref<8x1024xf32, #tpu.memory_space<vmem>>, vector<16xf32>,
          tpu.vector_store %arg9[%parallel_loop3A_376, %parallel_loop3A_377], %parallel_loop3A_375 {strides = array<i32>} : memref<8x1024xf32, #tpu.memory_space<vmem>>, vector<16xf32>,
        } {sc.loop_unroll_factor = 8 : i64, sc.parallel_access}
        %mul3A_300 = arith.constant 8 : i32
        %mul3A_301 = arith.muli %add3A_146, %mul3A_300 : i32
        %multiple_of3A_302 = tpu.assume_multiple %mul3A_301, 8 : i32
        %dma_start3A_303 = arith.constant 0 : i32
        %dma_start3A_304 = tpu.memref_slice %arg4[%multiple_of3A_302, %dma_start3A_303] : memref<18816x1024xf32, #tpu.memory_space<hbm>> -> memref<8x1024xf32, #tpu.memory_space<hbm>>
        %dma_start3A_305 = arith.constant 0 : i32
        %dma_start3A_306 = tpu.memref_slice %arg4[%multiple_of3A_302, %dma_start3A_305] : memref<18816x1024xf32, #tpu.memory_space<hbm>> -> memref<8x1024xf32, #tpu.memory_space<hbm>>
        tpu.enqueue_dma source(%arg9 : memref<8x1024xf32, #tpu.memory_space<vmem>>) target(%dma_start3A_306 : memref<8x1024xf32, #tpu.memory_space<hbm>>) target_semaphore(%arg13 : memref<!tpu.dma_semaphore, #tpu.memory_space<semaphore_mem>>)
        %add3A_307 = arith.constant 2 : i32
        %add3A_308 = arith.addi %add3A_145, %add3A_307 : i32
        %lt3A_309 = arith.cmpi slt, %add3A_308, %sub3A_47 : i32
        %convert_element_type3A_310 = arith.extui %lt3A_309 : i1 to i32
        %cond3A_311 = arith.constant 0 : i32
        %cond3A_312 = arith.cmpi ne, %convert_element_type3A_310, %cond3A_311 : i32
        scf.if %cond3A_312 {
          %add3A_313 = arith.constant 2 : i32
          %add3A_314 = arith.addi %add3A_146, %add3A_313 : i32
          %mul3A_315 = arith.constant 8 : i32
          %mul3A_316 = arith.muli %add3A_314, %mul3A_315 : i32
          %multiple_of3A_317 = tpu.assume_multiple %mul3A_316, 8 : i32
          %dma_start3A_318 = arith.constant 0 : i32
          %dma_start3A_319 = tpu.memref_slice %arg2[%multiple_of3A_317, %dma_start3A_318] : memref<18816x2048xf32, #tpu.memory_space<hbm>> -> memref<8x2048xf32, #tpu.memory_space<hbm>>
          %dma_start3A_320 = arith.constant 0 : i32
          %dma_start3A_321 = tpu.memref_slice %arg2[%multiple_of3A_317, %dma_start3A_320] : memref<18816x2048xf32, #tpu.memory_space<hbm>> -> memref<8x2048xf32, #tpu.memory_space<hbm>>
          tpu.enqueue_dma source(%dma_start3A_321 : memref<8x2048xf32, #tpu.memory_space<hbm>>) target(%arg7 : memref<8x2048xf32, #tpu.memory_space<vmem>>) target_semaphore(%arg11 : memref<!tpu.dma_semaphore, #tpu.memory_space<semaphore_mem>>)
        } else {
        }
      } else {
      }
      %while3A_151 = arith.constant 0 : i32
      scf.yield %while3A_151 : i32
    }
    %sub3A_99 = arith.constant 1 : i32
    %sub3A_100 = arith.subi %sub3A_47, %sub3A_99 : i32
    %jit3A_101 = arith.constant 2 : i32
    %eq3A = arith.constant 0 : i32
    %eq3A_102 = arith.cmpi eq, %jit3A_101, %eq3A : i32
    %jit3A_103 = arith.constant 1 : i32
    %select_n3A_104 = arith.select %eq3A_102, %jit3A_103, %jit3A_101 : i32
    %rem3A_105 = arith.remsi %sub3A_100, %select_n3A_104 : i32
    %ne3A_106 = arith.constant 0 : i32
    %ne3A_107 = arith.cmpi ne, %rem3A_105, %ne3A_106 : i32
    %lt3A = arith.constant 0 : i32
    %lt3A_108 = arith.cmpi slt, %rem3A_105, %lt3A : i32
    %lt3A_109 = arith.constant 0 : i32
    %lt3A_110 = arith.cmpi slt, %select_n3A_104, %lt3A_109 : i32
    %ne3A_111 = arith.xori %lt3A_108, %lt3A_110 : i1
    %and3A_112 = arith.andi %ne3A_111, %ne3A_107 : i1
    %add3A_113 = arith.addi %rem3A_105, %select_n3A_104 : i32
    %select_n3A_114 = arith.select %and3A_112, %add3A_113, %rem3A_105 : i32
    %eq3A_115 = arith.constant 1 : i32
    %eq3A_116 = arith.cmpi eq, %select_n3A_114, %eq3A_115 : i32
    %convert_element_type3A = arith.extui %eq3A_116 : i1 to i32
    %cond3A = arith.constant 0 : i32
    %cond3A_117 = arith.cmpi ne, %convert_element_type3A, %cond3A : i32
    scf.if %cond3A_117 {
      %sub3A_133 = arith.constant 2 : i32
      %sub3A_134 = arith.subi %select_n3A_46, %sub3A_133 : i32
      %mul3A_135 = arith.constant 8 : i32
      %mul3A_136 = arith.muli %sub3A_134, %mul3A_135 : i32
      %multiple_of3A_137 = tpu.assume_multiple %mul3A_136, 8 : i32
      %dma_wait3A = arith.constant 0 : i32
      %dma_wait3A_138 = tpu.memref_slice %arg4[%multiple_of3A_137, %dma_wait3A] : memref<18816x1024xf32, #tpu.memory_space<hbm>> -> memref<8x1024xf32, #tpu.memory_space<hbm>>
      %dma_wait3A_139 = arith.constant 0 : i32
      %dma_wait3A_140 = tpu.memref_slice %arg4[%multiple_of3A_137, %dma_wait3A_139] : memref<18816x1024xf32, #tpu.memory_space<hbm>> -> memref<8x1024xf32, #tpu.memory_space<hbm>>
      tpu.wait_dma2 semaphore(%arg12 : memref<!tpu.dma_semaphore, #tpu.memory_space<semaphore_mem>>) src(%arg8 : memref<8x1024xf32, #tpu.memory_space<vmem>>) dst(%dma_wait3A_140 : memref<8x1024xf32, #tpu.memory_space<hbm>>)
    } else {
    }
    %eq3A_118 = arith.constant 0 : i32
    %eq3A_119 = arith.cmpi eq, %select_n3A_114, %eq3A_118 : i32
    %convert_element_type3A_120 = arith.extui %eq3A_119 : i1 to i32
    %cond3A_121 = arith.constant 0 : i32
    %cond3A_122 = arith.cmpi ne, %convert_element_type3A_120, %cond3A_121 : i32
    scf.if %cond3A_122 {
      %sub3A_133 = arith.constant 2 : i32
      %sub3A_134 = arith.subi %select_n3A_46, %sub3A_133 : i32
      %mul3A_135 = arith.constant 8 : i32
      %mul3A_136 = arith.muli %sub3A_134, %mul3A_135 : i32
      %multiple_of3A_137 = tpu.assume_multiple %mul3A_136, 8 : i32
      %dma_wait3A = arith.constant 0 : i32
      %dma_wait3A_138 = tpu.memref_slice %arg4[%multiple_of3A_137, %dma_wait3A] : memref<18816x1024xf32, #tpu.memory_space<hbm>> -> memref<8x1024xf32, #tpu.memory_space<hbm>>
      %dma_wait3A_139 = arith.constant 0 : i32
      %dma_wait3A_140 = tpu.memref_slice %arg4[%multiple_of3A_137, %dma_wait3A_139] : memref<18816x1024xf32, #tpu.memory_space<hbm>> -> memref<8x1024xf32, #tpu.memory_space<hbm>>
      tpu.wait_dma2 semaphore(%arg13 : memref<!tpu.dma_semaphore, #tpu.memory_space<semaphore_mem>>) src(%arg9 : memref<8x1024xf32, #tpu.memory_space<vmem>>) dst(%dma_wait3A_140 : memref<8x1024xf32, #tpu.memory_space<hbm>>)
    } else {
    }
    %eq3A_123 = arith.constant 0 : i32
    %eq3A_124 = arith.cmpi eq, %select_n3A_114, %eq3A_123 : i32
    %convert_element_type3A_125 = arith.extui %eq3A_124 : i1 to i32
    %cond3A_126 = arith.constant 0 : i32
    %cond3A_127 = arith.cmpi ne, %convert_element_type3A_125, %cond3A_126 : i32
    scf.if %cond3A_127 {
      %sub3A_133 = arith.constant 1 : i32
      %sub3A_134 = arith.subi %select_n3A_46, %sub3A_133 : i32
      %mul3A_135 = arith.constant 8 : i32
      %mul3A_136 = arith.muli %sub3A_134, %mul3A_135 : i32
      %multiple_of3A_137 = tpu.assume_multiple %mul3A_136, 8 : i32
      %dma_wait3A = arith.constant 0 : i32
      %dma_wait3A_138 = tpu.memref_slice %arg4[%multiple_of3A_137, %dma_wait3A] : memref<18816x1024xf32, #tpu.memory_space<hbm>> -> memref<8x1024xf32, #tpu.memory_space<hbm>>
      %dma_wait3A_139 = arith.constant 0 : i32
      %dma_wait3A_140 = tpu.memref_slice %arg4[%multiple_of3A_137, %dma_wait3A_139] : memref<18816x1024xf32, #tpu.memory_space<hbm>> -> memref<8x1024xf32, #tpu.memory_space<hbm>>
      tpu.wait_dma2 semaphore(%arg12 : memref<!tpu.dma_semaphore, #tpu.memory_space<semaphore_mem>>) src(%arg8 : memref<8x1024xf32, #tpu.memory_space<vmem>>) dst(%dma_wait3A_140 : memref<8x1024xf32, #tpu.memory_space<hbm>>)
    } else {
    }
    %eq3A_128 = arith.constant 1 : i32
    %eq3A_129 = arith.cmpi eq, %select_n3A_114, %eq3A_128 : i32
    %convert_element_type3A_130 = arith.extui %eq3A_129 : i1 to i32
    %cond3A_131 = arith.constant 0 : i32
    %cond3A_132 = arith.cmpi ne, %convert_element_type3A_130, %cond3A_131 : i32
    scf.if %cond3A_132 {
      %sub3A_133 = arith.constant 1 : i32
      %sub3A_134 = arith.subi %select_n3A_46, %sub3A_133 : i32
      %mul3A_135 = arith.constant 8 : i32
      %mul3A_136 = arith.muli %sub3A_134, %mul3A_135 : i32
      %multiple_of3A_137 = tpu.assume_multiple %mul3A_136, 8 : i32
      %dma_wait3A = arith.constant 0 : i32
      %dma_wait3A_138 = tpu.memref_slice %arg4[%multiple_of3A_137, %dma_wait3A] : memref<18816x1024xf32, #tpu.memory_space<hbm>> -> memref<8x1024xf32, #tpu.memory_space<hbm>>
      %dma_wait3A_139 = arith.constant 0 : i32
      %dma_wait3A_140 = tpu.memref_slice %arg4[%multiple_of3A_137, %dma_wait3A_139] : memref<18816x1024xf32, #tpu.memory_space<hbm>> -> memref<8x1024xf32, #tpu.memory_space<hbm>>
      tpu.wait_dma2 semaphore(%arg13 : memref<!tpu.dma_semaphore, #tpu.memory_space<semaphore_mem>>) src(%arg9 : memref<8x1024xf32, #tpu.memory_space<vmem>>) dst(%dma_wait3A_140 : memref<8x1024xf32, #tpu.memory_space<hbm>>)
    } else {
    }
    return
  }
}

</mosaic_0001>

<sc_bundles>
// kernel: kernel.3.cloned.1.call-start
scs
__scs_entry_jumppad:
0x0: {  	(pc) =	sbr.rel $0x88, $3  }
0x1: {  	(tag) =	ssettag $0x0;
	lr =	simm.s32 $0x1  }
0x2: {  	[smem:$0x3FA0] =	sst lr;
	_ =	strace $0xD0000000  }
0x3: {  	_ = 	snop  }
0x4: {  	_ = 	snop  }
0x5: {  	_ = 	snop  }
0x6: {  	_ = 	snop  }
0x7: {  	_ = 	snop  }
__scs_overlays_trampoline_lowered:
0x8: {  	[smem:$0x3FAF] =	sst s0  }
0x9: {  	[smem:$0x3FB0] =	sst s1  }
0xa: {  	[smem:$0x3FB1] =	sst s2  }
0xb: {  	[smem:$0x3FB2] =	sst s3  }
0xc: {  	[smem:$0x3FB3] =	sst s4  }
0xd: {  	[smem:$0x3FB4] =	sst s5  }
0xe: {  	[smem:$0x3FB5] =	sst s6  }
0xf: {  	[smem:$0x3FB6] =	sst s7  }
0x10: {  	[smem:$0x3FB7] =	sst s8  }
0x11: {  	[smem:$0x3FB8] =	sst s9;
	s0 =	simm.s32 @!p0 $0x0  }
0x12: {  	s1 =	sld [smem:$0x3F9E];
	s0 =	simm.s32 @p0 $0x1  }
0x13: {  	[smem:$0x3FB9] =	sst s0;
	s0 =	simm.s32 @!p1 $0x0  }
0x14: {  	s2 =	sld [smem:$0x3F9D];
	s0 =	simm.s32 @p1 $0x1  }
0x15: {  	[smem:$0x3FBA] =	sst s0;
	s0 =	simm.s32 @!p2 $0x0  }
0x16: {  	s3 =	sld [smem:$0x3FDB];
	s0 =	simm.s32 @p2 $0x1  }
0x17: {  	s4 =	simm.s32 $0x1BF5;
	[smem:$0x3FBC] =	sst s0  }
0x18: {  	s0 =	sld [smem:$0x3F9F];
	_ =	swait.ge [sflag:s4], $0x0  }
0x19: {  	s7 =	sld [smem:$0x3FA0]  }
0x1a: {  	s8 =	sadd.s32 $0xFFFFE003, lr  }
0x1b: {  	s9 =	sadd.s32 $0xFFFFFEF7, lr;
	s5 =	simm.s32 $0xFFFFFFFF;
	p2 =	slt.u32 s8, $0xFFFFF086  }
0x1c: {  	p1 =	slt.u32 s9, $0xF7A;
	s5 =	simm.s32 @!p2 $0x0  }
0x1d: {  	s5 =	simm.s32 @p1 $0x1;
	p0 =	seq.s32 s7, s2  }
0x1e: {  	s7 =	smul.u32 @!p0 $0xF7A, s2;
	p2 =	seq.s32 @!p0 s5, $0x0  }
0x1f: {  	s9 =	smul.u32 $0xF7A, s1;
	s8 =	simm.s32 @!p0 $0x1BF5;
	p2 =	por !p2, p0  }
0x20: {  	[sflag:s8] =	ssyncset.s32 @!p0 $0xFFFFF086;
	s6 =	sadd.s32 @!p0 s3, s7;
	s7 =	simm.s32 @!p0 $0x108  }
0x21: {  	s3 =	sadd.s32 s3, s9;
	s6 =	sadd.s32 @!p0 $0x88, s6;
	s7 =	simm.s32 @p2 $0x1082  }
0x22: {  	[simem:s7], [sflag:s8] =	dma.local @!p0 [hbm:s6], $0xF7A  }
0x23: {  	s9 =	sor.u32 $0xD0000000, s2;
	s6 =	simm.s32 $0x108;
	_ =	swait.ge @!p0 [sflag:s8], $0x0  }
0x24: {  	s3 =	sadd.s32 $0x88, s3;
	s6 =	simm.s32 @!p1 $0x1082;
	[sflag:s4] =	ssyncset.s32 $0xFFFFF086  }
0x25: {  	[simem:s6], [sflag:s4] =	dma.local [hbm:s3], $0xF7A  }
0x26: {  	[smem:$0x3FA0] =	sst s1;
	(tag) =	ssettag s2;
	_ =	strace s9  }
0x27: {  	s1 =	sld [smem:$0x3FB0]  }
0x28: {  	s2 =	sld [smem:$0x3FB1]  }
0x29: {  	s4 =	sld [smem:$0x3FB3]  }
0x2a: {  	p0 =	seq.s32 s5, $0x0;
	s5 =	sld [smem:$0x3FB4]  }
0x2b: {  	s6 =	sld [smem:$0x3FB5]  }
0x2c: {  	s7 =	sld [smem:$0x3FB6]  }
0x2d: {  	s3 =	simm.s32 $0x108;
	s8 =	sld [smem:$0x3FB7]  }
0x2e: {  	s3 =	simm.s32 @!p0 $0x1082;
	s9 =	sld [smem:$0x3FB8]  }
0x2f: {  	lr =	sadd.s32 s0, s3;
	s0 =	sld [smem:$0x3FAF]  }
0x30: {  	s3 =	sld [smem:$0x3FB2]  }
0x31: {  	[smem:$0x3FBB] =	sst s10  }
0x32: {  	s10 =	sld [smem:$0x3FB9];
	_ =	sdelay $0x3  }
0x33: {  	p0 =	seq.s32 s10, $0x1;
	s10 =	sld [smem:$0x3FBB];
	_ =	sdelay $0x3  }
0x34: {  	[smem:$0x3FBB] =	sst s10  }
0x35: {  	s10 =	sld [smem:$0x3FBA];
	_ =	sdelay $0x3  }
0x36: {  	p1 =	seq.s32 s10, $0x1;
	s10 =	sld [smem:$0x3FBB];
	_ =	sdelay $0x3  }
0x37: {  	[smem:$0x3FBB] =	sst s10  }
0x38: {  	s10 =	sld [smem:$0x3FBC]  }
0x39: {  	_ = 	snop;
	(pc) =	sbr.ind lr, $3  }
0x3a: {  	_ = 	snop  }
0x3b: {  	_ = 	snop  }
0x3c: {  	p2 =	seq.s32 s10, $0x1;
	s10 =	sld [smem:$0x3FBB]  }
0x3d: {  	_ =	shalt  }
0x3e: {  	_ =	shalt  }
0x3f: {  	_ =	shalt  }
0x40: {  	_ =	shalt  }
0x41: {  	_ =	shalt  }
0x42: {  	_ =	shalt  }
0x43: {  	_ =	shalt  }
0x44: {  	_ =	shalt  }
0x45: {  	_ =	shalt  }
0x46: {  	_ =	shalt  }
0x47: {  	_ =	shalt  }
0x48: {  	_ =	shalt  }
0x49: {  	_ =	shalt  }
0x4a: {  	_ =	shalt  }
0x4b: {  	_ =	shalt  }
0x4c: {  	_ =	shalt  }
0x4d: {  	_ =	shalt  }
0x4e: {  	_ =	shalt  }
0x4f: {  	_ =	shalt  }
0x50: {  	_ =	shalt  }
0x51: {  	_ =	shalt  }
0x52: {  	_ =	shalt  }
0x53: {  	_ =	shalt  }
0x54: {  	_ =	shalt  }
0x55: {  	_ =	shalt  }
0x56: {  	_ =	shalt  }
0x57: {  	_ =	shalt  }
0x58: {  	_ =	shalt  }
0x59: {  	_ =	shalt  }
0x5a: {  	_ =	shalt  }
0x5b: {  	_ =	shalt  }
0x5c: {  	_ =	shalt  }
0x5d: {  	_ =	shalt  }
0x5e: {  	_ =	shalt  }
0x5f: {  	_ =	shalt  }
0x60: {  	_ =	shalt  }
0x61: {  	_ =	shalt  }
0x62: {  	_ =	shalt  }
0x63: {  	_ =	shalt  }
0x64: {  	_ =	shalt  }
0x65: {  	_ =	shalt  }
0x66: {  	_ =	shalt  }
0x67: {  	_ =	shalt  }
0x68: {  	_ =	shalt  }
0x69: {  	_ =	shalt  }
0x6a: {  	_ =	shalt  }
0x6b: {  	_ =	shalt  }
0x6c: {  	_ =	shalt  }
0x6d: {  	_ =	shalt  }
0x6e: {  	_ =	shalt  }
0x6f: {  	_ =	shalt  }
0x70: {  	_ =	shalt  }
0x71: {  	_ =	shalt  }
0x72: {  	_ =	shalt  }
0x73: {  	_ =	shalt  }
0x74: {  	_ =	shalt  }
0x75: {  	_ =	shalt  }
0x76: {  	_ =	shalt  }
0x77: {  	_ =	shalt  }
0x78: {  	_ =	shalt  }
0x79: {  	_ =	shalt  }
0x7a: {  	_ =	shalt  }
0x7b: {  	_ =	shalt  }
0x7c: {  	_ =	shalt  }
0x7d: {  	_ =	shalt  }
0x7e: {  	_ =	shalt  }
0x7f: {  	_ =	shalt  }
0x80: {  	_ =	shalt  }
0x81: {  	_ =	shalt  }
0x82: {  	_ =	shalt  }
0x83: {  	_ =	shalt  }
0x84: {  	_ =	shalt  }
0x85: {  	_ =	shalt  }
0x86: {  	_ =	shalt  }
0x87: {  	_ =	shalt  }
.Lfunc_end0:
.L_simem_size_0:
called_computation_lowered:
.L_overlay_start_0:
0x88: {  	s2 =	sld [smem:$0x3FD9]  }
0x89: {  	s3 =	sld [smem:$0x3FFE];
	_ =	sdelay $0x1  }
0x8a: {  	s1 =	srdreg.scid  }
0x8b: {  	s0 =	sand.u32 $0x1, s1  }
0x8c: {  	s17 =	sshll.u32 s0, $0xA;
	s2 =	sadd.s32 s3, s2  }
0x8d: {  	s2 =	sadd.s32 s2, s17  }
0x8e: {  	[smem:$0x3FC7] =	sst s2  }
0x8f: {  	_ = 	snop  }
0x90: {  	s2 =	sld [smem:$0x3FC9]  }
0x91: {  	s18 =	sld [smem:$0x3FD0];
	(tm) =	ssettm $0x1  }
0x92: {  	s4 =	sld [smem:$0x3FFB];
	_ =	sdelay $0x3  }
0x93: {  	_ =	strace s4  }
0x94: {  	s4 =	sld [smem:$0x3FFC];
	_ =	sdelay $0x3  }
0x95: {  	_ =	strace s4  }
0x96: {  	s4 =	sld [smem:$0x3FFD];
	_ =	sdelay $0x3  }
0x97: {  	_ =	strace s4  }
0x98: {  	_ =	strace $0x8FFFFFFF  }
0x99: {  	s19 =	sld [smem:$0x3FDB];
	_ =	sdelay $0x1  }
0x9a: {  	s5 =	simm.s32 $_scs_section_size  }
0x9b: {  	s6 =	simm.s32 $_size__tile_overlayer_lowered;
	s7 =	simm.s32 $_tile_overlayer_lowered  }
0x9c: {  	s22 =	simm.s32 $0x1BFF;
	s21 =	sshll.u32 s7, $0x1;
	s4 =	sadd.s32 s5, s19  }
0x9d: {  	s8 =	simm.s32 $0x0;
	s20 =	sshll.u32 s6, $0x1;
	s6 =	sadd.s32 s21, s4  }
0x9e: {  	[timem:s8], [sflag:s22] =	dma.local [hbm:s6], s20  }
0x9f: {  	_ =	swait.ge [sflag:s22], s20  }
0xa0: {  	s5 =	ssub.s32 $0x0, s20;
	[sflag:s22] =	ssyncset.done $0x0  }
0xa1: {  	[sflag:s22] =	ssyncadd.s32 s5;
	_ =	sdelay $0x1  }
0xa2: {  	s23 =	simm.s32 $0x1B8B  }
0xa3: {  	_ =	swait.ge [sflag:s23], $0x1  }
0xa4: {  	[sflag:s23] =	ssyncset.done $0x0  }
0xa5: {  	s25 =	simm.s32 $0x1B8E;
	s24 =	sld [smem:$0x3FFE];
	[sflag:s23] =	ssyncadd.s32 $0xFFFFFFFF  }
0xa6: {  	s26 =	simm.s32 $execute0_lowered;
	[smem:$0x3FD2] =	sst s25  }
0xa7: {  	s6 =	sshll.u32 s26, $0x1;
	_ =	strace $0x80000046;
	[dreg:$0x1] =	wrdreg $0xFFFFFFFF  }
0xa8: {  	s28 =	simm.s32 $_size_execute0_lowered;
	s4 =	sadd.s32 s4, s6;
	[dreg:$0x0] =	wrdreg $0x0  }
0xa9: {  	s6 =	sshll.u32 s28, $0x1;
	[dreg:$0x2] =	wrdreg s4  }
0xaa: {  	[dreg:$0x3] =	wrdreg s6  }
0xab: {  	[dreg:$0x4] =	wrdreg $0xC0  }
0xac: {  	_ =	task [dreg:s8], $0x5FFFF  }
0xad: {  	[dreg:$0x1] =	wrdreg $0xFFFFFFFF  }
0xae: {  	[dreg:$0x0] =	wrdreg $0x60  }
0xaf: {  	[dreg:$0x2] =	wrdreg s2  }
0xb0: {  	[dreg:$0x3] =	wrdreg s24  }
0xb1: {  	[dreg:$0x4] =	wrdreg s18  }
0xb2: {  	[dreg:$0x5] =	wrdreg $0x9  }
0xb3: {  	_ =	task.clear_ibuf [dreg:s8], $0x6FFFF;
	_ =	strace $0x90000046  }
0xb4: {  	s29 =	simm.s32 $0x9;
	_ =	strace $0x80000048  }
0xb5: {  	_ =	swait.ge [sflag:s29], $0x1  }
0xb6: {  	[sflag:s29] =	ssyncadd.s32 $0xFFFFFFFF  }
0xb7: {  	_ =	strace $0x90000048  }
0xb8: {  	_ =	sfence  }
0xb9: {  	s30 =	sld [smem:$0x0];
	_ =	sdelay $0x2  }
0xba: {  	s31 =	sshll.u32 s1, $0xD;
	s1 =	sshrl.u32 s1, $0x2  }
0xbb: {  	s3 =	sand.u32 $0x4000, s31;
	s1 =	sadd.s32 s1, s30  }
0xbc: {  	s0 =	sor.u32 s3, s0;
	s1 =	sshll.u32 s1, $0x11  }
0xbd: {  	s0 =	sor.u32 s1, s0  }
0xbe: {  	s0 =	sadd.s32 $0x8F2B, s0  }
0xbf: {  	[sflag:s0] =	ssyncadd.remote.s32 $0x1  }
0xc0: {  	_ =	sfence.sel $0xFFFF  }
0xc1: {  	[dreg:$0x0] =	wrdreg $0xFFFFFFFF;
	(pc) =	sbr.abs _section_cstart, $3  }
0xc2: {  	[dreg:$0x1] =	wrdreg $0xFFFFFFFF  }
0xc3: {  	_ =	task.clear_ibuf [dreg:s8], $0x2FFFF;
	_ =	strace $0x9FFFFFFF  }
0xc4: {  	(tm) =	ssettm $0x7FFFFFFF  }
0xc5: {  	_ =	shalt  }
tec
execute0_lowered:
.L_overlay_start_1:
0x0: {  	(tag) =	ssettag $0x1  }
0x1: {  	s14 =	rddreg [dreg:$0x0]  }
0x2: {  	s1 =	srdreg.scid;
	s2 =	rddreg [dreg:$0x1]  }
0x3: {  	s0 =	stileid.u32;
	s15 =	rddreg [dreg:$0x2];
	s3 =	simm.s32 $0x0  }
0x4: {  	s13 =	simm.s32 $0x3;
	s18 =	simm.s32 $0x4400;
	s19 =	simm.s32 $0x8400  }
0x5: {  	s20 =	simm.s32 $0x2;
	s21 =	simm.s32 $0xA400;
	s22 =	simm.s32 $0x0  }
0x6: {  	s7 =	sand.u32 $0x1, s1;
	s23 =	sshll.u32 s0, $0x1;
	s11 =	smul.u32 $0x1260, s0  }
0x7: {  	[smem:$0x7FF] =	sst s3;
	s1 =	sor.u32 s7, s23;
	s12 =	smul.u32 $0x930, s7  }
0x8: {  	s25 =	ssub.s32 $0x2, s7;
	s7 =	simm.s32 $0x1;
	s4 =	smul.u32 $0x930, s1  }
0x9: {  	s1 =	rddreg [dreg:$0x3];
	_ =	strace $0x80000047;
	s8 =	sshrl.u32 s25, $0x1  }
0xa: {  	s10 =	ssub.s32 s25, s8;
	s12 =	sadd.s32 s12, s11;
	s11 =	simm.s32 $0x4  }
0xb: {  	s5 =	sadd.s32 $0x930, s4;
	s6 =	sshrl.u32 s4, $0x5;
	s16 =	sshrl.u32 s12, $0x5  }
0xc: {  	s24 =	sshrl.u32 s5, $0x5;
	s26 =	sshll.u32 s6, $0xB;
	s17 =	sshll.u32 s16, $0xB  }
0xd: {  	s16 =	sshll.u32 s16, $0xA;
	s4 =	ssub.s32 s24, s6;
	s5 =	sadd.s32 s14, s26  }
0xe: {  	s14 =	sadd.s32 s17, s14;
	s15 =	sadd.s32 s16, s15;
	s16 =	simm.s32 $0x5  }
0xf: {  	s17 =	simm.s32 $0x400;
	s9 =	sadd.s32 $0x1, s4;
	p0 =	slt.s32 s4, $0x0  }
0x10: {  	s31 =	sand.u32 $0x1, s4;
	s12 =	sadd.s32 $0xFFFFFFFD, s4;
	s28 =	sand.u32 $0x8000, s9  }
0x11: {  	s14 =	sadd.s32 $0x1800, s14;
	s29 =	sand.u32 $0x1, s9;
	s6 =	sshrl.u32 s28, $0xF  }
0x12: {  	s15 =	sadd.s32 $0x400, s15;
	p1 =	seq.s32 s29, $0x1;
	s9 =	sadd.s32 s6, s9  }
.Ltmp0:
0x13: {  	s6 =	sadd.s32 $0x800, s5;
	p0 =	por !p0, !p1;
	(pc) =	sbr.rel .LBB2_1-.Ltmp0, $4  }
0x14: {  	s30 =	sshll.u32 s9, $0x10;
	p0 =	por !p0, !p0;
	s9 =	simm.s32 $0x1  }
0x15: {  	s8 =	sshra.s32 s30, $0x11;
	s9 =	simm.s32 @!p0 $0x0;
	p0 =	seq.s32 s31, $0x1  }
0x16: {  	s8 =	ssub.s32 s8, s9;
	s9 =	smax.u32 s10, $0x1;
	s10 =	sadd.s32 $0xFFFFFFFE, s4  }
0x17: {  	s11 =	simm.s32 @!p0 $0x3;
	s13 =	simm.s32 @!p0 $0x4;
	p0 =	slt.s32 s8, $0x1  }
.LBB2_7:
0x18: {  	s22 =	sadd.s32 $0x1, s22  }
0x19: {  	_ =	swait.ge [sflag:s11], $0x2000;
	p1 =	sne.s32 s22, s9  }
.Ltmp1:
0x1a: {  	[sflag:s11] =	ssyncset.done $0x0;
	(pc) =	sbr.rel @!p1 .LBB2_8-.Ltmp1, $4  }
0x1b: {  	[sflag:s11] =	ssyncadd.s32 $0xFFFFE000  }
0x1c: {  	_ =	swait.ge [sflag:s13], $0x2000  }
0x1d: {  	[sflag:s13] =	ssyncset.done $0x0  }
0x1e: {  	[sflag:s13] =	ssyncadd.s32 $0xFFFFE000  }
.LBB2_1:
0x1f: {  	[tilespmem:s3], [sflag:$0x5] =	stream.linear.gather [hbm4b:s2+s3], $0x400, $0x38;
	[tilespmem:$0xC400] =	vst v63  }
0x20: {  	_ =	swait.ge [sflag:s16], $0x400  }
.Ltmp2:
0x21: {  	[sflag:s16] =	ssyncset.done $0x0;
	(pc) =	sbr.rel @!p0 .LBB2_2-.Ltmp2, $4  }
.Ltmp3:
0x22: {  	s23 =	smov.u32 s15;
	[sflag:s16] =	ssyncadd.s32 $0xFFFFFC00;
	(pc) =	sbr.rel @p0 .LBB2_7-.Ltmp3, $4  }
0x23: {  	[tilespmem:s17], [sflag:$0x1] =	stream.linear.gather [hbm4b:s5+s3], $0x4000, $0x38;
	[tilespmem:$0xC400] =	vst v63  }
0x24: {  	s24 =	smov.u32 s14;
	s25 =	simm.s32 $0x0;
	s26 =	simm.s32 $0x0  }
0x25: {  	[tilespmem:s18], [sflag:$0x2] =	stream.linear.gather [hbm4b:s6+s3], $0x4000, $0x38;
	[tilespmem:$0xC400] =	vst v63  }
0x26: {  	_ = 	snop  }
.LBB2_6:
0x27: {  	s26 =	sadd.s32 $0x1, s26  }
0x28: {  	p1 =	slt.s32 s26, s8  }
.Ltmp4:
0x29: {  	_ = 	snop;
	(pc) =	sbr.rel @!p1 .LBB2_7-.Ltmp4, $2  }
0x2a: {  	_ =	sdelay $0x2  }
0x2b: {  	s25 =	sadd.s32 $0x2, s25;
	s24 =	sadd.s32 $0x1000, s24;
	s23 =	sadd.s32 $0x800, s23  }
.LBB2_2:
0x2c: {  	p2 =	sge.s32 s25, s4  }
.Ltmp5:
0x2d: {  	_ = 	snop;
	(pc) =	sbr.rel @p2 .LBB2_4-.Ltmp5, $2  }
0x2e: {  	_ =	sdelay $0x2  }
0x2f: {  	p1 =	seq.s32 s25, $0x0  }
0x30: {  	_ =	swait.ge [sflag:s7], $0x4000  }
0x31: {  	[sflag:s7] =	ssyncset.done $0x0  }
0x32: {  	s28 =	simm.s32 @!p1 $0x3;
	[sflag:s7] =	ssyncadd.s32 $0xFFFFC000  }
0x33: {  	_ =	swait.ge @!p1 [sflag:s28], $0x2000  }
0x34: {  	[sflag:s28] =	ssyncset.done @!p1 $0x0  }
0x35: {  	[sflag:s28] =	ssyncadd.s32 @!p1 $0xFFFFE000  }
0x36: {  	v0 =	vld [tilespmem:$0x0];
	_ =	sdelay $0x4  }
0x37: {  	v1 =	vshll.u32 v0, $0x3  }
0x38: {  	v2 =	vld [tilespmem:$0x10];
	v0 =	vand.u32 $0x7F, v0;
	v1 =	vand.u32 $0xFFFFFC00, v1  }
0x39: {  	v15 =	vor.u32 v0, v1  }
0x3a: {  	v0 =	vor.u32 $0x80, v15;
	_ =	sdelay $0x2  }
0x3b: {  	v10 =	vld [tilespmem:$0x20];
	v3 =	vshll.u32 v2, $0x3  }
0x3c: {  	v2 =	vand.u32 $0x7F, v2;
	v3 =	vand.u32 $0xFFFFFC00, v3;
	v4 =	vld.idx.msk [tilespmem:v15+s17+$0x0], $0xffff  }
0x3d: {  	v14 =	vor.u32 v2, v3;
	v0 =	vld.idx.msk [tilespmem:v0+s17+$0x0], $0xffff  }
0x3e: {  	v2 =	vor.u32 $0x80, v14;
	_ =	sdelay $0x2  }
0x3f: {  	v11 =	vld [tilespmem:$0x30];
	v16 =	vshll.u32 v10, $0x3;
	[tilespmem:$0x8400] =	vst v4  }
0x40: {  	v1 =	vand.u32 $0x7F, v10;
	v4 =	vand.u32 $0xFFFFFC00, v16;
	v5 =	vld.idx.msk [tilespmem:v14+s17+$0x0], $0xffff;
	[tilespmem:$0x8480] =	vst v0  }
0x41: {  	v13 =	vor.u32 v1, v4;
	v0 =	vld.idx.msk [tilespmem:v2+s17+$0x0], $0xffff  }
0x42: {  	v1 =	vor.u32 $0x80, v13;
	_ =	sdelay $0x2  }
0x43: {  	v17 =	vld [tilespmem:$0x40];
	v18 =	vshll.u32 v11, $0x3;
	[tilespmem:$0x8410] =	vst v5  }
0x44: {  	v3 =	vand.u32 $0x7F, v11;
	v4 =	vand.u32 $0xFFFFFC00, v18;
	v5 =	vld.idx.msk [tilespmem:v13+s17+$0x0], $0xffff;
	[tilespmem:$0x8490] =	vst v0  }
0x45: {  	v12 =	vor.u32 v3, v4;
	v0 =	vld.idx.msk [tilespmem:v1+s17+$0x0], $0xffff  }
0x46: {  	v19 =	vor.u32 $0x80, v12;
	_ =	sdelay $0x2  }
0x47: {  	v20 =	vld [tilespmem:$0x50];
	v21 =	vshll.u32 v17, $0x3;
	[tilespmem:$0x8420] =	vst v5  }
0x48: {  	v2 =	vand.u32 $0x7F, v17;
	v4 =	vand.u32 $0xFFFFFC00, v21;
	v5 =	vld.idx.msk [tilespmem:v12+s17+$0x0], $0xffff;
	[tilespmem:$0x84A0] =	vst v0  }
0x49: {  	v11 =	vor.u32 v2, v4;
	v0 =	vld.idx.msk [tilespmem:v19+s17+$0x0], $0xffff  }
0x4a: {  	v22 =	vor.u32 $0x80, v11;
	_ =	sdelay $0x2  }
0x4b: {  	v23 =	vld [tilespmem:$0x60];
	v24 =	vshll.u32 v20, $0x3;
	[tilespmem:$0x8430] =	vst v5  }
0x4c: {  	v3 =	vand.u32 $0x7F, v20;
	v4 =	vand.u32 $0xFFFFFC00, v24;
	v5 =	vld.idx.msk [tilespmem:v11+s17+$0x0], $0xffff;
	[tilespmem:$0x84B0] =	vst v0  }
0x4d: {  	v10 =	vor.u32 v3, v4;
	v0 =	vld.idx.msk [tilespmem:v22+s17+$0x0], $0xffff  }
0x4e: {  	v25 =	vor.u32 $0x80, v10;
	_ =	sdelay $0x2  }
0x4f: {  	v26 =	vld [tilespmem:$0x70];
	v27 =	vshll.u32 v23, $0x3;
	[tilespmem:$0x8440] =	vst v5  }
0x50: {  	v2 =	vand.u32 $0x7F, v23;
	v4 =	vand.u32 $0xFFFFFC00, v27;
	v5 =	vld.idx.msk [tilespmem:v10+s17+$0x0], $0xffff;
	[tilespmem:$0x84C0] =	vst v0  }
0x51: {  	v9 =	vor.u32 v2, v4;
	v0 =	vld.idx.msk [tilespmem:v25+s17+$0x0], $0xffff  }
0x52: {  	v28 =	vor.u32 $0x80, v9;
	_ =	sdelay $0x2  }
0x53: {  	v29 =	vld [tilespmem:$0x80];
	v30 =	vshll.u32 v26, $0x3;
	[tilespmem:$0x8450] =	vst v5  }
0x54: {  	v3 =	vand.u32 $0x7F, v26;
	v4 =	vand.u32 $0xFFFFFC00, v30;
	v5 =	vld.idx.msk [tilespmem:v9+s17+$0x0], $0xffff;
	[tilespmem:$0x84D0] =	vst v0  }
0x55: {  	v8 =	vor.u32 v3, v4;
	v0 =	vld.idx.msk [tilespmem:v28+s17+$0x0], $0xffff  }
0x56: {  	v31 =	vor.u32 $0x80, v8;
	_ =	sdelay $0x2  }
0x57: {  	v32 =	vld [tilespmem:$0x90];
	v33 =	vshll.u32 v29, $0x3;
	[tilespmem:$0x8460] =	vst v5  }
0x58: {  	v2 =	vand.u32 $0x7F, v29;
	v4 =	vand.u32 $0xFFFFFC00, v33;
	v5 =	vld.idx.msk [tilespmem:v8+s17+$0x0], $0xffff;
	[tilespmem:$0x84E0] =	vst v0  }
0x59: {  	v7 =	vor.u32 v2, v4;
	v0 =	vld.idx.msk [tilespmem:v31+s17+$0x0], $0xffff  }
0x5a: {  	v34 =	vor.u32 $0x80, v7;
	_ =	sdelay $0x2  }
0x5b: {  	v35 =	vld [tilespmem:$0xA0];
	v36 =	vshll.u32 v32, $0x3;
	[tilespmem:$0x8470] =	vst v5  }
0x5c: {  	v3 =	vand.u32 $0x7F, v32;
	v4 =	vand.u32 $0xFFFFFC00, v36;
	v5 =	vld.idx.msk [tilespmem:v7+s17+$0x0], $0xffff;
	[tilespmem:$0x84F0] =	vst v0  }
0x5d: {  	v6 =	vor.u32 v3, v4;
	v0 =	vld.idx.msk [tilespmem:v34+s17+$0x0], $0xffff  }
0x5e: {  	v37 =	vor.u32 $0x80, v6;
	_ =	sdelay $0x2  }
0x5f: {  	v38 =	vld [tilespmem:$0xB0];
	v39 =	vshll.u32 v35, $0x3;
	[tilespmem:$0x8800] =	vst v5  }
0x60: {  	v2 =	vand.u32 $0x7F, v35;
	v4 =	vand.u32 $0xFFFFFC00, v39;
	v16 =	vld.idx.msk [tilespmem:v6+s17+$0x0], $0xffff;
	[tilespmem:$0x8880] =	vst v0  }
0x61: {  	v5 =	vor.u32 v2, v4;
	v0 =	vld.idx.msk [tilespmem:v37+s17+$0x0], $0xffff  }
0x62: {  	v40 =	vor.u32 $0x80, v5;
	_ =	sdelay $0x2  }
0x63: {  	v41 =	vld [tilespmem:$0xC0];
	v42 =	vshll.u32 v38, $0x3;
	[tilespmem:$0x8810] =	vst v16  }
0x64: {  	v17 =	vor.u32 $0x100, v15;
	v3 =	vand.u32 $0x7F, v38;
	v4 =	vand.u32 $0xFFFFFC00, v42;
	v16 =	vld.idx.msk [tilespmem:v5+s17+$0x0], $0xffff;
	[tilespmem:$0x8890] =	vst v0  }
0x65: {  	v4 =	vor.u32 v3, v4;
	v0 =	vld.idx.msk [tilespmem:v40+s17+$0x0], $0xffff  }
0x66: {  	v43 =	vor.u32 $0x80, v4;
	_ =	sdelay $0x1  }
0x67: {  	v18 =	vld [tilespmem:$0xD0]  }
0x68: {  	v44 =	vshll.u32 v41, $0x3;
	v17 =	vld.idx.msk [tilespmem:v17+s17+$0x0], $0xffff;
	[tilespmem:$0x8820] =	vst v16  }
0x69: {  	v19 =	vor.u32 $0x100, v14;
	v2 =	vand.u32 $0x7F, v41;
	v3 =	vand.u32 $0xFFFFFC00, v44;
	v16 =	vld.idx.msk [tilespmem:v4+s17+$0x0], $0xffff;
	[tilespmem:$0x88A0] =	vst v0  }
0x6a: {  	v3 =	vor.u32 v2, v3;
	v0 =	vld.idx.msk [tilespmem:v43+s17+$0x0], $0xffff  }
0x6b: {  	v45 =	vor.u32 $0x80, v3;
	_ =	sdelay $0x1  }
0x6c: {  	v20 =	vld [tilespmem:$0xE0];
	[tilespmem:$0x8500] =	vst v17  }
0x6d: {  	v46 =	vshll.u32 v18, $0x3;
	v48 =	vld.idx.msk [tilespmem:v19+s17+$0x0], $0xffff;
	[tilespmem:$0x8830] =	vst v16  }
0x6e: {  	v49 =	vor.u32 $0x100, v13;
	v18 =	vand.u32 $0x7F, v18;
	v2 =	vand.u32 $0xFFFFFC00, v46;
	v16 =	vld.idx.msk [tilespmem:v3+s17+$0x0], $0xffff;
	[tilespmem:$0x88B0] =	vst v0  }
0x6f: {  	v2 =	vor.u32 v18, v2;
	v0 =	vld.idx.msk [tilespmem:v45+s17+$0x0], $0xffff  }
0x70: {  	v47 =	vor.u32 $0x80, v2;
	_ =	sdelay $0x1  }
0x71: {  	v21 =	vld [tilespmem:$0xF0];
	[tilespmem:$0x8510] =	vst v48  }
0x72: {  	v50 =	vshll.u32 v20, $0x3;
	v18 =	vld.idx.msk [tilespmem:v49+s17+$0x0], $0xffff;
	[tilespmem:$0x8840] =	vst v16  }
0x73: {  	v52 =	vor.u32 $0x100, v12;
	v20 =	vand.u32 $0x7F, v20;
	v1 =	vand.u32 $0xFFFFFC00, v50;
	v16 =	vld.idx.msk [tilespmem:v2+s17+$0x0], $0xffff;
	[tilespmem:$0x88C0] =	vst v0  }
0x74: {  	v1 =	vor.u32 v20, v1;
	v0 =	vld.idx.msk [tilespmem:v47+s17+$0x0], $0xffff  }
0x75: {  	v51 =	vor.u32 $0x80, v1;
	_ =	sdelay $0x1  }
0x76: {  	[tilespmem:$0x8520] =	vst v18  }
0x77: {  	v53 =	vshll.u32 v21, $0x3;
	v18 =	vld.idx.msk [tilespmem:v52+s17+$0x0], $0xffff;
	[tilespmem:$0x8850] =	vst v16  }
0x78: {  	v56 =	vor.u32 $0x100, v11;
	v21 =	vand.u32 $0x7F, v21;
	v16 =	vand.u32 $0xFFFFFC00, v53;
	v20 =	vld.idx.msk [tilespmem:v1+s17+$0x0], $0xffff;
	[tilespmem:$0x88D0] =	vst v0  }
0x79: {  	v0 =	vor.u32 v21, v16;
	v54 =	vld.idx.msk [tilespmem:v51+s17+$0x0], $0xffff  }
0x7a: {  	v55 =	vor.u32 $0x80, v0;
	_ =	sdelay $0x1  }
0x7b: {  	[tilespmem:$0x8530] =	vst v18  }
0x7c: {  	v57 =	vld.idx.msk [tilespmem:v56+s17+$0x0], $0xffff;
	[tilespmem:$0x8860] =	vst v20  }
0x7d: {  	v20 =	vld.idx.msk [tilespmem:v0+s17+$0x0], $0xffff;
	[tilespmem:$0x88E0] =	vst v54  }
0x7e: {  	v16 =	vld.idx.msk [tilespmem:v55+s17+$0x0], $0xffff  }
0x7f: {  	v58 =	vor.u32 $0x100, v10  }
0x80: {  	v59 =	vor.u32 $0x180, v15  }
0x81: {  	v60 =	vor.u32 $0x200, v15;
	[tilespmem:$0x8540] =	vst v57  }
0x82: {  	v61 =	vor.u32 $0x280, v15;
	[tilespmem:$0x8870] =	vst v20  }
0x83: {  	v62 =	vor.u32 $0x300, v15;
	[tilespmem:$0x88F0] =	vst v16  }
0x84: {  	v15 =	vor.u32 $0x380, v15;
	v18 =	vld.idx.msk [tilespmem:v58+s17+$0x0], $0xffff  }
0x85: {  	v19 =	vld.idx.msk [tilespmem:v59+s17+$0x0], $0xffff  }
0x86: {  	v63 =	vor.u32 $0x180, v14;
	v20 =	vld.idx.msk [tilespmem:v60+s17+$0x0], $0xffff  }
0x87: {  	v22 =	vor.u32 $0x200, v14;
	v16 =	vld.idx.msk [tilespmem:v61+s17+$0x0], $0xffff  }
0x88: {  	v23 =	vor.u32 $0x280, v14;
	v17 =	vld.idx.msk [tilespmem:v62+s17+$0x0], $0xffff  }
0x89: {  	v24 =	vor.u32 $0x300, v14;
	v15 =	vld.idx.msk [tilespmem:v15+s17+$0x0], $0xffff  }
0x8a: {  	v14 =	vor.u32 $0x380, v14;
	[tilespmem:$0x8580] =	vst v19  }
0x8b: {  	[tilespmem:$0x8600] =	vst v20;
	v19 =	vld.idx.msk [tilespmem:v63+s17+$0x0], $0xffff  }
0x8c: {  	v26 =	vor.u32 $0x180, v13;
	[tilespmem:$0x8680] =	vst v16;
	v27 =	vld.idx.msk [tilespmem:v22+s17+$0x0], $0xffff  }
0x8d: {  	v28 =	vor.u32 $0x200, v13;
	[tilespmem:$0x8700] =	vst v17;
	v29 =	vld.idx.msk [tilespmem:v23+s17+$0x0], $0xffff  }
0x8e: {  	v30 =	vor.u32 $0x280, v13;
	[tilespmem:$0x8780] =	vst v15;
	v31 =	vld.idx.msk [tilespmem:v24+s17+$0x0], $0xffff  }
0x8f: {  	v32 =	vor.u32 $0x300, v13;
	v14 =	vld.idx.msk [tilespmem:v14+s17+$0x0], $0xffff  }
0x90: {  	v13 =	vor.u32 $0x380, v13;
	[tilespmem:$0x8590] =	vst v19  }
0x91: {  	[tilespmem:$0x8610] =	vst v27;
	v19 =	vld.idx.msk [tilespmem:v26+s17+$0x0], $0xffff  }
0x92: {  	v33 =	vor.u32 $0x180, v12;
	[tilespmem:$0x8690] =	vst v29;
	v16 =	vld.idx.msk [tilespmem:v28+s17+$0x0], $0xffff  }
0x93: {  	v34 =	vor.u32 $0x200, v12;
	[tilespmem:$0x8710] =	vst v31;
	v17 =	vld.idx.msk [tilespmem:v30+s17+$0x0], $0xffff  }
0x94: {  	v35 =	vor.u32 $0x280, v12;
	[tilespmem:$0x8790] =	vst v14;
	v15 =	vld.idx.msk [tilespmem:v32+s17+$0x0], $0xffff  }
0x95: {  	v36 =	vor.u32 $0x300, v12;
	v13 =	vld.idx.msk [tilespmem:v13+s17+$0x0], $0xffff  }
0x96: {  	v12 =	vor.u32 $0x380, v12;
	[tilespmem:$0x85A0] =	vst v19  }
0x97: {  	v43 =	vor.u32 $0x100, v9;
	[tilespmem:$0x8620] =	vst v16;
	v19 =	vld.idx.msk [tilespmem:v33+s17+$0x0], $0xffff  }
0x98: {  	v37 =	vor.u32 $0x180, v11;
	[tilespmem:$0x86A0] =	vst v17;
	v38 =	vld.idx.msk [tilespmem:v34+s17+$0x0], $0xffff  }
0x99: {  	v39 =	vor.u32 $0x200, v11;
	[tilespmem:$0x8720] =	vst v15;
	v40 =	vld.idx.msk [tilespmem:v35+s17+$0x0], $0xffff  }
0x9a: {  	v41 =	vor.u32 $0x280, v11;
	[tilespmem:$0x87A0] =	vst v13;
	v14 =	vld.idx.msk [tilespmem:v36+s17+$0x0], $0xffff  }
0x9b: {  	v42 =	vor.u32 $0x300, v11;
	[tilespmem:$0x8550] =	vst v18;
	v12 =	vld.idx.msk [tilespmem:v12+s17+$0x0], $0xffff  }
0x9c: {  	v11 =	vor.u32 $0x380, v11;
	v18 =	vld.idx.msk [tilespmem:v43+s17+$0x0], $0xffff;
	[tilespmem:$0x85B0] =	vst v19  }
0x9d: {  	v48 =	vor.u32 $0x100, v8;
	[tilespmem:$0x8630] =	vst v38;
	v16 =	vld.idx.msk [tilespmem:v37+s17+$0x0], $0xffff  }
0x9e: {  	v44 =	vor.u32 $0x180, v10;
	[tilespmem:$0x86B0] =	vst v40;
	v17 =	vld.idx.msk [tilespmem:v39+s17+$0x0], $0xffff  }
0x9f: {  	v45 =	vor.u32 $0x200, v10;
	[tilespmem:$0x8730] =	vst v14;
	v15 =	vld.idx.msk [tilespmem:v41+s17+$0x0], $0xffff  }
0xa0: {  	v46 =	vor.u32 $0x280, v10;
	[tilespmem:$0x87B0] =	vst v12;
	v13 =	vld.idx.msk [tilespmem:v42+s17+$0x0], $0xffff  }
0xa1: {  	v47 =	vor.u32 $0x300, v10;
	[tilespmem:$0x8560] =	vst v18;
	v11 =	vld.idx.msk [tilespmem:v11+s17+$0x0], $0xffff  }
0xa2: {  	v10 =	vor.u32 $0x380, v10;
	[tilespmem:$0x85C0] =	vst v16;
	v16 =	vld.idx.msk [tilespmem:v48+s17+$0x0], $0xffff  }
0xa3: {  	v55 =	vor.u32 $0x100, v7;
	[tilespmem:$0x8640] =	vst v17;
	v49 =	vld.idx.msk [tilespmem:v44+s17+$0x0], $0xffff  }
0xa4: {  	v50 =	vor.u32 $0x180, v9;
	[tilespmem:$0x86C0] =	vst v15;
	v51 =	vld.idx.msk [tilespmem:v45+s17+$0x0], $0xffff  }
0xa5: {  	v52 =	vor.u32 $0x200, v9;
	[tilespmem:$0x8740] =	vst v13;
	v14 =	vld.idx.msk [tilespmem:v46+s17+$0x0], $0xffff  }
0xa6: {  	v53 =	vor.u32 $0x280, v9;
	[tilespmem:$0x87C0] =	vst v11;
	v12 =	vld.idx.msk [tilespmem:v47+s17+$0x0], $0xffff  }
0xa7: {  	v54 =	vor.u32 $0x300, v9;
	v10 =	vld.idx.msk [tilespmem:v10+s17+$0x0], $0xffff;
	[tilespmem:$0x8570] =	vst v16  }
0xa8: {  	v9 =	vor.u32 $0x380, v9;
	[tilespmem:$0x85D0] =	vst v49;
	v16 =	vld.idx.msk [tilespmem:v55+s17+$0x0], $0xffff  }
0xa9: {  	v60 =	vor.u32 $0x100, v6;
	[tilespmem:$0x8650] =	vst v51;
	v17 =	vld.idx.msk [tilespmem:v50+s17+$0x0], $0xffff  }
0xaa: {  	v56 =	vor.u32 $0x180, v8;
	[tilespmem:$0x86D0] =	vst v14;
	v15 =	vld.idx.msk [tilespmem:v52+s17+$0x0], $0xffff  }
0xab: {  	v57 =	vor.u32 $0x200, v8;
	[tilespmem:$0x8750] =	vst v12;
	v13 =	vld.idx.msk [tilespmem:v53+s17+$0x0], $0xffff  }
0xac: {  	v58 =	vor.u32 $0x280, v8;
	[tilespmem:$0x87D0] =	vst v10;
	v11 =	vld.idx.msk [tilespmem:v54+s17+$0x0], $0xffff  }
0xad: {  	v59 =	vor.u32 $0x300, v8;
	v9 =	vld.idx.msk [tilespmem:v9+s17+$0x0], $0xffff;
	[tilespmem:$0x8900] =	vst v16  }
0xae: {  	v8 =	vor.u32 $0x380, v8;
	[tilespmem:$0x85E0] =	vst v17;
	v16 =	vld.idx.msk [tilespmem:v60+s17+$0x0], $0xffff  }
0xaf: {  	[tilespmem:$0x8660] =	vst v15;
	v61 =	vld.idx.msk [tilespmem:v56+s17+$0x0], $0xffff  }
0xb0: {  	v62 =	vor.u32 $0x180, v7;
	[tilespmem:$0x86E0] =	vst v13;
	v14 =	vld.idx.msk [tilespmem:v57+s17+$0x0], $0xffff  }
0xb1: {  	v63 =	vor.u32 $0x200, v7;
	[tilespmem:$0x8760] =	vst v11;
	v12 =	vld.idx.msk [tilespmem:v58+s17+$0x0], $0xffff  }
0xb2: {  	v20 =	vor.u32 $0x280, v7;
	[tilespmem:$0x87E0] =	vst v9;
	v10 =	vld.idx.msk [tilespmem:v59+s17+$0x0], $0xffff  }
0xb3: {  	v21 =	vor.u32 $0x300, v7;
	v8 =	vld.idx.msk [tilespmem:v8+s17+$0x0], $0xffff  }
0xb4: {  	v7 =	vor.u32 $0x380, v7;
	v56 =	vld [tilespmem:$0x100];
	[tilespmem:$0x85F0] =	vst v61  }
0xb5: {  	[tilespmem:$0x8670] =	vst v14;
	v15 =	vld.idx.msk [tilespmem:v62+s17+$0x0], $0xffff  }
0xb6: {  	v23 =	vor.u32 $0x180, v6;
	[tilespmem:$0x86F0] =	vst v12;
	v13 =	vld.idx.msk [tilespmem:v63+s17+$0x0], $0xffff  }
0xb7: {  	v24 =	vor.u32 $0x200, v6;
	[tilespmem:$0x8770] =	vst v10;
	v11 =	vld.idx.msk [tilespmem:v20+s17+$0x0], $0xffff  }
0xb8: {  	v25 =	vor.u32 $0x280, v6;
	[tilespmem:$0x87F0] =	vst v8;
	v9 =	vld.idx.msk [tilespmem:v21+s17+$0x0], $0xffff  }
0xb9: {  	v26 =	vor.u32 $0x300, v6;
	v7 =	vld.idx.msk [tilespmem:v7+s17+$0x0], $0xffff  }
0xba: {  	v6 =	vor.u32 $0x380, v6;
	v58 =	vld [tilespmem:$0x110];
	[tilespmem:$0x8980] =	vst v15  }
0xbb: {  	v22 =	vor.u32 $0x100, v5;
	[tilespmem:$0x8A00] =	vst v13;
	v14 =	vld.idx.msk [tilespmem:v23+s17+$0x0], $0xffff  }
0xbc: {  	v28 =	vor.u32 $0x180, v5;
	[tilespmem:$0x8A80] =	vst v11;
	v12 =	vld.idx.msk [tilespmem:v24+s17+$0x0], $0xffff  }
0xbd: {  	v29 =	vor.u32 $0x200, v5;
	[tilespmem:$0x8B00] =	vst v9;
	v10 =	vld.idx.msk [tilespmem:v25+s17+$0x0], $0xffff  }
0xbe: {  	v30 =	vor.u32 $0x280, v5;
	[tilespmem:$0x8B80] =	vst v7;
	v8 =	vld.idx.msk [tilespmem:v26+s17+$0x0], $0xffff  }
0xbf: {  	v31 =	vor.u32 $0x300, v5;
	[tilespmem:$0x8910] =	vst v16;
	v6 =	vld.idx.msk [tilespmem:v6+s17+$0x0], $0xffff  }
0xc0: {  	v5 =	vor.u32 $0x380, v5;
	v16 =	vld.idx.msk [tilespmem:v22+s17+$0x0], $0xffff;
	[tilespmem:$0x8990] =	vst v14  }
0xc1: {  	v27 =	vor.u32 $0x100, v4;
	[tilespmem:$0x8A10] =	vst v12;
	v13 =	vld.idx.msk [tilespmem:v28+s17+$0x0], $0xffff  }
0xc2: {  	v33 =	vor.u32 $0x180, v4;
	[tilespmem:$0x8A90] =	vst v10;
	v11 =	vld.idx.msk [tilespmem:v29+s17+$0x0], $0xffff  }
0xc3: {  	v34 =	vor.u32 $0x200, v4;
	[tilespmem:$0x8B10] =	vst v8;
	v9 =	vld.idx.msk [tilespmem:v30+s17+$0x0], $0xffff  }
0xc4: {  	v35 =	vor.u32 $0x280, v4;
	[tilespmem:$0x8B90] =	vst v6;
	v7 =	vld.idx.msk [tilespmem:v31+s17+$0x0], $0xffff  }
0xc5: {  	v36 =	vor.u32 $0x300, v4;
	[tilespmem:$0x8920] =	vst v16;
	v5 =	vld.idx.msk [tilespmem:v5+s17+$0x0], $0xffff  }
0xc6: {  	v4 =	vor.u32 $0x380, v4;
	v15 =	vld.idx.msk [tilespmem:v27+s17+$0x0], $0xffff;
	[tilespmem:$0x89A0] =	vst v13  }
0xc7: {  	v32 =	vor.u32 $0x100, v3;
	[tilespmem:$0x8A20] =	vst v11;
	v12 =	vld.idx.msk [tilespmem:v33+s17+$0x0], $0xffff  }
0xc8: {  	v38 =	vor.u32 $0x180, v3;
	[tilespmem:$0x8AA0] =	vst v9;
	v10 =	vld.idx.msk [tilespmem:v34+s17+$0x0], $0xffff  }
0xc9: {  	v39 =	vor.u32 $0x200, v3;
	[tilespmem:$0x8B20] =	vst v7;
	v8 =	vld.idx.msk [tilespmem:v35+s17+$0x0], $0xffff  }
0xca: {  	v40 =	vor.u32 $0x280, v3;
	[tilespmem:$0x8BA0] =	vst v5;
	v6 =	vld.idx.msk [tilespmem:v36+s17+$0x0], $0xffff  }
0xcb: {  	v41 =	vor.u32 $0x300, v3;
	[tilespmem:$0x8930] =	vst v15;
	v4 =	vld.idx.msk [tilespmem:v4+s17+$0x0], $0xffff  }
0xcc: {  	v3 =	vor.u32 $0x380, v3;
	v14 =	vld.idx.msk [tilespmem:v32+s17+$0x0], $0xffff;
	[tilespmem:$0x89B0] =	vst v12  }
0xcd: {  	v37 =	vor.u32 $0x100, v2;
	[tilespmem:$0x8A30] =	vst v10;
	v11 =	vld.idx.msk [tilespmem:v38+s17+$0x0], $0xffff  }
0xce: {  	v43 =	vor.u32 $0x180, v2;
	[tilespmem:$0x8AB0] =	vst v8;
	v9 =	vld.idx.msk [tilespmem:v39+s17+$0x0], $0xffff  }
0xcf: {  	v44 =	vor.u32 $0x200, v2;
	[tilespmem:$0x8B30] =	vst v6;
	v7 =	vld.idx.msk [tilespmem:v40+s17+$0x0], $0xffff  }
0xd0: {  	v45 =	vor.u32 $0x280, v2;
	[tilespmem:$0x8BB0] =	vst v4;
	v5 =	vld.idx.msk [tilespmem:v41+s17+$0x0], $0xffff  }
0xd1: {  	v46 =	vor.u32 $0x300, v2;
	[tilespmem:$0x8940] =	vst v14;
	v3 =	vld.idx.msk [tilespmem:v3+s17+$0x0], $0xffff  }
0xd2: {  	v2 =	vor.u32 $0x380, v2;
	v13 =	vld.idx.msk [tilespmem:v37+s17+$0x0], $0xffff;
	[tilespmem:$0x89C0] =	vst v11  }
0xd3: {  	v42 =	vor.u32 $0x100, v1;
	[tilespmem:$0x8A40] =	vst v9;
	v10 =	vld.idx.msk [tilespmem:v43+s17+$0x0], $0xffff  }
0xd4: {  	v48 =	vor.u32 $0x180, v1;
	[tilespmem:$0x8AC0] =	vst v7;
	v8 =	vld.idx.msk [tilespmem:v44+s17+$0x0], $0xffff  }
0xd5: {  	v49 =	vor.u32 $0x200, v1;
	[tilespmem:$0x8B40] =	vst v5;
	v6 =	vld.idx.msk [tilespmem:v45+s17+$0x0], $0xffff  }
0xd6: {  	v50 =	vor.u32 $0x280, v1;
	[tilespmem:$0x8BC0] =	vst v3;
	v4 =	vld.idx.msk [tilespmem:v46+s17+$0x0], $0xffff  }
0xd7: {  	v51 =	vor.u32 $0x300, v1;
	[tilespmem:$0x8950] =	vst v13;
	v2 =	vld.idx.msk [tilespmem:v2+s17+$0x0], $0xffff  }
0xd8: {  	v1 =	vor.u32 $0x380, v1;
	v12 =	vld.idx.msk [tilespmem:v42+s17+$0x0], $0xffff;
	[tilespmem:$0x89D0] =	vst v10  }
0xd9: {  	v47 =	vor.u32 $0x100, v0;
	[tilespmem:$0x8A50] =	vst v8;
	v9 =	vld.idx.msk [tilespmem:v48+s17+$0x0], $0xffff  }
0xda: {  	v52 =	vor.u32 $0x180, v0;
	[tilespmem:$0x8AD0] =	vst v6;
	v7 =	vld.idx.msk [tilespmem:v49+s17+$0x0], $0xffff  }
0xdb: {  	v53 =	vor.u32 $0x200, v0;
	[tilespmem:$0x8B50] =	vst v4;
	v5 =	vld.idx.msk [tilespmem:v50+s17+$0x0], $0xffff  }
0xdc: {  	v54 =	vor.u32 $0x280, v0;
	[tilespmem:$0x8BD0] =	vst v2;
	v3 =	vld.idx.msk [tilespmem:v51+s17+$0x0], $0xffff  }
0xdd: {  	v55 =	vor.u32 $0x300, v0;
	[tilespmem:$0x8960] =	vst v12;
	v1 =	vld.idx.msk [tilespmem:v1+s17+$0x0], $0xffff  }
0xde: {  	v0 =	vor.u32 $0x380, v0;
	v11 =	vld.idx.msk [tilespmem:v47+s17+$0x0], $0xffff;
	[tilespmem:$0x89E0] =	vst v9  }
0xdf: {  	[tilespmem:$0x8A60] =	vst v7;
	v8 =	vld.idx.msk [tilespmem:v52+s17+$0x0], $0xffff  }
0xe0: {  	[tilespmem:$0x8AE0] =	vst v5;
	v6 =	vld.idx.msk [tilespmem:v53+s17+$0x0], $0xffff  }
0xe1: {  	[tilespmem:$0x8B60] =	vst v3;
	v4 =	vld.idx.msk [tilespmem:v54+s17+$0x0], $0xffff  }
0xe2: {  	v57 =	vshll.u32 v56, $0x3;
	[tilespmem:$0x8BE0] =	vst v1;
	v2 =	vld.idx.msk [tilespmem:v55+s17+$0x0], $0xffff  }
0xe3: {  	v59 =	vand.u32 $0x7F, v56;
	[tilespmem:$0x8970] =	vst v11;
	v1 =	vand.u32 $0xFFFFFC00, v57;
	v0 =	vld.idx.msk [tilespmem:v0+s17+$0x0], $0xffff  }
0xe4: {  	v17 =	vor.u32 v59, v1;
	[tilespmem:$0x89F0] =	vst v8  }
0xe5: {  	[tilespmem:$0x8A70] =	vst v6  }
0xe6: {  	v1 =	vor.u32 $0x80, v17;
	[tilespmem:$0x8AF0] =	vst v4  }
0xe7: {  	[tilespmem:$0x8B70] =	vst v2  }
0xe8: {  	v60 =	vld [tilespmem:$0x120];
	v61 =	vshll.u32 v58, $0x3;
	[tilespmem:$0x8BF0] =	vst v0  }
0xe9: {  	v3 =	vand.u32 $0x7F, v58;
	v2 =	vand.u32 $0xFFFFFC00, v61;
	v4 =	vld.idx.msk [tilespmem:v17+s17+$0x0], $0xffff  }
0xea: {  	v16 =	vor.u32 v3, v2  }
0xeb: {  	v1 =	vld.idx.msk [tilespmem:v1+s17+$0x0], $0xffff  }
0xec: {  	v2 =	vor.u32 $0x80, v16;
	_ =	sdelay $0x1  }
0xed: {  	v62 =	vld [tilespmem:$0x130];
	v63 =	vshll.u32 v60, $0x3;
	[tilespmem:$0x8C00] =	vst v4  }
0xee: {  	v0 =	vand.u32 $0x7F, v60;
	v4 =	vand.u32 $0xFFFFFC00, v63;
	v8 =	vld.idx.msk [tilespmem:v16+s17+$0x0], $0xffff  }
0xef: {  	[tilespmem:$0x8C80] =	vst v1;
	v15 =	vor.u32 v0, v4  }
0xf0: {  	v9 =	vld.idx.msk [tilespmem:v2+s17+$0x0], $0xffff  }
0xf1: {  	v10 =	vor.u32 $0x80, v15;
	_ =	sdelay $0x1  }
0xf2: {  	v18 =	vshll.u32 v62, $0x3;
	v11 =	vld [tilespmem:$0x140];
	[tilespmem:$0x8C10] =	vst v8  }
0xf3: {  	v3 =	vand.u32 $0x7F, v62;
	v4 =	vand.u32 $0xFFFFFC00, v18;
	v5 =	vld.idx.msk [tilespmem:v15+s17+$0x0], $0xffff  }
0xf4: {  	v14 =	vor.u32 v3, v4;
	[tilespmem:$0x8C90] =	vst v9  }
0xf5: {  	v0 =	vld.idx.msk [tilespmem:v10+s17+$0x0], $0xffff  }
0xf6: {  	v19 =	vor.u32 $0x80, v14;
	_ =	sdelay $0x1  }
0xf7: {  	v20 =	vld [tilespmem:$0x150];
	v21 =	vshll.u32 v11, $0x3;
	[tilespmem:$0x8C20] =	vst v5  }
0xf8: {  	v2 =	vand.u32 $0x7F, v11;
	v4 =	vand.u32 $0xFFFFFC00, v21;
	v5 =	vld.idx.msk [tilespmem:v14+s17+$0x0], $0xffff  }
0xf9: {  	v13 =	vor.u32 v2, v4;
	[tilespmem:$0x8CA0] =	vst v0  }
0xfa: {  	v0 =	vld.idx.msk [tilespmem:v19+s17+$0x0], $0xffff  }
0xfb: {  	v22 =	vor.u32 $0x80, v13;
	_ =	sdelay $0x1  }
0xfc: {  	v23 =	vld [tilespmem:$0x160];
	v24 =	vshll.u32 v20, $0x3;
	[tilespmem:$0x8C30] =	vst v5  }
0xfd: {  	v3 =	vand.u32 $0x7F, v20;
	v4 =	vand.u32 $0xFFFFFC00, v24;
	v5 =	vld.idx.msk [tilespmem:v13+s17+$0x0], $0xffff  }
0xfe: {  	v12 =	vor.u32 v3, v4;
	[tilespmem:$0x8CB0] =	vst v0  }
0xff: {  	v0 =	vld.idx.msk [tilespmem:v22+s17+$0x0], $0xffff  }
0x100: {  	v25 =	vor.u32 $0x80, v12;
	_ =	sdelay $0x1  }
0x101: {  	v26 =	vld [tilespmem:$0x170];
	v27 =	vshll.u32 v23, $0x3;
	[tilespmem:$0x8C40] =	vst v5  }
0x102: {  	v2 =	vand.u32 $0x7F, v23;
	v4 =	vand.u32 $0xFFFFFC00, v27;
	v5 =	vld.idx.msk [tilespmem:v12+s17+$0x0], $0xffff  }
0x103: {  	v11 =	vor.u32 v2, v4;
	[tilespmem:$0x8CC0] =	vst v0  }
0x104: {  	v0 =	vld.idx.msk [tilespmem:v25+s17+$0x0], $0xffff  }
0x105: {  	v28 =	vor.u32 $0x80, v11;
	_ =	sdelay $0x1  }
0x106: {  	v29 =	vld [tilespmem:$0x180];
	v30 =	vshll.u32 v26, $0x3;
	[tilespmem:$0x8C50] =	vst v5  }
0x107: {  	v3 =	vand.u32 $0x7F, v26;
	v4 =	vand.u32 $0xFFFFFC00, v30;
	v5 =	vld.idx.msk [tilespmem:v11+s17+$0x0], $0xffff  }
0x108: {  	v10 =	vor.u32 v3, v4;
	[tilespmem:$0x8CD0] =	vst v0  }
0x109: {  	v0 =	vld.idx.msk [tilespmem:v28+s17+$0x0], $0xffff  }
0x10a: {  	v31 =	vor.u32 $0x80, v10;
	_ =	sdelay $0x1  }
0x10b: {  	v32 =	vld [tilespmem:$0x190];
	v33 =	vshll.u32 v29, $0x3;
	[tilespmem:$0x8C60] =	vst v5  }
0x10c: {  	v2 =	vand.u32 $0x7F, v29;
	v4 =	vand.u32 $0xFFFFFC00, v33;
	v5 =	vld.idx.msk [tilespmem:v10+s17+$0x0], $0xffff  }
0x10d: {  	v9 =	vor.u32 v2, v4;
	[tilespmem:$0x8CE0] =	vst v0  }
0x10e: {  	v0 =	vld.idx.msk [tilespmem:v31+s17+$0x0], $0xffff  }
0x10f: {  	v34 =	vor.u32 $0x80, v9;
	_ =	sdelay $0x1  }
0x110: {  	v35 =	vld [tilespmem:$0x1A0];
	v36 =	vshll.u32 v32, $0x3;
	[tilespmem:$0x8C70] =	vst v5  }
0x111: {  	v3 =	vand.u32 $0x7F, v32;
	v4 =	vand.u32 $0xFFFFFC00, v36;
	v5 =	vld.idx.msk [tilespmem:v9+s17+$0x0], $0xffff  }
0x112: {  	v8 =	vor.u32 v3, v4;
	[tilespmem:$0x8CF0] =	vst v0  }
0x113: {  	v0 =	vld.idx.msk [tilespmem:v34+s17+$0x0], $0xffff  }
0x114: {  	v37 =	vor.u32 $0x80, v8;
	_ =	sdelay $0x1  }
0x115: {  	v38 =	vld [tilespmem:$0x1B0];
	v39 =	vshll.u32 v35, $0x3;
	[tilespmem:$0x9000] =	vst v5  }
0x116: {  	v2 =	vand.u32 $0x7F, v35;
	v4 =	vand.u32 $0xFFFFFC00, v39;
	v5 =	vld.idx.msk [tilespmem:v8+s17+$0x0], $0xffff  }
0x117: {  	v7 =	vor.u32 v2, v4;
	[tilespmem:$0x9080] =	vst v0  }
0x118: {  	v0 =	vld.idx.msk [tilespmem:v37+s17+$0x0], $0xffff  }
0x119: {  	v40 =	vor.u32 $0x80, v7;
	_ =	sdelay $0x1  }
0x11a: {  	v41 =	vld [tilespmem:$0x1C0];
	v42 =	vshll.u32 v38, $0x3;
	[tilespmem:$0x9010] =	vst v5  }
0x11b: {  	v3 =	vand.u32 $0x7F, v38;
	v4 =	vand.u32 $0xFFFFFC00, v42;
	v5 =	vld.idx.msk [tilespmem:v7+s17+$0x0], $0xffff  }
0x11c: {  	v6 =	vor.u32 v3, v4;
	[tilespmem:$0x9090] =	vst v0  }
0x11d: {  	v0 =	vld.idx.msk [tilespmem:v40+s17+$0x0], $0xffff  }
0x11e: {  	v43 =	vor.u32 $0x80, v6  }
0x11f: {  	v45 =	vshll.u32 v41, $0x3;
	v54 =	vor.u32 $0x100, v17;
	v57 =	vor.u32 $0x180, v17  }
0x120: {  	v44 =	vld [tilespmem:$0x1D0];
	v58 =	vor.u32 $0x200, v17;
	v59 =	vor.u32 $0x280, v17;
	v60 =	vor.u32 $0x300, v17;
	[tilespmem:$0x9020] =	vst v5  }
0x121: {  	v17 =	vor.u32 $0x380, v17;
	v2 =	vand.u32 $0x7F, v41;
	v4 =	vand.u32 $0xFFFFFC00, v45;
	v18 =	vld.idx.msk [tilespmem:v6+s17+$0x0], $0xffff  }
0x122: {  	[tilespmem:$0x90A0] =	vst v0;
	v5 =	vor.u32 v2, v4  }
0x123: {  	v0 =	vld.idx.msk [tilespmem:v43+s17+$0x0], $0xffff  }
0x124: {  	v46 =	vor.u32 $0x80, v5  }
0x125: {  	v47 =	vld [tilespmem:$0x1E0];
	v48 =	vshll.u32 v44, $0x3;
	v56 =	vor.u32 $0x100, v16;
	v63 =	vor.u32 $0x180, v16  }
0x126: {  	v17 =	vld.idx.msk [tilespmem:v17+s17+$0x0], $0xffff;
	v26 =	vor.u32 $0x280, v16;
	v3 =	vand.u32 $0x7F, v44;
	v25 =	vor.u32 $0x200, v16;
	[tilespmem:$0x9030] =	vst v18  }
0x127: {  	v28 =	vor.u32 $0x300, v16;
	v16 =	vor.u32 $0x380, v16;
	v4 =	vand.u32 $0xFFFFFC00, v48;
	v18 =	vld.idx.msk [tilespmem:v5+s17+$0x0], $0xffff  }
0x128: {  	v4 =	vor.u32 v3, v4;
	[tilespmem:$0x90B0] =	vst v0  }
0x129: {  	v0 =	vld.idx.msk [tilespmem:v46+s17+$0x0], $0xffff  }
0x12a: {  	v49 =	vor.u32 $0x80, v4  }
0x12b: {  	v50 =	vld [tilespmem:$0x1F0];
	v51 =	vshll.u32 v47, $0x3;
	v62 =	vor.u32 $0x100, v15;
	v30 =	vor.u32 $0x180, v15;
	[tilespmem:$0x8F80] =	vst v17  }
0x12c: {  	v32 =	vor.u32 $0x280, v15;
	v33 =	vor.u32 $0x300, v15;
	v16 =	vld.idx.msk [tilespmem:v16+s17+$0x0], $0xffff;
	v31 =	vor.u32 $0x200, v15;
	[tilespmem:$0x9040] =	vst v18  }
0x12d: {  	v15 =	vor.u32 $0x380, v15;
	v2 =	vand.u32 $0x7F, v47;
	v18 =	vand.u32 $0xFFFFFC00, v51;
	v52 =	vld.idx.msk [tilespmem:v4+s17+$0x0], $0xffff  }
0x12e: {  	v23 =	vld.idx.msk [tilespmem:v59+s17+$0x0], $0xffff;
	[tilespmem:$0x90C0] =	vst v0;
	v2 =	vor.u32 v2, v18  }
0x12f: {  	v0 =	vld.idx.msk [tilespmem:v49+s17+$0x0], $0xffff  }
0x130: {  	v18 =	vld.idx.msk [tilespmem:v54+s17+$0x0], $0xffff  }
0x131: {  	v22 =	vld.idx.msk [tilespmem:v57+s17+$0x0], $0xffff;
	[tilespmem:$0x8F90] =	vst v16;
	v53 =	vor.u32 $0x80, v2  }
0x132: {  	v55 =	vshll.u32 v50, $0x3;
	v15 =	vld.idx.msk [tilespmem:v15+s17+$0x0], $0xffff;
	[tilespmem:$0x9050] =	vst v52  }
0x133: {  	v29 =	vor.u32 $0x100, v14;
	[tilespmem:$0x8E80] =	vst v23;
	v35 =	vor.u32 $0x180, v14;
	v36 =	vor.u32 $0x200, v14;
	v20 =	vld.idx.msk [tilespmem:v2+s17+$0x0], $0xffff  }
0x134: {  	v26 =	vld.idx.msk [tilespmem:v26+s17+$0x0], $0xffff;
	v38 =	vor.u32 $0x300, v14;
	v37 =	vor.u32 $0x280, v14;
	v14 =	vor.u32 $0x380, v14;
	[tilespmem:$0x90D0] =	vst v0  }
0x135: {  	v19 =	vand.u32 $0xFFFFFC00, v55;
	v3 =	vand.u32 $0x7F, v50;
	[tilespmem:$0x8D00] =	vst v18;
	v18 =	vld.idx.msk [tilespmem:v60+s17+$0x0], $0xffff  }
0x136: {  	[tilespmem:$0x8D80] =	vst v22;
	v0 =	vor.u32 v3, v19;
	v1 =	vld.idx.msk [tilespmem:v53+s17+$0x0], $0xffff  }
0x137: {  	v24 =	vld.idx.msk [tilespmem:v63+s17+$0x0], $0xffff;
	[tilespmem:$0x8FA0] =	vst v15;
	v19 =	vor.u32 $0x80, v0  }
0x138: {  	[tilespmem:$0x9060] =	vst v20;
	v20 =	vld.idx.msk [tilespmem:v58+s17+$0x0], $0xffff  }
0x139: {  	v41 =	vor.u32 $0x180, v13;
	v44 =	vor.u32 $0x280, v13;
	v45 =	vor.u32 $0x300, v13;
	[tilespmem:$0x8E90] =	vst v26;
	v14 =	vld.idx.msk [tilespmem:v14+s17+$0x0], $0xffff  }
0x13a: {  	v34 =	vor.u32 $0x100, v13;
	v43 =	vor.u32 $0x200, v13;
	v13 =	vor.u32 $0x380, v13;
	v61 =	vld.idx.msk [tilespmem:v56+s17+$0x0], $0xffff;
	[tilespmem:$0x8F00] =	vst v18  }
0x13b: {  	v18 =	vld.idx.msk [tilespmem:v32+s17+$0x0], $0xffff;
	[tilespmem:$0x90E0] =	vst v1  }
0x13c: {  	v1 =	vld.idx.msk [tilespmem:v19+s17+$0x0], $0xffff  }
0x13d: {  	v19 =	vld.idx.msk [tilespmem:v28+s17+$0x0], $0xffff;
	[tilespmem:$0x8E00] =	vst v20  }
0x13e: {  	[tilespmem:$0x8FB0] =	vst v14;
	v25 =	vld.idx.msk [tilespmem:v25+s17+$0x0], $0xffff  }
0x13f: {  	v39 =	vor.u32 $0x100, v12;
	v47 =	vor.u32 $0x180, v12;
	v48 =	vor.u32 $0x200, v12;
	v13 =	vld.idx.msk [tilespmem:v13+s17+$0x0], $0xffff;
	[tilespmem:$0x8D10] =	vst v61  }
0x140: {  	[tilespmem:$0x8D90] =	vst v24;
	v50 =	vor.u32 $0x300, v12;
	v49 =	vor.u32 $0x280, v12;
	v12 =	vor.u32 $0x380, v12;
	v21 =	vld.idx.msk [tilespmem:v62+s17+$0x0], $0xffff  }
0x141: {  	[tilespmem:$0x8EA0] =	vst v18;
	v20 =	vld.idx.msk [tilespmem:v30+s17+$0x0], $0xffff  }
0x142: {  	[tilespmem:$0x8F10] =	vst v19;
	v19 =	vld.idx.msk [tilespmem:v37+s17+$0x0], $0xffff  }
0x143: {  	v17 =	vld.idx.msk [tilespmem:v33+s17+$0x0], $0xffff;
	[tilespmem:$0x8E10] =	vst v25  }
0x144: {  	[tilespmem:$0x8FC0] =	vst v13;
	v23 =	vld.idx.msk [tilespmem:v31+s17+$0x0], $0xffff  }
0x145: {  	v55 =	vor.u32 $0x300, v11;
	v46 =	vor.u32 $0x100, v11;
	v54 =	vor.u32 $0x280, v11;
	v12 =	vld.idx.msk [tilespmem:v12+s17+$0x0], $0xffff;
	[tilespmem:$0x8D20] =	vst v21  }
0x146: {  	v52 =	vor.u32 $0x180, v11;
	v53 =	vor.u32 $0x200, v11;
	v11 =	vor.u32 $0x380, v11;
	v21 =	vld.idx.msk [tilespmem:v29+s17+$0x0], $0xffff;
	[tilespmem:$0x8DA0] =	vst v20  }
0x147: {  	v40 =	vld.idx.msk [tilespmem:v35+s17+$0x0], $0xffff;
	[tilespmem:$0x8EB0] =	vst v19  }
0x148: {  	[tilespmem:$0x8F20] =	vst v17;
	v17 =	vld.idx.msk [tilespmem:v44+s17+$0x0], $0xffff  }
0x149: {  	v16 =	vld.idx.msk [tilespmem:v38+s17+$0x0], $0xffff;
	[tilespmem:$0x8E20] =	vst v23  }
0x14a: {  	[tilespmem:$0x8FD0] =	vst v12;
	v42 =	vld.idx.msk [tilespmem:v36+s17+$0x0], $0xffff  }
0x14b: {  	v11 =	vld.idx.msk [tilespmem:v11+s17+$0x0], $0xffff;
	[tilespmem:$0x8D30] =	vst v21  }
0x14c: {  	v21 =	vld.idx.msk [tilespmem:v34+s17+$0x0], $0xffff;
	[tilespmem:$0x8DB0] =	vst v40  }
0x14d: {  	v22 =	vld.idx.msk [tilespmem:v41+s17+$0x0], $0xffff;
	[tilespmem:$0x8EC0] =	vst v17  }
0x14e: {  	[tilespmem:$0x8F30] =	vst v16;
	v16 =	vld.idx.msk [tilespmem:v49+s17+$0x0], $0xffff  }
0x14f: {  	v15 =	vld.idx.msk [tilespmem:v45+s17+$0x0], $0xffff;
	[tilespmem:$0x8E30] =	vst v42  }
0x150: {  	v18 =	vld.idx.msk [tilespmem:v43+s17+$0x0], $0xffff  }
0x151: {  	v59 =	vor.u32 $0x280, v10;
	v57 =	vor.u32 $0x180, v10;
	v51 =	vor.u32 $0x100, v10;
	v3 =	vld.idx.msk [tilespmem:v0+s17+$0x0], $0xffff;
	[tilespmem:$0x8D40] =	vst v21  }
0x152: {  	v60 =	vor.u32 $0x300, v10;
	v58 =	vor.u32 $0x200, v10;
	v10 =	vor.u32 $0x380, v10;
	v20 =	vld.idx.msk [tilespmem:v39+s17+$0x0], $0xffff;
	[tilespmem:$0x8DC0] =	vst v22  }
0x153: {  	v22 =	vld.idx.msk [tilespmem:v47+s17+$0x0], $0xffff;
	[tilespmem:$0x8ED0] =	vst v16  }
0x154: {  	[tilespmem:$0x8F40] =	vst v15;
	v15 =	vld.idx.msk [tilespmem:v54+s17+$0x0], $0xffff  }
0x155: {  	v14 =	vld.idx.msk [tilespmem:v50+s17+$0x0], $0xffff;
	[tilespmem:$0x8E40] =	vst v18  }
0x156: {  	[tilespmem:$0x8FE0] =	vst v11;
	v19 =	vld.idx.msk [tilespmem:v48+s17+$0x0], $0xffff  }
0x157: {  	v10 =	vld.idx.msk [tilespmem:v10+s17+$0x0], $0xffff;
	[tilespmem:$0x8D50] =	vst v20  }
0x158: {  	v20 =	vld.idx.msk [tilespmem:v46+s17+$0x0], $0xffff;
	[tilespmem:$0x8DD0] =	vst v22  }
0x159: {  	v63 =	vor.u32 $0x200, v9;
	v56 =	vor.u32 $0x100, v9;
	v62 =	vor.u32 $0x180, v9;
	v18 =	vld.idx.msk [tilespmem:v52+s17+$0x0], $0xffff;
	[tilespmem:$0x8EE0] =	vst v15  }
0x15a: {  	v21 =	vor.u32 $0x280, v9;
	v22 =	vor.u32 $0x300, v9;
	v9 =	vor.u32 $0x380, v9;
	[tilespmem:$0x8F50] =	vst v14;
	v14 =	vld.idx.msk [tilespmem:v59+s17+$0x0], $0xffff  }
0x15b: {  	v13 =	vld.idx.msk [tilespmem:v55+s17+$0x0], $0xffff;
	[tilespmem:$0x8E50] =	vst v19  }
0x15c: {  	[tilespmem:$0x9070] =	vst v3;
	v17 =	vld.idx.msk [tilespmem:v53+s17+$0x0], $0xffff  }
0x15d: {  	[tilespmem:$0x8D60] =	vst v20;
	v59 =	vld [tilespmem:$0x210]  }
0x15e: {  	[tilespmem:$0x8FF0] =	vst v10;
	v20 =	vld.idx.msk [tilespmem:v51+s17+$0x0], $0xffff  }
0x15f: {  	v9 =	vld.idx.msk [tilespmem:v9+s17+$0x0], $0xffff;
	[tilespmem:$0x8DE0] =	vst v18  }
0x160: {  	v19 =	vld.idx.msk [tilespmem:v57+s17+$0x0], $0xffff;
	[tilespmem:$0x8F60] =	vst v13  }
0x161: {  	v12 =	vld.idx.msk [tilespmem:v60+s17+$0x0], $0xffff;
	[tilespmem:$0x8E60] =	vst v17  }
0x162: {  	[tilespmem:$0x90F0] =	vst v1;
	v16 =	vld.idx.msk [tilespmem:v58+s17+$0x0], $0xffff  }
0x163: {  	v27 =	vor.u32 $0x300, v8;
	v26 =	vor.u32 $0x280, v8;
	v24 =	vor.u32 $0x180, v8;
	[tilespmem:$0x8EF0] =	vst v14;
	v57 =	vld [tilespmem:$0x200]  }
0x164: {  	v61 =	vor.u32 $0x100, v8;
	v25 =	vor.u32 $0x200, v8;
	v8 =	vor.u32 $0x380, v8;
	[tilespmem:$0x8D70] =	vst v20;
	v13 =	vld.idx.msk [tilespmem:v21+s17+$0x0], $0xffff  }
0x165: {  	v20 =	vld.idx.msk [tilespmem:v56+s17+$0x0], $0xffff;
	[tilespmem:$0x8DF0] =	vst v19  }
0x166: {  	v17 =	vld.idx.msk [tilespmem:v62+s17+$0x0], $0xffff;
	[tilespmem:$0x8F70] =	vst v12  }
0x167: {  	v11 =	vld.idx.msk [tilespmem:v22+s17+$0x0], $0xffff;
	[tilespmem:$0x8E70] =	vst v16  }
0x168: {  	[tilespmem:$0x9380] =	vst v9;
	v15 =	vld.idx.msk [tilespmem:v63+s17+$0x0], $0xffff  }
0x169: {  	v32 =	vor.u32 $0x300, v7;
	v30 =	vor.u32 $0x200, v7;
	v29 =	vor.u32 $0x180, v7;
	v8 =	vld.idx.msk [tilespmem:v8+s17+$0x0], $0xffff;
	[tilespmem:$0x9280] =	vst v13  }
0x16a: {  	v31 =	vor.u32 $0x280, v7;
	v23 =	vor.u32 $0x100, v7;
	v7 =	vor.u32 $0x380, v7;
	[tilespmem:$0x9100] =	vst v20;
	v12 =	vld.idx.msk [tilespmem:v26+s17+$0x0], $0xffff  }
0x16b: {  	v18 =	vld.idx.msk [tilespmem:v61+s17+$0x0], $0xffff;
	[tilespmem:$0x9180] =	vst v17  }
0x16c: {  	v16 =	vld.idx.msk [tilespmem:v24+s17+$0x0], $0xffff;
	[tilespmem:$0x9300] =	vst v11  }
0x16d: {  	v10 =	vld.idx.msk [tilespmem:v27+s17+$0x0], $0xffff;
	[tilespmem:$0x9200] =	vst v15  }
0x16e: {  	[tilespmem:$0x9390] =	vst v8;
	v14 =	vld.idx.msk [tilespmem:v25+s17+$0x0], $0xffff  }
0x16f: {  	v28 =	vor.u32 $0x100, v6;
	v37 =	vor.u32 $0x300, v6;
	v35 =	vor.u32 $0x200, v6;
	v7 =	vld.idx.msk [tilespmem:v7+s17+$0x0], $0xffff;
	[tilespmem:$0x9290] =	vst v12  }
0x170: {  	v34 =	vor.u32 $0x180, v6;
	v36 =	vor.u32 $0x280, v6;
	v6 =	vor.u32 $0x380, v6;
	[tilespmem:$0x9110] =	vst v18;
	v11 =	vld.idx.msk [tilespmem:v31+s17+$0x0], $0xffff  }
0x171: {  	v18 =	vld.idx.msk [tilespmem:v23+s17+$0x0], $0xffff;
	[tilespmem:$0x9190] =	vst v16  }
0x172: {  	v15 =	vld.idx.msk [tilespmem:v29+s17+$0x0], $0xffff;
	[tilespmem:$0x9310] =	vst v10  }
0x173: {  	v9 =	vld.idx.msk [tilespmem:v32+s17+$0x0], $0xffff;
	[tilespmem:$0x9210] =	vst v14  }
0x174: {  	[tilespmem:$0x93A0] =	vst v7;
	v13 =	vld.idx.msk [tilespmem:v30+s17+$0x0], $0xffff  }
0x175: {  	v33 =	vor.u32 $0x100, v5;
	v40 =	vor.u32 $0x200, v5;
	v41 =	vor.u32 $0x280, v5;
	v6 =	vld.idx.msk [tilespmem:v6+s17+$0x0], $0xffff;
	[tilespmem:$0x92A0] =	vst v11  }
0x176: {  	v39 =	vor.u32 $0x180, v5;
	v42 =	vor.u32 $0x300, v5;
	v5 =	vor.u32 $0x380, v5;
	[tilespmem:$0x9120] =	vst v18;
	v10 =	vld.idx.msk [tilespmem:v36+s17+$0x0], $0xffff  }
0x177: {  	v17 =	vld.idx.msk [tilespmem:v28+s17+$0x0], $0xffff;
	[tilespmem:$0x91A0] =	vst v15  }
0x178: {  	v14 =	vld.idx.msk [tilespmem:v34+s17+$0x0], $0xffff;
	[tilespmem:$0x9320] =	vst v9  }
0x179: {  	v8 =	vld.idx.msk [tilespmem:v37+s17+$0x0], $0xffff;
	[tilespmem:$0x9220] =	vst v13  }
0x17a: {  	[tilespmem:$0x93B0] =	vst v6;
	v12 =	vld.idx.msk [tilespmem:v35+s17+$0x0], $0xffff  }
0x17b: {  	v44 =	vor.u32 $0x180, v4;
	v38 =	vor.u32 $0x100, v4;
	v45 =	vor.u32 $0x200, v4;
	v5 =	vld.idx.msk [tilespmem:v5+s17+$0x0], $0xffff;
	[tilespmem:$0x92B0] =	vst v10  }
0x17c: {  	v47 =	vor.u32 $0x300, v4;
	v46 =	vor.u32 $0x280, v4;
	v4 =	vor.u32 $0x380, v4;
	[tilespmem:$0x9130] =	vst v17;
	v9 =	vld.idx.msk [tilespmem:v41+s17+$0x0], $0xffff  }
0x17d: {  	v16 =	vld.idx.msk [tilespmem:v33+s17+$0x0], $0xffff;
	[tilespmem:$0x91B0] =	vst v14  }
0x17e: {  	v13 =	vld.idx.msk [tilespmem:v39+s17+$0x0], $0xffff;
	[tilespmem:$0x9330] =	vst v8  }
0x17f: {  	v7 =	vld.idx.msk [tilespmem:v42+s17+$0x0], $0xffff;
	[tilespmem:$0x9230] =	vst v12  }
0x180: {  	[tilespmem:$0x93C0] =	vst v5;
	v11 =	vld.idx.msk [tilespmem:v40+s17+$0x0], $0xffff  }
0x181: {  	v49 =	vor.u32 $0x180, v2;
	v43 =	vor.u32 $0x100, v2;
	v50 =	vor.u32 $0x200, v2;
	v4 =	vld.idx.msk [tilespmem:v4+s17+$0x0], $0xffff;
	[tilespmem:$0x92C0] =	vst v9  }
0x182: {  	v52 =	vor.u32 $0x300, v2;
	v51 =	vor.u32 $0x280, v2;
	v2 =	vor.u32 $0x380, v2;
	[tilespmem:$0x9140] =	vst v16;
	v8 =	vld.idx.msk [tilespmem:v46+s17+$0x0], $0xffff  }
0x183: {  	v15 =	vld.idx.msk [tilespmem:v38+s17+$0x0], $0xffff;
	[tilespmem:$0x91C0] =	vst v13  }
0x184: {  	v12 =	vld.idx.msk [tilespmem:v44+s17+$0x0], $0xffff;
	[tilespmem:$0x9340] =	vst v7  }
0x185: {  	v6 =	vld.idx.msk [tilespmem:v47+s17+$0x0], $0xffff;
	[tilespmem:$0x9240] =	vst v11  }
0x186: {  	[tilespmem:$0x93D0] =	vst v4;
	v10 =	vld.idx.msk [tilespmem:v45+s17+$0x0], $0xffff  }
0x187: {  	v54 =	vor.u32 $0x200, v0;
	v48 =	vor.u32 $0x100, v0;
	v55 =	vor.u32 $0x280, v0;
	v2 =	vld.idx.msk [tilespmem:v2+s17+$0x0], $0xffff;
	[tilespmem:$0x92D0] =	vst v8  }
0x188: {  	v53 =	vor.u32 $0x180, v0;
	v56 =	vor.u32 $0x300, v0;
	v0 =	vor.u32 $0x380, v0;
	[tilespmem:$0x9150] =	vst v15;
	v7 =	vld.idx.msk [tilespmem:v51+s17+$0x0], $0xffff  }
0x189: {  	v14 =	vld.idx.msk [tilespmem:v43+s17+$0x0], $0xffff;
	[tilespmem:$0x91D0] =	vst v12  }
0x18a: {  	v11 =	vld.idx.msk [tilespmem:v49+s17+$0x0], $0xffff;
	[tilespmem:$0x9350] =	vst v6  }
0x18b: {  	v5 =	vld.idx.msk [tilespmem:v52+s17+$0x0], $0xffff;
	[tilespmem:$0x9250] =	vst v10  }
0x18c: {  	[tilespmem:$0x93E0] =	vst v2;
	v9 =	vld.idx.msk [tilespmem:v50+s17+$0x0], $0xffff  }
0x18d: {  	v0 =	vld.idx.msk [tilespmem:v0+s17+$0x0], $0xffff;
	[tilespmem:$0x92E0] =	vst v7  }
0x18e: {  	[tilespmem:$0x9160] =	vst v14;
	v6 =	vld.idx.msk [tilespmem:v55+s17+$0x0], $0xffff  }
0x18f: {  	v13 =	vld.idx.msk [tilespmem:v48+s17+$0x0], $0xffff;
	[tilespmem:$0x91E0] =	vst v11  }
0x190: {  	v10 =	vld.idx.msk [tilespmem:v53+s17+$0x0], $0xffff;
	[tilespmem:$0x9360] =	vst v5  }
0x191: {  	v58 =	vshll.u32 v57, $0x3;
	v3 =	vld.idx.msk [tilespmem:v56+s17+$0x0], $0xffff;
	[tilespmem:$0x9260] =	vst v9  }
0x192: {  	v1 =	vand.u32 $0xFFFFFC00, v58;
	v4 =	vand.u32 $0x7F, v57;
	[tilespmem:$0x93F0] =	vst v0;
	v8 =	vld.idx.msk [tilespmem:v54+s17+$0x0], $0xffff  }
0x193: {  	v60 =	vor.u32 v4, v1;
	[tilespmem:$0x92F0] =	vst v6  }
0x194: {  	[tilespmem:$0x9170] =	vst v13  }
0x195: {  	[tilespmem:$0x91F0] =	vst v10  }
0x196: {  	[tilespmem:$0x9370] =	vst v3  }
0x197: {  	v62 =	vshll.u32 v59, $0x3;
	v61 =	vld [tilespmem:$0x220];
	[tilespmem:$0x9270] =	vst v8  }
0x198: {  	v1 =	vand.u32 $0xFFFFFC00, v62;
	v2 =	vand.u32 $0x7F, v59;
	v3 =	vld.idx.msk [tilespmem:v60+s17+$0x0], $0xffff  }
0x199: {  	v16 =	vor.u32 v2, v1;
	_ =	sdelay $0x3  }
0x19a: {  	v63 =	vld [tilespmem:$0x230];
	v6 =	vshll.u32 v61, $0x3;
	[tilespmem:$0x9400] =	vst v3  }
0x19b: {  	v0 =	vand.u32 $0x7F, v61;
	v2 =	vand.u32 $0xFFFFFC00, v6;
	v3 =	vld.idx.msk [tilespmem:v16+s17+$0x0], $0xffff  }
0x19c: {  	v15 =	vor.u32 v0, v2;
	_ =	sdelay $0x3  }
0x19d: {  	v7 =	vld [tilespmem:$0x240];
	v8 =	vshll.u32 v63, $0x3;
	[tilespmem:$0x9410] =	vst v3  }
0x19e: {  	v1 =	vand.u32 $0x7F, v63;
	v2 =	vand.u32 $0xFFFFFC00, v8;
	v3 =	vld.idx.msk [tilespmem:v15+s17+$0x0], $0xffff  }
0x19f: {  	v14 =	vor.u32 v1, v2;
	_ =	sdelay $0x3  }
0x1a0: {  	v10 =	vshll.u32 v7, $0x3;
	v9 =	vld [tilespmem:$0x250];
	[tilespmem:$0x9420] =	vst v3  }
0x1a1: {  	v0 =	vand.u32 $0x7F, v7;
	v2 =	vand.u32 $0xFFFFFC00, v10;
	v3 =	vld.idx.msk [tilespmem:v14+s17+$0x0], $0xffff  }
0x1a2: {  	v13 =	vor.u32 v0, v2;
	_ =	sdelay $0x3  }
0x1a3: {  	v11 =	vld [tilespmem:$0x260];
	v12 =	vshll.u32 v9, $0x3;
	[tilespmem:$0x9430] =	vst v3  }
0x1a4: {  	v1 =	vand.u32 $0x7F, v9;
	v2 =	vand.u32 $0xFFFFFC00, v12;
	v3 =	vld.idx.msk [tilespmem:v13+s17+$0x0], $0xffff  }
0x1a5: {  	v12 =	vor.u32 v1, v2;
	_ =	sdelay $0x3  }
0x1a6: {  	v18 =	vld [tilespmem:$0x270];
	v19 =	vshll.u32 v11, $0x3;
	[tilespmem:$0x9440] =	vst v3  }
0x1a7: {  	v0 =	vand.u32 $0x7F, v11;
	v2 =	vand.u32 $0xFFFFFC00, v19;
	v3 =	vld.idx.msk [tilespmem:v12+s17+$0x0], $0xffff  }
0x1a8: {  	v11 =	vor.u32 v0, v2;
	_ =	sdelay $0x3  }
0x1a9: {  	v20 =	vld [tilespmem:$0x280];
	v21 =	vshll.u32 v18, $0x3;
	[tilespmem:$0x9450] =	vst v3  }
0x1aa: {  	v1 =	vand.u32 $0x7F, v18;
	v2 =	vand.u32 $0xFFFFFC00, v21;
	v3 =	vld.idx.msk [tilespmem:v11+s17+$0x0], $0xffff  }
0x1ab: {  	v10 =	vor.u32 v1, v2;
	_ =	sdelay $0x3  }
0x1ac: {  	v22 =	vld [tilespmem:$0x290];
	v23 =	vshll.u32 v20, $0x3;
	[tilespmem:$0x9460] =	vst v3  }
0x1ad: {  	v0 =	vand.u32 $0x7F, v20;
	v2 =	vand.u32 $0xFFFFFC00, v23;
	v3 =	vld.idx.msk [tilespmem:v10+s17+$0x0], $0xffff  }
0x1ae: {  	v9 =	vor.u32 v0, v2;
	_ =	sdelay $0x3  }
0x1af: {  	v24 =	vld [tilespmem:$0x2A0];
	v25 =	vshll.u32 v22, $0x3;
	[tilespmem:$0x9470] =	vst v3  }
0x1b0: {  	v1 =	vand.u32 $0x7F, v22;
	v2 =	vand.u32 $0xFFFFFC00, v25;
	v3 =	vld.idx.msk [tilespmem:v9+s17+$0x0], $0xffff  }
0x1b1: {  	v8 =	vor.u32 v1, v2;
	_ =	sdelay $0x3  }
0x1b2: {  	v26 =	vld [tilespmem:$0x2B0];
	v27 =	vshll.u32 v24, $0x3;
	[tilespmem:$0x9800] =	vst v3  }
0x1b3: {  	v0 =	vand.u32 $0x7F, v24;
	v2 =	vand.u32 $0xFFFFFC00, v27;
	v3 =	vld.idx.msk [tilespmem:v8+s17+$0x0], $0xffff  }
0x1b4: {  	v7 =	vor.u32 v0, v2;
	_ =	sdelay $0x3  }
0x1b5: {  	v29 =	vshll.u32 v26, $0x3;
	v28 =	vld [tilespmem:$0x2C0];
	[tilespmem:$0x9810] =	vst v3  }
0x1b6: {  	v1 =	vand.u32 $0x7F, v26;
	v2 =	vand.u32 $0xFFFFFC00, v29;
	v3 =	vld.idx.msk [tilespmem:v7+s17+$0x0], $0xffff  }
0x1b7: {  	v5 =	vor.u32 v1, v2;
	_ =	sdelay $0x3  }
0x1b8: {  	v30 =	vld [tilespmem:$0x2D0];
	v31 =	vshll.u32 v28, $0x3;
	[tilespmem:$0x9820] =	vst v3  }
0x1b9: {  	v0 =	vand.u32 $0x7F, v28;
	v2 =	vand.u32 $0xFFFFFC00, v31;
	v3 =	vld.idx.msk [tilespmem:v5+s17+$0x0], $0xffff  }
0x1ba: {  	v4 =	vor.u32 v0, v2;
	_ =	sdelay $0x3  }
0x1bb: {  	v32 =	vld [tilespmem:$0x2E0];
	v33 =	vshll.u32 v30, $0x3;
	[tilespmem:$0x9830] =	vst v3  }
0x1bc: {  	v1 =	vand.u32 $0x7F, v30;
	v2 =	vand.u32 $0xFFFFFC00, v33;
	v6 =	vld.idx.msk [tilespmem:v4+s17+$0x0], $0xffff  }
0x1bd: {  	v3 =	vor.u32 v1, v2;
	_ =	sdelay $0x3  }
0x1be: {  	v34 =	vld [tilespmem:$0x2F0];
	v35 =	vshll.u32 v32, $0x3;
	[tilespmem:$0x9840] =	vst v6  }
0x1bf: {  	v0 =	vand.u32 $0x7F, v32;
	v2 =	vand.u32 $0xFFFFFC00, v35;
	v6 =	vld.idx.msk [tilespmem:v3+s17+$0x0], $0xffff  }
0x1c0: {  	v2 =	vor.u32 v0, v2;
	_ =	sdelay $0x3  }
0x1c1: {  	v36 =	vshll.u32 v34, $0x3;
	[tilespmem:$0x9850] =	vst v6  }
0x1c2: {  	v1 =	vand.u32 $0x7F, v34;
	v0 =	vand.u32 $0xFFFFFC00, v36;
	v6 =	vld.idx.msk [tilespmem:v2+s17+$0x0], $0xffff  }
0x1c3: {  	v0 =	vor.u32 v1, v0  }
0x1c4: {  	v37 =	vor.u32 $0x80, v60;
	_ =	sdelay $0x2  }
0x1c5: {  	[tilespmem:$0x9860] =	vst v6  }
0x1c6: {  	v1 =	vld.idx.msk [tilespmem:v0+s17+$0x0], $0xffff  }
0x1c7: {  	v38 =	vld.idx.msk [tilespmem:v37+s17+$0x0], $0xffff  }
0x1c8: {  	v39 =	vor.u32 $0x80, v16;
	_ =	sdelay $0x3  }
0x1c9: {  	[tilespmem:$0x9480] =	vst v38  }
0x1ca: {  	v6 =	vld.idx.msk [tilespmem:v39+s17+$0x0], $0xffff  }
0x1cb: {  	v40 =	vor.u32 $0x80, v15;
	_ =	sdelay $0x3  }
0x1cc: {  	[tilespmem:$0x9490] =	vst v6  }
0x1cd: {  	v6 =	vld.idx.msk [tilespmem:v40+s17+$0x0], $0xffff  }
0x1ce: {  	v41 =	vor.u32 $0x80, v14;
	_ =	sdelay $0x3  }
0x1cf: {  	[tilespmem:$0x94A0] =	vst v6  }
0x1d0: {  	v6 =	vld.idx.msk [tilespmem:v41+s17+$0x0], $0xffff  }
0x1d1: {  	v42 =	vor.u32 $0x80, v13;
	_ =	sdelay $0x3  }
0x1d2: {  	[tilespmem:$0x94B0] =	vst v6  }
0x1d3: {  	v6 =	vld.idx.msk [tilespmem:v42+s17+$0x0], $0xffff  }
0x1d4: {  	v43 =	vor.u32 $0x80, v12;
	_ =	sdelay $0x3  }
0x1d5: {  	[tilespmem:$0x94C0] =	vst v6  }
0x1d6: {  	v6 =	vld.idx.msk [tilespmem:v43+s17+$0x0], $0xffff  }
0x1d7: {  	v44 =	vor.u32 $0x80, v11;
	_ =	sdelay $0x3  }
0x1d8: {  	[tilespmem:$0x94D0] =	vst v6  }
0x1d9: {  	v6 =	vld.idx.msk [tilespmem:v44+s17+$0x0], $0xffff  }
0x1da: {  	v45 =	vor.u32 $0x80, v10;
	_ =	sdelay $0x2  }
0x1db: {  	v53 =	vor.u32 $0x100, v60  }
0x1dc: {  	v56 =	vor.u32 $0x180, v60;
	[tilespmem:$0x94E0] =	vst v6  }
0x1dd: {  	v57 =	vor.u32 $0x200, v60;
	v6 =	vld.idx.msk [tilespmem:v45+s17+$0x0], $0xffff  }
0x1de: {  	v46 =	vor.u32 $0x80, v9  }
0x1df: {  	v58 =	vor.u32 $0x280, v60  }
0x1e0: {  	v59 =	vor.u32 $0x300, v60;
	v19 =	vld.idx.msk [tilespmem:v53+s17+$0x0], $0xffff  }
0x1e1: {  	v17 =	vor.u32 $0x380, v60;
	v21 =	vld.idx.msk [tilespmem:v56+s17+$0x0], $0xffff  }
0x1e2: {  	v55 =	vor.u32 $0x100, v16;
	v22 =	vld.idx.msk [tilespmem:v57+s17+$0x0], $0xffff;
	[tilespmem:$0x94F0] =	vst v6  }
0x1e3: {  	v61 =	vor.u32 $0x180, v16;
	v6 =	vld.idx.msk [tilespmem:v46+s17+$0x0], $0xffff  }
0x1e4: {  	v47 =	vor.u32 $0x80, v8;
	v23 =	vld.idx.msk [tilespmem:v58+s17+$0x0], $0xffff  }
0x1e5: {  	v62 =	vor.u32 $0x200, v16;
	v18 =	vld.idx.msk [tilespmem:v59+s17+$0x0], $0xffff;
	[tilespmem:$0x9500] =	vst v19  }
0x1e6: {  	v63 =	vor.u32 $0x280, v16;
	v17 =	vld.idx.msk [tilespmem:v17+s17+$0x0], $0xffff;
	[tilespmem:$0x9580] =	vst v21  }
0x1e7: {  	v28 =	vor.u32 $0x300, v16;
	v16 =	vor.u32 $0x380, v16;
	[tilespmem:$0x9600] =	vst v22;
	v19 =	vld.idx.msk [tilespmem:v55+s17+$0x0], $0xffff  }
0x1e8: {  	v60 =	vor.u32 $0x100, v15;
	v30 =	vld.idx.msk [tilespmem:v61+s17+$0x0], $0xffff;
	[tilespmem:$0x9880] =	vst v6  }
0x1e9: {  	[tilespmem:$0x9680] =	vst v23;
	v6 =	vld.idx.msk [tilespmem:v47+s17+$0x0], $0xffff  }
0x1ea: {  	v48 =	vor.u32 $0x80, v7;
	[tilespmem:$0x9700] =	vst v18;
	v32 =	vld.idx.msk [tilespmem:v62+s17+$0x0], $0xffff  }
0x1eb: {  	v31 =	vor.u32 $0x180, v15;
	[tilespmem:$0x9780] =	vst v17;
	v34 =	vld.idx.msk [tilespmem:v63+s17+$0x0], $0xffff  }
0x1ec: {  	v33 =	vor.u32 $0x200, v15;
	v16 =	vld.idx.msk [tilespmem:v16+s17+$0x0], $0xffff;
	[tilespmem:$0x9510] =	vst v19  }
0x1ed: {  	v35 =	vor.u32 $0x280, v15;
	[tilespmem:$0x9590] =	vst v30;
	v20 =	vld.idx.msk [tilespmem:v60+s17+$0x0], $0xffff  }
0x1ee: {  	v29 =	vor.u32 $0x100, v14;
	v19 =	vld.idx.msk [tilespmem:v28+s17+$0x0], $0xffff;
	[tilespmem:$0x9890] =	vst v6  }
0x1ef: {  	v36 =	vor.u32 $0x300, v15;
	v15 =	vor.u32 $0x380, v15;
	[tilespmem:$0x9610] =	vst v32;
	v6 =	vld.idx.msk [tilespmem:v48+s17+$0x0], $0xffff  }
0x1f0: {  	v49 =	vor.u32 $0x80, v5;
	[tilespmem:$0x9690] =	vst v34;
	v23 =	vld.idx.msk [tilespmem:v31+s17+$0x0], $0xffff  }
0x1f1: {  	[tilespmem:$0x9790] =	vst v16;
	v18 =	vld.idx.msk [tilespmem:v33+s17+$0x0], $0xffff  }
0x1f2: {  	v38 =	vor.u32 $0x180, v14;
	v17 =	vld.idx.msk [tilespmem:v35+s17+$0x0], $0xffff;
	[tilespmem:$0x9520] =	vst v20  }
0x1f3: {  	v39 =	vor.u32 $0x200, v14;
	[tilespmem:$0x9710] =	vst v19;
	v21 =	vld.idx.msk [tilespmem:v29+s17+$0x0], $0xffff  }
0x1f4: {  	v37 =	vor.u32 $0x100, v13;
	v15 =	vld.idx.msk [tilespmem:v15+s17+$0x0], $0xffff;
	[tilespmem:$0x98A0] =	vst v6  }
0x1f5: {  	v40 =	vor.u32 $0x280, v14;
	[tilespmem:$0x95A0] =	vst v23;
	v6 =	vld.idx.msk [tilespmem:v49+s17+$0x0], $0xffff  }
0x1f6: {  	v50 =	vor.u32 $0x80, v4;
	v20 =	vld.idx.msk [tilespmem:v36+s17+$0x0], $0xffff;
	[tilespmem:$0x9620] =	vst v18  }
0x1f7: {  	[tilespmem:$0x96A0] =	vst v17;
	v41 =	vor.u32 $0x300, v14;
	v24 =	vld.idx.msk [tilespmem:v38+s17+$0x0], $0xffff  }
0x1f8: {  	v19 =	vld.idx.msk [tilespmem:v39+s17+$0x0], $0xffff;
	[tilespmem:$0x9530] =	vst v21;
	v43 =	vor.u32 $0x180, v13  }
0x1f9: {  	[tilespmem:$0x97A0] =	vst v15;
	v14 =	vor.u32 $0x380, v14;
	v22 =	vld.idx.msk [tilespmem:v37+s17+$0x0], $0xffff  }
0x1fa: {  	v16 =	vld.idx.msk [tilespmem:v40+s17+$0x0], $0xffff;
	v42 =	vor.u32 $0x100, v12;
	[tilespmem:$0x98B0] =	vst v6  }
0x1fb: {  	[tilespmem:$0x9720] =	vst v20;
	v44 =	vor.u32 $0x200, v13;
	v6 =	vld.idx.msk [tilespmem:v50+s17+$0x0], $0xffff  }
0x1fc: {  	v51 =	vor.u32 $0x80, v3;
	v21 =	vld.idx.msk [tilespmem:v41+s17+$0x0], $0xffff;
	[tilespmem:$0x95B0] =	vst v24  }
0x1fd: {  	[tilespmem:$0x9630] =	vst v19;
	v18 =	vld.idx.msk [tilespmem:v43+s17+$0x0], $0xffff;
	v45 =	vor.u32 $0x280, v13  }
0x1fe: {  	v14 =	vld.idx.msk [tilespmem:v14+s17+$0x0], $0xffff;
	[tilespmem:$0x9540] =	vst v22;
	v48 =	vor.u32 $0x180, v12  }
0x1ff: {  	[tilespmem:$0x96B0] =	vst v16;
	v22 =	vld.idx.msk [tilespmem:v42+s17+$0x0], $0xffff;
	v46 =	vor.u32 $0x300, v13  }
0x200: {  	v17 =	vld.idx.msk [tilespmem:v44+s17+$0x0], $0xffff;
	v13 =	vor.u32 $0x380, v13;
	[tilespmem:$0x98C0] =	vst v6  }
0x201: {  	[tilespmem:$0x9730] =	vst v21;
	v47 =	vor.u32 $0x100, v11;
	v6 =	vld.idx.msk [tilespmem:v51+s17+$0x0], $0xffff  }
0x202: {  	v52 =	vor.u32 $0x80, v2;
	[tilespmem:$0x95C0] =	vst v18;
	v20 =	vld.idx.msk [tilespmem:v45+s17+$0x0], $0xffff  }
0x203: {  	[tilespmem:$0x97B0] =	vst v14;
	v19 =	vld.idx.msk [tilespmem:v48+s17+$0x0], $0xffff;
	v50 =	vor.u32 $0x280, v12  }
0x204: {  	v53 =	vor.u32 $0x180, v11;
	[tilespmem:$0x9550] =	vst v22;
	v15 =	vld.idx.msk [tilespmem:v46+s17+$0x0], $0xffff  }
0x205: {  	[tilespmem:$0x9640] =	vst v17;
	v13 =	vld.idx.msk [tilespmem:v13+s17+$0x0], $0xffff;
	v49 =	vor.u32 $0x200, v12  }
0x206: {  	v22 =	vld.idx.msk [tilespmem:v47+s17+$0x0], $0xffff;
	v51 =	vor.u32 $0x300, v12;
	[tilespmem:$0x98D0] =	vst v6  }
0x207: {  	[tilespmem:$0x96C0] =	vst v20;
	v12 =	vor.u32 $0x380, v12;
	v6 =	vld.idx.msk [tilespmem:v52+s17+$0x0], $0xffff  }
0x208: {  	v54 =	vor.u32 $0x80, v0;
	[tilespmem:$0x95D0] =	vst v19;
	v21 =	vld.idx.msk [tilespmem:v50+s17+$0x0], $0xffff  }
0x209: {  	v55 =	vor.u32 $0x280, v11;
	[tilespmem:$0x9740] =	vst v15;
	v17 =	vld.idx.msk [tilespmem:v53+s17+$0x0], $0xffff  }
0x20a: {  	v58 =	vor.u32 $0x180, v10;
	[tilespmem:$0x97C0] =	vst v13;
	v16 =	vld.idx.msk [tilespmem:v49+s17+$0x0], $0xffff  }
0x20b: {  	[tilespmem:$0x9560] =	vst v22;
	v14 =	vld.idx.msk [tilespmem:v51+s17+$0x0], $0xffff;
	v52 =	vor.u32 $0x100, v10  }
0x20c: {  	v56 =	vor.u32 $0x300, v11;
	v12 =	vld.idx.msk [tilespmem:v12+s17+$0x0], $0xffff;
	[tilespmem:$0x98E0] =	vst v6  }
0x20d: {  	[tilespmem:$0x96D0] =	vst v21;
	v6 =	vld.idx.msk [tilespmem:v54+s17+$0x0], $0xffff;
	v54 =	vor.u32 $0x200, v11  }
0x20e: {  	[tilespmem:$0x95E0] =	vst v17;
	v15 =	vld.idx.msk [tilespmem:v55+s17+$0x0], $0xffff;
	v11 =	vor.u32 $0x380, v11  }
0x20f: {  	v60 =	vor.u32 $0x280, v10;
	[tilespmem:$0x9650] =	vst v16;
	v16 =	vld.idx.msk [tilespmem:v58+s17+$0x0], $0xffff  }
0x210: {  	v63 =	vor.u32 $0x180, v9;
	[tilespmem:$0x9750] =	vst v14;
	v18 =	vld.idx.msk [tilespmem:v52+s17+$0x0], $0xffff  }
0x211: {  	v57 =	vor.u32 $0x100, v9;
	v13 =	vld.idx.msk [tilespmem:v56+s17+$0x0], $0xffff  }
0x212: {  	v61 =	vor.u32 $0x300, v10;
	[tilespmem:$0x97D0] =	vst v12;
	v20 =	vld.idx.msk [tilespmem:v54+s17+$0x0], $0xffff  }
0x213: {  	v59 =	vor.u32 $0x200, v10;
	[tilespmem:$0x96E0] =	vst v15;
	v11 =	vld.idx.msk [tilespmem:v11+s17+$0x0], $0xffff  }
0x214: {  	[tilespmem:$0x95F0] =	vst v16;
	v10 =	vor.u32 $0x380, v10;
	v14 =	vld.idx.msk [tilespmem:v60+s17+$0x0], $0xffff  }
0x215: {  	v22 =	vor.u32 $0x280, v9;
	v25 =	vld.idx.msk [tilespmem:v63+s17+$0x0], $0xffff;
	[tilespmem:$0x9570] =	vst v18  }
0x216: {  	[tilespmem:$0x9760] =	vst v13;
	v18 =	vld.idx.msk [tilespmem:v57+s17+$0x0], $0xffff  }
0x217: {  	v26 =	vor.u32 $0x180, v8;
	v12 =	vld.idx.msk [tilespmem:v61+s17+$0x0], $0xffff;
	[tilespmem:$0x9660] =	vst v20  }
0x218: {  	v23 =	vor.u32 $0x300, v9;
	[tilespmem:$0x97E0] =	vst v11;
	v20 =	vld.idx.msk [tilespmem:v59+s17+$0x0], $0xffff  }
0x219: {  	v21 =	vor.u32 $0x200, v9;
	[tilespmem:$0x96F0] =	vst v14;
	v10 =	vld.idx.msk [tilespmem:v10+s17+$0x0], $0xffff  }
0x21a: {  	v9 =	vor.u32 $0x380, v9;
	[tilespmem:$0x9980] =	vst v25;
	v13 =	vld.idx.msk [tilespmem:v22+s17+$0x0], $0xffff  }
0x21b: {  	v62 =	vor.u32 $0x100, v8;
	v61 =	vld [tilespmem:$0x310];
	[tilespmem:$0x9900] =	vst v18  }
0x21c: {  	v28 =	vor.u32 $0x280, v8;
	[tilespmem:$0x9770] =	vst v12;
	v18 =	vld.idx.msk [tilespmem:v26+s17+$0x0], $0xffff  }
0x21d: {  	v11 =	vld.idx.msk [tilespmem:v23+s17+$0x0], $0xffff;
	[tilespmem:$0x9670] =	vst v20  }
0x21e: {  	v29 =	vor.u32 $0x300, v8;
	[tilespmem:$0x97F0] =	vst v10;
	v15 =	vld.idx.msk [tilespmem:v21+s17+$0x0], $0xffff  }
0x21f: {  	v27 =	vor.u32 $0x200, v8;
	[tilespmem:$0x9870] =	vst v1;
	v9 =	vld.idx.msk [tilespmem:v9+s17+$0x0], $0xffff  }
0x220: {  	v8 =	vor.u32 $0x380, v8;
	[tilespmem:$0x9A80] =	vst v13;
	v17 =	vld.idx.msk [tilespmem:v62+s17+$0x0], $0xffff  }
0x221: {  	v24 =	vor.u32 $0x100, v7;
	[tilespmem:$0x98F0] =	vst v6;
	v12 =	vld.idx.msk [tilespmem:v28+s17+$0x0], $0xffff  }
0x222: {  	v33 =	vor.u32 $0x280, v7;
	v59 =	vld [tilespmem:$0x300];
	[tilespmem:$0x9B00] =	vst v11  }
0x223: {  	v31 =	vor.u32 $0x180, v7;
	v10 =	vld.idx.msk [tilespmem:v29+s17+$0x0], $0xffff;
	[tilespmem:$0x9A00] =	vst v15  }
0x224: {  	v34 =	vor.u32 $0x300, v7;
	[tilespmem:$0x9B80] =	vst v9;
	v14 =	vld.idx.msk [tilespmem:v27+s17+$0x0], $0xffff  }
0x225: {  	v32 =	vor.u32 $0x200, v7;
	[tilespmem:$0x9910] =	vst v17;
	v8 =	vld.idx.msk [tilespmem:v8+s17+$0x0], $0xffff  }
0x226: {  	v7 =	vor.u32 $0x380, v7;
	[tilespmem:$0x9A90] =	vst v12;
	v16 =	vld.idx.msk [tilespmem:v24+s17+$0x0], $0xffff  }
0x227: {  	v30 =	vor.u32 $0x100, v5;
	[tilespmem:$0x9990] =	vst v18;
	v11 =	vld.idx.msk [tilespmem:v33+s17+$0x0], $0xffff  }
0x228: {  	v38 =	vor.u32 $0x280, v5;
	v15 =	vld.idx.msk [tilespmem:v31+s17+$0x0], $0xffff;
	[tilespmem:$0x9B10] =	vst v10  }
0x229: {  	v36 =	vor.u32 $0x180, v5;
	v9 =	vld.idx.msk [tilespmem:v34+s17+$0x0], $0xffff;
	[tilespmem:$0x9A10] =	vst v14  }
0x22a: {  	v39 =	vor.u32 $0x300, v5;
	[tilespmem:$0x9B90] =	vst v8;
	v13 =	vld.idx.msk [tilespmem:v32+s17+$0x0], $0xffff  }
0x22b: {  	v37 =	vor.u32 $0x200, v5;
	[tilespmem:$0x9920] =	vst v16;
	v7 =	vld.idx.msk [tilespmem:v7+s17+$0x0], $0xffff  }
0x22c: {  	v5 =	vor.u32 $0x380, v5;
	[tilespmem:$0x9AA0] =	vst v11;
	v16 =	vld.idx.msk [tilespmem:v30+s17+$0x0], $0xffff  }
0x22d: {  	v35 =	vor.u32 $0x100, v4;
	v10 =	vld.idx.msk [tilespmem:v38+s17+$0x0], $0xffff;
	[tilespmem:$0x99A0] =	vst v15  }
0x22e: {  	v43 =	vor.u32 $0x280, v4;
	v14 =	vld.idx.msk [tilespmem:v36+s17+$0x0], $0xffff;
	[tilespmem:$0x9B20] =	vst v9  }
0x22f: {  	v41 =	vor.u32 $0x180, v4;
	v8 =	vld.idx.msk [tilespmem:v39+s17+$0x0], $0xffff;
	[tilespmem:$0x9A20] =	vst v13  }
0x230: {  	v44 =	vor.u32 $0x300, v4;
	[tilespmem:$0x9BA0] =	vst v7;
	v12 =	vld.idx.msk [tilespmem:v37+s17+$0x0], $0xffff  }
0x231: {  	v42 =	vor.u32 $0x200, v4;
	[tilespmem:$0x9930] =	vst v16;
	v5 =	vld.idx.msk [tilespmem:v5+s17+$0x0], $0xffff  }
0x232: {  	v4 =	vor.u32 $0x380, v4;
	[tilespmem:$0x9AB0] =	vst v10;
	v16 =	vld.idx.msk [tilespmem:v35+s17+$0x0], $0xffff  }
0x233: {  	v40 =	vor.u32 $0x100, v3;
	v9 =	vld.idx.msk [tilespmem:v43+s17+$0x0], $0xffff;
	[tilespmem:$0x99B0] =	vst v14  }
0x234: {  	v48 =	vor.u32 $0x280, v3;
	v13 =	vld.idx.msk [tilespmem:v41+s17+$0x0], $0xffff;
	[tilespmem:$0x9B30] =	vst v8  }
0x235: {  	v46 =	vor.u32 $0x180, v3;
	v7 =	vld.idx.msk [tilespmem:v44+s17+$0x0], $0xffff;
	[tilespmem:$0x9A30] =	vst v12  }
0x236: {  	v49 =	vor.u32 $0x300, v3;
	[tilespmem:$0x9BB0] =	vst v5;
	v11 =	vld.idx.msk [tilespmem:v42+s17+$0x0], $0xffff  }
0x237: {  	v47 =	vor.u32 $0x200, v3;
	[tilespmem:$0x9940] =	vst v16;
	v4 =	vld.idx.msk [tilespmem:v4+s17+$0x0], $0xffff  }
0x238: {  	v3 =	vor.u32 $0x380, v3;
	[tilespmem:$0x9AC0] =	vst v9;
	v15 =	vld.idx.msk [tilespmem:v40+s17+$0x0], $0xffff  }
0x239: {  	v45 =	vor.u32 $0x100, v2;
	v8 =	vld.idx.msk [tilespmem:v48+s17+$0x0], $0xffff;
	[tilespmem:$0x99C0] =	vst v13  }
0x23a: {  	v53 =	vor.u32 $0x280, v2;
	v12 =	vld.idx.msk [tilespmem:v46+s17+$0x0], $0xffff;
	[tilespmem:$0x9B40] =	vst v7  }
0x23b: {  	v51 =	vor.u32 $0x180, v2;
	v5 =	vld.idx.msk [tilespmem:v49+s17+$0x0], $0xffff;
	[tilespmem:$0x9A40] =	vst v11  }
0x23c: {  	v54 =	vor.u32 $0x300, v2;
	[tilespmem:$0x9BC0] =	vst v4;
	v10 =	vld.idx.msk [tilespmem:v47+s17+$0x0], $0xffff  }
0x23d: {  	v52 =	vor.u32 $0x200, v2;
	[tilespmem:$0x9950] =	vst v15;
	v3 =	vld.idx.msk [tilespmem:v3+s17+$0x0], $0xffff  }
0x23e: {  	v2 =	vor.u32 $0x380, v2;
	[tilespmem:$0x9AD0] =	vst v8;
	v14 =	vld.idx.msk [tilespmem:v45+s17+$0x0], $0xffff  }
0x23f: {  	v50 =	vor.u32 $0x100, v0;
	v7 =	vld.idx.msk [tilespmem:v53+s17+$0x0], $0xffff;
	[tilespmem:$0x99D0] =	vst v12  }
0x240: {  	v57 =	vor.u32 $0x280, v0;
	v11 =	vld.idx.msk [tilespmem:v51+s17+$0x0], $0xffff;
	[tilespmem:$0x9B50] =	vst v5  }
0x241: {  	v55 =	vor.u32 $0x180, v0;
	v4 =	vld.idx.msk [tilespmem:v54+s17+$0x0], $0xffff;
	[tilespmem:$0x9A50] =	vst v10  }
0x242: {  	v58 =	vor.u32 $0x300, v0;
	[tilespmem:$0x9BD0] =	vst v3;
	v9 =	vld.idx.msk [tilespmem:v52+s17+$0x0], $0xffff  }
0x243: {  	v56 =	vor.u32 $0x200, v0;
	[tilespmem:$0x9960] =	vst v14;
	v2 =	vld.idx.msk [tilespmem:v2+s17+$0x0], $0xffff  }
0x244: {  	v0 =	vor.u32 $0x380, v0;
	[tilespmem:$0x9AE0] =	vst v7;
	v13 =	vld.idx.msk [tilespmem:v50+s17+$0x0], $0xffff  }
0x245: {  	v5 =	vld.idx.msk [tilespmem:v57+s17+$0x0], $0xffff;
	[tilespmem:$0x99E0] =	vst v11  }
0x246: {  	v10 =	vld.idx.msk [tilespmem:v55+s17+$0x0], $0xffff;
	[tilespmem:$0x9B60] =	vst v4  }
0x247: {  	v1 =	vld.idx.msk [tilespmem:v58+s17+$0x0], $0xffff;
	[tilespmem:$0x9A60] =	vst v9  }
0x248: {  	v60 =	vshll.u32 v59, $0x3;
	[tilespmem:$0x9BE0] =	vst v2;
	v8 =	vld.idx.msk [tilespmem:v56+s17+$0x0], $0xffff  }
0x249: {  	[tilespmem:$0x9970] =	vst v13;
	v3 =	vand.u32 $0x7F, v59;
	v2 =	vand.u32 $0xFFFFFC00, v60;
	v0 =	vld.idx.msk [tilespmem:v0+s17+$0x0], $0xffff  }
0x24a: {  	[tilespmem:$0x9AF0] =	vst v5;
	v62 =	vor.u32 v3, v2  }
0x24b: {  	[tilespmem:$0x99F0] =	vst v10;
	v2 =	vor.u32 $0x80, v62  }
0x24c: {  	[tilespmem:$0x9B70] =	vst v1  }
0x24d: {  	[tilespmem:$0x9A70] =	vst v8  }
0x24e: {  	v63 =	vld [tilespmem:$0x320];
	[tilespmem:$0x9BF0] =	vst v0;
	v8 =	vshll.u32 v61, $0x3  }
0x24f: {  	v4 =	vand.u32 $0x7F, v61;
	v3 =	vld.idx.msk [tilespmem:v62+s17+$0x0], $0xffff;
	v1 =	vand.u32 $0xFFFFFC00, v8  }
0x250: {  	v9 =	vld.idx.msk [tilespmem:v2+s17+$0x0], $0xffff;
	v14 =	vor.u32 v4, v1  }
0x251: {  	v10 =	vor.u32 $0x80, v14;
	_ =	sdelay $0x2  }
0x252: {  	v11 =	vld [tilespmem:$0x330];
	v13 =	vshll.u32 v63, $0x3;
	[tilespmem:$0x9C00] =	vst v3  }
0x253: {  	v0 =	vand.u32 $0x7F, v63;
	v3 =	vand.u32 $0xFFFFFC00, v13;
	[tilespmem:$0x9C80] =	vst v9;
	v5 =	vld.idx.msk [tilespmem:v14+s17+$0x0], $0xffff  }
0x254: {  	v13 =	vor.u32 v0, v3;
	v16 =	vld.idx.msk [tilespmem:v10+s17+$0x0], $0xffff  }
0x255: {  	v17 =	vor.u32 $0x80, v13;
	_ =	sdelay $0x2  }
0x256: {  	v18 =	vld [tilespmem:$0x340];
	v19 =	vshll.u32 v11, $0x3;
	[tilespmem:$0x9C10] =	vst v5  }
0x257: {  	v4 =	vand.u32 $0x7F, v11;
	v3 =	vand.u32 $0xFFFFFC00, v19;
	v5 =	vld.idx.msk [tilespmem:v13+s17+$0x0], $0xffff;
	[tilespmem:$0x9C90] =	vst v16  }
0x258: {  	v12 =	vor.u32 v4, v3;
	v0 =	vld.idx.msk [tilespmem:v17+s17+$0x0], $0xffff  }
0x259: {  	v20 =	vor.u32 $0x80, v12;
	_ =	sdelay $0x2  }
0x25a: {  	v21 =	vld [tilespmem:$0x350];
	v22 =	vshll.u32 v18, $0x3;
	[tilespmem:$0x9C20] =	vst v5  }
0x25b: {  	v2 =	vand.u32 $0x7F, v18;
	v4 =	vand.u32 $0xFFFFFC00, v22;
	v5 =	vld.idx.msk [tilespmem:v12+s17+$0x0], $0xffff;
	[tilespmem:$0x9CA0] =	vst v0  }
0x25c: {  	v11 =	vor.u32 v2, v4;
	v0 =	vld.idx.msk [tilespmem:v20+s17+$0x0], $0xffff  }
0x25d: {  	v23 =	vor.u32 $0x80, v11;
	_ =	sdelay $0x2  }
0x25e: {  	v24 =	vld [tilespmem:$0x360];
	v25 =	vshll.u32 v21, $0x3;
	[tilespmem:$0x9C30] =	vst v5  }
0x25f: {  	v3 =	vand.u32 $0x7F, v21;
	v4 =	vand.u32 $0xFFFFFC00, v25;
	v5 =	vld.idx.msk [tilespmem:v11+s17+$0x0], $0xffff;
	[tilespmem:$0x9CB0] =	vst v0  }
0x260: {  	v10 =	vor.u32 v3, v4;
	v0 =	vld.idx.msk [tilespmem:v23+s17+$0x0], $0xffff  }
0x261: {  	v26 =	vor.u32 $0x80, v10;
	_ =	sdelay $0x2  }
0x262: {  	v28 =	vshll.u32 v24, $0x3;
	v27 =	vld [tilespmem:$0x370];
	[tilespmem:$0x9C40] =	vst v5  }
0x263: {  	v2 =	vand.u32 $0x7F, v24;
	v4 =	vand.u32 $0xFFFFFC00, v28;
	v5 =	vld.idx.msk [tilespmem:v10+s17+$0x0], $0xffff;
	[tilespmem:$0x9CC0] =	vst v0  }
0x264: {  	v9 =	vor.u32 v2, v4;
	v0 =	vld.idx.msk [tilespmem:v26+s17+$0x0], $0xffff  }
0x265: {  	v29 =	vor.u32 $0x80, v9;
	_ =	sdelay $0x2  }
0x266: {  	v30 =	vld [tilespmem:$0x380];
	v31 =	vshll.u32 v27, $0x3;
	[tilespmem:$0x9C50] =	vst v5  }
0x267: {  	v3 =	vand.u32 $0x7F, v27;
	v4 =	vand.u32 $0xFFFFFC00, v31;
	v5 =	vld.idx.msk [tilespmem:v9+s17+$0x0], $0xffff;
	[tilespmem:$0x9CD0] =	vst v0  }
0x268: {  	v8 =	vor.u32 v3, v4;
	v0 =	vld.idx.msk [tilespmem:v29+s17+$0x0], $0xffff  }
0x269: {  	v32 =	vor.u32 $0x80, v8;
	_ =	sdelay $0x2  }
0x26a: {  	v33 =	vld [tilespmem:$0x390];
	v34 =	vshll.u32 v30, $0x3;
	[tilespmem:$0x9C60] =	vst v5  }
0x26b: {  	v2 =	vand.u32 $0x7F, v30;
	v4 =	vand.u32 $0xFFFFFC00, v34;
	v5 =	vld.idx.msk [tilespmem:v8+s17+$0x0], $0xffff;
	[tilespmem:$0x9CE0] =	vst v0  }
0x26c: {  	v7 =	vor.u32 v2, v4;
	v0 =	vld.idx.msk [tilespmem:v32+s17+$0x0], $0xffff  }
0x26d: {  	v35 =	vor.u32 $0x80, v7;
	_ =	sdelay $0x2  }
0x26e: {  	v36 =	vld [tilespmem:$0x3A0];
	v37 =	vshll.u32 v33, $0x3;
	[tilespmem:$0x9C70] =	vst v5  }
0x26f: {  	v3 =	vand.u32 $0x7F, v33;
	v4 =	vand.u32 $0xFFFFFC00, v37;
	v5 =	vld.idx.msk [tilespmem:v7+s17+$0x0], $0xffff;
	[tilespmem:$0x9CF0] =	vst v0  }
0x270: {  	v6 =	vor.u32 v3, v4;
	v0 =	vld.idx.msk [tilespmem:v35+s17+$0x0], $0xffff  }
0x271: {  	v38 =	vor.u32 $0x80, v6;
	_ =	sdelay $0x2  }
0x272: {  	v39 =	vld [tilespmem:$0x3B0];
	v40 =	vshll.u32 v36, $0x3;
	[tilespmem:$0xA000] =	vst v5  }
0x273: {  	v2 =	vand.u32 $0x7F, v36;
	v4 =	vand.u32 $0xFFFFFC00, v40;
	v16 =	vld.idx.msk [tilespmem:v6+s17+$0x0], $0xffff;
	[tilespmem:$0xA080] =	vst v0  }
0x274: {  	v5 =	vor.u32 v2, v4;
	v0 =	vld.idx.msk [tilespmem:v38+s17+$0x0], $0xffff  }
0x275: {  	v41 =	vor.u32 $0x80, v5;
	_ =	sdelay $0x2  }
0x276: {  	v43 =	vshll.u32 v39, $0x3;
	v42 =	vld [tilespmem:$0x3C0];
	[tilespmem:$0xA010] =	vst v16  }
0x277: {  	v3 =	vand.u32 $0x7F, v39;
	v4 =	vand.u32 $0xFFFFFC00, v43;
	v16 =	vld.idx.msk [tilespmem:v5+s17+$0x0], $0xffff;
	[tilespmem:$0xA090] =	vst v0  }
0x278: {  	v4 =	vor.u32 v3, v4;
	v0 =	vld.idx.msk [tilespmem:v41+s17+$0x0], $0xffff  }
0x279: {  	v44 =	vor.u32 $0x80, v4;
	_ =	sdelay $0x2  }
0x27a: {  	v45 =	vld [tilespmem:$0x3D0];
	v46 =	vshll.u32 v42, $0x3;
	[tilespmem:$0xA020] =	vst v16  }
0x27b: {  	v2 =	vand.u32 $0x7F, v42;
	v3 =	vand.u32 $0xFFFFFC00, v46;
	v16 =	vld.idx.msk [tilespmem:v4+s17+$0x0], $0xffff;
	[tilespmem:$0xA0A0] =	vst v0  }
0x27c: {  	v3 =	vor.u32 v2, v3;
	v0 =	vld.idx.msk [tilespmem:v44+s17+$0x0], $0xffff  }
0x27d: {  	v47 =	vor.u32 $0x80, v3;
	_ =	sdelay $0x1  }
0x27e: {  	v15 =	vor.u32 $0x380, v62  }
0x27f: {  	v48 =	vld [tilespmem:$0x3E0];
	v49 =	vshll.u32 v45, $0x3;
	[tilespmem:$0xA030] =	vst v16  }
0x280: {  	v56 =	vor.u32 $0x100, v62;
	v17 =	vand.u32 $0x7F, v45;
	v2 =	vand.u32 $0xFFFFFC00, v49;
	v16 =	vld.idx.msk [tilespmem:v3+s17+$0x0], $0xffff;
	[tilespmem:$0xA0B0] =	vst v0  }
0x281: {  	v57 =	vor.u32 $0x180, v62;
	v58 =	vor.u32 $0x200, v62;
	v2 =	vor.u32 v17, v2;
	v0 =	vld.idx.msk [tilespmem:v47+s17+$0x0], $0xffff  }
0x282: {  	v60 =	vor.u32 $0x280, v62;
	v61 =	vor.u32 $0x300, v62;
	v17 =	vor.u32 $0x80, v2  }
0x283: {  	v15 =	vld.idx.msk [tilespmem:v15+s17+$0x0], $0xffff;
	v62 =	vor.u32 $0x100, v14;
	v63 =	vor.u32 $0x180, v14;
	v25 =	vor.u32 $0x200, v14  }
0x284: {  	v27 =	vor.u32 $0x300, v14;
	v26 =	vor.u32 $0x280, v14;
	v14 =	vor.u32 $0x380, v14  }
0x285: {  	v51 =	vshll.u32 v48, $0x3;
	v50 =	vld [tilespmem:$0x3F0];
	[tilespmem:$0xA040] =	vst v16  }
0x286: {  	v18 =	vand.u32 $0x7F, v48;
	v1 =	vand.u32 $0xFFFFFC00, v51;
	v16 =	vld.idx.msk [tilespmem:v2+s17+$0x0], $0xffff;
	[tilespmem:$0xA0C0] =	vst v0  }
0x287: {  	v1 =	vor.u32 v18, v1;
	v0 =	vld.idx.msk [tilespmem:v17+s17+$0x0], $0xffff  }
0x288: {  	v52 =	vor.u32 $0x80, v1;
	[tilespmem:$0x9F80] =	vst v15  }
0x289: {  	v31 =	vor.u32 $0x180, v13;
	v33 =	vor.u32 $0x280, v13;
	v34 =	vor.u32 $0x300, v13;
	v14 =	vld.idx.msk [tilespmem:v14+s17+$0x0], $0xffff  }
0x28a: {  	v29 =	vor.u32 $0x100, v13;
	v32 =	vor.u32 $0x200, v13;
	v13 =	vor.u32 $0x380, v13  }
0x28b: {  	v53 =	vshll.u32 v50, $0x3;
	v22 =	vld.idx.msk [tilespmem:v61+s17+$0x0], $0xffff;
	[tilespmem:$0xA050] =	vst v16  }
0x28c: {  	v19 =	vand.u32 $0x7F, v50;
	v16 =	vand.u32 $0xFFFFFC00, v53;
	v18 =	vld.idx.msk [tilespmem:v1+s17+$0x0], $0xffff;
	[tilespmem:$0xA0D0] =	vst v0  }
0x28d: {  	v0 =	vor.u32 v19, v16;
	v54 =	vld.idx.msk [tilespmem:v52+s17+$0x0], $0xffff  }
0x28e: {  	v20 =	vld.idx.msk [tilespmem:v57+s17+$0x0], $0xffff;
	[tilespmem:$0x9F90] =	vst v14;
	v55 =	vor.u32 $0x80, v0  }
0x28f: {  	v13 =	vld.idx.msk [tilespmem:v13+s17+$0x0], $0xffff  }
0x290: {  	[tilespmem:$0x9F00] =	vst v22;
	v19 =	vld.idx.msk [tilespmem:v56+s17+$0x0], $0xffff  }
0x291: {  	[tilespmem:$0xA060] =	vst v18;
	v18 =	vld.idx.msk [tilespmem:v58+s17+$0x0], $0xffff  }
0x292: {  	v16 =	vld.idx.msk [tilespmem:v60+s17+$0x0], $0xffff;
	[tilespmem:$0xA0E0] =	vst v54  }
0x293: {  	v36 =	vor.u32 $0x180, v12;
	v37 =	vor.u32 $0x200, v12;
	v39 =	vor.u32 $0x300, v12;
	[tilespmem:$0x9D80] =	vst v20;
	v17 =	vld.idx.msk [tilespmem:v55+s17+$0x0], $0xffff  }
0x294: {  	v30 =	vld.idx.msk [tilespmem:v63+s17+$0x0], $0xffff;
	v35 =	vor.u32 $0x100, v12;
	[tilespmem:$0x9FA0] =	vst v13;
	v38 =	vor.u32 $0x280, v12;
	v12 =	vor.u32 $0x380, v12  }
0x295: {  	[tilespmem:$0x9D00] =	vst v19;
	v19 =	vld.idx.msk [tilespmem:v27+s17+$0x0], $0xffff  }
0x296: {  	v28 =	vld.idx.msk [tilespmem:v62+s17+$0x0], $0xffff;
	[tilespmem:$0x9E00] =	vst v18  }
0x297: {  	[tilespmem:$0x9E80] =	vst v16;
	v21 =	vld.idx.msk [tilespmem:v25+s17+$0x0], $0xffff  }
0x298: {  	[tilespmem:$0xA0F0] =	vst v17;
	v17 =	vld.idx.msk [tilespmem:v26+s17+$0x0], $0xffff  }
0x299: {  	v45 =	vor.u32 $0x300, v11;
	[tilespmem:$0x9D90] =	vst v30;
	v42 =	vor.u32 $0x180, v11;
	v43 =	vor.u32 $0x200, v11;
	v12 =	vld.idx.msk [tilespmem:v12+s17+$0x0], $0xffff  }
0x29a: {  	v41 =	vor.u32 $0x100, v11;
	v44 =	vor.u32 $0x280, v11;
	v11 =	vor.u32 $0x380, v11;
	v16 =	vld.idx.msk [tilespmem:v31+s17+$0x0], $0xffff;
	[tilespmem:$0x9F10] =	vst v19  }
0x29b: {  	[tilespmem:$0x9D10] =	vst v28;
	v20 =	vld.idx.msk [tilespmem:v34+s17+$0x0], $0xffff  }
0x29c: {  	v18 =	vld.idx.msk [tilespmem:v29+s17+$0x0], $0xffff;
	[tilespmem:$0x9E10] =	vst v21  }
0x29d: {  	[tilespmem:$0x9E90] =	vst v17;
	v22 =	vld.idx.msk [tilespmem:v32+s17+$0x0], $0xffff  }
0x29e: {  	[tilespmem:$0x9FB0] =	vst v12;
	v15 =	vld.idx.msk [tilespmem:v33+s17+$0x0], $0xffff  }
0x29f: {  	v48 =	vor.u32 $0x180, v10;
	v50 =	vor.u32 $0x280, v10;
	v51 =	vor.u32 $0x300, v10;
	v11 =	vld.idx.msk [tilespmem:v11+s17+$0x0], $0xffff;
	[tilespmem:$0x9DA0] =	vst v16  }
0x2a0: {  	v49 =	vor.u32 $0x200, v10;
	v47 =	vor.u32 $0x100, v10;
	v10 =	vor.u32 $0x380, v10;
	[tilespmem:$0x9F20] =	vst v20;
	v17 =	vld.idx.msk [tilespmem:v36+s17+$0x0], $0xffff  }
0x2a1: {  	[tilespmem:$0x9D20] =	vst v18;
	v18 =	vld.idx.msk [tilespmem:v39+s17+$0x0], $0xffff  }
0x2a2: {  	v40 =	vld.idx.msk [tilespmem:v35+s17+$0x0], $0xffff;
	[tilespmem:$0x9E20] =	vst v22  }
0x2a3: {  	[tilespmem:$0x9EA0] =	vst v15;
	v19 =	vld.idx.msk [tilespmem:v37+s17+$0x0], $0xffff  }
0x2a4: {  	[tilespmem:$0x9FC0] =	vst v11;
	v14 =	vld.idx.msk [tilespmem:v38+s17+$0x0], $0xffff  }
0x2a5: {  	v10 =	vld.idx.msk [tilespmem:v10+s17+$0x0], $0xffff;
	[tilespmem:$0x9DB0] =	vst v17  }
0x2a6: {  	[tilespmem:$0x9F30] =	vst v18;
	v15 =	vld.idx.msk [tilespmem:v42+s17+$0x0], $0xffff  }
0x2a7: {  	[tilespmem:$0x9D30] =	vst v40;
	v16 =	vld.idx.msk [tilespmem:v45+s17+$0x0], $0xffff  }
0x2a8: {  	v46 =	vld.idx.msk [tilespmem:v41+s17+$0x0], $0xffff;
	[tilespmem:$0x9E30] =	vst v19  }
0x2a9: {  	[tilespmem:$0x9EB0] =	vst v14;
	v20 =	vld.idx.msk [tilespmem:v43+s17+$0x0], $0xffff  }
0x2aa: {  	[tilespmem:$0x9FD0] =	vst v10;
	v13 =	vld.idx.msk [tilespmem:v44+s17+$0x0], $0xffff  }
0x2ab: {  	v57 =	vor.u32 $0x300, v9;
	v53 =	vor.u32 $0x100, v9;
	v56 =	vor.u32 $0x280, v9;
	v59 =	vld.idx.msk [tilespmem:v0+s17+$0x0], $0xffff;
	[tilespmem:$0x9DC0] =	vst v15  }
0x2ac: {  	v54 =	vor.u32 $0x180, v9;
	v55 =	vor.u32 $0x200, v9;
	v9 =	vor.u32 $0x380, v9;
	[tilespmem:$0x9F40] =	vst v16;
	v14 =	vld.idx.msk [tilespmem:v48+s17+$0x0], $0xffff  }
0x2ad: {  	[tilespmem:$0x9D40] =	vst v46;
	v17 =	vld.idx.msk [tilespmem:v51+s17+$0x0], $0xffff  }
0x2ae: {  	v52 =	vld.idx.msk [tilespmem:v47+s17+$0x0], $0xffff;
	[tilespmem:$0x9E40] =	vst v20  }
0x2af: {  	[tilespmem:$0x9EC0] =	vst v13;
	v18 =	vld.idx.msk [tilespmem:v49+s17+$0x0], $0xffff  }
0x2b0: {  	[tilespmem:$0xA070] =	vst v59;
	v12 =	vld.idx.msk [tilespmem:v50+s17+$0x0], $0xffff  }
0x2b1: {  	v61 =	vor.u32 $0x200, v8;
	v63 =	vor.u32 $0x300, v8;
	v60 =	vor.u32 $0x180, v8;
	v9 =	vld.idx.msk [tilespmem:v9+s17+$0x0], $0xffff;
	[tilespmem:$0x9DD0] =	vst v14  }
0x2b2: {  	v62 =	vor.u32 $0x280, v8;
	v59 =	vor.u32 $0x100, v8;
	v8 =	vor.u32 $0x380, v8;
	[tilespmem:$0x9F50] =	vst v17;
	v13 =	vld.idx.msk [tilespmem:v54+s17+$0x0], $0xffff  }
0x2b3: {  	[tilespmem:$0x9D50] =	vst v52;
	v15 =	vld.idx.msk [tilespmem:v57+s17+$0x0], $0xffff  }
0x2b4: {  	v58 =	vld.idx.msk [tilespmem:v53+s17+$0x0], $0xffff;
	[tilespmem:$0x9E50] =	vst v18  }
0x2b5: {  	[tilespmem:$0x9ED0] =	vst v12;
	v16 =	vld.idx.msk [tilespmem:v55+s17+$0x0], $0xffff  }
0x2b6: {  	[tilespmem:$0x9FE0] =	vst v9;
	v11 =	vld.idx.msk [tilespmem:v56+s17+$0x0], $0xffff  }
0x2b7: {  	v24 =	vor.u32 $0x280, v7;
	v23 =	vor.u32 $0x200, v7;
	v25 =	vor.u32 $0x300, v7;
	v8 =	vld.idx.msk [tilespmem:v8+s17+$0x0], $0xffff;
	[tilespmem:$0x9DE0] =	vst v13  }
0x2b8: {  	v21 =	vor.u32 $0x100, v7;
	v22 =	vor.u32 $0x180, v7;
	v7 =	vor.u32 $0x380, v7;
	[tilespmem:$0x9F60] =	vst v15;
	v12 =	vld.idx.msk [tilespmem:v60+s17+$0x0], $0xffff  }
0x2b9: {  	[tilespmem:$0x9D60] =	vst v58;
	v14 =	vld.idx.msk [tilespmem:v63+s17+$0x0], $0xffff  }
0x2ba: {  	v20 =	vld.idx.msk [tilespmem:v59+s17+$0x0], $0xffff;
	[tilespmem:$0x9E60] =	vst v16  }
0x2bb: {  	[tilespmem:$0x9EE0] =	vst v11;
	v17 =	vld.idx.msk [tilespmem:v61+s17+$0x0], $0xffff  }
0x2bc: {  	[tilespmem:$0x9FF0] =	vst v8;
	v10 =	vld.idx.msk [tilespmem:v62+s17+$0x0], $0xffff  }
0x2bd: {  	v30 =	vor.u32 $0x280, v6;
	v27 =	vor.u32 $0x100, v6;
	v31 =	vor.u32 $0x300, v6;
	v7 =	vld.idx.msk [tilespmem:v7+s17+$0x0], $0xffff;
	[tilespmem:$0x9DF0] =	vst v12  }
0x2be: {  	v28 =	vor.u32 $0x180, v6;
	v29 =	vor.u32 $0x200, v6;
	v6 =	vor.u32 $0x380, v6;
	[tilespmem:$0x9F70] =	vst v14;
	v11 =	vld.idx.msk [tilespmem:v22+s17+$0x0], $0xffff  }
0x2bf: {  	[tilespmem:$0x9D70] =	vst v20;
	v13 =	vld.idx.msk [tilespmem:v25+s17+$0x0], $0xffff  }
0x2c0: {  	v26 =	vld.idx.msk [tilespmem:v21+s17+$0x0], $0xffff;
	[tilespmem:$0x9E70] =	vst v17  }
0x2c1: {  	[tilespmem:$0x9EF0] =	vst v10;
	v15 =	vld.idx.msk [tilespmem:v23+s17+$0x0], $0xffff  }
0x2c2: {  	[tilespmem:$0xA380] =	vst v7;
	v9 =	vld.idx.msk [tilespmem:v24+s17+$0x0], $0xffff  }
0x2c3: {  	v34 =	vor.u32 $0x200, v5;
	v32 =	vor.u32 $0x100, v5;
	v36 =	vor.u32 $0x300, v5;
	v6 =	vld.idx.msk [tilespmem:v6+s17+$0x0], $0xffff;
	[tilespmem:$0xA180] =	vst v11  }
0x2c4: {  	v33 =	vor.u32 $0x180, v5;
	v35 =	vor.u32 $0x280, v5;
	v5 =	vor.u32 $0x380, v5;
	[tilespmem:$0xA300] =	vst v13;
	v10 =	vld.idx.msk [tilespmem:v28+s17+$0x0], $0xffff  }
0x2c5: {  	[tilespmem:$0xA100] =	vst v26;
	v12 =	vld.idx.msk [tilespmem:v31+s17+$0x0], $0xffff  }
0x2c6: {  	v16 =	vld.idx.msk [tilespmem:v27+s17+$0x0], $0xffff;
	[tilespmem:$0xA200] =	vst v15  }
0x2c7: {  	v14 =	vld.idx.msk [tilespmem:v29+s17+$0x0], $0xffff;
	[tilespmem:$0xA280] =	vst v9  }
0x2c8: {  	[tilespmem:$0xA390] =	vst v6;
	v8 =	vld.idx.msk [tilespmem:v30+s17+$0x0], $0xffff  }
0x2c9: {  	v39 =	vor.u32 $0x200, v4;
	v37 =	vor.u32 $0x100, v4;
	v40 =	vor.u32 $0x280, v4;
	v5 =	vld.idx.msk [tilespmem:v5+s17+$0x0], $0xffff;
	[tilespmem:$0xA190] =	vst v10  }
0x2ca: {  	v38 =	vor.u32 $0x180, v4;
	v41 =	vor.u32 $0x300, v4;
	v4 =	vor.u32 $0x380, v4;
	[tilespmem:$0xA310] =	vst v12;
	v15 =	vld.idx.msk [tilespmem:v33+s17+$0x0], $0xffff  }
0x2cb: {  	[tilespmem:$0xA110] =	vst v16;
	v7 =	vld.idx.msk [tilespmem:v36+s17+$0x0], $0xffff  }
0x2cc: {  	v11 =	vld.idx.msk [tilespmem:v32+s17+$0x0], $0xffff;
	[tilespmem:$0xA210] =	vst v14  }
0x2cd: {  	v9 =	vld.idx.msk [tilespmem:v34+s17+$0x0], $0xffff;
	[tilespmem:$0xA290] =	vst v8  }
0x2ce: {  	[tilespmem:$0xA3A0] =	vst v5;
	v13 =	vld.idx.msk [tilespmem:v35+s17+$0x0], $0xffff  }
0x2cf: {  	v42 =	vor.u32 $0x100, v3;
	v45 =	vor.u32 $0x280, v3;
	v43 =	vor.u32 $0x180, v3;
	v4 =	vld.idx.msk [tilespmem:v4+s17+$0x0], $0xffff;
	[tilespmem:$0xA1A0] =	vst v15  }
0x2d0: {  	v46 =	vor.u32 $0x300, v3;
	v44 =	vor.u32 $0x200, v3;
	v3 =	vor.u32 $0x380, v3;
	[tilespmem:$0xA320] =	vst v7;
	v14 =	vld.idx.msk [tilespmem:v38+s17+$0x0], $0xffff  }
0x2d1: {  	[tilespmem:$0xA120] =	vst v11;
	v6 =	vld.idx.msk [tilespmem:v41+s17+$0x0], $0xffff  }
0x2d2: {  	v10 =	vld.idx.msk [tilespmem:v37+s17+$0x0], $0xffff;
	[tilespmem:$0xA220] =	vst v9  }
0x2d3: {  	v8 =	vld.idx.msk [tilespmem:v39+s17+$0x0], $0xffff;
	[tilespmem:$0xA2A0] =	vst v13  }
0x2d4: {  	[tilespmem:$0xA3B0] =	vst v4;
	v12 =	vld.idx.msk [tilespmem:v40+s17+$0x0], $0xffff  }
0x2d5: {  	v48 =	vor.u32 $0x180, v2;
	v51 =	vor.u32 $0x300, v2;
	v47 =	vor.u32 $0x100, v2;
	v3 =	vld.idx.msk [tilespmem:v3+s17+$0x0], $0xffff;
	[tilespmem:$0xA1B0] =	vst v14  }
0x2d6: {  	v49 =	vor.u32 $0x200, v2;
	v50 =	vor.u32 $0x280, v2;
	v2 =	vor.u32 $0x380, v2;
	[tilespmem:$0xA330] =	vst v6;
	v9 =	vld.idx.msk [tilespmem:v43+s17+$0x0], $0xffff  }
0x2d7: {  	[tilespmem:$0xA130] =	vst v10;
	v5 =	vld.idx.msk [tilespmem:v46+s17+$0x0], $0xffff  }
0x2d8: {  	v10 =	vld.idx.msk [tilespmem:v42+s17+$0x0], $0xffff;
	[tilespmem:$0xA230] =	vst v8  }
0x2d9: {  	v13 =	vld.idx.msk [tilespmem:v44+s17+$0x0], $0xffff;
	[tilespmem:$0xA2B0] =	vst v12  }
0x2da: {  	[tilespmem:$0xA3C0] =	vst v3;
	v7 =	vld.idx.msk [tilespmem:v45+s17+$0x0], $0xffff  }
0x2db: {  	v52 =	vor.u32 $0x100, v1;
	v54 =	vor.u32 $0x200, v1;
	v53 =	vor.u32 $0x180, v1;
	v2 =	vld.idx.msk [tilespmem:v2+s17+$0x0], $0xffff;
	[tilespmem:$0xA1C0] =	vst v9  }
0x2dc: {  	v55 =	vor.u32 $0x280, v1;
	v56 =	vor.u32 $0x300, v1;
	v1 =	vor.u32 $0x380, v1;
	[tilespmem:$0xA340] =	vst v5;
	v8 =	vld.idx.msk [tilespmem:v48+s17+$0x0], $0xffff  }
0x2dd: {  	[tilespmem:$0xA140] =	vst v10;
	v4 =	vld.idx.msk [tilespmem:v51+s17+$0x0], $0xffff  }
0x2de: {  	v10 =	vld.idx.msk [tilespmem:v47+s17+$0x0], $0xffff;
	[tilespmem:$0xA240] =	vst v13  }
0x2df: {  	v12 =	vld.idx.msk [tilespmem:v49+s17+$0x0], $0xffff;
	[tilespmem:$0xA2C0] =	vst v7  }
0x2e0: {  	[tilespmem:$0xA3D0] =	vst v2;
	v6 =	vld.idx.msk [tilespmem:v50+s17+$0x0], $0xffff  }
0x2e1: {  	v57 =	vor.u32 $0x100, v0;
	v60 =	vor.u32 $0x200, v0;
	v59 =	vor.u32 $0x180, v0;
	v1 =	vld.idx.msk [tilespmem:v1+s17+$0x0], $0xffff;
	[tilespmem:$0xA1D0] =	vst v8  }
0x2e2: {  	v61 =	vor.u32 $0x280, v0;
	v62 =	vor.u32 $0x300, v0;
	v0 =	vor.u32 $0x380, v0;
	[tilespmem:$0xA350] =	vst v4;
	v58 =	vld.idx.msk [tilespmem:v53+s17+$0x0], $0xffff  }
0x2e3: {  	[tilespmem:$0xA150] =	vst v10;
	v3 =	vld.idx.msk [tilespmem:v56+s17+$0x0], $0xffff  }
0x2e4: {  	v9 =	vld.idx.msk [tilespmem:v52+s17+$0x0], $0xffff;
	[tilespmem:$0xA250] =	vst v12  }
0x2e5: {  	v7 =	vld.idx.msk [tilespmem:v54+s17+$0x0], $0xffff;
	[tilespmem:$0xA2D0] =	vst v6  }
0x2e6: {  	[tilespmem:$0xA3E0] =	vst v1;
	v5 =	vld.idx.msk [tilespmem:v55+s17+$0x0], $0xffff  }
0x2e7: {  	v0 =	vld.idx.msk [tilespmem:v0+s17+$0x0], $0xffff;
	[tilespmem:$0xA1E0] =	vst v58  }
0x2e8: {  	[tilespmem:$0xA360] =	vst v3;
	v63 =	vld.idx.msk [tilespmem:v59+s17+$0x0], $0xffff  }
0x2e9: {  	[tilespmem:$0xA160] =	vst v9;
	v2 =	vld.idx.msk [tilespmem:v62+s17+$0x0], $0xffff  }
0x2ea: {  	v8 =	vld.idx.msk [tilespmem:v57+s17+$0x0], $0xffff;
	[tilespmem:$0xA260] =	vst v7  }
0x2eb: {  	v6 =	vld.idx.msk [tilespmem:v60+s17+$0x0], $0xffff;
	[tilespmem:$0xA2E0] =	vst v5  }
0x2ec: {  	[tilespmem:$0xA3F0] =	vst v0;
	v4 =	vld.idx.msk [tilespmem:v61+s17+$0x0], $0xffff  }
0x2ed: {  	[tilespmem:$0xA1F0] =	vst v63  }
0x2ee: {  	[tilespmem:$0xA370] =	vst v2  }
0x2ef: {  	[tilespmem:$0xA170] =	vst v8  }
0x2f0: {  	[tilespmem:$0xA270] =	vst v6  }
0x2f1: {  	s31 =	sadd.s32 $0xFFFFFC00, s23;
	p2 =	sge.s32 s25, s10;
	[tilespmem:$0xA2F0] =	vst v4  }
0x2f2: {  	[hbm4b:s31+s3] =	stream.linear.scatter [tilespmem:s19], [sflag:$0x3], $0x2000, $0x38;
	[tilespmem:$0xC400] =	vst v63  }
0x2f3: {  	s29 =	simm.s32 @!p2 $0x0;
	s30 =	simm.s32 @!p2 $0x400;
	s28 =	sadd.s32 @!p2 $0xFFFFF800, s24  }
0x2f4: {  	[tilespmem:s30], [sflag:$0x1] =	stream.linear.gather @!p2 [hbm4b:s28+s29], $0x4000, $0x38;
	[tilespmem:$0xC400] =	vst v63  }
.LBB2_4:
0x2f5: {  	s28 =	sadd.s32 $0x1, s25  }
0x2f6: {  	p2 =	sge.s32 s28, s4  }
.Ltmp6:
0x2f7: {  	_ = 	snop;
	(pc) =	sbr.rel @p2 .LBB2_6-.Ltmp6, $1  }
0x2f8: {  	_ =	sdelay $0x3  }
0x2f9: {  	_ =	swait.ge [sflag:s20], $0x4000  }
0x2fa: {  	[sflag:s20] =	ssyncset.done $0x0  }
0x2fb: {  	s28 =	simm.s32 @!p1 $0x4;
	[sflag:s20] =	ssyncadd.s32 $0xFFFFC000  }
0x2fc: {  	_ =	swait.ge @!p1 [sflag:s28], $0x2000  }
0x2fd: {  	[sflag:s28] =	ssyncset.done @!p1 $0x0  }
0x2fe: {  	[sflag:s28] =	ssyncadd.s32 @!p1 $0xFFFFE000  }
0x2ff: {  	v0 =	vld [tilespmem:$0x0];
	_ =	sdelay $0x4  }
0x300: {  	v1 =	vshll.u32 v0, $0x3  }
0x301: {  	v2 =	vld [tilespmem:$0x10];
	v0 =	vand.u32 $0x7F, v0;
	v1 =	vand.u32 $0xFFFFFC00, v1  }
0x302: {  	v15 =	vor.u32 v0, v1  }
0x303: {  	v0 =	vor.u32 $0x80, v15;
	_ =	sdelay $0x2  }
0x304: {  	v10 =	vld [tilespmem:$0x20];
	v3 =	vshll.u32 v2, $0x3  }
0x305: {  	v2 =	vand.u32 $0x7F, v2;
	v3 =	vand.u32 $0xFFFFFC00, v3;
	v4 =	vld.idx.msk [tilespmem:v15+s18+$0x0], $0xffff  }
0x306: {  	v14 =	vor.u32 v2, v3;
	v0 =	vld.idx.msk [tilespmem:v0+s18+$0x0], $0xffff  }
0x307: {  	v2 =	vor.u32 $0x80, v14;
	_ =	sdelay $0x2  }
0x308: {  	v11 =	vld [tilespmem:$0x30];
	v16 =	vshll.u32 v10, $0x3;
	[tilespmem:$0xA400] =	vst v4  }
0x309: {  	v1 =	vand.u32 $0x7F, v10;
	v4 =	vand.u32 $0xFFFFFC00, v16;
	v5 =	vld.idx.msk [tilespmem:v14+s18+$0x0], $0xffff;
	[tilespmem:$0xA480] =	vst v0  }
0x30a: {  	v13 =	vor.u32 v1, v4;
	v0 =	vld.idx.msk [tilespmem:v2+s18+$0x0], $0xffff  }
0x30b: {  	v1 =	vor.u32 $0x80, v13;
	_ =	sdelay $0x2  }
0x30c: {  	v17 =	vld [tilespmem:$0x40];
	v18 =	vshll.u32 v11, $0x3;
	[tilespmem:$0xA410] =	vst v5  }
0x30d: {  	v3 =	vand.u32 $0x7F, v11;
	v4 =	vand.u32 $0xFFFFFC00, v18;
	v5 =	vld.idx.msk [tilespmem:v13+s18+$0x0], $0xffff;
	[tilespmem:$0xA490] =	vst v0  }
0x30e: {  	v12 =	vor.u32 v3, v4;
	v0 =	vld.idx.msk [tilespmem:v1+s18+$0x0], $0xffff  }
0x30f: {  	v19 =	vor.u32 $0x80, v12;
	_ =	sdelay $0x2  }
0x310: {  	v20 =	vld [tilespmem:$0x50];
	v21 =	vshll.u32 v17, $0x3;
	[tilespmem:$0xA420] =	vst v5  }
0x311: {  	v2 =	vand.u32 $0x7F, v17;
	v4 =	vand.u32 $0xFFFFFC00, v21;
	v5 =	vld.idx.msk [tilespmem:v12+s18+$0x0], $0xffff;
	[tilespmem:$0xA4A0] =	vst v0  }
0x312: {  	v11 =	vor.u32 v2, v4;
	v0 =	vld.idx.msk [tilespmem:v19+s18+$0x0], $0xffff  }
0x313: {  	v22 =	vor.u32 $0x80, v11;
	_ =	sdelay $0x2  }
0x314: {  	v23 =	vld [tilespmem:$0x60];
	v24 =	vshll.u32 v20, $0x3;
	[tilespmem:$0xA430] =	vst v5  }
0x315: {  	v3 =	vand.u32 $0x7F, v20;
	v4 =	vand.u32 $0xFFFFFC00, v24;
	v5 =	vld.idx.msk [tilespmem:v11+s18+$0x0], $0xffff;
	[tilespmem:$0xA4B0] =	vst v0  }
0x316: {  	v10 =	vor.u32 v3, v4;
	v0 =	vld.idx.msk [tilespmem:v22+s18+$0x0], $0xffff  }
0x317: {  	v25 =	vor.u32 $0x80, v10;
	_ =	sdelay $0x2  }
0x318: {  	v26 =	vld [tilespmem:$0x70];
	v27 =	vshll.u32 v23, $0x3;
	[tilespmem:$0xA440] =	vst v5  }
0x319: {  	v2 =	vand.u32 $0x7F, v23;
	v4 =	vand.u32 $0xFFFFFC00, v27;
	v5 =	vld.idx.msk [tilespmem:v10+s18+$0x0], $0xffff;
	[tilespmem:$0xA4C0] =	vst v0  }
0x31a: {  	v9 =	vor.u32 v2, v4;
	v0 =	vld.idx.msk [tilespmem:v25+s18+$0x0], $0xffff  }
0x31b: {  	v28 =	vor.u32 $0x80, v9;
	_ =	sdelay $0x2  }
0x31c: {  	v29 =	vld [tilespmem:$0x80];
	v30 =	vshll.u32 v26, $0x3;
	[tilespmem:$0xA450] =	vst v5  }
0x31d: {  	v3 =	vand.u32 $0x7F, v26;
	v4 =	vand.u32 $0xFFFFFC00, v30;
	v5 =	vld.idx.msk [tilespmem:v9+s18+$0x0], $0xffff;
	[tilespmem:$0xA4D0] =	vst v0  }
0x31e: {  	v8 =	vor.u32 v3, v4;
	v0 =	vld.idx.msk [tilespmem:v28+s18+$0x0], $0xffff  }
0x31f: {  	v31 =	vor.u32 $0x80, v8;
	_ =	sdelay $0x2  }
0x320: {  	v32 =	vld [tilespmem:$0x90];
	v33 =	vshll.u32 v29, $0x3;
	[tilespmem:$0xA460] =	vst v5  }
0x321: {  	v2 =	vand.u32 $0x7F, v29;
	v4 =	vand.u32 $0xFFFFFC00, v33;
	v5 =	vld.idx.msk [tilespmem:v8+s18+$0x0], $0xffff;
	[tilespmem:$0xA4E0] =	vst v0  }
0x322: {  	v7 =	vor.u32 v2, v4;
	v0 =	vld.idx.msk [tilespmem:v31+s18+$0x0], $0xffff  }
0x323: {  	v34 =	vor.u32 $0x80, v7;
	_ =	sdelay $0x2  }
0x324: {  	v35 =	vld [tilespmem:$0xA0];
	v36 =	vshll.u32 v32, $0x3;
	[tilespmem:$0xA470] =	vst v5  }
0x325: {  	v3 =	vand.u32 $0x7F, v32;
	v4 =	vand.u32 $0xFFFFFC00, v36;
	v5 =	vld.idx.msk [tilespmem:v7+s18+$0x0], $0xffff;
	[tilespmem:$0xA4F0] =	vst v0  }
0x326: {  	v6 =	vor.u32 v3, v4;
	v0 =	vld.idx.msk [tilespmem:v34+s18+$0x0], $0xffff  }
0x327: {  	v37 =	vor.u32 $0x80, v6;
	_ =	sdelay $0x2  }
0x328: {  	v38 =	vld [tilespmem:$0xB0];
	v39 =	vshll.u32 v35, $0x3;
	[tilespmem:$0xA800] =	vst v5  }
0x329: {  	v2 =	vand.u32 $0x7F, v35;
	v4 =	vand.u32 $0xFFFFFC00, v39;
	v16 =	vld.idx.msk [tilespmem:v6+s18+$0x0], $0xffff;
	[tilespmem:$0xA880] =	vst v0  }
0x32a: {  	v5 =	vor.u32 v2, v4;
	v0 =	vld.idx.msk [tilespmem:v37+s18+$0x0], $0xffff  }
0x32b: {  	v40 =	vor.u32 $0x80, v5;
	_ =	sdelay $0x2  }
0x32c: {  	v41 =	vld [tilespmem:$0xC0];
	v42 =	vshll.u32 v38, $0x3;
	[tilespmem:$0xA810] =	vst v16  }
0x32d: {  	v17 =	vor.u32 $0x100, v15;
	v3 =	vand.u32 $0x7F, v38;
	v4 =	vand.u32 $0xFFFFFC00, v42;
	v16 =	vld.idx.msk [tilespmem:v5+s18+$0x0], $0xffff;
	[tilespmem:$0xA890] =	vst v0  }
0x32e: {  	v4 =	vor.u32 v3, v4;
	v0 =	vld.idx.msk [tilespmem:v40+s18+$0x0], $0xffff  }
0x32f: {  	v43 =	vor.u32 $0x80, v4;
	_ =	sdelay $0x1  }
0x330: {  	v18 =	vld [tilespmem:$0xD0]  }
0x331: {  	v44 =	vshll.u32 v41, $0x3;
	v17 =	vld.idx.msk [tilespmem:v17+s18+$0x0], $0xffff;
	[tilespmem:$0xA820] =	vst v16  }
0x332: {  	v19 =	vor.u32 $0x100, v14;
	v2 =	vand.u32 $0x7F, v41;
	v3 =	vand.u32 $0xFFFFFC00, v44;
	v16 =	vld.idx.msk [tilespmem:v4+s18+$0x0], $0xffff;
	[tilespmem:$0xA8A0] =	vst v0  }
0x333: {  	v3 =	vor.u32 v2, v3;
	v0 =	vld.idx.msk [tilespmem:v43+s18+$0x0], $0xffff  }
0x334: {  	v45 =	vor.u32 $0x80, v3;
	_ =	sdelay $0x1  }
0x335: {  	v20 =	vld [tilespmem:$0xE0];
	[tilespmem:$0xA500] =	vst v17  }
0x336: {  	v46 =	vshll.u32 v18, $0x3;
	v48 =	vld.idx.msk [tilespmem:v19+s18+$0x0], $0xffff;
	[tilespmem:$0xA830] =	vst v16  }
0x337: {  	v49 =	vor.u32 $0x100, v13;
	v18 =	vand.u32 $0x7F, v18;
	v2 =	vand.u32 $0xFFFFFC00, v46;
	v16 =	vld.idx.msk [tilespmem:v3+s18+$0x0], $0xffff;
	[tilespmem:$0xA8B0] =	vst v0  }
0x338: {  	v2 =	vor.u32 v18, v2;
	v0 =	vld.idx.msk [tilespmem:v45+s18+$0x0], $0xffff  }
0x339: {  	v47 =	vor.u32 $0x80, v2;
	_ =	sdelay $0x1  }
0x33a: {  	v21 =	vld [tilespmem:$0xF0];
	[tilespmem:$0xA510] =	vst v48  }
0x33b: {  	v50 =	vshll.u32 v20, $0x3;
	v18 =	vld.idx.msk [tilespmem:v49+s18+$0x0], $0xffff;
	[tilespmem:$0xA840] =	vst v16  }
0x33c: {  	v52 =	vor.u32 $0x100, v12;
	v20 =	vand.u32 $0x7F, v20;
	v1 =	vand.u32 $0xFFFFFC00, v50;
	v16 =	vld.idx.msk [tilespmem:v2+s18+$0x0], $0xffff;
	[tilespmem:$0xA8C0] =	vst v0  }
0x33d: {  	v1 =	vor.u32 v20, v1;
	v0 =	vld.idx.msk [tilespmem:v47+s18+$0x0], $0xffff  }
0x33e: {  	v51 =	vor.u32 $0x80, v1;
	_ =	sdelay $0x1  }
0x33f: {  	[tilespmem:$0xA520] =	vst v18  }
0x340: {  	v53 =	vshll.u32 v21, $0x3;
	v18 =	vld.idx.msk [tilespmem:v52+s18+$0x0], $0xffff;
	[tilespmem:$0xA850] =	vst v16  }
0x341: {  	v56 =	vor.u32 $0x100, v11;
	v21 =	vand.u32 $0x7F, v21;
	v16 =	vand.u32 $0xFFFFFC00, v53;
	v20 =	vld.idx.msk [tilespmem:v1+s18+$0x0], $0xffff;
	[tilespmem:$0xA8D0] =	vst v0  }
0x342: {  	v0 =	vor.u32 v21, v16;
	v54 =	vld.idx.msk [tilespmem:v51+s18+$0x0], $0xffff  }
0x343: {  	v55 =	vor.u32 $0x80, v0;
	_ =	sdelay $0x1  }
0x344: {  	[tilespmem:$0xA530] =	vst v18  }
0x345: {  	v57 =	vld.idx.msk [tilespmem:v56+s18+$0x0], $0xffff;
	[tilespmem:$0xA860] =	vst v20  }
0x346: {  	v20 =	vld.idx.msk [tilespmem:v0+s18+$0x0], $0xffff;
	[tilespmem:$0xA8E0] =	vst v54  }
0x347: {  	v16 =	vld.idx.msk [tilespmem:v55+s18+$0x0], $0xffff  }
0x348: {  	v58 =	vor.u32 $0x100, v10  }
0x349: {  	v59 =	vor.u32 $0x180, v15  }
0x34a: {  	v60 =	vor.u32 $0x200, v15;
	[tilespmem:$0xA540] =	vst v57  }
0x34b: {  	v61 =	vor.u32 $0x280, v15;
	[tilespmem:$0xA870] =	vst v20  }
0x34c: {  	v62 =	vor.u32 $0x300, v15;
	[tilespmem:$0xA8F0] =	vst v16  }
0x34d: {  	v15 =	vor.u32 $0x380, v15;
	v18 =	vld.idx.msk [tilespmem:v58+s18+$0x0], $0xffff  }
0x34e: {  	v19 =	vld.idx.msk [tilespmem:v59+s18+$0x0], $0xffff  }
0x34f: {  	v63 =	vor.u32 $0x180, v14;
	v20 =	vld.idx.msk [tilespmem:v60+s18+$0x0], $0xffff  }
0x350: {  	v22 =	vor.u32 $0x200, v14;
	v16 =	vld.idx.msk [tilespmem:v61+s18+$0x0], $0xffff  }
0x351: {  	v23 =	vor.u32 $0x280, v14;
	v17 =	vld.idx.msk [tilespmem:v62+s18+$0x0], $0xffff  }
0x352: {  	v24 =	vor.u32 $0x300, v14;
	v15 =	vld.idx.msk [tilespmem:v15+s18+$0x0], $0xffff  }
0x353: {  	v14 =	vor.u32 $0x380, v14;
	[tilespmem:$0xA580] =	vst v19  }
0x354: {  	[tilespmem:$0xA600] =	vst v20;
	v19 =	vld.idx.msk [tilespmem:v63+s18+$0x0], $0xffff  }
0x355: {  	v26 =	vor.u32 $0x180, v13;
	[tilespmem:$0xA680] =	vst v16;
	v27 =	vld.idx.msk [tilespmem:v22+s18+$0x0], $0xffff  }
0x356: {  	v28 =	vor.u32 $0x200, v13;
	[tilespmem:$0xA700] =	vst v17;
	v29 =	vld.idx.msk [tilespmem:v23+s18+$0x0], $0xffff  }
0x357: {  	v30 =	vor.u32 $0x280, v13;
	[tilespmem:$0xA780] =	vst v15;
	v31 =	vld.idx.msk [tilespmem:v24+s18+$0x0], $0xffff  }
0x358: {  	v32 =	vor.u32 $0x300, v13;
	v14 =	vld.idx.msk [tilespmem:v14+s18+$0x0], $0xffff  }
0x359: {  	v13 =	vor.u32 $0x380, v13;
	[tilespmem:$0xA590] =	vst v19  }
0x35a: {  	[tilespmem:$0xA610] =	vst v27;
	v19 =	vld.idx.msk [tilespmem:v26+s18+$0x0], $0xffff  }
0x35b: {  	v33 =	vor.u32 $0x180, v12;
	[tilespmem:$0xA690] =	vst v29;
	v16 =	vld.idx.msk [tilespmem:v28+s18+$0x0], $0xffff  }
0x35c: {  	v34 =	vor.u32 $0x200, v12;
	[tilespmem:$0xA710] =	vst v31;
	v17 =	vld.idx.msk [tilespmem:v30+s18+$0x0], $0xffff  }
0x35d: {  	v35 =	vor.u32 $0x280, v12;
	[tilespmem:$0xA790] =	vst v14;
	v15 =	vld.idx.msk [tilespmem:v32+s18+$0x0], $0xffff  }
0x35e: {  	v36 =	vor.u32 $0x300, v12;
	v13 =	vld.idx.msk [tilespmem:v13+s18+$0x0], $0xffff  }
0x35f: {  	v12 =	vor.u32 $0x380, v12;
	[tilespmem:$0xA5A0] =	vst v19  }
0x360: {  	v43 =	vor.u32 $0x100, v9;
	[tilespmem:$0xA620] =	vst v16;
	v19 =	vld.idx.msk [tilespmem:v33+s18+$0x0], $0xffff  }
0x361: {  	v37 =	vor.u32 $0x180, v11;
	[tilespmem:$0xA6A0] =	vst v17;
	v38 =	vld.idx.msk [tilespmem:v34+s18+$0x0], $0xffff  }
0x362: {  	v39 =	vor.u32 $0x200, v11;
	[tilespmem:$0xA720] =	vst v15;
	v40 =	vld.idx.msk [tilespmem:v35+s18+$0x0], $0xffff  }
0x363: {  	v41 =	vor.u32 $0x280, v11;
	[tilespmem:$0xA7A0] =	vst v13;
	v14 =	vld.idx.msk [tilespmem:v36+s18+$0x0], $0xffff  }
0x364: {  	v42 =	vor.u32 $0x300, v11;
	[tilespmem:$0xA550] =	vst v18;
	v12 =	vld.idx.msk [tilespmem:v12+s18+$0x0], $0xffff  }
0x365: {  	v11 =	vor.u32 $0x380, v11;
	v18 =	vld.idx.msk [tilespmem:v43+s18+$0x0], $0xffff;
	[tilespmem:$0xA5B0] =	vst v19  }
0x366: {  	v48 =	vor.u32 $0x100, v8;
	[tilespmem:$0xA630] =	vst v38;
	v16 =	vld.idx.msk [tilespmem:v37+s18+$0x0], $0xffff  }
0x367: {  	v44 =	vor.u32 $0x180, v10;
	[tilespmem:$0xA6B0] =	vst v40;
	v17 =	vld.idx.msk [tilespmem:v39+s18+$0x0], $0xffff  }
0x368: {  	v45 =	vor.u32 $0x200, v10;
	[tilespmem:$0xA730] =	vst v14;
	v15 =	vld.idx.msk [tilespmem:v41+s18+$0x0], $0xffff  }
0x369: {  	v46 =	vor.u32 $0x280, v10;
	[tilespmem:$0xA7B0] =	vst v12;
	v13 =	vld.idx.msk [tilespmem:v42+s18+$0x0], $0xffff  }
0x36a: {  	v47 =	vor.u32 $0x300, v10;
	[tilespmem:$0xA560] =	vst v18;
	v11 =	vld.idx.msk [tilespmem:v11+s18+$0x0], $0xffff  }
0x36b: {  	v10 =	vor.u32 $0x380, v10;
	[tilespmem:$0xA5C0] =	vst v16;
	v16 =	vld.idx.msk [tilespmem:v48+s18+$0x0], $0xffff  }
0x36c: {  	v55 =	vor.u32 $0x100, v7;
	[tilespmem:$0xA640] =	vst v17;
	v49 =	vld.idx.msk [tilespmem:v44+s18+$0x0], $0xffff  }
0x36d: {  	v50 =	vor.u32 $0x180, v9;
	[tilespmem:$0xA6C0] =	vst v15;
	v51 =	vld.idx.msk [tilespmem:v45+s18+$0x0], $0xffff  }
0x36e: {  	v52 =	vor.u32 $0x200, v9;
	[tilespmem:$0xA740] =	vst v13;
	v14 =	vld.idx.msk [tilespmem:v46+s18+$0x0], $0xffff  }
0x36f: {  	v53 =	vor.u32 $0x280, v9;
	[tilespmem:$0xA7C0] =	vst v11;
	v12 =	vld.idx.msk [tilespmem:v47+s18+$0x0], $0xffff  }
0x370: {  	v54 =	vor.u32 $0x300, v9;
	v10 =	vld.idx.msk [tilespmem:v10+s18+$0x0], $0xffff;
	[tilespmem:$0xA570] =	vst v16  }
0x371: {  	v9 =	vor.u32 $0x380, v9;
	[tilespmem:$0xA5D0] =	vst v49;
	v16 =	vld.idx.msk [tilespmem:v55+s18+$0x0], $0xffff  }
0x372: {  	v60 =	vor.u32 $0x100, v6;
	[tilespmem:$0xA650] =	vst v51;
	v17 =	vld.idx.msk [tilespmem:v50+s18+$0x0], $0xffff  }
0x373: {  	v56 =	vor.u32 $0x180, v8;
	[tilespmem:$0xA6D0] =	vst v14;
	v15 =	vld.idx.msk [tilespmem:v52+s18+$0x0], $0xffff  }
0x374: {  	v57 =	vor.u32 $0x200, v8;
	[tilespmem:$0xA750] =	vst v12;
	v13 =	vld.idx.msk [tilespmem:v53+s18+$0x0], $0xffff  }
0x375: {  	v58 =	vor.u32 $0x280, v8;
	[tilespmem:$0xA7D0] =	vst v10;
	v11 =	vld.idx.msk [tilespmem:v54+s18+$0x0], $0xffff  }
0x376: {  	v59 =	vor.u32 $0x300, v8;
	v9 =	vld.idx.msk [tilespmem:v9+s18+$0x0], $0xffff;
	[tilespmem:$0xA900] =	vst v16  }
0x377: {  	v8 =	vor.u32 $0x380, v8;
	[tilespmem:$0xA5E0] =	vst v17;
	v16 =	vld.idx.msk [tilespmem:v60+s18+$0x0], $0xffff  }
0x378: {  	[tilespmem:$0xA660] =	vst v15;
	v61 =	vld.idx.msk [tilespmem:v56+s18+$0x0], $0xffff  }
0x379: {  	v62 =	vor.u32 $0x180, v7;
	[tilespmem:$0xA6E0] =	vst v13;
	v14 =	vld.idx.msk [tilespmem:v57+s18+$0x0], $0xffff  }
0x37a: {  	v63 =	vor.u32 $0x200, v7;
	[tilespmem:$0xA760] =	vst v11;
	v12 =	vld.idx.msk [tilespmem:v58+s18+$0x0], $0xffff  }
0x37b: {  	v20 =	vor.u32 $0x280, v7;
	[tilespmem:$0xA7E0] =	vst v9;
	v10 =	vld.idx.msk [tilespmem:v59+s18+$0x0], $0xffff  }
0x37c: {  	v21 =	vor.u32 $0x300, v7;
	v8 =	vld.idx.msk [tilespmem:v8+s18+$0x0], $0xffff  }
0x37d: {  	v7 =	vor.u32 $0x380, v7;
	v56 =	vld [tilespmem:$0x100];
	[tilespmem:$0xA5F0] =	vst v61  }
0x37e: {  	[tilespmem:$0xA670] =	vst v14;
	v15 =	vld.idx.msk [tilespmem:v62+s18+$0x0], $0xffff  }
0x37f: {  	v23 =	vor.u32 $0x180, v6;
	[tilespmem:$0xA6F0] =	vst v12;
	v13 =	vld.idx.msk [tilespmem:v63+s18+$0x0], $0xffff  }
0x380: {  	v24 =	vor.u32 $0x200, v6;
	[tilespmem:$0xA770] =	vst v10;
	v11 =	vld.idx.msk [tilespmem:v20+s18+$0x0], $0xffff  }
0x381: {  	v25 =	vor.u32 $0x280, v6;
	[tilespmem:$0xA7F0] =	vst v8;
	v9 =	vld.idx.msk [tilespmem:v21+s18+$0x0], $0xffff  }
0x382: {  	v26 =	vor.u32 $0x300, v6;
	v7 =	vld.idx.msk [tilespmem:v7+s18+$0x0], $0xffff  }
0x383: {  	v6 =	vor.u32 $0x380, v6;
	v58 =	vld [tilespmem:$0x110];
	[tilespmem:$0xA980] =	vst v15  }
0x384: {  	v22 =	vor.u32 $0x100, v5;
	[tilespmem:$0xAA00] =	vst v13;
	v14 =	vld.idx.msk [tilespmem:v23+s18+$0x0], $0xffff  }
0x385: {  	v28 =	vor.u32 $0x180, v5;
	[tilespmem:$0xAA80] =	vst v11;
	v12 =	vld.idx.msk [tilespmem:v24+s18+$0x0], $0xffff  }
0x386: {  	v29 =	vor.u32 $0x200, v5;
	[tilespmem:$0xAB00] =	vst v9;
	v10 =	vld.idx.msk [tilespmem:v25+s18+$0x0], $0xffff  }
0x387: {  	v30 =	vor.u32 $0x280, v5;
	[tilespmem:$0xAB80] =	vst v7;
	v8 =	vld.idx.msk [tilespmem:v26+s18+$0x0], $0xffff  }
0x388: {  	v31 =	vor.u32 $0x300, v5;
	[tilespmem:$0xA910] =	vst v16;
	v6 =	vld.idx.msk [tilespmem:v6+s18+$0x0], $0xffff  }
0x389: {  	v5 =	vor.u32 $0x380, v5;
	v16 =	vld.idx.msk [tilespmem:v22+s18+$0x0], $0xffff;
	[tilespmem:$0xA990] =	vst v14  }
0x38a: {  	v27 =	vor.u32 $0x100, v4;
	[tilespmem:$0xAA10] =	vst v12;
	v13 =	vld.idx.msk [tilespmem:v28+s18+$0x0], $0xffff  }
0x38b: {  	v33 =	vor.u32 $0x180, v4;
	[tilespmem:$0xAA90] =	vst v10;
	v11 =	vld.idx.msk [tilespmem:v29+s18+$0x0], $0xffff  }
0x38c: {  	v34 =	vor.u32 $0x200, v4;
	[tilespmem:$0xAB10] =	vst v8;
	v9 =	vld.idx.msk [tilespmem:v30+s18+$0x0], $0xffff  }
0x38d: {  	v35 =	vor.u32 $0x280, v4;
	[tilespmem:$0xAB90] =	vst v6;
	v7 =	vld.idx.msk [tilespmem:v31+s18+$0x0], $0xffff  }
0x38e: {  	v36 =	vor.u32 $0x300, v4;
	[tilespmem:$0xA920] =	vst v16;
	v5 =	vld.idx.msk [tilespmem:v5+s18+$0x0], $0xffff  }
0x38f: {  	v4 =	vor.u32 $0x380, v4;
	v15 =	vld.idx.msk [tilespmem:v27+s18+$0x0], $0xffff;
	[tilespmem:$0xA9A0] =	vst v13  }
0x390: {  	v32 =	vor.u32 $0x100, v3;
	[tilespmem:$0xAA20] =	vst v11;
	v12 =	vld.idx.msk [tilespmem:v33+s18+$0x0], $0xffff  }
0x391: {  	v38 =	vor.u32 $0x180, v3;
	[tilespmem:$0xAAA0] =	vst v9;
	v10 =	vld.idx.msk [tilespmem:v34+s18+$0x0], $0xffff  }
0x392: {  	v39 =	vor.u32 $0x200, v3;
	[tilespmem:$0xAB20] =	vst v7;
	v8 =	vld.idx.msk [tilespmem:v35+s18+$0x0], $0xffff  }
0x393: {  	v40 =	vor.u32 $0x280, v3;
	[tilespmem:$0xABA0] =	vst v5;
	v6 =	vld.idx.msk [tilespmem:v36+s18+$0x0], $0xffff  }
0x394: {  	v41 =	vor.u32 $0x300, v3;
	[tilespmem:$0xA930] =	vst v15;
	v4 =	vld.idx.msk [tilespmem:v4+s18+$0x0], $0xffff  }
0x395: {  	v3 =	vor.u32 $0x380, v3;
	v14 =	vld.idx.msk [tilespmem:v32+s18+$0x0], $0xffff;
	[tilespmem:$0xA9B0] =	vst v12  }
0x396: {  	v37 =	vor.u32 $0x100, v2;
	[tilespmem:$0xAA30] =	vst v10;
	v11 =	vld.idx.msk [tilespmem:v38+s18+$0x0], $0xffff  }
0x397: {  	v43 =	vor.u32 $0x180, v2;
	[tilespmem:$0xAAB0] =	vst v8;
	v9 =	vld.idx.msk [tilespmem:v39+s18+$0x0], $0xffff  }
0x398: {  	v44 =	vor.u32 $0x200, v2;
	[tilespmem:$0xAB30] =	vst v6;
	v7 =	vld.idx.msk [tilespmem:v40+s18+$0x0], $0xffff  }
0x399: {  	v45 =	vor.u32 $0x280, v2;
	[tilespmem:$0xABB0] =	vst v4;
	v5 =	vld.idx.msk [tilespmem:v41+s18+$0x0], $0xffff  }
0x39a: {  	v46 =	vor.u32 $0x300, v2;
	[tilespmem:$0xA940] =	vst v14;
	v3 =	vld.idx.msk [tilespmem:v3+s18+$0x0], $0xffff  }
0x39b: {  	v2 =	vor.u32 $0x380, v2;
	v13 =	vld.idx.msk [tilespmem:v37+s18+$0x0], $0xffff;
	[tilespmem:$0xA9C0] =	vst v11  }
0x39c: {  	v42 =	vor.u32 $0x100, v1;
	[tilespmem:$0xAA40] =	vst v9;
	v10 =	vld.idx.msk [tilespmem:v43+s18+$0x0], $0xffff  }
0x39d: {  	v48 =	vor.u32 $0x180, v1;
	[tilespmem:$0xAAC0] =	vst v7;
	v8 =	vld.idx.msk [tilespmem:v44+s18+$0x0], $0xffff  }
0x39e: {  	v49 =	vor.u32 $0x200, v1;
	[tilespmem:$0xAB40] =	vst v5;
	v6 =	vld.idx.msk [tilespmem:v45+s18+$0x0], $0xffff  }
0x39f: {  	v50 =	vor.u32 $0x280, v1;
	[tilespmem:$0xABC0] =	vst v3;
	v4 =	vld.idx.msk [tilespmem:v46+s18+$0x0], $0xffff  }
0x3a0: {  	v51 =	vor.u32 $0x300, v1;
	[tilespmem:$0xA950] =	vst v13;
	v2 =	vld.idx.msk [tilespmem:v2+s18+$0x0], $0xffff  }
0x3a1: {  	v1 =	vor.u32 $0x380, v1;
	v12 =	vld.idx.msk [tilespmem:v42+s18+$0x0], $0xffff;
	[tilespmem:$0xA9D0] =	vst v10  }
0x3a2: {  	v47 =	vor.u32 $0x100, v0;
	[tilespmem:$0xAA50] =	vst v8;
	v9 =	vld.idx.msk [tilespmem:v48+s18+$0x0], $0xffff  }
0x3a3: {  	v52 =	vor.u32 $0x180, v0;
	[tilespmem:$0xAAD0] =	vst v6;
	v7 =	vld.idx.msk [tilespmem:v49+s18+$0x0], $0xffff  }
0x3a4: {  	v53 =	vor.u32 $0x200, v0;
	[tilespmem:$0xAB50] =	vst v4;
	v5 =	vld.idx.msk [tilespmem:v50+s18+$0x0], $0xffff  }
0x3a5: {  	v54 =	vor.u32 $0x280, v0;
	[tilespmem:$0xABD0] =	vst v2;
	v3 =	vld.idx.msk [tilespmem:v51+s18+$0x0], $0xffff  }
0x3a6: {  	v55 =	vor.u32 $0x300, v0;
	[tilespmem:$0xA960] =	vst v12;
	v1 =	vld.idx.msk [tilespmem:v1+s18+$0x0], $0xffff  }
0x3a7: {  	v0 =	vor.u32 $0x380, v0;
	v11 =	vld.idx.msk [tilespmem:v47+s18+$0x0], $0xffff;
	[tilespmem:$0xA9E0] =	vst v9  }
0x3a8: {  	[tilespmem:$0xAA60] =	vst v7;
	v8 =	vld.idx.msk [tilespmem:v52+s18+$0x0], $0xffff  }
0x3a9: {  	[tilespmem:$0xAAE0] =	vst v5;
	v6 =	vld.idx.msk [tilespmem:v53+s18+$0x0], $0xffff  }
0x3aa: {  	[tilespmem:$0xAB60] =	vst v3;
	v4 =	vld.idx.msk [tilespmem:v54+s18+$0x0], $0xffff  }
0x3ab: {  	v57 =	vshll.u32 v56, $0x3;
	[tilespmem:$0xABE0] =	vst v1;
	v2 =	vld.idx.msk [tilespmem:v55+s18+$0x0], $0xffff  }
0x3ac: {  	v59 =	vand.u32 $0x7F, v56;
	[tilespmem:$0xA970] =	vst v11;
	v1 =	vand.u32 $0xFFFFFC00, v57;
	v0 =	vld.idx.msk [tilespmem:v0+s18+$0x0], $0xffff  }
0x3ad: {  	v17 =	vor.u32 v59, v1;
	[tilespmem:$0xA9F0] =	vst v8  }
0x3ae: {  	[tilespmem:$0xAA70] =	vst v6  }
0x3af: {  	v1 =	vor.u32 $0x80, v17;
	[tilespmem:$0xAAF0] =	vst v4  }
0x3b0: {  	[tilespmem:$0xAB70] =	vst v2  }
0x3b1: {  	v60 =	vld [tilespmem:$0x120];
	v61 =	vshll.u32 v58, $0x3;
	[tilespmem:$0xABF0] =	vst v0  }
0x3b2: {  	v3 =	vand.u32 $0x7F, v58;
	v2 =	vand.u32 $0xFFFFFC00, v61;
	v4 =	vld.idx.msk [tilespmem:v17+s18+$0x0], $0xffff  }
0x3b3: {  	v16 =	vor.u32 v3, v2  }
0x3b4: {  	v1 =	vld.idx.msk [tilespmem:v1+s18+$0x0], $0xffff  }
0x3b5: {  	v2 =	vor.u32 $0x80, v16;
	_ =	sdelay $0x1  }
0x3b6: {  	v62 =	vld [tilespmem:$0x130];
	v63 =	vshll.u32 v60, $0x3;
	[tilespmem:$0xAC00] =	vst v4  }
0x3b7: {  	v0 =	vand.u32 $0x7F, v60;
	v4 =	vand.u32 $0xFFFFFC00, v63;
	v8 =	vld.idx.msk [tilespmem:v16+s18+$0x0], $0xffff  }
0x3b8: {  	[tilespmem:$0xAC80] =	vst v1;
	v15 =	vor.u32 v0, v4  }
0x3b9: {  	v9 =	vld.idx.msk [tilespmem:v2+s18+$0x0], $0xffff  }
0x3ba: {  	v10 =	vor.u32 $0x80, v15;
	_ =	sdelay $0x1  }
0x3bb: {  	v18 =	vshll.u32 v62, $0x3;
	v11 =	vld [tilespmem:$0x140];
	[tilespmem:$0xAC10] =	vst v8  }
0x3bc: {  	v3 =	vand.u32 $0x7F, v62;
	v4 =	vand.u32 $0xFFFFFC00, v18;
	v5 =	vld.idx.msk [tilespmem:v15+s18+$0x0], $0xffff  }
0x3bd: {  	v14 =	vor.u32 v3, v4;
	[tilespmem:$0xAC90] =	vst v9  }
0x3be: {  	v0 =	vld.idx.msk [tilespmem:v10+s18+$0x0], $0xffff  }
0x3bf: {  	v19 =	vor.u32 $0x80, v14;
	_ =	sdelay $0x1  }
0x3c0: {  	v20 =	vld [tilespmem:$0x150];
	v21 =	vshll.u32 v11, $0x3;
	[tilespmem:$0xAC20] =	vst v5  }
0x3c1: {  	v2 =	vand.u32 $0x7F, v11;
	v4 =	vand.u32 $0xFFFFFC00, v21;
	v5 =	vld.idx.msk [tilespmem:v14+s18+$0x0], $0xffff  }
0x3c2: {  	v13 =	vor.u32 v2, v4;
	[tilespmem:$0xACA0] =	vst v0  }
0x3c3: {  	v0 =	vld.idx.msk [tilespmem:v19+s18+$0x0], $0xffff  }
0x3c4: {  	v22 =	vor.u32 $0x80, v13;
	_ =	sdelay $0x1  }
0x3c5: {  	v23 =	vld [tilespmem:$0x160];
	v24 =	vshll.u32 v20, $0x3;
	[tilespmem:$0xAC30] =	vst v5  }
0x3c6: {  	v3 =	vand.u32 $0x7F, v20;
	v4 =	vand.u32 $0xFFFFFC00, v24;
	v5 =	vld.idx.msk [tilespmem:v13+s18+$0x0], $0xffff  }
0x3c7: {  	v12 =	vor.u32 v3, v4;
	[tilespmem:$0xACB0] =	vst v0  }
0x3c8: {  	v0 =	vld.idx.msk [tilespmem:v22+s18+$0x0], $0xffff  }
0x3c9: {  	v25 =	vor.u32 $0x80, v12;
	_ =	sdelay $0x1  }
0x3ca: {  	v26 =	vld [tilespmem:$0x170];
	v27 =	vshll.u32 v23, $0x3;
	[tilespmem:$0xAC40] =	vst v5  }
0x3cb: {  	v2 =	vand.u32 $0x7F, v23;
	v4 =	vand.u32 $0xFFFFFC00, v27;
	v5 =	vld.idx.msk [tilespmem:v12+s18+$0x0], $0xffff  }
0x3cc: {  	v11 =	vor.u32 v2, v4;
	[tilespmem:$0xACC0] =	vst v0  }
0x3cd: {  	v0 =	vld.idx.msk [tilespmem:v25+s18+$0x0], $0xffff  }
0x3ce: {  	v28 =	vor.u32 $0x80, v11;
	_ =	sdelay $0x1  }
0x3cf: {  	v29 =	vld [tilespmem:$0x180];
	v30 =	vshll.u32 v26, $0x3;
	[tilespmem:$0xAC50] =	vst v5  }
0x3d0: {  	v3 =	vand.u32 $0x7F, v26;
	v4 =	vand.u32 $0xFFFFFC00, v30;
	v5 =	vld.idx.msk [tilespmem:v11+s18+$0x0], $0xffff  }
0x3d1: {  	v10 =	vor.u32 v3, v4;
	[tilespmem:$0xACD0] =	vst v0  }
0x3d2: {  	v0 =	vld.idx.msk [tilespmem:v28+s18+$0x0], $0xffff  }
0x3d3: {  	v31 =	vor.u32 $0x80, v10;
	_ =	sdelay $0x1  }
0x3d4: {  	v32 =	vld [tilespmem:$0x190];
	v33 =	vshll.u32 v29, $0x3;
	[tilespmem:$0xAC60] =	vst v5  }
0x3d5: {  	v2 =	vand.u32 $0x7F, v29;
	v4 =	vand.u32 $0xFFFFFC00, v33;
	v5 =	vld.idx.msk [tilespmem:v10+s18+$0x0], $0xffff  }
0x3d6: {  	v9 =	vor.u32 v2, v4;
	[tilespmem:$0xACE0] =	vst v0  }
0x3d7: {  	v0 =	vld.idx.msk [tilespmem:v31+s18+$0x0], $0xffff  }
0x3d8: {  	v34 =	vor.u32 $0x80, v9;
	_ =	sdelay $0x1  }
0x3d9: {  	v35 =	vld [tilespmem:$0x1A0];
	v36 =	vshll.u32 v32, $0x3;
	[tilespmem:$0xAC70] =	vst v5  }
0x3da: {  	v3 =	vand.u32 $0x7F, v32;
	v4 =	vand.u32 $0xFFFFFC00, v36;
	v5 =	vld.idx.msk [tilespmem:v9+s18+$0x0], $0xffff  }
0x3db: {  	v8 =	vor.u32 v3, v4;
	[tilespmem:$0xACF0] =	vst v0  }
0x3dc: {  	v0 =	vld.idx.msk [tilespmem:v34+s18+$0x0], $0xffff  }
0x3dd: {  	v37 =	vor.u32 $0x80, v8;
	_ =	sdelay $0x1  }
0x3de: {  	v38 =	vld [tilespmem:$0x1B0];
	v39 =	vshll.u32 v35, $0x3;
	[tilespmem:$0xB000] =	vst v5  }
0x3df: {  	v2 =	vand.u32 $0x7F, v35;
	v4 =	vand.u32 $0xFFFFFC00, v39;
	v5 =	vld.idx.msk [tilespmem:v8+s18+$0x0], $0xffff  }
0x3e0: {  	v7 =	vor.u32 v2, v4;
	[tilespmem:$0xB080] =	vst v0  }
0x3e1: {  	v0 =	vld.idx.msk [tilespmem:v37+s18+$0x0], $0xffff  }
0x3e2: {  	v40 =	vor.u32 $0x80, v7;
	_ =	sdelay $0x1  }
0x3e3: {  	v41 =	vld [tilespmem:$0x1C0];
	v42 =	vshll.u32 v38, $0x3;
	[tilespmem:$0xB010] =	vst v5  }
0x3e4: {  	v3 =	vand.u32 $0x7F, v38;
	v4 =	vand.u32 $0xFFFFFC00, v42;
	v5 =	vld.idx.msk [tilespmem:v7+s18+$0x0], $0xffff  }
0x3e5: {  	v6 =	vor.u32 v3, v4;
	[tilespmem:$0xB090] =	vst v0  }
0x3e6: {  	v0 =	vld.idx.msk [tilespmem:v40+s18+$0x0], $0xffff  }
0x3e7: {  	v43 =	vor.u32 $0x80, v6  }
0x3e8: {  	v45 =	vshll.u32 v41, $0x3;
	v54 =	vor.u32 $0x100, v17;
	v57 =	vor.u32 $0x180, v17  }
0x3e9: {  	v44 =	vld [tilespmem:$0x1D0];
	v58 =	vor.u32 $0x200, v17;
	v59 =	vor.u32 $0x280, v17;
	v60 =	vor.u32 $0x300, v17;
	[tilespmem:$0xB020] =	vst v5  }
0x3ea: {  	v17 =	vor.u32 $0x380, v17;
	v2 =	vand.u32 $0x7F, v41;
	v4 =	vand.u32 $0xFFFFFC00, v45;
	v18 =	vld.idx.msk [tilespmem:v6+s18+$0x0], $0xffff  }
0x3eb: {  	[tilespmem:$0xB0A0] =	vst v0;
	v5 =	vor.u32 v2, v4  }
0x3ec: {  	v0 =	vld.idx.msk [tilespmem:v43+s18+$0x0], $0xffff  }
0x3ed: {  	v46 =	vor.u32 $0x80, v5  }
0x3ee: {  	v47 =	vld [tilespmem:$0x1E0];
	v48 =	vshll.u32 v44, $0x3;
	v56 =	vor.u32 $0x100, v16;
	v63 =	vor.u32 $0x180, v16  }
0x3ef: {  	v17 =	vld.idx.msk [tilespmem:v17+s18+$0x0], $0xffff;
	v26 =	vor.u32 $0x280, v16;
	v3 =	vand.u32 $0x7F, v44;
	v25 =	vor.u32 $0x200, v16;
	[tilespmem:$0xB030] =	vst v18  }
0x3f0: {  	v28 =	vor.u32 $0x300, v16;
	v16 =	vor.u32 $0x380, v16;
	v4 =	vand.u32 $0xFFFFFC00, v48;
	v18 =	vld.idx.msk [tilespmem:v5+s18+$0x0], $0xffff  }
0x3f1: {  	v4 =	vor.u32 v3, v4;
	[tilespmem:$0xB0B0] =	vst v0  }
0x3f2: {  	v0 =	vld.idx.msk [tilespmem:v46+s18+$0x0], $0xffff  }
0x3f3: {  	v49 =	vor.u32 $0x80, v4  }
0x3f4: {  	v50 =	vld [tilespmem:$0x1F0];
	v51 =	vshll.u32 v47, $0x3;
	v62 =	vor.u32 $0x100, v15;
	v30 =	vor.u32 $0x180, v15;
	[tilespmem:$0xAF80] =	vst v17  }
0x3f5: {  	v32 =	vor.u32 $0x280, v15;
	v33 =	vor.u32 $0x300, v15;
	v16 =	vld.idx.msk [tilespmem:v16+s18+$0x0], $0xffff;
	v31 =	vor.u32 $0x200, v15;
	[tilespmem:$0xB040] =	vst v18  }
0x3f6: {  	v15 =	vor.u32 $0x380, v15;
	v2 =	vand.u32 $0x7F, v47;
	v18 =	vand.u32 $0xFFFFFC00, v51;
	v52 =	vld.idx.msk [tilespmem:v4+s18+$0x0], $0xffff  }
0x3f7: {  	v23 =	vld.idx.msk [tilespmem:v59+s18+$0x0], $0xffff;
	[tilespmem:$0xB0C0] =	vst v0;
	v2 =	vor.u32 v2, v18  }
0x3f8: {  	v0 =	vld.idx.msk [tilespmem:v49+s18+$0x0], $0xffff  }
0x3f9: {  	v18 =	vld.idx.msk [tilespmem:v54+s18+$0x0], $0xffff  }
0x3fa: {  	v22 =	vld.idx.msk [tilespmem:v57+s18+$0x0], $0xffff;
	[tilespmem:$0xAF90] =	vst v16;
	v53 =	vor.u32 $0x80, v2  }
0x3fb: {  	v55 =	vshll.u32 v50, $0x3;
	v15 =	vld.idx.msk [tilespmem:v15+s18+$0x0], $0xffff;
	[tilespmem:$0xB050] =	vst v52  }
0x3fc: {  	v29 =	vor.u32 $0x100, v14;
	[tilespmem:$0xAE80] =	vst v23;
	v35 =	vor.u32 $0x180, v14;
	v36 =	vor.u32 $0x200, v14;
	v20 =	vld.idx.msk [tilespmem:v2+s18+$0x0], $0xffff  }
0x3fd: {  	v26 =	vld.idx.msk [tilespmem:v26+s18+$0x0], $0xffff;
	v38 =	vor.u32 $0x300, v14;
	v37 =	vor.u32 $0x280, v14;
	v14 =	vor.u32 $0x380, v14;
	[tilespmem:$0xB0D0] =	vst v0  }
0x3fe: {  	v19 =	vand.u32 $0xFFFFFC00, v55;
	v3 =	vand.u32 $0x7F, v50;
	[tilespmem:$0xAD00] =	vst v18;
	v18 =	vld.idx.msk [tilespmem:v60+s18+$0x0], $0xffff  }
0x3ff: {  	[tilespmem:$0xAD80] =	vst v22;
	v0 =	vor.u32 v3, v19;
	v1 =	vld.idx.msk [tilespmem:v53+s18+$0x0], $0xffff  }
0x400: {  	v24 =	vld.idx.msk [tilespmem:v63+s18+$0x0], $0xffff;
	[tilespmem:$0xAFA0] =	vst v15;
	v19 =	vor.u32 $0x80, v0  }
0x401: {  	[tilespmem:$0xB060] =	vst v20;
	v20 =	vld.idx.msk [tilespmem:v58+s18+$0x0], $0xffff  }
0x402: {  	v41 =	vor.u32 $0x180, v13;
	v44 =	vor.u32 $0x280, v13;
	v45 =	vor.u32 $0x300, v13;
	[tilespmem:$0xAE90] =	vst v26;
	v14 =	vld.idx.msk [tilespmem:v14+s18+$0x0], $0xffff  }
0x403: {  	v34 =	vor.u32 $0x100, v13;
	v43 =	vor.u32 $0x200, v13;
	v13 =	vor.u32 $0x380, v13;
	v61 =	vld.idx.msk [tilespmem:v56+s18+$0x0], $0xffff;
	[tilespmem:$0xAF00] =	vst v18  }
0x404: {  	v18 =	vld.idx.msk [tilespmem:v32+s18+$0x0], $0xffff;
	[tilespmem:$0xB0E0] =	vst v1  }
0x405: {  	v1 =	vld.idx.msk [tilespmem:v19+s18+$0x0], $0xffff  }
0x406: {  	v19 =	vld.idx.msk [tilespmem:v28+s18+$0x0], $0xffff;
	[tilespmem:$0xAE00] =	vst v20  }
0x407: {  	[tilespmem:$0xAFB0] =	vst v14;
	v25 =	vld.idx.msk [tilespmem:v25+s18+$0x0], $0xffff  }
0x408: {  	v39 =	vor.u32 $0x100, v12;
	v47 =	vor.u32 $0x180, v12;
	v48 =	vor.u32 $0x200, v12;
	v13 =	vld.idx.msk [tilespmem:v13+s18+$0x0], $0xffff;
	[tilespmem:$0xAD10] =	vst v61  }
0x409: {  	[tilespmem:$0xAD90] =	vst v24;
	v50 =	vor.u32 $0x300, v12;
	v49 =	vor.u32 $0x280, v12;
	v12 =	vor.u32 $0x380, v12;
	v21 =	vld.idx.msk [tilespmem:v62+s18+$0x0], $0xffff  }
0x40a: {  	[tilespmem:$0xAEA0] =	vst v18;
	v20 =	vld.idx.msk [tilespmem:v30+s18+$0x0], $0xffff  }
0x40b: {  	[tilespmem:$0xAF10] =	vst v19;
	v19 =	vld.idx.msk [tilespmem:v37+s18+$0x0], $0xffff  }
0x40c: {  	v17 =	vld.idx.msk [tilespmem:v33+s18+$0x0], $0xffff;
	[tilespmem:$0xAE10] =	vst v25  }
0x40d: {  	[tilespmem:$0xAFC0] =	vst v13;
	v23 =	vld.idx.msk [tilespmem:v31+s18+$0x0], $0xffff  }
0x40e: {  	v55 =	vor.u32 $0x300, v11;
	v46 =	vor.u32 $0x100, v11;
	v54 =	vor.u32 $0x280, v11;
	v12 =	vld.idx.msk [tilespmem:v12+s18+$0x0], $0xffff;
	[tilespmem:$0xAD20] =	vst v21  }
0x40f: {  	v52 =	vor.u32 $0x180, v11;
	v53 =	vor.u32 $0x200, v11;
	v11 =	vor.u32 $0x380, v11;
	v21 =	vld.idx.msk [tilespmem:v29+s18+$0x0], $0xffff;
	[tilespmem:$0xADA0] =	vst v20  }
0x410: {  	v40 =	vld.idx.msk [tilespmem:v35+s18+$0x0], $0xffff;
	[tilespmem:$0xAEB0] =	vst v19  }
0x411: {  	[tilespmem:$0xAF20] =	vst v17;
	v17 =	vld.idx.msk [tilespmem:v44+s18+$0x0], $0xffff  }
0x412: {  	v16 =	vld.idx.msk [tilespmem:v38+s18+$0x0], $0xffff;
	[tilespmem:$0xAE20] =	vst v23  }
0x413: {  	[tilespmem:$0xAFD0] =	vst v12;
	v42 =	vld.idx.msk [tilespmem:v36+s18+$0x0], $0xffff  }
0x414: {  	v11 =	vld.idx.msk [tilespmem:v11+s18+$0x0], $0xffff;
	[tilespmem:$0xAD30] =	vst v21  }
0x415: {  	v21 =	vld.idx.msk [tilespmem:v34+s18+$0x0], $0xffff;
	[tilespmem:$0xADB0] =	vst v40  }
0x416: {  	v22 =	vld.idx.msk [tilespmem:v41+s18+$0x0], $0xffff;
	[tilespmem:$0xAEC0] =	vst v17  }
0x417: {  	[tilespmem:$0xAF30] =	vst v16;
	v16 =	vld.idx.msk [tilespmem:v49+s18+$0x0], $0xffff  }
0x418: {  	v15 =	vld.idx.msk [tilespmem:v45+s18+$0x0], $0xffff;
	[tilespmem:$0xAE30] =	vst v42  }
0x419: {  	v18 =	vld.idx.msk [tilespmem:v43+s18+$0x0], $0xffff  }
0x41a: {  	v59 =	vor.u32 $0x280, v10;
	v57 =	vor.u32 $0x180, v10;
	v51 =	vor.u32 $0x100, v10;
	v3 =	vld.idx.msk [tilespmem:v0+s18+$0x0], $0xffff;
	[tilespmem:$0xAD40] =	vst v21  }
0x41b: {  	v60 =	vor.u32 $0x300, v10;
	v58 =	vor.u32 $0x200, v10;
	v10 =	vor.u32 $0x380, v10;
	v20 =	vld.idx.msk [tilespmem:v39+s18+$0x0], $0xffff;
	[tilespmem:$0xADC0] =	vst v22  }
0x41c: {  	v22 =	vld.idx.msk [tilespmem:v47+s18+$0x0], $0xffff;
	[tilespmem:$0xAED0] =	vst v16  }
0x41d: {  	[tilespmem:$0xAF40] =	vst v15;
	v15 =	vld.idx.msk [tilespmem:v54+s18+$0x0], $0xffff  }
0x41e: {  	v14 =	vld.idx.msk [tilespmem:v50+s18+$0x0], $0xffff;
	[tilespmem:$0xAE40] =	vst v18  }
0x41f: {  	[tilespmem:$0xAFE0] =	vst v11;
	v19 =	vld.idx.msk [tilespmem:v48+s18+$0x0], $0xffff  }
0x420: {  	v10 =	vld.idx.msk [tilespmem:v10+s18+$0x0], $0xffff;
	[tilespmem:$0xAD50] =	vst v20  }
0x421: {  	v20 =	vld.idx.msk [tilespmem:v46+s18+$0x0], $0xffff;
	[tilespmem:$0xADD0] =	vst v22  }
0x422: {  	v63 =	vor.u32 $0x200, v9;
	v56 =	vor.u32 $0x100, v9;
	v62 =	vor.u32 $0x180, v9;
	v18 =	vld.idx.msk [tilespmem:v52+s18+$0x0], $0xffff;
	[tilespmem:$0xAEE0] =	vst v15  }
0x423: {  	v21 =	vor.u32 $0x280, v9;
	v22 =	vor.u32 $0x300, v9;
	v9 =	vor.u32 $0x380, v9;
	[tilespmem:$0xAF50] =	vst v14;
	v14 =	vld.idx.msk [tilespmem:v59+s18+$0x0], $0xffff  }
0x424: {  	v13 =	vld.idx.msk [tilespmem:v55+s18+$0x0], $0xffff;
	[tilespmem:$0xAE50] =	vst v19  }
0x425: {  	[tilespmem:$0xB070] =	vst v3;
	v17 =	vld.idx.msk [tilespmem:v53+s18+$0x0], $0xffff  }
0x426: {  	[tilespmem:$0xAD60] =	vst v20;
	v59 =	vld [tilespmem:$0x210]  }
0x427: {  	[tilespmem:$0xAFF0] =	vst v10;
	v20 =	vld.idx.msk [tilespmem:v51+s18+$0x0], $0xffff  }
0x428: {  	v9 =	vld.idx.msk [tilespmem:v9+s18+$0x0], $0xffff;
	[tilespmem:$0xADE0] =	vst v18  }
0x429: {  	v19 =	vld.idx.msk [tilespmem:v57+s18+$0x0], $0xffff;
	[tilespmem:$0xAF60] =	vst v13  }
0x42a: {  	v12 =	vld.idx.msk [tilespmem:v60+s18+$0x0], $0xffff;
	[tilespmem:$0xAE60] =	vst v17  }
0x42b: {  	[tilespmem:$0xB0F0] =	vst v1;
	v16 =	vld.idx.msk [tilespmem:v58+s18+$0x0], $0xffff  }
0x42c: {  	v27 =	vor.u32 $0x300, v8;
	v26 =	vor.u32 $0x280, v8;
	v24 =	vor.u32 $0x180, v8;
	[tilespmem:$0xAEF0] =	vst v14;
	v57 =	vld [tilespmem:$0x200]  }
0x42d: {  	v61 =	vor.u32 $0x100, v8;
	v25 =	vor.u32 $0x200, v8;
	v8 =	vor.u32 $0x380, v8;
	[tilespmem:$0xAD70] =	vst v20;
	v13 =	vld.idx.msk [tilespmem:v21+s18+$0x0], $0xffff  }
0x42e: {  	v20 =	vld.idx.msk [tilespmem:v56+s18+$0x0], $0xffff;
	[tilespmem:$0xADF0] =	vst v19  }
0x42f: {  	v17 =	vld.idx.msk [tilespmem:v62+s18+$0x0], $0xffff;
	[tilespmem:$0xAF70] =	vst v12  }
0x430: {  	v11 =	vld.idx.msk [tilespmem:v22+s18+$0x0], $0xffff;
	[tilespmem:$0xAE70] =	vst v16  }
0x431: {  	[tilespmem:$0xB380] =	vst v9;
	v15 =	vld.idx.msk [tilespmem:v63+s18+$0x0], $0xffff  }
0x432: {  	v32 =	vor.u32 $0x300, v7;
	v30 =	vor.u32 $0x200, v7;
	v29 =	vor.u32 $0x180, v7;
	v8 =	vld.idx.msk [tilespmem:v8+s18+$0x0], $0xffff;
	[tilespmem:$0xB280] =	vst v13  }
0x433: {  	v31 =	vor.u32 $0x280, v7;
	v23 =	vor.u32 $0x100, v7;
	v7 =	vor.u32 $0x380, v7;
	[tilespmem:$0xB100] =	vst v20;
	v12 =	vld.idx.msk [tilespmem:v26+s18+$0x0], $0xffff  }
0x434: {  	v18 =	vld.idx.msk [tilespmem:v61+s18+$0x0], $0xffff;
	[tilespmem:$0xB180] =	vst v17  }
0x435: {  	v16 =	vld.idx.msk [tilespmem:v24+s18+$0x0], $0xffff;
	[tilespmem:$0xB300] =	vst v11  }
0x436: {  	v10 =	vld.idx.msk [tilespmem:v27+s18+$0x0], $0xffff;
	[tilespmem:$0xB200] =	vst v15  }
0x437: {  	[tilespmem:$0xB390] =	vst v8;
	v14 =	vld.idx.msk [tilespmem:v25+s18+$0x0], $0xffff  }
0x438: {  	v28 =	vor.u32 $0x100, v6;
	v37 =	vor.u32 $0x300, v6;
	v35 =	vor.u32 $0x200, v6;
	v7 =	vld.idx.msk [tilespmem:v7+s18+$0x0], $0xffff;
	[tilespmem:$0xB290] =	vst v12  }
0x439: {  	v34 =	vor.u32 $0x180, v6;
	v36 =	vor.u32 $0x280, v6;
	v6 =	vor.u32 $0x380, v6;
	[tilespmem:$0xB110] =	vst v18;
	v11 =	vld.idx.msk [tilespmem:v31+s18+$0x0], $0xffff  }
0x43a: {  	v18 =	vld.idx.msk [tilespmem:v23+s18+$0x0], $0xffff;
	[tilespmem:$0xB190] =	vst v16  }
0x43b: {  	v15 =	vld.idx.msk [tilespmem:v29+s18+$0x0], $0xffff;
	[tilespmem:$0xB310] =	vst v10  }
0x43c: {  	v9 =	vld.idx.msk [tilespmem:v32+s18+$0x0], $0xffff;
	[tilespmem:$0xB210] =	vst v14  }
0x43d: {  	[tilespmem:$0xB3A0] =	vst v7;
	v13 =	vld.idx.msk [tilespmem:v30+s18+$0x0], $0xffff  }
0x43e: {  	v33 =	vor.u32 $0x100, v5;
	v40 =	vor.u32 $0x200, v5;
	v41 =	vor.u32 $0x280, v5;
	v6 =	vld.idx.msk [tilespmem:v6+s18+$0x0], $0xffff;
	[tilespmem:$0xB2A0] =	vst v11  }
0x43f: {  	v39 =	vor.u32 $0x180, v5;
	v42 =	vor.u32 $0x300, v5;
	v5 =	vor.u32 $0x380, v5;
	[tilespmem:$0xB120] =	vst v18;
	v10 =	vld.idx.msk [tilespmem:v36+s18+$0x0], $0xffff  }
0x440: {  	v17 =	vld.idx.msk [tilespmem:v28+s18+$0x0], $0xffff;
	[tilespmem:$0xB1A0] =	vst v15  }
0x441: {  	v14 =	vld.idx.msk [tilespmem:v34+s18+$0x0], $0xffff;
	[tilespmem:$0xB320] =	vst v9  }
0x442: {  	v8 =	vld.idx.msk [tilespmem:v37+s18+$0x0], $0xffff;
	[tilespmem:$0xB220] =	vst v13  }
0x443: {  	[tilespmem:$0xB3B0] =	vst v6;
	v12 =	vld.idx.msk [tilespmem:v35+s18+$0x0], $0xffff  }
0x444: {  	v44 =	vor.u32 $0x180, v4;
	v38 =	vor.u32 $0x100, v4;
	v45 =	vor.u32 $0x200, v4;
	v5 =	vld.idx.msk [tilespmem:v5+s18+$0x0], $0xffff;
	[tilespmem:$0xB2B0] =	vst v10  }
0x445: {  	v47 =	vor.u32 $0x300, v4;
	v46 =	vor.u32 $0x280, v4;
	v4 =	vor.u32 $0x380, v4;
	[tilespmem:$0xB130] =	vst v17;
	v9 =	vld.idx.msk [tilespmem:v41+s18+$0x0], $0xffff  }
0x446: {  	v16 =	vld.idx.msk [tilespmem:v33+s18+$0x0], $0xffff;
	[tilespmem:$0xB1B0] =	vst v14  }
0x447: {  	v13 =	vld.idx.msk [tilespmem:v39+s18+$0x0], $0xffff;
	[tilespmem:$0xB330] =	vst v8  }
0x448: {  	v7 =	vld.idx.msk [tilespmem:v42+s18+$0x0], $0xffff;
	[tilespmem:$0xB230] =	vst v12  }
0x449: {  	[tilespmem:$0xB3C0] =	vst v5;
	v11 =	vld.idx.msk [tilespmem:v40+s18+$0x0], $0xffff  }
0x44a: {  	v49 =	vor.u32 $0x180, v2;
	v43 =	vor.u32 $0x100, v2;
	v50 =	vor.u32 $0x200, v2;
	v4 =	vld.idx.msk [tilespmem:v4+s18+$0x0], $0xffff;
	[tilespmem:$0xB2C0] =	vst v9  }
0x44b: {  	v52 =	vor.u32 $0x300, v2;
	v51 =	vor.u32 $0x280, v2;
	v2 =	vor.u32 $0x380, v2;
	[tilespmem:$0xB140] =	vst v16;
	v8 =	vld.idx.msk [tilespmem:v46+s18+$0x0], $0xffff  }
0x44c: {  	v15 =	vld.idx.msk [tilespmem:v38+s18+$0x0], $0xffff;
	[tilespmem:$0xB1C0] =	vst v13  }
0x44d: {  	v12 =	vld.idx.msk [tilespmem:v44+s18+$0x0], $0xffff;
	[tilespmem:$0xB340] =	vst v7  }
0x44e: {  	v6 =	vld.idx.msk [tilespmem:v47+s18+$0x0], $0xffff;
	[tilespmem:$0xB240] =	vst v11  }
0x44f: {  	[tilespmem:$0xB3D0] =	vst v4;
	v10 =	vld.idx.msk [tilespmem:v45+s18+$0x0], $0xffff  }
0x450: {  	v54 =	vor.u32 $0x200, v0;
	v48 =	vor.u32 $0x100, v0;
	v55 =	vor.u32 $0x280, v0;
	v2 =	vld.idx.msk [tilespmem:v2+s18+$0x0], $0xffff;
	[tilespmem:$0xB2D0] =	vst v8  }
0x451: {  	v53 =	vor.u32 $0x180, v0;
	v56 =	vor.u32 $0x300, v0;
	v0 =	vor.u32 $0x380, v0;
	[tilespmem:$0xB150] =	vst v15;
	v7 =	vld.idx.msk [tilespmem:v51+s18+$0x0], $0xffff  }
0x452: {  	v14 =	vld.idx.msk [tilespmem:v43+s18+$0x0], $0xffff;
	[tilespmem:$0xB1D0] =	vst v12  }
0x453: {  	v11 =	vld.idx.msk [tilespmem:v49+s18+$0x0], $0xffff;
	[tilespmem:$0xB350] =	vst v6  }
0x454: {  	v5 =	vld.idx.msk [tilespmem:v52+s18+$0x0], $0xffff;
	[tilespmem:$0xB250] =	vst v10  }
0x455: {  	[tilespmem:$0xB3E0] =	vst v2;
	v9 =	vld.idx.msk [tilespmem:v50+s18+$0x0], $0xffff  }
0x456: {  	v0 =	vld.idx.msk [tilespmem:v0+s18+$0x0], $0xffff;
	[tilespmem:$0xB2E0] =	vst v7  }
0x457: {  	[tilespmem:$0xB160] =	vst v14;
	v6 =	vld.idx.msk [tilespmem:v55+s18+$0x0], $0xffff  }
0x458: {  	v13 =	vld.idx.msk [tilespmem:v48+s18+$0x0], $0xffff;
	[tilespmem:$0xB1E0] =	vst v11  }
0x459: {  	v10 =	vld.idx.msk [tilespmem:v53+s18+$0x0], $0xffff;
	[tilespmem:$0xB360] =	vst v5  }
0x45a: {  	v58 =	vshll.u32 v57, $0x3;
	v3 =	vld.idx.msk [tilespmem:v56+s18+$0x0], $0xffff;
	[tilespmem:$0xB260] =	vst v9  }
0x45b: {  	v1 =	vand.u32 $0xFFFFFC00, v58;
	v4 =	vand.u32 $0x7F, v57;
	[tilespmem:$0xB3F0] =	vst v0;
	v8 =	vld.idx.msk [tilespmem:v54+s18+$0x0], $0xffff  }
0x45c: {  	v60 =	vor.u32 v4, v1;
	[tilespmem:$0xB2F0] =	vst v6  }
0x45d: {  	[tilespmem:$0xB170] =	vst v13  }
0x45e: {  	[tilespmem:$0xB1F0] =	vst v10  }
0x45f: {  	[tilespmem:$0xB370] =	vst v3  }
0x460: {  	v62 =	vshll.u32 v59, $0x3;
	v61 =	vld [tilespmem:$0x220];
	[tilespmem:$0xB270] =	vst v8  }
0x461: {  	v1 =	vand.u32 $0xFFFFFC00, v62;
	v2 =	vand.u32 $0x7F, v59;
	v3 =	vld.idx.msk [tilespmem:v60+s18+$0x0], $0xffff  }
0x462: {  	v16 =	vor.u32 v2, v1;
	_ =	sdelay $0x3  }
0x463: {  	v63 =	vld [tilespmem:$0x230];
	v6 =	vshll.u32 v61, $0x3;
	[tilespmem:$0xB400] =	vst v3  }
0x464: {  	v0 =	vand.u32 $0x7F, v61;
	v2 =	vand.u32 $0xFFFFFC00, v6;
	v3 =	vld.idx.msk [tilespmem:v16+s18+$0x0], $0xffff  }
0x465: {  	v15 =	vor.u32 v0, v2;
	_ =	sdelay $0x3  }
0x466: {  	v7 =	vld [tilespmem:$0x240];
	v8 =	vshll.u32 v63, $0x3;
	[tilespmem:$0xB410] =	vst v3  }
0x467: {  	v1 =	vand.u32 $0x7F, v63;
	v2 =	vand.u32 $0xFFFFFC00, v8;
	v3 =	vld.idx.msk [tilespmem:v15+s18+$0x0], $0xffff  }
0x468: {  	v14 =	vor.u32 v1, v2;
	_ =	sdelay $0x3  }
0x469: {  	v10 =	vshll.u32 v7, $0x3;
	v9 =	vld [tilespmem:$0x250];
	[tilespmem:$0xB420] =	vst v3  }
0x46a: {  	v0 =	vand.u32 $0x7F, v7;
	v2 =	vand.u32 $0xFFFFFC00, v10;
	v3 =	vld.idx.msk [tilespmem:v14+s18+$0x0], $0xffff  }
0x46b: {  	v13 =	vor.u32 v0, v2;
	_ =	sdelay $0x3  }
0x46c: {  	v11 =	vld [tilespmem:$0x260];
	v12 =	vshll.u32 v9, $0x3;
	[tilespmem:$0xB430] =	vst v3  }
0x46d: {  	v1 =	vand.u32 $0x7F, v9;
	v2 =	vand.u32 $0xFFFFFC00, v12;
	v3 =	vld.idx.msk [tilespmem:v13+s18+$0x0], $0xffff  }
0x46e: {  	v12 =	vor.u32 v1, v2;
	_ =	sdelay $0x3  }
0x46f: {  	v18 =	vld [tilespmem:$0x270];
	v19 =	vshll.u32 v11, $0x3;
	[tilespmem:$0xB440] =	vst v3  }
0x470: {  	v0 =	vand.u32 $0x7F, v11;
	v2 =	vand.u32 $0xFFFFFC00, v19;
	v3 =	vld.idx.msk [tilespmem:v12+s18+$0x0], $0xffff  }
0x471: {  	v11 =	vor.u32 v0, v2;
	_ =	sdelay $0x3  }
0x472: {  	v20 =	vld [tilespmem:$0x280];
	v21 =	vshll.u32 v18, $0x3;
	[tilespmem:$0xB450] =	vst v3  }
0x473: {  	v1 =	vand.u32 $0x7F, v18;
	v2 =	vand.u32 $0xFFFFFC00, v21;
	v3 =	vld.idx.msk [tilespmem:v11+s18+$0x0], $0xffff  }
0x474: {  	v10 =	vor.u32 v1, v2;
	_ =	sdelay $0x3  }
0x475: {  	v22 =	vld [tilespmem:$0x290];
	v23 =	vshll.u32 v20, $0x3;
	[tilespmem:$0xB460] =	vst v3  }
0x476: {  	v0 =	vand.u32 $0x7F, v20;
	v2 =	vand.u32 $0xFFFFFC00, v23;
	v3 =	vld.idx.msk [tilespmem:v10+s18+$0x0], $0xffff  }
0x477: {  	v9 =	vor.u32 v0, v2;
	_ =	sdelay $0x3  }
0x478: {  	v24 =	vld [tilespmem:$0x2A0];
	v25 =	vshll.u32 v22, $0x3;
	[tilespmem:$0xB470] =	vst v3  }
0x479: {  	v1 =	vand.u32 $0x7F, v22;
	v2 =	vand.u32 $0xFFFFFC00, v25;
	v3 =	vld.idx.msk [tilespmem:v9+s18+$0x0], $0xffff  }
0x47a: {  	v8 =	vor.u32 v1, v2;
	_ =	sdelay $0x3  }
0x47b: {  	v26 =	vld [tilespmem:$0x2B0];
	v27 =	vshll.u32 v24, $0x3;
	[tilespmem:$0xB800] =	vst v3  }
0x47c: {  	v0 =	vand.u32 $0x7F, v24;
	v2 =	vand.u32 $0xFFFFFC00, v27;
	v3 =	vld.idx.msk [tilespmem:v8+s18+$0x0], $0xffff  }
0x47d: {  	v7 =	vor.u32 v0, v2;
	_ =	sdelay $0x3  }
0x47e: {  	v29 =	vshll.u32 v26, $0x3;
	v28 =	vld [tilespmem:$0x2C0];
	[tilespmem:$0xB810] =	vst v3  }
0x47f: {  	v1 =	vand.u32 $0x7F, v26;
	v2 =	vand.u32 $0xFFFFFC00, v29;
	v3 =	vld.idx.msk [tilespmem:v7+s18+$0x0], $0xffff  }
0x480: {  	v5 =	vor.u32 v1, v2;
	_ =	sdelay $0x3  }
0x481: {  	v30 =	vld [tilespmem:$0x2D0];
	v31 =	vshll.u32 v28, $0x3;
	[tilespmem:$0xB820] =	vst v3  }
0x482: {  	v0 =	vand.u32 $0x7F, v28;
	v2 =	vand.u32 $0xFFFFFC00, v31;
	v3 =	vld.idx.msk [tilespmem:v5+s18+$0x0], $0xffff  }
0x483: {  	v4 =	vor.u32 v0, v2;
	_ =	sdelay $0x3  }
0x484: {  	v32 =	vld [tilespmem:$0x2E0];
	v33 =	vshll.u32 v30, $0x3;
	[tilespmem:$0xB830] =	vst v3  }
0x485: {  	v1 =	vand.u32 $0x7F, v30;
	v2 =	vand.u32 $0xFFFFFC00, v33;
	v6 =	vld.idx.msk [tilespmem:v4+s18+$0x0], $0xffff  }
0x486: {  	v3 =	vor.u32 v1, v2;
	_ =	sdelay $0x3  }
0x487: {  	v34 =	vld [tilespmem:$0x2F0];
	v35 =	vshll.u32 v32, $0x3;
	[tilespmem:$0xB840] =	vst v6  }
0x488: {  	v0 =	vand.u32 $0x7F, v32;
	v2 =	vand.u32 $0xFFFFFC00, v35;
	v6 =	vld.idx.msk [tilespmem:v3+s18+$0x0], $0xffff  }
0x489: {  	v2 =	vor.u32 v0, v2;
	_ =	sdelay $0x3  }
0x48a: {  	v36 =	vshll.u32 v34, $0x3;
	[tilespmem:$0xB850] =	vst v6  }
0x48b: {  	v1 =	vand.u32 $0x7F, v34;
	v0 =	vand.u32 $0xFFFFFC00, v36;
	v6 =	vld.idx.msk [tilespmem:v2+s18+$0x0], $0xffff  }
0x48c: {  	v0 =	vor.u32 v1, v0  }
0x48d: {  	v37 =	vor.u32 $0x80, v60;
	_ =	sdelay $0x2  }
0x48e: {  	[tilespmem:$0xB860] =	vst v6  }
0x48f: {  	v1 =	vld.idx.msk [tilespmem:v0+s18+$0x0], $0xffff  }
0x490: {  	v38 =	vld.idx.msk [tilespmem:v37+s18+$0x0], $0xffff  }
0x491: {  	v39 =	vor.u32 $0x80, v16;
	_ =	sdelay $0x3  }
0x492: {  	[tilespmem:$0xB480] =	vst v38  }
0x493: {  	v6 =	vld.idx.msk [tilespmem:v39+s18+$0x0], $0xffff  }
0x494: {  	v40 =	vor.u32 $0x80, v15;
	_ =	sdelay $0x3  }
0x495: {  	[tilespmem:$0xB490] =	vst v6  }
0x496: {  	v6 =	vld.idx.msk [tilespmem:v40+s18+$0x0], $0xffff  }
0x497: {  	v41 =	vor.u32 $0x80, v14;
	_ =	sdelay $0x3  }
0x498: {  	[tilespmem:$0xB4A0] =	vst v6  }
0x499: {  	v6 =	vld.idx.msk [tilespmem:v41+s18+$0x0], $0xffff  }
0x49a: {  	v42 =	vor.u32 $0x80, v13;
	_ =	sdelay $0x3  }
0x49b: {  	[tilespmem:$0xB4B0] =	vst v6  }
0x49c: {  	v6 =	vld.idx.msk [tilespmem:v42+s18+$0x0], $0xffff  }
0x49d: {  	v43 =	vor.u32 $0x80, v12;
	_ =	sdelay $0x3  }
0x49e: {  	[tilespmem:$0xB4C0] =	vst v6  }
0x49f: {  	v6 =	vld.idx.msk [tilespmem:v43+s18+$0x0], $0xffff  }
0x4a0: {  	v44 =	vor.u32 $0x80, v11;
	_ =	sdelay $0x3  }
0x4a1: {  	[tilespmem:$0xB4D0] =	vst v6  }
0x4a2: {  	v6 =	vld.idx.msk [tilespmem:v44+s18+$0x0], $0xffff  }
0x4a3: {  	v45 =	vor.u32 $0x80, v10;
	_ =	sdelay $0x2  }
0x4a4: {  	v53 =	vor.u32 $0x100, v60  }
0x4a5: {  	v56 =	vor.u32 $0x180, v60;
	[tilespmem:$0xB4E0] =	vst v6  }
0x4a6: {  	v57 =	vor.u32 $0x200, v60;
	v6 =	vld.idx.msk [tilespmem:v45+s18+$0x0], $0xffff  }
0x4a7: {  	v46 =	vor.u32 $0x80, v9  }
0x4a8: {  	v58 =	vor.u32 $0x280, v60  }
0x4a9: {  	v59 =	vor.u32 $0x300, v60;
	v19 =	vld.idx.msk [tilespmem:v53+s18+$0x0], $0xffff  }
0x4aa: {  	v17 =	vor.u32 $0x380, v60;
	v21 =	vld.idx.msk [tilespmem:v56+s18+$0x0], $0xffff  }
0x4ab: {  	v55 =	vor.u32 $0x100, v16;
	v22 =	vld.idx.msk [tilespmem:v57+s18+$0x0], $0xffff;
	[tilespmem:$0xB4F0] =	vst v6  }
0x4ac: {  	v61 =	vor.u32 $0x180, v16;
	v6 =	vld.idx.msk [tilespmem:v46+s18+$0x0], $0xffff  }
0x4ad: {  	v47 =	vor.u32 $0x80, v8;
	v23 =	vld.idx.msk [tilespmem:v58+s18+$0x0], $0xffff  }
0x4ae: {  	v62 =	vor.u32 $0x200, v16;
	v18 =	vld.idx.msk [tilespmem:v59+s18+$0x0], $0xffff;
	[tilespmem:$0xB500] =	vst v19  }
0x4af: {  	v63 =	vor.u32 $0x280, v16;
	v17 =	vld.idx.msk [tilespmem:v17+s18+$0x0], $0xffff;
	[tilespmem:$0xB580] =	vst v21  }
0x4b0: {  	v28 =	vor.u32 $0x300, v16;
	v16 =	vor.u32 $0x380, v16;
	[tilespmem:$0xB600] =	vst v22;
	v19 =	vld.idx.msk [tilespmem:v55+s18+$0x0], $0xffff  }
0x4b1: {  	v60 =	vor.u32 $0x100, v15;
	v30 =	vld.idx.msk [tilespmem:v61+s18+$0x0], $0xffff;
	[tilespmem:$0xB880] =	vst v6  }
0x4b2: {  	[tilespmem:$0xB680] =	vst v23;
	v6 =	vld.idx.msk [tilespmem:v47+s18+$0x0], $0xffff  }
0x4b3: {  	v48 =	vor.u32 $0x80, v7;
	[tilespmem:$0xB700] =	vst v18;
	v32 =	vld.idx.msk [tilespmem:v62+s18+$0x0], $0xffff  }
0x4b4: {  	v31 =	vor.u32 $0x180, v15;
	[tilespmem:$0xB780] =	vst v17;
	v34 =	vld.idx.msk [tilespmem:v63+s18+$0x0], $0xffff  }
0x4b5: {  	v33 =	vor.u32 $0x200, v15;
	v16 =	vld.idx.msk [tilespmem:v16+s18+$0x0], $0xffff;
	[tilespmem:$0xB510] =	vst v19  }
0x4b6: {  	v35 =	vor.u32 $0x280, v15;
	[tilespmem:$0xB590] =	vst v30;
	v20 =	vld.idx.msk [tilespmem:v60+s18+$0x0], $0xffff  }
0x4b7: {  	v29 =	vor.u32 $0x100, v14;
	v19 =	vld.idx.msk [tilespmem:v28+s18+$0x0], $0xffff;
	[tilespmem:$0xB890] =	vst v6  }
0x4b8: {  	v36 =	vor.u32 $0x300, v15;
	v15 =	vor.u32 $0x380, v15;
	[tilespmem:$0xB610] =	vst v32;
	v6 =	vld.idx.msk [tilespmem:v48+s18+$0x0], $0xffff  }
0x4b9: {  	v49 =	vor.u32 $0x80, v5;
	[tilespmem:$0xB690] =	vst v34;
	v23 =	vld.idx.msk [tilespmem:v31+s18+$0x0], $0xffff  }
0x4ba: {  	[tilespmem:$0xB790] =	vst v16;
	v18 =	vld.idx.msk [tilespmem:v33+s18+$0x0], $0xffff  }
0x4bb: {  	v38 =	vor.u32 $0x180, v14;
	v17 =	vld.idx.msk [tilespmem:v35+s18+$0x0], $0xffff;
	[tilespmem:$0xB520] =	vst v20  }
0x4bc: {  	v39 =	vor.u32 $0x200, v14;
	[tilespmem:$0xB710] =	vst v19;
	v21 =	vld.idx.msk [tilespmem:v29+s18+$0x0], $0xffff  }
0x4bd: {  	v37 =	vor.u32 $0x100, v13;
	v15 =	vld.idx.msk [tilespmem:v15+s18+$0x0], $0xffff;
	[tilespmem:$0xB8A0] =	vst v6  }
0x4be: {  	v40 =	vor.u32 $0x280, v14;
	[tilespmem:$0xB5A0] =	vst v23;
	v6 =	vld.idx.msk [tilespmem:v49+s18+$0x0], $0xffff  }
0x4bf: {  	v50 =	vor.u32 $0x80, v4;
	v20 =	vld.idx.msk [tilespmem:v36+s18+$0x0], $0xffff;
	[tilespmem:$0xB620] =	vst v18  }
0x4c0: {  	[tilespmem:$0xB6A0] =	vst v17;
	v41 =	vor.u32 $0x300, v14;
	v24 =	vld.idx.msk [tilespmem:v38+s18+$0x0], $0xffff  }
0x4c1: {  	v19 =	vld.idx.msk [tilespmem:v39+s18+$0x0], $0xffff;
	[tilespmem:$0xB530] =	vst v21;
	v43 =	vor.u32 $0x180, v13  }
0x4c2: {  	[tilespmem:$0xB7A0] =	vst v15;
	v14 =	vor.u32 $0x380, v14;
	v22 =	vld.idx.msk [tilespmem:v37+s18+$0x0], $0xffff  }
0x4c3: {  	v16 =	vld.idx.msk [tilespmem:v40+s18+$0x0], $0xffff;
	v42 =	vor.u32 $0x100, v12;
	[tilespmem:$0xB8B0] =	vst v6  }
0x4c4: {  	[tilespmem:$0xB720] =	vst v20;
	v44 =	vor.u32 $0x200, v13;
	v6 =	vld.idx.msk [tilespmem:v50+s18+$0x0], $0xffff  }
0x4c5: {  	v51 =	vor.u32 $0x80, v3;
	v21 =	vld.idx.msk [tilespmem:v41+s18+$0x0], $0xffff;
	[tilespmem:$0xB5B0] =	vst v24  }
0x4c6: {  	[tilespmem:$0xB630] =	vst v19;
	v18 =	vld.idx.msk [tilespmem:v43+s18+$0x0], $0xffff;
	v45 =	vor.u32 $0x280, v13  }
0x4c7: {  	v14 =	vld.idx.msk [tilespmem:v14+s18+$0x0], $0xffff;
	[tilespmem:$0xB540] =	vst v22;
	v48 =	vor.u32 $0x180, v12  }
0x4c8: {  	[tilespmem:$0xB6B0] =	vst v16;
	v22 =	vld.idx.msk [tilespmem:v42+s18+$0x0], $0xffff;
	v46 =	vor.u32 $0x300, v13  }
0x4c9: {  	v17 =	vld.idx.msk [tilespmem:v44+s18+$0x0], $0xffff;
	v13 =	vor.u32 $0x380, v13;
	[tilespmem:$0xB8C0] =	vst v6  }
0x4ca: {  	[tilespmem:$0xB730] =	vst v21;
	v47 =	vor.u32 $0x100, v11;
	v6 =	vld.idx.msk [tilespmem:v51+s18+$0x0], $0xffff  }
0x4cb: {  	v52 =	vor.u32 $0x80, v2;
	[tilespmem:$0xB5C0] =	vst v18;
	v20 =	vld.idx.msk [tilespmem:v45+s18+$0x0], $0xffff  }
0x4cc: {  	[tilespmem:$0xB7B0] =	vst v14;
	v19 =	vld.idx.msk [tilespmem:v48+s18+$0x0], $0xffff;
	v50 =	vor.u32 $0x280, v12  }
0x4cd: {  	v53 =	vor.u32 $0x180, v11;
	[tilespmem:$0xB550] =	vst v22;
	v15 =	vld.idx.msk [tilespmem:v46+s18+$0x0], $0xffff  }
0x4ce: {  	[tilespmem:$0xB640] =	vst v17;
	v13 =	vld.idx.msk [tilespmem:v13+s18+$0x0], $0xffff;
	v49 =	vor.u32 $0x200, v12  }
0x4cf: {  	v22 =	vld.idx.msk [tilespmem:v47+s18+$0x0], $0xffff;
	v51 =	vor.u32 $0x300, v12;
	[tilespmem:$0xB8D0] =	vst v6  }
0x4d0: {  	[tilespmem:$0xB6C0] =	vst v20;
	v12 =	vor.u32 $0x380, v12;
	v6 =	vld.idx.msk [tilespmem:v52+s18+$0x0], $0xffff  }
0x4d1: {  	v54 =	vor.u32 $0x80, v0;
	[tilespmem:$0xB5D0] =	vst v19;
	v21 =	vld.idx.msk [tilespmem:v50+s18+$0x0], $0xffff  }
0x4d2: {  	v55 =	vor.u32 $0x280, v11;
	[tilespmem:$0xB740] =	vst v15;
	v17 =	vld.idx.msk [tilespmem:v53+s18+$0x0], $0xffff  }
0x4d3: {  	v58 =	vor.u32 $0x180, v10;
	[tilespmem:$0xB7C0] =	vst v13;
	v16 =	vld.idx.msk [tilespmem:v49+s18+$0x0], $0xffff  }
0x4d4: {  	[tilespmem:$0xB560] =	vst v22;
	v14 =	vld.idx.msk [tilespmem:v51+s18+$0x0], $0xffff;
	v52 =	vor.u32 $0x100, v10  }
0x4d5: {  	v56 =	vor.u32 $0x300, v11;
	v12 =	vld.idx.msk [tilespmem:v12+s18+$0x0], $0xffff;
	[tilespmem:$0xB8E0] =	vst v6  }
0x4d6: {  	[tilespmem:$0xB6D0] =	vst v21;
	v6 =	vld.idx.msk [tilespmem:v54+s18+$0x0], $0xffff;
	v54 =	vor.u32 $0x200, v11  }
0x4d7: {  	[tilespmem:$0xB5E0] =	vst v17;
	v15 =	vld.idx.msk [tilespmem:v55+s18+$0x0], $0xffff;
	v11 =	vor.u32 $0x380, v11  }
0x4d8: {  	v60 =	vor.u32 $0x280, v10;
	[tilespmem:$0xB650] =	vst v16;
	v16 =	vld.idx.msk [tilespmem:v58+s18+$0x0], $0xffff  }
0x4d9: {  	v63 =	vor.u32 $0x180, v9;
	[tilespmem:$0xB750] =	vst v14;
	v18 =	vld.idx.msk [tilespmem:v52+s18+$0x0], $0xffff  }
0x4da: {  	v57 =	vor.u32 $0x100, v9;
	v13 =	vld.idx.msk [tilespmem:v56+s18+$0x0], $0xffff  }
0x4db: {  	v61 =	vor.u32 $0x300, v10;
	[tilespmem:$0xB7D0] =	vst v12;
	v20 =	vld.idx.msk [tilespmem:v54+s18+$0x0], $0xffff  }
0x4dc: {  	v59 =	vor.u32 $0x200, v10;
	[tilespmem:$0xB6E0] =	vst v15;
	v11 =	vld.idx.msk [tilespmem:v11+s18+$0x0], $0xffff  }
0x4dd: {  	[tilespmem:$0xB5F0] =	vst v16;
	v10 =	vor.u32 $0x380, v10;
	v14 =	vld.idx.msk [tilespmem:v60+s18+$0x0], $0xffff  }
0x4de: {  	v22 =	vor.u32 $0x280, v9;
	v25 =	vld.idx.msk [tilespmem:v63+s18+$0x0], $0xffff;
	[tilespmem:$0xB570] =	vst v18  }
0x4df: {  	[tilespmem:$0xB760] =	vst v13;
	v18 =	vld.idx.msk [tilespmem:v57+s18+$0x0], $0xffff  }
0x4e0: {  	v26 =	vor.u32 $0x180, v8;
	v12 =	vld.idx.msk [tilespmem:v61+s18+$0x0], $0xffff;
	[tilespmem:$0xB660] =	vst v20  }
0x4e1: {  	v23 =	vor.u32 $0x300, v9;
	[tilespmem:$0xB7E0] =	vst v11;
	v20 =	vld.idx.msk [tilespmem:v59+s18+$0x0], $0xffff  }
0x4e2: {  	v21 =	vor.u32 $0x200, v9;
	[tilespmem:$0xB6F0] =	vst v14;
	v10 =	vld.idx.msk [tilespmem:v10+s18+$0x0], $0xffff  }
0x4e3: {  	v9 =	vor.u32 $0x380, v9;
	[tilespmem:$0xB980] =	vst v25;
	v13 =	vld.idx.msk [tilespmem:v22+s18+$0x0], $0xffff  }
0x4e4: {  	v62 =	vor.u32 $0x100, v8;
	v61 =	vld [tilespmem:$0x310];
	[tilespmem:$0xB900] =	vst v18  }
0x4e5: {  	v28 =	vor.u32 $0x280, v8;
	[tilespmem:$0xB770] =	vst v12;
	v18 =	vld.idx.msk [tilespmem:v26+s18+$0x0], $0xffff  }
0x4e6: {  	v11 =	vld.idx.msk [tilespmem:v23+s18+$0x0], $0xffff;
	[tilespmem:$0xB670] =	vst v20  }
0x4e7: {  	v29 =	vor.u32 $0x300, v8;
	[tilespmem:$0xB7F0] =	vst v10;
	v15 =	vld.idx.msk [tilespmem:v21+s18+$0x0], $0xffff  }
0x4e8: {  	v27 =	vor.u32 $0x200, v8;
	[tilespmem:$0xB870] =	vst v1;
	v9 =	vld.idx.msk [tilespmem:v9+s18+$0x0], $0xffff  }
0x4e9: {  	v8 =	vor.u32 $0x380, v8;
	[tilespmem:$0xBA80] =	vst v13;
	v17 =	vld.idx.msk [tilespmem:v62+s18+$0x0], $0xffff  }
0x4ea: {  	v24 =	vor.u32 $0x100, v7;
	[tilespmem:$0xB8F0] =	vst v6;
	v12 =	vld.idx.msk [tilespmem:v28+s18+$0x0], $0xffff  }
0x4eb: {  	v33 =	vor.u32 $0x280, v7;
	v59 =	vld [tilespmem:$0x300];
	[tilespmem:$0xBB00] =	vst v11  }
0x4ec: {  	v31 =	vor.u32 $0x180, v7;
	v10 =	vld.idx.msk [tilespmem:v29+s18+$0x0], $0xffff;
	[tilespmem:$0xBA00] =	vst v15  }
0x4ed: {  	v34 =	vor.u32 $0x300, v7;
	[tilespmem:$0xBB80] =	vst v9;
	v14 =	vld.idx.msk [tilespmem:v27+s18+$0x0], $0xffff  }
0x4ee: {  	v32 =	vor.u32 $0x200, v7;
	[tilespmem:$0xB910] =	vst v17;
	v8 =	vld.idx.msk [tilespmem:v8+s18+$0x0], $0xffff  }
0x4ef: {  	v7 =	vor.u32 $0x380, v7;
	[tilespmem:$0xBA90] =	vst v12;
	v16 =	vld.idx.msk [tilespmem:v24+s18+$0x0], $0xffff  }
0x4f0: {  	v30 =	vor.u32 $0x100, v5;
	[tilespmem:$0xB990] =	vst v18;
	v11 =	vld.idx.msk [tilespmem:v33+s18+$0x0], $0xffff  }
0x4f1: {  	v38 =	vor.u32 $0x280, v5;
	v15 =	vld.idx.msk [tilespmem:v31+s18+$0x0], $0xffff;
	[tilespmem:$0xBB10] =	vst v10  }
0x4f2: {  	v36 =	vor.u32 $0x180, v5;
	v9 =	vld.idx.msk [tilespmem:v34+s18+$0x0], $0xffff;
	[tilespmem:$0xBA10] =	vst v14  }
0x4f3: {  	v39 =	vor.u32 $0x300, v5;
	[tilespmem:$0xBB90] =	vst v8;
	v13 =	vld.idx.msk [tilespmem:v32+s18+$0x0], $0xffff  }
0x4f4: {  	v37 =	vor.u32 $0x200, v5;
	[tilespmem:$0xB920] =	vst v16;
	v7 =	vld.idx.msk [tilespmem:v7+s18+$0x0], $0xffff  }
0x4f5: {  	v5 =	vor.u32 $0x380, v5;
	[tilespmem:$0xBAA0] =	vst v11;
	v16 =	vld.idx.msk [tilespmem:v30+s18+$0x0], $0xffff  }
0x4f6: {  	v35 =	vor.u32 $0x100, v4;
	v10 =	vld.idx.msk [tilespmem:v38+s18+$0x0], $0xffff;
	[tilespmem:$0xB9A0] =	vst v15  }
0x4f7: {  	v43 =	vor.u32 $0x280, v4;
	v14 =	vld.idx.msk [tilespmem:v36+s18+$0x0], $0xffff;
	[tilespmem:$0xBB20] =	vst v9  }
0x4f8: {  	v41 =	vor.u32 $0x180, v4;
	v8 =	vld.idx.msk [tilespmem:v39+s18+$0x0], $0xffff;
	[tilespmem:$0xBA20] =	vst v13  }
0x4f9: {  	v44 =	vor.u32 $0x300, v4;
	[tilespmem:$0xBBA0] =	vst v7;
	v12 =	vld.idx.msk [tilespmem:v37+s18+$0x0], $0xffff  }
0x4fa: {  	v42 =	vor.u32 $0x200, v4;
	[tilespmem:$0xB930] =	vst v16;
	v5 =	vld.idx.msk [tilespmem:v5+s18+$0x0], $0xffff  }
0x4fb: {  	v4 =	vor.u32 $0x380, v4;
	[tilespmem:$0xBAB0] =	vst v10;
	v16 =	vld.idx.msk [tilespmem:v35+s18+$0x0], $0xffff  }
0x4fc: {  	v40 =	vor.u32 $0x100, v3;
	v9 =	vld.idx.msk [tilespmem:v43+s18+$0x0], $0xffff;
	[tilespmem:$0xB9B0] =	vst v14  }
0x4fd: {  	v48 =	vor.u32 $0x280, v3;
	v13 =	vld.idx.msk [tilespmem:v41+s18+$0x0], $0xffff;
	[tilespmem:$0xBB30] =	vst v8  }
0x4fe: {  	v46 =	vor.u32 $0x180, v3;
	v7 =	vld.idx.msk [tilespmem:v44+s18+$0x0], $0xffff;
	[tilespmem:$0xBA30] =	vst v12  }
0x4ff: {  	v49 =	vor.u32 $0x300, v3;
	[tilespmem:$0xBBB0] =	vst v5;
	v11 =	vld.idx.msk [tilespmem:v42+s18+$0x0], $0xffff  }
0x500: {  	v47 =	vor.u32 $0x200, v3;
	[tilespmem:$0xB940] =	vst v16;
	v4 =	vld.idx.msk [tilespmem:v4+s18+$0x0], $0xffff  }
0x501: {  	v3 =	vor.u32 $0x380, v3;
	[tilespmem:$0xBAC0] =	vst v9;
	v15 =	vld.idx.msk [tilespmem:v40+s18+$0x0], $0xffff  }
0x502: {  	v45 =	vor.u32 $0x100, v2;
	v8 =	vld.idx.msk [tilespmem:v48+s18+$0x0], $0xffff;
	[tilespmem:$0xB9C0] =	vst v13  }
0x503: {  	v53 =	vor.u32 $0x280, v2;
	v12 =	vld.idx.msk [tilespmem:v46+s18+$0x0], $0xffff;
	[tilespmem:$0xBB40] =	vst v7  }
0x504: {  	v51 =	vor.u32 $0x180, v2;
	v5 =	vld.idx.msk [tilespmem:v49+s18+$0x0], $0xffff;
	[tilespmem:$0xBA40] =	vst v11  }
0x505: {  	v54 =	vor.u32 $0x300, v2;
	[tilespmem:$0xBBC0] =	vst v4;
	v10 =	vld.idx.msk [tilespmem:v47+s18+$0x0], $0xffff  }
0x506: {  	v52 =	vor.u32 $0x200, v2;
	[tilespmem:$0xB950] =	vst v15;
	v3 =	vld.idx.msk [tilespmem:v3+s18+$0x0], $0xffff  }
0x507: {  	v2 =	vor.u32 $0x380, v2;
	[tilespmem:$0xBAD0] =	vst v8;
	v14 =	vld.idx.msk [tilespmem:v45+s18+$0x0], $0xffff  }
0x508: {  	v50 =	vor.u32 $0x100, v0;
	v7 =	vld.idx.msk [tilespmem:v53+s18+$0x0], $0xffff;
	[tilespmem:$0xB9D0] =	vst v12  }
0x509: {  	v57 =	vor.u32 $0x280, v0;
	v11 =	vld.idx.msk [tilespmem:v51+s18+$0x0], $0xffff;
	[tilespmem:$0xBB50] =	vst v5  }
0x50a: {  	v55 =	vor.u32 $0x180, v0;
	v4 =	vld.idx.msk [tilespmem:v54+s18+$0x0], $0xffff;
	[tilespmem:$0xBA50] =	vst v10  }
0x50b: {  	v58 =	vor.u32 $0x300, v0;
	[tilespmem:$0xBBD0] =	vst v3;
	v9 =	vld.idx.msk [tilespmem:v52+s18+$0x0], $0xffff  }
0x50c: {  	v56 =	vor.u32 $0x200, v0;
	[tilespmem:$0xB960] =	vst v14;
	v2 =	vld.idx.msk [tilespmem:v2+s18+$0x0], $0xffff  }
0x50d: {  	v0 =	vor.u32 $0x380, v0;
	[tilespmem:$0xBAE0] =	vst v7;
	v13 =	vld.idx.msk [tilespmem:v50+s18+$0x0], $0xffff  }
0x50e: {  	v5 =	vld.idx.msk [tilespmem:v57+s18+$0x0], $0xffff;
	[tilespmem:$0xB9E0] =	vst v11  }
0x50f: {  	v10 =	vld.idx.msk [tilespmem:v55+s18+$0x0], $0xffff;
	[tilespmem:$0xBB60] =	vst v4  }
0x510: {  	v1 =	vld.idx.msk [tilespmem:v58+s18+$0x0], $0xffff;
	[tilespmem:$0xBA60] =	vst v9  }
0x511: {  	v60 =	vshll.u32 v59, $0x3;
	[tilespmem:$0xBBE0] =	vst v2;
	v8 =	vld.idx.msk [tilespmem:v56+s18+$0x0], $0xffff  }
0x512: {  	[tilespmem:$0xB970] =	vst v13;
	v3 =	vand.u32 $0x7F, v59;
	v2 =	vand.u32 $0xFFFFFC00, v60;
	v0 =	vld.idx.msk [tilespmem:v0+s18+$0x0], $0xffff  }
0x513: {  	[tilespmem:$0xBAF0] =	vst v5;
	v62 =	vor.u32 v3, v2  }
0x514: {  	[tilespmem:$0xB9F0] =	vst v10;
	v2 =	vor.u32 $0x80, v62  }
0x515: {  	[tilespmem:$0xBB70] =	vst v1  }
0x516: {  	[tilespmem:$0xBA70] =	vst v8  }
0x517: {  	v63 =	vld [tilespmem:$0x320];
	[tilespmem:$0xBBF0] =	vst v0;
	v8 =	vshll.u32 v61, $0x3  }
0x518: {  	v4 =	vand.u32 $0x7F, v61;
	v3 =	vld.idx.msk [tilespmem:v62+s18+$0x0], $0xffff;
	v1 =	vand.u32 $0xFFFFFC00, v8  }
0x519: {  	v9 =	vld.idx.msk [tilespmem:v2+s18+$0x0], $0xffff;
	v14 =	vor.u32 v4, v1  }
0x51a: {  	v10 =	vor.u32 $0x80, v14;
	_ =	sdelay $0x2  }
0x51b: {  	v11 =	vld [tilespmem:$0x330];
	v13 =	vshll.u32 v63, $0x3;
	[tilespmem:$0xBC00] =	vst v3  }
0x51c: {  	v0 =	vand.u32 $0x7F, v63;
	v3 =	vand.u32 $0xFFFFFC00, v13;
	[tilespmem:$0xBC80] =	vst v9;
	v5 =	vld.idx.msk [tilespmem:v14+s18+$0x0], $0xffff  }
0x51d: {  	v13 =	vor.u32 v0, v3;
	v16 =	vld.idx.msk [tilespmem:v10+s18+$0x0], $0xffff  }
0x51e: {  	v17 =	vor.u32 $0x80, v13;
	_ =	sdelay $0x2  }
0x51f: {  	v18 =	vld [tilespmem:$0x340];
	v19 =	vshll.u32 v11, $0x3;
	[tilespmem:$0xBC10] =	vst v5  }
0x520: {  	v4 =	vand.u32 $0x7F, v11;
	v3 =	vand.u32 $0xFFFFFC00, v19;
	v5 =	vld.idx.msk [tilespmem:v13+s18+$0x0], $0xffff;
	[tilespmem:$0xBC90] =	vst v16  }
0x521: {  	v12 =	vor.u32 v4, v3;
	v0 =	vld.idx.msk [tilespmem:v17+s18+$0x0], $0xffff  }
0x522: {  	v20 =	vor.u32 $0x80, v12;
	_ =	sdelay $0x2  }
0x523: {  	v21 =	vld [tilespmem:$0x350];
	v22 =	vshll.u32 v18, $0x3;
	[tilespmem:$0xBC20] =	vst v5  }
0x524: {  	v2 =	vand.u32 $0x7F, v18;
	v4 =	vand.u32 $0xFFFFFC00, v22;
	v5 =	vld.idx.msk [tilespmem:v12+s18+$0x0], $0xffff;
	[tilespmem:$0xBCA0] =	vst v0  }
0x525: {  	v11 =	vor.u32 v2, v4;
	v0 =	vld.idx.msk [tilespmem:v20+s18+$0x0], $0xffff  }
0x526: {  	v23 =	vor.u32 $0x80, v11;
	_ =	sdelay $0x2  }
0x527: {  	v24 =	vld [tilespmem:$0x360];
	v25 =	vshll.u32 v21, $0x3;
	[tilespmem:$0xBC30] =	vst v5  }
0x528: {  	v3 =	vand.u32 $0x7F, v21;
	v4 =	vand.u32 $0xFFFFFC00, v25;
	v5 =	vld.idx.msk [tilespmem:v11+s18+$0x0], $0xffff;
	[tilespmem:$0xBCB0] =	vst v0  }
0x529: {  	v10 =	vor.u32 v3, v4;
	v0 =	vld.idx.msk [tilespmem:v23+s18+$0x0], $0xffff  }
0x52a: {  	v26 =	vor.u32 $0x80, v10;
	_ =	sdelay $0x2  }
0x52b: {  	v28 =	vshll.u32 v24, $0x3;
	v27 =	vld [tilespmem:$0x370];
	[tilespmem:$0xBC40] =	vst v5  }
0x52c: {  	v2 =	vand.u32 $0x7F, v24;
	v4 =	vand.u32 $0xFFFFFC00, v28;
	v5 =	vld.idx.msk [tilespmem:v10+s18+$0x0], $0xffff;
	[tilespmem:$0xBCC0] =	vst v0  }
0x52d: {  	v9 =	vor.u32 v2, v4;
	v0 =	vld.idx.msk [tilespmem:v26+s18+$0x0], $0xffff  }
0x52e: {  	v29 =	vor.u32 $0x80, v9;
	_ =	sdelay $0x2  }
0x52f: {  	v30 =	vld [tilespmem:$0x380];
	v31 =	vshll.u32 v27, $0x3;
	[tilespmem:$0xBC50] =	vst v5  }
0x530: {  	v3 =	vand.u32 $0x7F, v27;
	v4 =	vand.u32 $0xFFFFFC00, v31;
	v5 =	vld.idx.msk [tilespmem:v9+s18+$0x0], $0xffff;
	[tilespmem:$0xBCD0] =	vst v0  }
0x531: {  	v8 =	vor.u32 v3, v4;
	v0 =	vld.idx.msk [tilespmem:v29+s18+$0x0], $0xffff  }
0x532: {  	v32 =	vor.u32 $0x80, v8;
	_ =	sdelay $0x2  }
0x533: {  	v33 =	vld [tilespmem:$0x390];
	v34 =	vshll.u32 v30, $0x3;
	[tilespmem:$0xBC60] =	vst v5  }
0x534: {  	v2 =	vand.u32 $0x7F, v30;
	v4 =	vand.u32 $0xFFFFFC00, v34;
	v5 =	vld.idx.msk [tilespmem:v8+s18+$0x0], $0xffff;
	[tilespmem:$0xBCE0] =	vst v0  }
0x535: {  	v7 =	vor.u32 v2, v4;
	v0 =	vld.idx.msk [tilespmem:v32+s18+$0x0], $0xffff  }
0x536: {  	v35 =	vor.u32 $0x80, v7;
	_ =	sdelay $0x2  }
0x537: {  	v36 =	vld [tilespmem:$0x3A0];
	v37 =	vshll.u32 v33, $0x3;
	[tilespmem:$0xBC70] =	vst v5  }
0x538: {  	v3 =	vand.u32 $0x7F, v33;
	v4 =	vand.u32 $0xFFFFFC00, v37;
	v5 =	vld.idx.msk [tilespmem:v7+s18+$0x0], $0xffff;
	[tilespmem:$0xBCF0] =	vst v0  }
0x539: {  	v6 =	vor.u32 v3, v4;
	v0 =	vld.idx.msk [tilespmem:v35+s18+$0x0], $0xffff  }
0x53a: {  	v38 =	vor.u32 $0x80, v6;
	_ =	sdelay $0x2  }
0x53b: {  	v39 =	vld [tilespmem:$0x3B0];
	v40 =	vshll.u32 v36, $0x3;
	[tilespmem:$0xC000] =	vst v5  }
0x53c: {  	v2 =	vand.u32 $0x7F, v36;
	v4 =	vand.u32 $0xFFFFFC00, v40;
	v16 =	vld.idx.msk [tilespmem:v6+s18+$0x0], $0xffff;
	[tilespmem:$0xC080] =	vst v0  }
0x53d: {  	v5 =	vor.u32 v2, v4;
	v0 =	vld.idx.msk [tilespmem:v38+s18+$0x0], $0xffff  }
0x53e: {  	v41 =	vor.u32 $0x80, v5;
	_ =	sdelay $0x2  }
0x53f: {  	v43 =	vshll.u32 v39, $0x3;
	v42 =	vld [tilespmem:$0x3C0];
	[tilespmem:$0xC010] =	vst v16  }
0x540: {  	v3 =	vand.u32 $0x7F, v39;
	v4 =	vand.u32 $0xFFFFFC00, v43;
	v16 =	vld.idx.msk [tilespmem:v5+s18+$0x0], $0xffff;
	[tilespmem:$0xC090] =	vst v0  }
0x541: {  	v4 =	vor.u32 v3, v4;
	v0 =	vld.idx.msk [tilespmem:v41+s18+$0x0], $0xffff  }
0x542: {  	v44 =	vor.u32 $0x80, v4;
	_ =	sdelay $0x2  }
0x543: {  	v45 =	vld [tilespmem:$0x3D0];
	v46 =	vshll.u32 v42, $0x3;
	[tilespmem:$0xC020] =	vst v16  }
0x544: {  	v2 =	vand.u32 $0x7F, v42;
	v3 =	vand.u32 $0xFFFFFC00, v46;
	v16 =	vld.idx.msk [tilespmem:v4+s18+$0x0], $0xffff;
	[tilespmem:$0xC0A0] =	vst v0  }
0x545: {  	v3 =	vor.u32 v2, v3;
	v0 =	vld.idx.msk [tilespmem:v44+s18+$0x0], $0xffff  }
0x546: {  	v47 =	vor.u32 $0x80, v3;
	_ =	sdelay $0x1  }
0x547: {  	v15 =	vor.u32 $0x380, v62  }
0x548: {  	v48 =	vld [tilespmem:$0x3E0];
	v49 =	vshll.u32 v45, $0x3;
	[tilespmem:$0xC030] =	vst v16  }
0x549: {  	v56 =	vor.u32 $0x100, v62;
	v17 =	vand.u32 $0x7F, v45;
	v2 =	vand.u32 $0xFFFFFC00, v49;
	v16 =	vld.idx.msk [tilespmem:v3+s18+$0x0], $0xffff;
	[tilespmem:$0xC0B0] =	vst v0  }
0x54a: {  	v57 =	vor.u32 $0x180, v62;
	v58 =	vor.u32 $0x200, v62;
	v2 =	vor.u32 v17, v2;
	v0 =	vld.idx.msk [tilespmem:v47+s18+$0x0], $0xffff  }
0x54b: {  	v60 =	vor.u32 $0x280, v62;
	v61 =	vor.u32 $0x300, v62;
	v17 =	vor.u32 $0x80, v2  }
0x54c: {  	v15 =	vld.idx.msk [tilespmem:v15+s18+$0x0], $0xffff;
	v62 =	vor.u32 $0x100, v14;
	v63 =	vor.u32 $0x180, v14;
	v25 =	vor.u32 $0x200, v14  }
0x54d: {  	v27 =	vor.u32 $0x300, v14;
	v26 =	vor.u32 $0x280, v14;
	v14 =	vor.u32 $0x380, v14  }
0x54e: {  	v51 =	vshll.u32 v48, $0x3;
	v50 =	vld [tilespmem:$0x3F0];
	[tilespmem:$0xC040] =	vst v16  }
0x54f: {  	v18 =	vand.u32 $0x7F, v48;
	v1 =	vand.u32 $0xFFFFFC00, v51;
	v16 =	vld.idx.msk [tilespmem:v2+s18+$0x0], $0xffff;
	[tilespmem:$0xC0C0] =	vst v0  }
0x550: {  	v1 =	vor.u32 v18, v1;
	v0 =	vld.idx.msk [tilespmem:v17+s18+$0x0], $0xffff  }
0x551: {  	v52 =	vor.u32 $0x80, v1;
	[tilespmem:$0xBF80] =	vst v15  }
0x552: {  	v31 =	vor.u32 $0x180, v13;
	v33 =	vor.u32 $0x280, v13;
	v34 =	vor.u32 $0x300, v13;
	v14 =	vld.idx.msk [tilespmem:v14+s18+$0x0], $0xffff  }
0x553: {  	v29 =	vor.u32 $0x100, v13;
	v32 =	vor.u32 $0x200, v13;
	v13 =	vor.u32 $0x380, v13  }
0x554: {  	v53 =	vshll.u32 v50, $0x3;
	v22 =	vld.idx.msk [tilespmem:v61+s18+$0x0], $0xffff;
	[tilespmem:$0xC050] =	vst v16  }
0x555: {  	v19 =	vand.u32 $0x7F, v50;
	v16 =	vand.u32 $0xFFFFFC00, v53;
	v18 =	vld.idx.msk [tilespmem:v1+s18+$0x0], $0xffff;
	[tilespmem:$0xC0D0] =	vst v0  }
0x556: {  	v0 =	vor.u32 v19, v16;
	v54 =	vld.idx.msk [tilespmem:v52+s18+$0x0], $0xffff  }
0x557: {  	v20 =	vld.idx.msk [tilespmem:v57+s18+$0x0], $0xffff;
	[tilespmem:$0xBF90] =	vst v14;
	v55 =	vor.u32 $0x80, v0  }
0x558: {  	v13 =	vld.idx.msk [tilespmem:v13+s18+$0x0], $0xffff  }
0x559: {  	[tilespmem:$0xBF00] =	vst v22;
	v19 =	vld.idx.msk [tilespmem:v56+s18+$0x0], $0xffff  }
0x55a: {  	[tilespmem:$0xC060] =	vst v18;
	v18 =	vld.idx.msk [tilespmem:v58+s18+$0x0], $0xffff  }
0x55b: {  	v16 =	vld.idx.msk [tilespmem:v60+s18+$0x0], $0xffff;
	[tilespmem:$0xC0E0] =	vst v54  }
0x55c: {  	v36 =	vor.u32 $0x180, v12;
	v37 =	vor.u32 $0x200, v12;
	v39 =	vor.u32 $0x300, v12;
	[tilespmem:$0xBD80] =	vst v20;
	v17 =	vld.idx.msk [tilespmem:v55+s18+$0x0], $0xffff  }
0x55d: {  	v30 =	vld.idx.msk [tilespmem:v63+s18+$0x0], $0xffff;
	v35 =	vor.u32 $0x100, v12;
	[tilespmem:$0xBFA0] =	vst v13;
	v38 =	vor.u32 $0x280, v12;
	v12 =	vor.u32 $0x380, v12  }
0x55e: {  	[tilespmem:$0xBD00] =	vst v19;
	v19 =	vld.idx.msk [tilespmem:v27+s18+$0x0], $0xffff  }
0x55f: {  	v28 =	vld.idx.msk [tilespmem:v62+s18+$0x0], $0xffff;
	[tilespmem:$0xBE00] =	vst v18  }
0x560: {  	[tilespmem:$0xBE80] =	vst v16;
	v21 =	vld.idx.msk [tilespmem:v25+s18+$0x0], $0xffff  }
0x561: {  	[tilespmem:$0xC0F0] =	vst v17;
	v17 =	vld.idx.msk [tilespmem:v26+s18+$0x0], $0xffff  }
0x562: {  	v45 =	vor.u32 $0x300, v11;
	[tilespmem:$0xBD90] =	vst v30;
	v42 =	vor.u32 $0x180, v11;
	v43 =	vor.u32 $0x200, v11;
	v12 =	vld.idx.msk [tilespmem:v12+s18+$0x0], $0xffff  }
0x563: {  	v41 =	vor.u32 $0x100, v11;
	v44 =	vor.u32 $0x280, v11;
	v11 =	vor.u32 $0x380, v11;
	v16 =	vld.idx.msk [tilespmem:v31+s18+$0x0], $0xffff;
	[tilespmem:$0xBF10] =	vst v19  }
0x564: {  	[tilespmem:$0xBD10] =	vst v28;
	v20 =	vld.idx.msk [tilespmem:v34+s18+$0x0], $0xffff  }
0x565: {  	v18 =	vld.idx.msk [tilespmem:v29+s18+$0x0], $0xffff;
	[tilespmem:$0xBE10] =	vst v21  }
0x566: {  	[tilespmem:$0xBE90] =	vst v17;
	v22 =	vld.idx.msk [tilespmem:v32+s18+$0x0], $0xffff  }
0x567: {  	[tilespmem:$0xBFB0] =	vst v12;
	v15 =	vld.idx.msk [tilespmem:v33+s18+$0x0], $0xffff  }
0x568: {  	v48 =	vor.u32 $0x180, v10;
	v50 =	vor.u32 $0x280, v10;
	v51 =	vor.u32 $0x300, v10;
	v11 =	vld.idx.msk [tilespmem:v11+s18+$0x0], $0xffff;
	[tilespmem:$0xBDA0] =	vst v16  }
0x569: {  	v49 =	vor.u32 $0x200, v10;
	v47 =	vor.u32 $0x100, v10;
	v10 =	vor.u32 $0x380, v10;
	[tilespmem:$0xBF20] =	vst v20;
	v17 =	vld.idx.msk [tilespmem:v36+s18+$0x0], $0xffff  }
0x56a: {  	[tilespmem:$0xBD20] =	vst v18;
	v18 =	vld.idx.msk [tilespmem:v39+s18+$0x0], $0xffff  }
0x56b: {  	v40 =	vld.idx.msk [tilespmem:v35+s18+$0x0], $0xffff;
	[tilespmem:$0xBE20] =	vst v22  }
0x56c: {  	[tilespmem:$0xBEA0] =	vst v15;
	v19 =	vld.idx.msk [tilespmem:v37+s18+$0x0], $0xffff  }
0x56d: {  	[tilespmem:$0xBFC0] =	vst v11;
	v14 =	vld.idx.msk [tilespmem:v38+s18+$0x0], $0xffff  }
0x56e: {  	v10 =	vld.idx.msk [tilespmem:v10+s18+$0x0], $0xffff;
	[tilespmem:$0xBDB0] =	vst v17  }
0x56f: {  	[tilespmem:$0xBF30] =	vst v18;
	v15 =	vld.idx.msk [tilespmem:v42+s18+$0x0], $0xffff  }
0x570: {  	[tilespmem:$0xBD30] =	vst v40;
	v16 =	vld.idx.msk [tilespmem:v45+s18+$0x0], $0xffff  }
0x571: {  	v46 =	vld.idx.msk [tilespmem:v41+s18+$0x0], $0xffff;
	[tilespmem:$0xBE30] =	vst v19  }
0x572: {  	[tilespmem:$0xBEB0] =	vst v14;
	v20 =	vld.idx.msk [tilespmem:v43+s18+$0x0], $0xffff  }
0x573: {  	[tilespmem:$0xBFD0] =	vst v10;
	v13 =	vld.idx.msk [tilespmem:v44+s18+$0x0], $0xffff  }
0x574: {  	v57 =	vor.u32 $0x300, v9;
	v53 =	vor.u32 $0x100, v9;
	v56 =	vor.u32 $0x280, v9;
	v59 =	vld.idx.msk [tilespmem:v0+s18+$0x0], $0xffff;
	[tilespmem:$0xBDC0] =	vst v15  }
0x575: {  	v54 =	vor.u32 $0x180, v9;
	v55 =	vor.u32 $0x200, v9;
	v9 =	vor.u32 $0x380, v9;
	[tilespmem:$0xBF40] =	vst v16;
	v14 =	vld.idx.msk [tilespmem:v48+s18+$0x0], $0xffff  }
0x576: {  	[tilespmem:$0xBD40] =	vst v46;
	v17 =	vld.idx.msk [tilespmem:v51+s18+$0x0], $0xffff  }
0x577: {  	v52 =	vld.idx.msk [tilespmem:v47+s18+$0x0], $0xffff;
	[tilespmem:$0xBE40] =	vst v20  }
0x578: {  	[tilespmem:$0xBEC0] =	vst v13;
	v18 =	vld.idx.msk [tilespmem:v49+s18+$0x0], $0xffff  }
0x579: {  	[tilespmem:$0xC070] =	vst v59;
	v12 =	vld.idx.msk [tilespmem:v50+s18+$0x0], $0xffff  }
0x57a: {  	v61 =	vor.u32 $0x200, v8;
	v63 =	vor.u32 $0x300, v8;
	v60 =	vor.u32 $0x180, v8;
	v9 =	vld.idx.msk [tilespmem:v9+s18+$0x0], $0xffff;
	[tilespmem:$0xBDD0] =	vst v14  }
0x57b: {  	v62 =	vor.u32 $0x280, v8;
	v59 =	vor.u32 $0x100, v8;
	v8 =	vor.u32 $0x380, v8;
	[tilespmem:$0xBF50] =	vst v17;
	v13 =	vld.idx.msk [tilespmem:v54+s18+$0x0], $0xffff  }
0x57c: {  	[tilespmem:$0xBD50] =	vst v52;
	v15 =	vld.idx.msk [tilespmem:v57+s18+$0x0], $0xffff  }
0x57d: {  	v58 =	vld.idx.msk [tilespmem:v53+s18+$0x0], $0xffff;
	[tilespmem:$0xBE50] =	vst v18  }
0x57e: {  	[tilespmem:$0xBED0] =	vst v12;
	v16 =	vld.idx.msk [tilespmem:v55+s18+$0x0], $0xffff  }
0x57f: {  	[tilespmem:$0xBFE0] =	vst v9;
	v11 =	vld.idx.msk [tilespmem:v56+s18+$0x0], $0xffff  }
0x580: {  	v24 =	vor.u32 $0x280, v7;
	v23 =	vor.u32 $0x200, v7;
	v25 =	vor.u32 $0x300, v7;
	v8 =	vld.idx.msk [tilespmem:v8+s18+$0x0], $0xffff;
	[tilespmem:$0xBDE0] =	vst v13  }
0x581: {  	v21 =	vor.u32 $0x100, v7;
	v22 =	vor.u32 $0x180, v7;
	v7 =	vor.u32 $0x380, v7;
	[tilespmem:$0xBF60] =	vst v15;
	v12 =	vld.idx.msk [tilespmem:v60+s18+$0x0], $0xffff  }
0x582: {  	[tilespmem:$0xBD60] =	vst v58;
	v14 =	vld.idx.msk [tilespmem:v63+s18+$0x0], $0xffff  }
0x583: {  	v20 =	vld.idx.msk [tilespmem:v59+s18+$0x0], $0xffff;
	[tilespmem:$0xBE60] =	vst v16  }
0x584: {  	[tilespmem:$0xBEE0] =	vst v11;
	v17 =	vld.idx.msk [tilespmem:v61+s18+$0x0], $0xffff  }
0x585: {  	[tilespmem:$0xBFF0] =	vst v8;
	v10 =	vld.idx.msk [tilespmem:v62+s18+$0x0], $0xffff  }
0x586: {  	v30 =	vor.u32 $0x280, v6;
	v27 =	vor.u32 $0x100, v6;
	v31 =	vor.u32 $0x300, v6;
	v7 =	vld.idx.msk [tilespmem:v7+s18+$0x0], $0xffff;
	[tilespmem:$0xBDF0] =	vst v12  }
0x587: {  	v28 =	vor.u32 $0x180, v6;
	v29 =	vor.u32 $0x200, v6;
	v6 =	vor.u32 $0x380, v6;
	[tilespmem:$0xBF70] =	vst v14;
	v11 =	vld.idx.msk [tilespmem:v22+s18+$0x0], $0xffff  }
0x588: {  	[tilespmem:$0xBD70] =	vst v20;
	v13 =	vld.idx.msk [tilespmem:v25+s18+$0x0], $0xffff  }
0x589: {  	v26 =	vld.idx.msk [tilespmem:v21+s18+$0x0], $0xffff;
	[tilespmem:$0xBE70] =	vst v17  }
0x58a: {  	[tilespmem:$0xBEF0] =	vst v10;
	v15 =	vld.idx.msk [tilespmem:v23+s18+$0x0], $0xffff  }
0x58b: {  	[tilespmem:$0xC380] =	vst v7;
	v9 =	vld.idx.msk [tilespmem:v24+s18+$0x0], $0xffff  }
0x58c: {  	v34 =	vor.u32 $0x200, v5;
	v32 =	vor.u32 $0x100, v5;
	v36 =	vor.u32 $0x300, v5;
	v6 =	vld.idx.msk [tilespmem:v6+s18+$0x0], $0xffff;
	[tilespmem:$0xC180] =	vst v11  }
0x58d: {  	v33 =	vor.u32 $0x180, v5;
	v35 =	vor.u32 $0x280, v5;
	v5 =	vor.u32 $0x380, v5;
	[tilespmem:$0xC300] =	vst v13;
	v10 =	vld.idx.msk [tilespmem:v28+s18+$0x0], $0xffff  }
0x58e: {  	[tilespmem:$0xC100] =	vst v26;
	v12 =	vld.idx.msk [tilespmem:v31+s18+$0x0], $0xffff  }
0x58f: {  	v16 =	vld.idx.msk [tilespmem:v27+s18+$0x0], $0xffff;
	[tilespmem:$0xC200] =	vst v15  }
0x590: {  	v14 =	vld.idx.msk [tilespmem:v29+s18+$0x0], $0xffff;
	[tilespmem:$0xC280] =	vst v9  }
0x591: {  	[tilespmem:$0xC390] =	vst v6;
	v8 =	vld.idx.msk [tilespmem:v30+s18+$0x0], $0xffff  }
0x592: {  	v39 =	vor.u32 $0x200, v4;
	v37 =	vor.u32 $0x100, v4;
	v40 =	vor.u32 $0x280, v4;
	v5 =	vld.idx.msk [tilespmem:v5+s18+$0x0], $0xffff;
	[tilespmem:$0xC190] =	vst v10  }
0x593: {  	v38 =	vor.u32 $0x180, v4;
	v41 =	vor.u32 $0x300, v4;
	v4 =	vor.u32 $0x380, v4;
	[tilespmem:$0xC310] =	vst v12;
	v15 =	vld.idx.msk [tilespmem:v33+s18+$0x0], $0xffff  }
0x594: {  	[tilespmem:$0xC110] =	vst v16;
	v7 =	vld.idx.msk [tilespmem:v36+s18+$0x0], $0xffff  }
0x595: {  	v11 =	vld.idx.msk [tilespmem:v32+s18+$0x0], $0xffff;
	[tilespmem:$0xC210] =	vst v14  }
0x596: {  	v9 =	vld.idx.msk [tilespmem:v34+s18+$0x0], $0xffff;
	[tilespmem:$0xC290] =	vst v8  }
0x597: {  	[tilespmem:$0xC3A0] =	vst v5;
	v13 =	vld.idx.msk [tilespmem:v35+s18+$0x0], $0xffff  }
0x598: {  	v42 =	vor.u32 $0x100, v3;
	v45 =	vor.u32 $0x280, v3;
	v43 =	vor.u32 $0x180, v3;
	v4 =	vld.idx.msk [tilespmem:v4+s18+$0x0], $0xffff;
	[tilespmem:$0xC1A0] =	vst v15  }
0x599: {  	v46 =	vor.u32 $0x300, v3;
	v44 =	vor.u32 $0x200, v3;
	v3 =	vor.u32 $0x380, v3;
	[tilespmem:$0xC320] =	vst v7;
	v14 =	vld.idx.msk [tilespmem:v38+s18+$0x0], $0xffff  }
0x59a: {  	[tilespmem:$0xC120] =	vst v11;
	v6 =	vld.idx.msk [tilespmem:v41+s18+$0x0], $0xffff  }
0x59b: {  	v10 =	vld.idx.msk [tilespmem:v37+s18+$0x0], $0xffff;
	[tilespmem:$0xC220] =	vst v9  }
0x59c: {  	v8 =	vld.idx.msk [tilespmem:v39+s18+$0x0], $0xffff;
	[tilespmem:$0xC2A0] =	vst v13  }
0x59d: {  	[tilespmem:$0xC3B0] =	vst v4;
	v12 =	vld.idx.msk [tilespmem:v40+s18+$0x0], $0xffff  }
0x59e: {  	v48 =	vor.u32 $0x180, v2;
	v51 =	vor.u32 $0x300, v2;
	v47 =	vor.u32 $0x100, v2;
	v3 =	vld.idx.msk [tilespmem:v3+s18+$0x0], $0xffff;
	[tilespmem:$0xC1B0] =	vst v14  }
0x59f: {  	v49 =	vor.u32 $0x200, v2;
	v50 =	vor.u32 $0x280, v2;
	v2 =	vor.u32 $0x380, v2;
	[tilespmem:$0xC330] =	vst v6;
	v9 =	vld.idx.msk [tilespmem:v43+s18+$0x0], $0xffff  }
0x5a0: {  	[tilespmem:$0xC130] =	vst v10;
	v5 =	vld.idx.msk [tilespmem:v46+s18+$0x0], $0xffff  }
0x5a1: {  	v10 =	vld.idx.msk [tilespmem:v42+s18+$0x0], $0xffff;
	[tilespmem:$0xC230] =	vst v8  }
0x5a2: {  	v13 =	vld.idx.msk [tilespmem:v44+s18+$0x0], $0xffff;
	[tilespmem:$0xC2B0] =	vst v12  }
0x5a3: {  	[tilespmem:$0xC3C0] =	vst v3;
	v7 =	vld.idx.msk [tilespmem:v45+s18+$0x0], $0xffff  }
0x5a4: {  	v52 =	vor.u32 $0x100, v1;
	v54 =	vor.u32 $0x200, v1;
	v53 =	vor.u32 $0x180, v1;
	v2 =	vld.idx.msk [tilespmem:v2+s18+$0x0], $0xffff;
	[tilespmem:$0xC1C0] =	vst v9  }
0x5a5: {  	v55 =	vor.u32 $0x280, v1;
	v56 =	vor.u32 $0x300, v1;
	v1 =	vor.u32 $0x380, v1;
	[tilespmem:$0xC340] =	vst v5;
	v8 =	vld.idx.msk [tilespmem:v48+s18+$0x0], $0xffff  }
0x5a6: {  	[tilespmem:$0xC140] =	vst v10;
	v4 =	vld.idx.msk [tilespmem:v51+s18+$0x0], $0xffff  }
0x5a7: {  	v10 =	vld.idx.msk [tilespmem:v47+s18+$0x0], $0xffff;
	[tilespmem:$0xC240] =	vst v13  }
0x5a8: {  	v12 =	vld.idx.msk [tilespmem:v49+s18+$0x0], $0xffff;
	[tilespmem:$0xC2C0] =	vst v7  }
0x5a9: {  	[tilespmem:$0xC3D0] =	vst v2;
	v6 =	vld.idx.msk [tilespmem:v50+s18+$0x0], $0xffff  }
0x5aa: {  	v57 =	vor.u32 $0x100, v0;
	v60 =	vor.u32 $0x200, v0;
	v59 =	vor.u32 $0x180, v0;
	v1 =	vld.idx.msk [tilespmem:v1+s18+$0x0], $0xffff;
	[tilespmem:$0xC1D0] =	vst v8  }
0x5ab: {  	v61 =	vor.u32 $0x280, v0;
	v62 =	vor.u32 $0x300, v0;
	v0 =	vor.u32 $0x380, v0;
	[tilespmem:$0xC350] =	vst v4;
	v58 =	vld.idx.msk [tilespmem:v53+s18+$0x0], $0xffff  }
0x5ac: {  	[tilespmem:$0xC150] =	vst v10;
	v3 =	vld.idx.msk [tilespmem:v56+s18+$0x0], $0xffff  }
0x5ad: {  	v9 =	vld.idx.msk [tilespmem:v52+s18+$0x0], $0xffff;
	[tilespmem:$0xC250] =	vst v12  }
0x5ae: {  	v7 =	vld.idx.msk [tilespmem:v54+s18+$0x0], $0xffff;
	[tilespmem:$0xC2D0] =	vst v6  }
0x5af: {  	[tilespmem:$0xC3E0] =	vst v1;
	v5 =	vld.idx.msk [tilespmem:v55+s18+$0x0], $0xffff  }
0x5b0: {  	v0 =	vld.idx.msk [tilespmem:v0+s18+$0x0], $0xffff;
	[tilespmem:$0xC1E0] =	vst v58  }
0x5b1: {  	[tilespmem:$0xC360] =	vst v3;
	v63 =	vld.idx.msk [tilespmem:v59+s18+$0x0], $0xffff  }
0x5b2: {  	[tilespmem:$0xC160] =	vst v9;
	v2 =	vld.idx.msk [tilespmem:v62+s18+$0x0], $0xffff  }
0x5b3: {  	v8 =	vld.idx.msk [tilespmem:v57+s18+$0x0], $0xffff;
	[tilespmem:$0xC260] =	vst v7  }
0x5b4: {  	v6 =	vld.idx.msk [tilespmem:v60+s18+$0x0], $0xffff;
	[tilespmem:$0xC2E0] =	vst v5  }
0x5b5: {  	[tilespmem:$0xC3F0] =	vst v0;
	v4 =	vld.idx.msk [tilespmem:v61+s18+$0x0], $0xffff  }
0x5b6: {  	[tilespmem:$0xC1F0] =	vst v63  }
0x5b7: {  	[tilespmem:$0xC370] =	vst v2  }
0x5b8: {  	[tilespmem:$0xC170] =	vst v8  }
.Ltmp7:
0x5b9: {  	[tilespmem:$0xC270] =	vst v6;
	(pc) =	sbr.rel .LBB2_6-.Ltmp7, $4  }
0x5ba: {  	p1 =	sge.s32 s25, s12;
	[tilespmem:$0xC2F0] =	vst v4  }
0x5bb: {  	[hbm4b:s23+s3] =	stream.linear.scatter [tilespmem:s21], [sflag:$0x4], $0x2000, $0x38;
	[tilespmem:$0xC400] =	vst v63  }
0x5bc: {  	s28 =	simm.s32 @!p1 $0x0;
	s29 =	simm.s32 @!p1 $0x4400  }
0x5bd: {  	[tilespmem:s29], [sflag:$0x2] =	stream.linear.gather @!p1 [hbm4b:s24+s28], $0x4000, $0x38;
	[tilespmem:$0xC400] =	vst v63  }
.LBB2_8:
0x5be: {  	_ =	sfence.sel $0x180000  }
0x5bf: {  	[bflag:$0x0] =	sbarrier.arrive $0xFFFF  }
0x5c0: {  	p0 =	sne.s32 s0, $0x0;
	_ =	strace $0x90000047  }
0x5c1: {  	s0 =	sadd.s32 @!p0 $0x100000, s1;
	[bflag:$0x2] =	sbarrier.arrive $0xFFFF  }
0x5c2: {  	[sflag:s0] =	ssyncadd.tile.s32 @!p0 $0x1;
	_ =	shalt  }
.Lfunc_end2:
_tile_overlayer_lowered:
.L_overlay_start_2:
0x5c3: {  	(tag) =	ssettag $0x2  }
0x5c4: {  	s0 =	rddreg [dreg:$0x0];
	s2 =	stileid.u32  }
0x5c5: {  	s1 =	rddreg [dreg:$0x1];
	p0 =	sne.s32 s2, $0x0  }
0x5c6: {  	s3 =	rddreg [dreg:$0x2];
	[bflag:$0x3] =	sbarrier.arrive $0xFFFF;
	s2 =	simm.s32 @!p0 $0x1C05  }
0x5c7: {  	[timem:s3], [sflag:s2] =	dma.local @!p0 [hbm:s0], s1  }
0x5c8: {  	s0 =	simm.s32 @!p0 $0x5  }
0x5c9: {  	_ =	swait.ge @!p0 [sflag:s0], s1  }
0x5ca: {  	s1 =	ssub.s32 @!p0 $0x0, s1;
	[sflag:s0] =	ssyncset.done @!p0 $0x0  }
0x5cb: {  	[sflag:s0] =	ssyncadd.s32 @!p0 s1  }
0x5cc: {  	[bflag:$0x3] =	sbarrier.arrive $0xFFFF  }
0x5cd: {  	_ =	shalt  }

</sc_bundles>
